<compile_context>
chip_gen: v7x
topology: tpu7x:2x2x1
jax: 0.10.2.dev20260603
libtpu: 0.0.44.dev20260713+nightly
codegen_flags: <defaults>
</compile_context>

<pallas_src>
import jax
import jax.numpy as jnp
from jax import lax
from jax.experimental import pallas as pl
from jax.experimental.pallas import tpu as pltpu
from jax.experimental.pallas import tpu_sc as plsc

_B = 128
_NAGV = 200
_NSTAT = 56
_NE = 256
_NF = 64
_H = 256
_D = 128
_NC = 6
_G = 32
_N = 1024
_BG1 = 8
_BG = 8


def _cell_ids(coords):
    c = jnp.clip(jnp.floor(coords * _G), 0, _G - 1).astype(jnp.int32)
    return c[..., 0:1] * _G + c[..., 1:2]



def _embed_body(agv_ref, stat_ref, w1a_ref, bterm_ref, w2_ref, b2_ref,
                emb_ref, nidx_ref):
    ag = agv_ref[...]
    st = stat_ref[...]
    obs = jnp.concatenate([ag, st], axis=1).reshape(_BG1 * _NE, _NF)
    h = jnp.maximum(
        jnp.dot(obs, w1a_ref[...], preferred_element_type=jnp.float32)
        + jnp.tile(bterm_ref[...], (_BG1, 1)), 0.0)
    emb = jnp.maximum(
        jnp.dot(h, w2_ref[...], preferred_element_type=jnp.float32)
        + b2_ref[...], 0.0)
    emb_ref[...] = emb.reshape(_BG1, _NE, _D)
    coords = jnp.concatenate([ag[:, :, 4:6], st[:, :, 0:2]], axis=1)
    cc = jnp.clip(jnp.floor(coords * _G), 0, _G - 1).astype(jnp.int32)
    nidx_ref[...] = cc[:, :, 0] * _G + cc[:, :, 1]



_SCHED = (32, 32, 32, 32)


def _make_scatter_body(nb):
  def _scatter_body(emb_hbm, nidx_hbm, zeros_hbm, nw_hbm, emb_v, idx_v, slabs):
    c = lax.axis_index("c")
    s = lax.axis_index("s")
    slab = s // 2
    half = s % 2
    zoff = half * (_N // 2)
    for r in range(nb // 16):
        bb = r * 16 + c * 8 + slab
        pltpu.sync_copy(zeros_hbm, slabs.at[slab].at[pl.ds(zoff, _N // 2)])
        pltpu.sync_copy(emb_hbm.at[bb].at[pl.ds(half * 128, 128)], emb_v)
        pltpu.sync_copy(nidx_hbm.at[bb].at[pl.ds(half * 128, 128)], idx_v)
        plsc.subcore_barrier()
        pltpu.sync_copy(emb_v, slabs.at[slab].at[idx_v], add=True)
        plsc.subcore_barrier()
        pltpu.sync_copy(slabs.at[slab].at[pl.ds(zoff, _N // 2)],
                        nw_hbm.at[bb].at[pl.ds(zoff, _N // 2)])
        plsc.subcore_barrier()
  return _scatter_body



def _conv_body(nw_ref, agv_ref, gw_ref, gb_ref, out_ref):
    ag = agv_ref[...]
    rows1 = lax.broadcasted_iota(jnp.int32, (_N, 1), 0)
    jloc = rows1 % _G
    iloc = rows1 // _G
    deg = (1.0 + (jloc > 0).astype(jnp.float32)
           + (jloc < _G - 1).astype(jnp.float32)
           + (iloc > 0).astype(jnp.float32)
           + (iloc < _G - 1).astype(jnp.float32))
    dinv = lax.rsqrt(deg)

    xs = []
    for b in range(_BG):
        tid = _cell_ids(ag[b, 0:1, 6:8])
        xs.append(jnp.where(rows1 == tid, 1.0, nw_ref[b]))

    zi0 = jnp.zeros((1, _G, _D), jnp.float32)
    zj0 = jnp.zeros((_G, 1, _D), jnp.float32)
    for i in range(_NC):
        for b in range(_BG):
            xw = jnp.dot(xs[b], gw_ref[i], preferred_element_type=jnp.float32)
            z = (xw * dinv).reshape(_G, _G, _D)
            zu = jnp.concatenate([zi0, z[:-1]], axis=0)
            zd = jnp.concatenate([z[1:], zi0], axis=0)
            zl = jnp.concatenate([zj0, z[:, :-1]], axis=1)
            zr = jnp.concatenate([z[:, 1:], zj0], axis=1)
            s = (z + zu) + (zd + zl) + zr
            xs[b] = jnp.maximum(s.reshape(_N, _D) * dinv + gb_ref[i], 0.0)

    cols4 = lax.broadcasted_iota(jnp.int32, (4, _N), 1)
    for b in range(_BG):
        reach = ag[b, 0:1, 8:16]
        ids4 = jnp.concatenate(
            [_cell_ids(reach[:, 2 * k:2 * k + 2]) for k in range(4)], axis=0)
        oh4 = (cols4 == ids4).astype(jnp.float32)
        out_ref[b] = jnp.dot(oh4, xs[b],
                             preferred_element_type=jnp.float32)


@jax.jit
def kernel(agvs, stat, bits, W1, b1, W2, b2, gcn_W, gcn_b, edge_index):
    del edge_index
    w1a = W1[:_NF]
    bterm = bits @ W1[_NF:] + b1
    b2r = b2.reshape(1, _D)

    emb, nidx = pl.pallas_call(
        _embed_body,
        grid=(_B // _BG1,),
        in_specs=[
            pl.BlockSpec((_BG1, _NAGV, _NF), lambda b: (b, 0, 0)),
            pl.BlockSpec((_BG1, _NSTAT, _NF), lambda b: (b, 0, 0)),
            pl.BlockSpec((_NF, _H), lambda b: (0, 0)),
            pl.BlockSpec((_NE, _H), lambda b: (0, 0)),
            pl.BlockSpec((_H, _D), lambda b: (0, 0)),
            pl.BlockSpec((1, _D), lambda b: (0, 0)),
        ],
        out_specs=[
            pl.BlockSpec((_BG1, _NE, _D), lambda b: (b, 0, 0)),
            pl.BlockSpec((_BG1, _NE), lambda b: (b, 0)),
        ],
        out_shape=[
            jax.ShapeDtypeStruct((_B, _NE, _D), jnp.float32),
            jax.ShapeDtypeStruct((_B, _NE), jnp.int32),
        ],
    )(agvs, stat, w1a, bterm, W2, b2r)

    zeros = jnp.zeros((_N // 2, _D), jnp.float32)

    def make_stage23(nb):
        scatter = pl.kernel(
            _make_scatter_body(nb),
            out_type=jax.ShapeDtypeStruct((nb, _N, _D), jnp.float32),
            mesh=plsc.VectorSubcoreMesh(core_axis_name="c",
                                        subcore_axis_name="s"),
            scratch_types=[
                pltpu.VMEM((128, _D), jnp.float32),
                pltpu.VMEM((128,), jnp.int32),
                pltpu.VMEM_SHARED((8, _N, _D), jnp.float32),
            ],
        )
        conv = pl.pallas_call(
            _conv_body,
            grid=(nb // _BG,),
            in_specs=[
                pl.BlockSpec((_BG, _N, _D), lambda b: (b, 0, 0)),
                pl.BlockSpec((_BG, _NAGV, _NF), lambda b: (b, 0, 0)),
                pl.BlockSpec((_NC, _D, _D), lambda b: (0, 0, 0)),
                pl.BlockSpec((_NC, _D), lambda b: (0, 0)),
            ],
            out_specs=pl.BlockSpec((_BG, 4, _D), lambda b: (b, 0, 0)),
            out_shape=jax.ShapeDtypeStruct((nb, 4, _D), jnp.float32),
        )
        return scatter, conv

    stages = {nb: make_stage23(nb) for nb in set(_SCHED)}
    outs = []
    off = 0
    for nb in _SCHED:
        sl = slice(off, off + nb)
        off += nb
        scatter, conv = stages[nb]
        nw = scatter(emb[sl], nidx[sl], zeros)
        outs.append(conv(nw, agvs[sl], gcn_W, gcn_b))
    return jnp.concatenate(outs, axis=0).reshape(_B, 4 * _D)

# --- scband reference (transcript-rebuilt; emitter-appended) ---
"""Pipeline reference for scband-gnnfeature-extractor-60447369724615 (READ-ONLY COPY).

The authoritative reference and input builder live on the scoring server;
editing this copy changes nothing except your own understanding.
"""

import jax, jax.numpy as jnp
import numpy as np

B = 128
N_AGV = 200
N_STAT = 56
N_FEAT = 64
EMBED = 128
N_CONV = 6
G = 32
N_NODES = G * G


def _build_edges():
    ii, jj = np.meshgrid(np.arange(G), np.arange(G), indexing='ij')
    nid = (ii * G + jj).astype(np.int32)
    srcs, dsts = [], []
    m = jj < G - 1
    srcs += [nid[m], nid[m] + 1]; dsts += [nid[m] + 1, nid[m]]
    m = ii < G - 1
    srcs += [nid[m], nid[m] + G]; dsts += [nid[m] + G, nid[m]]
    srcs.append(nid.ravel()); dsts.append(nid.ravel())
    src = np.concatenate([a.ravel() for a in srcs])
    dst = np.concatenate([a.ravel() for a in dsts])
    offs = (np.arange(B, dtype=np.int32) * N_NODES)[:, None]
    big_src = (src[None, :] + offs).ravel()
    big_dst = (dst[None, :] + offs).ravel()
    return np.stack([big_src, big_dst]).astype(np.int32)


def get_node_indices(coords):
    c = jnp.clip(jnp.floor(coords * G), 0, G - 1).astype(jnp.int32)
    return c[..., 0] * G + c[..., 1]


def setup_inputs(seed: int = 0):
    key = jax.random.key(seed)
    ks = jax.random.split(key, 8)
    agvs = jax.random.uniform(ks[0], (B, N_AGV, N_FEAT), dtype=jnp.float32)
    stat = jax.random.uniform(ks[1], (B, N_STAT, N_FEAT), dtype=jnp.float32)
    bits = jnp.concatenate([
        jnp.array([[1.0, 0.0]], dtype=jnp.float32),
        jnp.zeros((N_AGV - 1, 2), jnp.float32),
        jnp.tile(jnp.array([[0.0, 1.0]], dtype=jnp.float32), (N_STAT, 1)),
    ], axis=0)
    s1 = 1.0 / np.sqrt(N_FEAT + 2)
    W1 = jax.random.uniform(ks[2], (N_FEAT + 2, EMBED * 2), jnp.float32, -s1, s1)
    b1 = jnp.zeros((EMBED * 2,), jnp.float32)
    s2 = 1.0 / np.sqrt(EMBED * 2)
    W2 = jax.random.uniform(ks[3], (EMBED * 2, EMBED), jnp.float32, -s2, s2)
    b2 = jnp.zeros((EMBED,), jnp.float32)
    sg = 1.0 / np.sqrt(EMBED)
    gcn_W = jax.random.uniform(ks[4], (N_CONV, EMBED, EMBED), jnp.float32, -sg, sg)
    gcn_b = jnp.zeros((N_CONV, EMBED), jnp.float32)
    edge_index = jnp.asarray(_build_edges())
    return {"agvs": agvs, "stat": stat, "bits": bits, "W1": W1, "b1": b1,
            "W2": W2, "b2": b2, "gcn_W": gcn_W, "gcn_b": gcn_b,
            "edge_index": edge_index}


def reference(agvs, stat, bits, W1, b1, W2, b2, gcn_W, gcn_b, edge_index):
    obs = jnp.concatenate([agvs, stat], axis=1)
    bits_rep = jnp.broadcast_to(bits[None], (obs.shape[0],) + bits.shape)
    obs_with_bits = jnp.concatenate([obs, bits_rep], axis=2)
    h = jax.nn.relu(obs_with_bits @ W1 + b1)
    obs_embedded = jax.nn.relu(h @ W2 + b2)
    in_reach_idx = get_node_indices(agvs[:, 0, 8:16].reshape(-1, 4, 2))
    target_idx = get_node_indices(agvs[:, 0, 6:8].reshape(-1, 2))
    node_coords = jnp.concatenate([agvs[..., 4:6], stat[..., :2]], axis=1)
    node_idx = get_node_indices(node_coords)
    Bn, NE, D = obs_embedded.shape
    batch_ids = jnp.broadcast_to(jnp.arange(Bn)[:, None], (Bn, NE))
    nodewise = jnp.zeros((Bn, N_NODES + 1, D), jnp.float32)
    nodewise = nodewise.at[batch_ids, node_idx].add(obs_embedded)[:, :-1]
    nodewise = nodewise.at[jnp.arange(Bn), target_idx].set(1.0)
    x = nodewise.reshape(Bn * N_NODES, D)
    src, dst = edge_index[0], edge_index[1]
    Ntot = Bn * N_NODES
    deg = jax.ops.segment_sum(jnp.ones_like(src, dtype=jnp.float32), dst, num_segments=Ntot)
    dinv = jax.lax.rsqrt(jnp.maximum(deg, 1.0))
    norm = dinv[src] * dinv[dst]
    for i in range(N_CONV):
        xw = x @ gcn_W[i]
        msg = xw[src] * norm[:, None]
        x = jax.ops.segment_sum(msg, dst, num_segments=Ntot) + gcn_b[i]
        x = jax.nn.relu(x)
    conv = x.reshape(Bn, N_NODES, D)
    idx = jnp.broadcast_to(in_reach_idx[:, :, None], (Bn, 4, D))
    gathered = jnp.take_along_axis(conv, idx, axis=1)
    return gathered.reshape(Bn, -1)

if __name__ == "__main__":
    import jax
    _d = setup_inputs()
    print(jax.jit(kernel)(*tuple(_d.values())))

</pallas_src>

<mosaic_0001>
#map = affine_map<(d0, d1) -> (0, 0, 0)>
#map1 = affine_map<(d0, d1) -> (0, 0)>
module attributes {stable_mosaic.version = 14 : i64} {
  func.func @_scatter_body(%arg0: i32, %arg1: i32, %arg2: memref<32x256x128xf32, #tpu.memory_space<hbm>>, %arg3: memref<32x256xi32, #tpu.memory_space<hbm>>, %arg4: memref<512x128xf32, #tpu.memory_space<hbm>>, %arg5: memref<32x1024x128xf32, #tpu.memory_space<hbm>>, %arg6: memref<128x128xf32, #tpu.memory_space<vmem>>, %arg7: memref<128xi32, #tpu.memory_space<vmem>>, %arg8: memref<8x1024x128xf32, #tpu.memory_space<vmem_shared>>) attributes {dimension_semantics = [#tpu.dimension_semantics<core_parallel>, #tpu.dimension_semantics<subcore_parallel>], iteration_bounds = array<i64: 2, 16>, scalar_prefetch = 0 : i64, scratch_operands = 3 : i64, tpu.core_type = #tpu.core_type<sc_vector_subcore>, window_params = [{transform_indices = #map}, {transform_indices = #map1}, {transform_indices = #map1}, {transform_indices = #map}]} {
    %jit3A = arith.constant 2 : i32
    %div3A = arith.divsi %arg1, %jit3A : i32
    %sign3A = arith.constant 0 : i32
    %sign3A_0 = arith.cmpi sgt, %arg1, %sign3A : i32
    %sign3A_1 = arith.extui %sign3A_0 : i1 to i32
    %sign3A_2 = arith.constant 0 : i32
    %sign3A_3 = arith.cmpi slt, %arg1, %sign3A_2 : i32
    %sign3A_4 = arith.extui %sign3A_3 : i1 to i32
    %sign3A_5 = arith.subi %sign3A_1, %sign3A_4 : i32
    %sign3A_6 = arith.constant 0 : i32
    %sign3A_7 = arith.cmpi sgt, %jit3A, %sign3A_6 : i32
    %sign3A_8 = arith.extui %sign3A_7 : i1 to i32
    %sign3A_9 = arith.constant 0 : i32
    %sign3A_10 = arith.cmpi slt, %jit3A, %sign3A_9 : i32
    %sign3A_11 = arith.extui %sign3A_10 : i1 to i32
    %sign3A_12 = arith.subi %sign3A_8, %sign3A_11 : i32
    %ne3A = arith.cmpi ne, %sign3A_5, %sign3A_12 : i32
    %rem3A = arith.remsi %arg1, %jit3A : i32
    %ne3A_13 = arith.constant 0 : i32
    %ne3A_14 = arith.cmpi ne, %rem3A, %ne3A_13 : i32
    %and3A = arith.andi %ne3A, %ne3A_14 : i1
    %sub3A = arith.constant 1 : i32
    %sub3A_15 = arith.subi %div3A, %sub3A : i32
    %select_n3A = arith.select %and3A, %sub3A_15, %div3A : i32
    %jit3A_16 = arith.constant 2 : i32
    %eq3A = arith.constant 0 : i32
    %eq3A_17 = arith.cmpi eq, %jit3A_16, %eq3A : i32
    %jit3A_18 = arith.constant 1 : i32
    %select_n3A_19 = arith.select %eq3A_17, %jit3A_18, %jit3A_16 : i32
    %rem3A_20 = arith.remsi %arg1, %select_n3A_19 : i32
    %ne3A_21 = arith.constant 0 : i32
    %ne3A_22 = arith.cmpi ne, %rem3A_20, %ne3A_21 : i32
    %lt3A = arith.constant 0 : i32
    %lt3A_23 = arith.cmpi slt, %rem3A_20, %lt3A : i32
    %lt3A_24 = arith.constant 0 : i32
    %lt3A_25 = arith.cmpi slt, %select_n3A_19, %lt3A_24 : i32
    %ne3A_26 = arith.xori %lt3A_23, %lt3A_25 : i1
    %and3A_27 = arith.andi %ne3A_26, %ne3A_22 : i1
    %add3A = arith.addi %rem3A_20, %select_n3A_19 : i32
    %select_n3A_28 = arith.select %and3A_27, %add3A, %rem3A_20 : i32
    %mul3A = arith.constant 512 : i32
    %mul3A_29 = arith.muli %select_n3A_28, %mul3A : i32
    %mul3A_30 = arith.constant 8 : i32
    %mul3A_31 = arith.muli %arg0, %mul3A_30 : i32
    %add3A_32 = arith.constant 0 : i32
    %add3A_33 = arith.addi %add3A_32, %mul3A_31 : i32
    %add3A_34 = arith.addi %add3A_33, %select_n3A : i32
    "tpu.region"() ({
      %run_scoped3A = tpu.sem_alloc : memref<!tpu.dma_semaphore, #tpu.memory_space<semaphore_mem>>
      %dma_start3A = arith.constant 0 : i32
      %dma_start3A_53 = arith.constant 0 : i32
      %dma_start3A_54 = tpu.memref_slice %arg8[%select_n3A, %dma_start3A, %dma_start3A_53] : memref<8x1024x128xf32, #tpu.memory_space<vmem_shared>> -> memref<1x1024x128xf32, #tpu.memory_space<vmem_shared>>
      %dma_start3A_55 = tpu.memref_squeeze %dma_start3A_54 : memref<1x1024x128xf32, #tpu.memory_space<vmem_shared>> -> memref<1024x128xf32, #tpu.memory_space<vmem_shared>>
      %dma_start3A_56 = arith.constant 0 : i32
      %dma_start3A_57 = tpu.memref_slice %dma_start3A_55[%mul3A_29, %dma_start3A_56] : memref<1024x128xf32, #tpu.memory_space<vmem_shared>> -> memref<512x128xf32, #tpu.memory_space<vmem_shared>>
      tpu.enqueue_dma source(%arg4 : memref<512x128xf32, #tpu.memory_space<hbm>>) target(%dma_start3A_57 : memref<512x128xf32, #tpu.memory_space<vmem_shared>>) target_semaphore(%run_scoped3A : memref<!tpu.dma_semaphore, #tpu.memory_space<semaphore_mem>>)
      %dma_wait3A = arith.constant 0 : i32
      %dma_wait3A_58 = arith.constant 0 : i32
      %dma_wait3A_59 = tpu.memref_slice %arg8[%select_n3A, %dma_wait3A, %dma_wait3A_58] : memref<8x1024x128xf32, #tpu.memory_space<vmem_shared>> -> memref<1x1024x128xf32, #tpu.memory_space<vmem_shared>>
      %dma_wait3A_60 = tpu.memref_squeeze %dma_wait3A_59 : memref<1x1024x128xf32, #tpu.memory_space<vmem_shared>> -> memref<1024x128xf32, #tpu.memory_space<vmem_shared>>
      %dma_wait3A_61 = arith.constant 0 : i32
      %dma_wait3A_62 = tpu.memref_slice %dma_wait3A_60[%mul3A_29, %dma_wait3A_61] : memref<1024x128xf32, #tpu.memory_space<vmem_shared>> -> memref<512x128xf32, #tpu.memory_space<vmem_shared>>
      tpu.wait_dma2 semaphore(%run_scoped3A : memref<!tpu.dma_semaphore, #tpu.memory_space<semaphore_mem>>) src(%arg4 : memref<512x128xf32, #tpu.memory_space<hbm>>) dst(%dma_wait3A_62 : memref<512x128xf32, #tpu.memory_space<vmem_shared>>)
      tpu.yield
    }) : () -> ()
    %mul3A_35 = arith.constant 128 : i32
    %mul3A_36 = arith.muli %select_n3A_28, %mul3A_35 : i32
    "tpu.region"() ({
      %run_scoped3A = tpu.sem_alloc : memref<!tpu.dma_semaphore, #tpu.memory_space<semaphore_mem>>
      %dma_start3A = arith.constant 0 : i32
      %dma_start3A_53 = arith.constant 0 : i32
      %dma_start3A_54 = tpu.memref_slice %arg2[%add3A_34, %dma_start3A, %dma_start3A_53] : memref<32x256x128xf32, #tpu.memory_space<hbm>> -> memref<1x256x128xf32, #tpu.memory_space<hbm>>
      %dma_start3A_55 = tpu.memref_squeeze %dma_start3A_54 : memref<1x256x128xf32, #tpu.memory_space<hbm>> -> memref<256x128xf32, #tpu.memory_space<hbm>>
      %dma_start3A_56 = arith.constant 0 : i32
      %dma_start3A_57 = tpu.memref_slice %dma_start3A_55[%mul3A_36, %dma_start3A_56] : memref<256x128xf32, #tpu.memory_space<hbm>> -> memref<128x128xf32, #tpu.memory_space<hbm>>
      %dma_start3A_58 = arith.constant 0 : i32
      %dma_start3A_59 = arith.constant 0 : i32
      %dma_start3A_60 = tpu.memref_slice %arg2[%add3A_34, %dma_start3A_58, %dma_start3A_59] : memref<32x256x128xf32, #tpu.memory_space<hbm>> -> memref<1x256x128xf32, #tpu.memory_space<hbm>>
      %dma_start3A_61 = tpu.memref_squeeze %dma_start3A_60 : memref<1x256x128xf32, #tpu.memory_space<hbm>> -> memref<256x128xf32, #tpu.memory_space<hbm>>
      %dma_start3A_62 = arith.constant 0 : i32
      %dma_start3A_63 = tpu.memref_slice %dma_start3A_61[%mul3A_36, %dma_start3A_62] : memref<256x128xf32, #tpu.memory_space<hbm>> -> memref<128x128xf32, #tpu.memory_space<hbm>>
      tpu.enqueue_dma source(%dma_start3A_63 : memref<128x128xf32, #tpu.memory_space<hbm>>) target(%arg6 : memref<128x128xf32, #tpu.memory_space<vmem>>) target_semaphore(%run_scoped3A : memref<!tpu.dma_semaphore, #tpu.memory_space<semaphore_mem>>)
      %dma_wait3A = arith.constant 0 : i32
      %dma_wait3A_64 = arith.constant 0 : i32
      %dma_wait3A_65 = tpu.memref_slice %arg2[%add3A_34, %dma_wait3A, %dma_wait3A_64] : memref<32x256x128xf32, #tpu.memory_space<hbm>> -> memref<1x256x128xf32, #tpu.memory_space<hbm>>
      %dma_wait3A_66 = tpu.memref_squeeze %dma_wait3A_65 : memref<1x256x128xf32, #tpu.memory_space<hbm>> -> memref<256x128xf32, #tpu.memory_space<hbm>>
      %dma_wait3A_67 = arith.constant 0 : i32
      %dma_wait3A_68 = tpu.memref_slice %dma_wait3A_66[%mul3A_36, %dma_wait3A_67] : memref<256x128xf32, #tpu.memory_space<hbm>> -> memref<128x128xf32, #tpu.memory_space<hbm>>
      %dma_wait3A_69 = arith.constant 0 : i32
      %dma_wait3A_70 = arith.constant 0 : i32
      %dma_wait3A_71 = tpu.memref_slice %arg2[%add3A_34, %dma_wait3A_69, %dma_wait3A_70] : memref<32x256x128xf32, #tpu.memory_space<hbm>> -> memref<1x256x128xf32, #tpu.memory_space<hbm>>
      %dma_wait3A_72 = tpu.memref_squeeze %dma_wait3A_71 : memref<1x256x128xf32, #tpu.memory_space<hbm>> -> memref<256x128xf32, #tpu.memory_space<hbm>>
      %dma_wait3A_73 = arith.constant 0 : i32
      %dma_wait3A_74 = tpu.memref_slice %dma_wait3A_72[%mul3A_36, %dma_wait3A_73] : memref<256x128xf32, #tpu.memory_space<hbm>> -> memref<128x128xf32, #tpu.memory_space<hbm>>
      tpu.wait_dma2 semaphore(%run_scoped3A : memref<!tpu.dma_semaphore, #tpu.memory_space<semaphore_mem>>) src(%dma_wait3A_74 : memref<128x128xf32, #tpu.memory_space<hbm>>) dst(%arg6 : memref<128x128xf32, #tpu.memory_space<vmem>>)
      tpu.yield
    }) : () -> ()
    %mul3A_37 = arith.constant 128 : i32
    %mul3A_38 = arith.muli %select_n3A_28, %mul3A_37 : i32
    "tpu.region"() ({
      %run_scoped3A = tpu.sem_alloc : memref<!tpu.dma_semaphore, #tpu.memory_space<semaphore_mem>>
      %dma_start3A = arith.constant 0 : i32
      %dma_start3A_53 = tpu.memref_slice %arg3[%add3A_34, %dma_start3A] : memref<32x256xi32, #tpu.memory_space<hbm>> -> memref<1x256xi32, #tpu.memory_space<hbm>>
      %dma_start3A_54 = tpu.memref_squeeze %dma_start3A_53 : memref<1x256xi32, #tpu.memory_space<hbm>> -> memref<256xi32, #tpu.memory_space<hbm>>
      %dma_start3A_55 = tpu.memref_slice %dma_start3A_54[%mul3A_38] : memref<256xi32, #tpu.memory_space<hbm>> -> memref<128xi32, #tpu.memory_space<hbm>>
      %dma_start3A_56 = arith.constant 0 : i32
      %dma_start3A_57 = tpu.memref_slice %arg3[%add3A_34, %dma_start3A_56] : memref<32x256xi32, #tpu.memory_space<hbm>> -> memref<1x256xi32, #tpu.memory_space<hbm>>
      %dma_start3A_58 = tpu.memref_squeeze %dma_start3A_57 : memref<1x256xi32, #tpu.memory_space<hbm>> -> memref<256xi32, #tpu.memory_space<hbm>>
      %dma_start3A_59 = tpu.memref_slice %dma_start3A_58[%mul3A_38] : memref<256xi32, #tpu.memory_space<hbm>> -> memref<128xi32, #tpu.memory_space<hbm>>
      tpu.enqueue_dma source(%dma_start3A_59 : memref<128xi32, #tpu.memory_space<hbm>>) target(%arg7 : memref<128xi32, #tpu.memory_space<vmem>>) target_semaphore(%run_scoped3A : memref<!tpu.dma_semaphore, #tpu.memory_space<semaphore_mem>>)
      %dma_wait3A = arith.constant 0 : i32
      %dma_wait3A_60 = tpu.memref_slice %arg3[%add3A_34, %dma_wait3A] : memref<32x256xi32, #tpu.memory_space<hbm>> -> memref<1x256xi32, #tpu.memory_space<hbm>>
      %dma_wait3A_61 = tpu.memref_squeeze %dma_wait3A_60 : memref<1x256xi32, #tpu.memory_space<hbm>> -> memref<256xi32, #tpu.memory_space<hbm>>
      %dma_wait3A_62 = tpu.memref_slice %dma_wait3A_61[%mul3A_38] : memref<256xi32, #tpu.memory_space<hbm>> -> memref<128xi32, #tpu.memory_space<hbm>>
      %dma_wait3A_63 = arith.constant 0 : i32
      %dma_wait3A_64 = tpu.memref_slice %arg3[%add3A_34, %dma_wait3A_63] : memref<32x256xi32, #tpu.memory_space<hbm>> -> memref<1x256xi32, #tpu.memory_space<hbm>>
      %dma_wait3A_65 = tpu.memref_squeeze %dma_wait3A_64 : memref<1x256xi32, #tpu.memory_space<hbm>> -> memref<256xi32, #tpu.memory_space<hbm>>
      %dma_wait3A_66 = tpu.memref_slice %dma_wait3A_65[%mul3A_38] : memref<256xi32, #tpu.memory_space<hbm>> -> memref<128xi32, #tpu.memory_space<hbm>>
      tpu.wait_dma2 semaphore(%run_scoped3A : memref<!tpu.dma_semaphore, #tpu.memory_space<semaphore_mem>>) src(%dma_wait3A_66 : memref<128xi32, #tpu.memory_space<hbm>>) dst(%arg7 : memref<128xi32, #tpu.memory_space<vmem>>)
      tpu.yield
    }) : () -> ()
    %barrier3A = arith.constant 0 : index
    tpu.barrier barrier_id(%barrier3A)
    "tpu.region"() ({
      %run_scoped3A = tpu.sem_alloc : memref<!tpu.dma_semaphore, #tpu.memory_space<semaphore_mem>>
      %dma_start3A = arith.constant 0 : i32
      %dma_start3A_53 = arith.constant 0 : i32
      %dma_start3A_54 = tpu.memref_slice %arg8[%select_n3A, %dma_start3A, %dma_start3A_53] : memref<8x1024x128xf32, #tpu.memory_space<vmem_shared>> -> memref<1x1024x128xf32, #tpu.memory_space<vmem_shared>>
      %dma_start3A_55 = tpu.memref_squeeze %dma_start3A_54 : memref<1x1024x128xf32, #tpu.memory_space<vmem_shared>> -> memref<1024x128xf32, #tpu.memory_space<vmem_shared>>
      %dma_start3A_56 = arith.constant 0 : i32
      %dma_start3A_57 = arith.constant 0 : i32
      %dma_start3A_58 = tpu.memref_slice %dma_start3A_55[%dma_start3A_56, %dma_start3A_57] : memref<1024x128xf32, #tpu.memory_space<vmem_shared>> -> memref<1024x128xf32, #tpu.memory_space<vmem_shared>>
      tpu.enqueue_indirect_dma source(%arg6 : memref<128x128xf32, #tpu.memory_space<vmem>>) target(%dma_start3A_58 : memref<1024x128xf32, #tpu.memory_space<vmem_shared>>) offsets(%arg7 : memref<128xi32, #tpu.memory_space<vmem>>) semaphore(%run_scoped3A : memref<!tpu.dma_semaphore, #tpu.memory_space<semaphore_mem>>) {add = true}
      %dma_wait3A = arith.constant 0 : i32
      %dma_wait3A_59 = arith.constant 0 : i32
      %dma_wait3A_60 = tpu.memref_slice %arg8[%select_n3A, %dma_wait3A, %dma_wait3A_59] : memref<8x1024x128xf32, #tpu.memory_space<vmem_shared>> -> memref<1x1024x128xf32, #tpu.memory_space<vmem_shared>>
      %dma_wait3A_61 = tpu.memref_squeeze %dma_wait3A_60 : memref<1x1024x128xf32, #tpu.memory_space<vmem_shared>> -> memref<1024x128xf32, #tpu.memory_space<vmem_shared>>
      %dma_wait3A_62 = arith.constant 0 : i32
      %dma_wait3A_63 = arith.constant 0 : i32
      %dma_wait3A_64 = tpu.memref_slice %dma_wait3A_61[%dma_wait3A_62, %dma_wait3A_63] : memref<1024x128xf32, #tpu.memory_space<vmem_shared>> -> memref<1024x128xf32, #tpu.memory_space<vmem_shared>>
      tpu.wait_indirect_dma semaphore(%run_scoped3A : memref<!tpu.dma_semaphore, #tpu.memory_space<semaphore_mem>>) src(%arg6 : memref<128x128xf32, #tpu.memory_space<vmem>>) dst(%dma_wait3A_64 : memref<1024x128xf32, #tpu.memory_space<vmem_shared>>)
      tpu.yield
    }) : () -> ()
    %barrier3A_39 = arith.constant 0 : index
    tpu.barrier barrier_id(%barrier3A_39)
    "tpu.region"() ({
      %run_scoped3A = tpu.sem_alloc : memref<!tpu.dma_semaphore, #tpu.memory_space<semaphore_mem>>
      %dma_start3A = arith.constant 0 : i32
      %dma_start3A_53 = arith.constant 0 : i32
      %dma_start3A_54 = tpu.memref_slice %arg5[%add3A_34, %dma_start3A, %dma_start3A_53] : memref<32x1024x128xf32, #tpu.memory_space<hbm>> -> memref<1x1024x128xf32, #tpu.memory_space<hbm>>
      %dma_start3A_55 = tpu.memref_squeeze %dma_start3A_54 : memref<1x1024x128xf32, #tpu.memory_space<hbm>> -> memref<1024x128xf32, #tpu.memory_space<hbm>>
      %dma_start3A_56 = arith.constant 0 : i32
      %dma_start3A_57 = tpu.memref_slice %dma_start3A_55[%mul3A_29, %dma_start3A_56] : memref<1024x128xf32, #tpu.memory_space<hbm>> -> memref<512x128xf32, #tpu.memory_space<hbm>>
      %dma_start3A_58 = arith.constant 0 : i32
      %dma_start3A_59 = arith.constant 0 : i32
      %dma_start3A_60 = tpu.memref_slice %arg8[%select_n3A, %dma_start3A_58, %dma_start3A_59] : memref<8x1024x128xf32, #tpu.memory_space<vmem_shared>> -> memref<1x1024x128xf32, #tpu.memory_space<vmem_shared>>
      %dma_start3A_61 = tpu.memref_squeeze %dma_start3A_60 : memref<1x1024x128xf32, #tpu.memory_space<vmem_shared>> -> memref<1024x128xf32, #tpu.memory_space<vmem_shared>>
      %dma_start3A_62 = arith.constant 0 : i32
      %dma_start3A_63 = tpu.memref_slice %dma_start3A_61[%mul3A_29, %dma_start3A_62] : memref<1024x128xf32, #tpu.memory_space<vmem_shared>> -> memref<512x128xf32, #tpu.memory_space<vmem_shared>>
      tpu.enqueue_dma source(%dma_start3A_63 : memref<512x128xf32, #tpu.memory_space<vmem_shared>>) target(%dma_start3A_57 : memref<512x128xf32, #tpu.memory_space<hbm>>) target_semaphore(%run_scoped3A : memref<!tpu.dma_semaphore, #tpu.memory_space<semaphore_mem>>)
      %dma_wait3A = arith.constant 0 : i32
      %dma_wait3A_64 = arith.constant 0 : i32
      %dma_wait3A_65 = tpu.memref_slice %arg5[%add3A_34, %dma_wait3A, %dma_wait3A_64] : memref<32x1024x128xf32, #tpu.memory_space<hbm>> -> memref<1x1024x128xf32, #tpu.memory_space<hbm>>
      %dma_wait3A_66 = tpu.memref_squeeze %dma_wait3A_65 : memref<1x1024x128xf32, #tpu.memory_space<hbm>> -> memref<1024x128xf32, #tpu.memory_space<hbm>>
      %dma_wait3A_67 = arith.constant 0 : i32
      %dma_wait3A_68 = tpu.memref_slice %dma_wait3A_66[%mul3A_29, %dma_wait3A_67] : memref<1024x128xf32, #tpu.memory_space<hbm>> -> memref<512x128xf32, #tpu.memory_space<hbm>>
      %dma_wait3A_69 = arith.constant 0 : i32
      %dma_wait3A_70 = arith.constant 0 : i32
      %dma_wait3A_71 = tpu.memref_slice %arg8[%select_n3A, %dma_wait3A_69, %dma_wait3A_70] : memref<8x1024x128xf32, #tpu.memory_space<vmem_shared>> -> memref<1x1024x128xf32, #tpu.memory_space<vmem_shared>>
      %dma_wait3A_72 = tpu.memref_squeeze %dma_wait3A_71 : memref<1x1024x128xf32, #tpu.memory_space<vmem_shared>> -> memref<1024x128xf32, #tpu.memory_space<vmem_shared>>
      %dma_wait3A_73 = arith.constant 0 : i32
      %dma_wait3A_74 = tpu.memref_slice %dma_wait3A_72[%mul3A_29, %dma_wait3A_73] : memref<1024x128xf32, #tpu.memory_space<vmem_shared>> -> memref<512x128xf32, #tpu.memory_space<vmem_shared>>
      tpu.wait_dma2 semaphore(%run_scoped3A : memref<!tpu.dma_semaphore, #tpu.memory_space<semaphore_mem>>) src(%dma_wait3A_74 : memref<512x128xf32, #tpu.memory_space<vmem_shared>>) dst(%dma_wait3A_68 : memref<512x128xf32, #tpu.memory_space<hbm>>)
      tpu.yield
    }) : () -> ()
    %barrier3A_40 = arith.constant 0 : index
    tpu.barrier barrier_id(%barrier3A_40)
    %mul3A_41 = arith.constant 8 : i32
    %mul3A_42 = arith.muli %arg0, %mul3A_41 : i32
    %add3A_43 = arith.constant 16 : i32
    %add3A_44 = arith.addi %add3A_43, %mul3A_42 : i32
    %add3A_45 = arith.addi %add3A_44, %select_n3A : i32
    "tpu.region"() ({
      %run_scoped3A = tpu.sem_alloc : memref<!tpu.dma_semaphore, #tpu.memory_space<semaphore_mem>>
      %dma_start3A = arith.constant 0 : i32
      %dma_start3A_53 = arith.constant 0 : i32
      %dma_start3A_54 = tpu.memref_slice %arg8[%select_n3A, %dma_start3A, %dma_start3A_53] : memref<8x1024x128xf32, #tpu.memory_space<vmem_shared>> -> memref<1x1024x128xf32, #tpu.memory_space<vmem_shared>>
      %dma_start3A_55 = tpu.memref_squeeze %dma_start3A_54 : memref<1x1024x128xf32, #tpu.memory_space<vmem_shared>> -> memref<1024x128xf32, #tpu.memory_space<vmem_shared>>
      %dma_start3A_56 = arith.constant 0 : i32
      %dma_start3A_57 = tpu.memref_slice %dma_start3A_55[%mul3A_29, %dma_start3A_56] : memref<1024x128xf32, #tpu.memory_space<vmem_shared>> -> memref<512x128xf32, #tpu.memory_space<vmem_shared>>
      tpu.enqueue_dma source(%arg4 : memref<512x128xf32, #tpu.memory_space<hbm>>) target(%dma_start3A_57 : memref<512x128xf32, #tpu.memory_space<vmem_shared>>) target_semaphore(%run_scoped3A : memref<!tpu.dma_semaphore, #tpu.memory_space<semaphore_mem>>)
      %dma_wait3A = arith.constant 0 : i32
      %dma_wait3A_58 = arith.constant 0 : i32
      %dma_wait3A_59 = tpu.memref_slice %arg8[%select_n3A, %dma_wait3A, %dma_wait3A_58] : memref<8x1024x128xf32, #tpu.memory_space<vmem_shared>> -> memref<1x1024x128xf32, #tpu.memory_space<vmem_shared>>
      %dma_wait3A_60 = tpu.memref_squeeze %dma_wait3A_59 : memref<1x1024x128xf32, #tpu.memory_space<vmem_shared>> -> memref<1024x128xf32, #tpu.memory_space<vmem_shared>>
      %dma_wait3A_61 = arith.constant 0 : i32
      %dma_wait3A_62 = tpu.memref_slice %dma_wait3A_60[%mul3A_29, %dma_wait3A_61] : memref<1024x128xf32, #tpu.memory_space<vmem_shared>> -> memref<512x128xf32, #tpu.memory_space<vmem_shared>>
      tpu.wait_dma2 semaphore(%run_scoped3A : memref<!tpu.dma_semaphore, #tpu.memory_space<semaphore_mem>>) src(%arg4 : memref<512x128xf32, #tpu.memory_space<hbm>>) dst(%dma_wait3A_62 : memref<512x128xf32, #tpu.memory_space<vmem_shared>>)
      tpu.yield
    }) : () -> ()
    %mul3A_46 = arith.constant 128 : i32
    %mul3A_47 = arith.muli %select_n3A_28, %mul3A_46 : i32
    "tpu.region"() ({
      %run_scoped3A = tpu.sem_alloc : memref<!tpu.dma_semaphore, #tpu.memory_space<semaphore_mem>>
      %dma_start3A = arith.constant 0 : i32
      %dma_start3A_53 = arith.constant 0 : i32
      %dma_start3A_54 = tpu.memref_slice %arg2[%add3A_45, %dma_start3A, %dma_start3A_53] : memref<32x256x128xf32, #tpu.memory_space<hbm>> -> memref<1x256x128xf32, #tpu.memory_space<hbm>>
      %dma_start3A_55 = tpu.memref_squeeze %dma_start3A_54 : memref<1x256x128xf32, #tpu.memory_space<hbm>> -> memref<256x128xf32, #tpu.memory_space<hbm>>
      %dma_start3A_56 = arith.constant 0 : i32
      %dma_start3A_57 = tpu.memref_slice %dma_start3A_55[%mul3A_47, %dma_start3A_56] : memref<256x128xf32, #tpu.memory_space<hbm>> -> memref<128x128xf32, #tpu.memory_space<hbm>>
      %dma_start3A_58 = arith.constant 0 : i32
      %dma_start3A_59 = arith.constant 0 : i32
      %dma_start3A_60 = tpu.memref_slice %arg2[%add3A_45, %dma_start3A_58, %dma_start3A_59] : memref<32x256x128xf32, #tpu.memory_space<hbm>> -> memref<1x256x128xf32, #tpu.memory_space<hbm>>
      %dma_start3A_61 = tpu.memref_squeeze %dma_start3A_60 : memref<1x256x128xf32, #tpu.memory_space<hbm>> -> memref<256x128xf32, #tpu.memory_space<hbm>>
      %dma_start3A_62 = arith.constant 0 : i32
      %dma_start3A_63 = tpu.memref_slice %dma_start3A_61[%mul3A_47, %dma_start3A_62] : memref<256x128xf32, #tpu.memory_space<hbm>> -> memref<128x128xf32, #tpu.memory_space<hbm>>
      tpu.enqueue_dma source(%dma_start3A_63 : memref<128x128xf32, #tpu.memory_space<hbm>>) target(%arg6 : memref<128x128xf32, #tpu.memory_space<vmem>>) target_semaphore(%run_scoped3A : memref<!tpu.dma_semaphore, #tpu.memory_space<semaphore_mem>>)
      %dma_wait3A = arith.constant 0 : i32
      %dma_wait3A_64 = arith.constant 0 : i32
      %dma_wait3A_65 = tpu.memref_slice %arg2[%add3A_45, %dma_wait3A, %dma_wait3A_64] : memref<32x256x128xf32, #tpu.memory_space<hbm>> -> memref<1x256x128xf32, #tpu.memory_space<hbm>>
      %dma_wait3A_66 = tpu.memref_squeeze %dma_wait3A_65 : memref<1x256x128xf32, #tpu.memory_space<hbm>> -> memref<256x128xf32, #tpu.memory_space<hbm>>
      %dma_wait3A_67 = arith.constant 0 : i32
      %dma_wait3A_68 = tpu.memref_slice %dma_wait3A_66[%mul3A_47, %dma_wait3A_67] : memref<256x128xf32, #tpu.memory_space<hbm>> -> memref<128x128xf32, #tpu.memory_space<hbm>>
      %dma_wait3A_69 = arith.constant 0 : i32
      %dma_wait3A_70 = arith.constant 0 : i32
      %dma_wait3A_71 = tpu.memref_slice %arg2[%add3A_45, %dma_wait3A_69, %dma_wait3A_70] : memref<32x256x128xf32, #tpu.memory_space<hbm>> -> memref<1x256x128xf32, #tpu.memory_space<hbm>>
      %dma_wait3A_72 = tpu.memref_squeeze %dma_wait3A_71 : memref<1x256x128xf32, #tpu.memory_space<hbm>> -> memref<256x128xf32, #tpu.memory_space<hbm>>
      %dma_wait3A_73 = arith.constant 0 : i32
      %dma_wait3A_74 = tpu.memref_slice %dma_wait3A_72[%mul3A_47, %dma_wait3A_73] : memref<256x128xf32, #tpu.memory_space<hbm>> -> memref<128x128xf32, #tpu.memory_space<hbm>>
      tpu.wait_dma2 semaphore(%run_scoped3A : memref<!tpu.dma_semaphore, #tpu.memory_space<semaphore_mem>>) src(%dma_wait3A_74 : memref<128x128xf32, #tpu.memory_space<hbm>>) dst(%arg6 : memref<128x128xf32, #tpu.memory_space<vmem>>)
      tpu.yield
    }) : () -> ()
    %mul3A_48 = arith.constant 128 : i32
    %mul3A_49 = arith.muli %select_n3A_28, %mul3A_48 : i32
    "tpu.region"() ({
      %run_scoped3A = tpu.sem_alloc : memref<!tpu.dma_semaphore, #tpu.memory_space<semaphore_mem>>
      %dma_start3A = arith.constant 0 : i32
      %dma_start3A_53 = tpu.memref_slice %arg3[%add3A_45, %dma_start3A] : memref<32x256xi32, #tpu.memory_space<hbm>> -> memref<1x256xi32, #tpu.memory_space<hbm>>
      %dma_start3A_54 = tpu.memref_squeeze %dma_start3A_53 : memref<1x256xi32, #tpu.memory_space<hbm>> -> memref<256xi32, #tpu.memory_space<hbm>>
      %dma_start3A_55 = tpu.memref_slice %dma_start3A_54[%mul3A_49] : memref<256xi32, #tpu.memory_space<hbm>> -> memref<128xi32, #tpu.memory_space<hbm>>
      %dma_start3A_56 = arith.constant 0 : i32
      %dma_start3A_57 = tpu.memref_slice %arg3[%add3A_45, %dma_start3A_56] : memref<32x256xi32, #tpu.memory_space<hbm>> -> memref<1x256xi32, #tpu.memory_space<hbm>>
      %dma_start3A_58 = tpu.memref_squeeze %dma_start3A_57 : memref<1x256xi32, #tpu.memory_space<hbm>> -> memref<256xi32, #tpu.memory_space<hbm>>
      %dma_start3A_59 = tpu.memref_slice %dma_start3A_58[%mul3A_49] : memref<256xi32, #tpu.memory_space<hbm>> -> memref<128xi32, #tpu.memory_space<hbm>>
      tpu.enqueue_dma source(%dma_start3A_59 : memref<128xi32, #tpu.memory_space<hbm>>) target(%arg7 : memref<128xi32, #tpu.memory_space<vmem>>) target_semaphore(%run_scoped3A : memref<!tpu.dma_semaphore, #tpu.memory_space<semaphore_mem>>)
      %dma_wait3A = arith.constant 0 : i32
      %dma_wait3A_60 = tpu.memref_slice %arg3[%add3A_45, %dma_wait3A] : memref<32x256xi32, #tpu.memory_space<hbm>> -> memref<1x256xi32, #tpu.memory_space<hbm>>
      %dma_wait3A_61 = tpu.memref_squeeze %dma_wait3A_60 : memref<1x256xi32, #tpu.memory_space<hbm>> -> memref<256xi32, #tpu.memory_space<hbm>>
      %dma_wait3A_62 = tpu.memref_slice %dma_wait3A_61[%mul3A_49] : memref<256xi32, #tpu.memory_space<hbm>> -> memref<128xi32, #tpu.memory_space<hbm>>
      %dma_wait3A_63 = arith.constant 0 : i32
      %dma_wait3A_64 = tpu.memref_slice %arg3[%add3A_45, %dma_wait3A_63] : memref<32x256xi32, #tpu.memory_space<hbm>> -> memref<1x256xi32, #tpu.memory_space<hbm>>
      %dma_wait3A_65 = tpu.memref_squeeze %dma_wait3A_64 : memref<1x256xi32, #tpu.memory_space<hbm>> -> memref<256xi32, #tpu.memory_space<hbm>>
      %dma_wait3A_66 = tpu.memref_slice %dma_wait3A_65[%mul3A_49] : memref<256xi32, #tpu.memory_space<hbm>> -> memref<128xi32, #tpu.memory_space<hbm>>
      tpu.wait_dma2 semaphore(%run_scoped3A : memref<!tpu.dma_semaphore, #tpu.memory_space<semaphore_mem>>) src(%dma_wait3A_66 : memref<128xi32, #tpu.memory_space<hbm>>) dst(%arg7 : memref<128xi32, #tpu.memory_space<vmem>>)
      tpu.yield
    }) : () -> ()
    %barrier3A_50 = arith.constant 0 : index
    tpu.barrier barrier_id(%barrier3A_50)
    "tpu.region"() ({
      %run_scoped3A = tpu.sem_alloc : memref<!tpu.dma_semaphore, #tpu.memory_space<semaphore_mem>>
      %dma_start3A = arith.constant 0 : i32
      %dma_start3A_53 = arith.constant 0 : i32
      %dma_start3A_54 = tpu.memref_slice %arg8[%select_n3A, %dma_start3A, %dma_start3A_53] : memref<8x1024x128xf32, #tpu.memory_space<vmem_shared>> -> memref<1x1024x128xf32, #tpu.memory_space<vmem_shared>>
      %dma_start3A_55 = tpu.memref_squeeze %dma_start3A_54 : memref<1x1024x128xf32, #tpu.memory_space<vmem_shared>> -> memref<1024x128xf32, #tpu.memory_space<vmem_shared>>
      %dma_start3A_56 = arith.constant 0 : i32
      %dma_start3A_57 = arith.constant 0 : i32
      %dma_start3A_58 = tpu.memref_slice %dma_start3A_55[%dma_start3A_56, %dma_start3A_57] : memref<1024x128xf32, #tpu.memory_space<vmem_shared>> -> memref<1024x128xf32, #tpu.memory_space<vmem_shared>>
      tpu.enqueue_indirect_dma source(%arg6 : memref<128x128xf32, #tpu.memory_space<vmem>>) target(%dma_start3A_58 : memref<1024x128xf32, #tpu.memory_space<vmem_shared>>) offsets(%arg7 : memref<128xi32, #tpu.memory_space<vmem>>) semaphore(%run_scoped3A : memref<!tpu.dma_semaphore, #tpu.memory_space<semaphore_mem>>) {add = true}
      %dma_wait3A = arith.constant 0 : i32
      %dma_wait3A_59 = arith.constant 0 : i32
      %dma_wait3A_60 = tpu.memref_slice %arg8[%select_n3A, %dma_wait3A, %dma_wait3A_59] : memref<8x1024x128xf32, #tpu.memory_space<vmem_shared>> -> memref<1x1024x128xf32, #tpu.memory_space<vmem_shared>>
      %dma_wait3A_61 = tpu.memref_squeeze %dma_wait3A_60 : memref<1x1024x128xf32, #tpu.memory_space<vmem_shared>> -> memref<1024x128xf32, #tpu.memory_space<vmem_shared>>
      %dma_wait3A_62 = arith.constant 0 : i32
      %dma_wait3A_63 = arith.constant 0 : i32
      %dma_wait3A_64 = tpu.memref_slice %dma_wait3A_61[%dma_wait3A_62, %dma_wait3A_63] : memref<1024x128xf32, #tpu.memory_space<vmem_shared>> -> memref<1024x128xf32, #tpu.memory_space<vmem_shared>>
      tpu.wait_indirect_dma semaphore(%run_scoped3A : memref<!tpu.dma_semaphore, #tpu.memory_space<semaphore_mem>>) src(%arg6 : memref<128x128xf32, #tpu.memory_space<vmem>>) dst(%dma_wait3A_64 : memref<1024x128xf32, #tpu.memory_space<vmem_shared>>)
      tpu.yield
    }) : () -> ()
    %barrier3A_51 = arith.constant 0 : index
    tpu.barrier barrier_id(%barrier3A_51)
    "tpu.region"() ({
      %run_scoped3A = tpu.sem_alloc : memref<!tpu.dma_semaphore, #tpu.memory_space<semaphore_mem>>
      %dma_start3A = arith.constant 0 : i32
      %dma_start3A_53 = arith.constant 0 : i32
      %dma_start3A_54 = tpu.memref_slice %arg5[%add3A_45, %dma_start3A, %dma_start3A_53] : memref<32x1024x128xf32, #tpu.memory_space<hbm>> -> memref<1x1024x128xf32, #tpu.memory_space<hbm>>
      %dma_start3A_55 = tpu.memref_squeeze %dma_start3A_54 : memref<1x1024x128xf32, #tpu.memory_space<hbm>> -> memref<1024x128xf32, #tpu.memory_space<hbm>>
      %dma_start3A_56 = arith.constant 0 : i32
      %dma_start3A_57 = tpu.memref_slice %dma_start3A_55[%mul3A_29, %dma_start3A_56] : memref<1024x128xf32, #tpu.memory_space<hbm>> -> memref<512x128xf32, #tpu.memory_space<hbm>>
      %dma_start3A_58 = arith.constant 0 : i32
      %dma_start3A_59 = arith.constant 0 : i32
      %dma_start3A_60 = tpu.memref_slice %arg8[%select_n3A, %dma_start3A_58, %dma_start3A_59] : memref<8x1024x128xf32, #tpu.memory_space<vmem_shared>> -> memref<1x1024x128xf32, #tpu.memory_space<vmem_shared>>
      %dma_start3A_61 = tpu.memref_squeeze %dma_start3A_60 : memref<1x1024x128xf32, #tpu.memory_space<vmem_shared>> -> memref<1024x128xf32, #tpu.memory_space<vmem_shared>>
      %dma_start3A_62 = arith.constant 0 : i32
      %dma_start3A_63 = tpu.memref_slice %dma_start3A_61[%mul3A_29, %dma_start3A_62] : memref<1024x128xf32, #tpu.memory_space<vmem_shared>> -> memref<512x128xf32, #tpu.memory_space<vmem_shared>>
      tpu.enqueue_dma source(%dma_start3A_63 : memref<512x128xf32, #tpu.memory_space<vmem_shared>>) target(%dma_start3A_57 : memref<512x128xf32, #tpu.memory_space<hbm>>) target_semaphore(%run_scoped3A : memref<!tpu.dma_semaphore, #tpu.memory_space<semaphore_mem>>)
      %dma_wait3A = arith.constant 0 : i32
      %dma_wait3A_64 = arith.constant 0 : i32
      %dma_wait3A_65 = tpu.memref_slice %arg5[%add3A_45, %dma_wait3A, %dma_wait3A_64] : memref<32x1024x128xf32, #tpu.memory_space<hbm>> -> memref<1x1024x128xf32, #tpu.memory_space<hbm>>
      %dma_wait3A_66 = tpu.memref_squeeze %dma_wait3A_65 : memref<1x1024x128xf32, #tpu.memory_space<hbm>> -> memref<1024x128xf32, #tpu.memory_space<hbm>>
      %dma_wait3A_67 = arith.constant 0 : i32
      %dma_wait3A_68 = tpu.memref_slice %dma_wait3A_66[%mul3A_29, %dma_wait3A_67] : memref<1024x128xf32, #tpu.memory_space<hbm>> -> memref<512x128xf32, #tpu.memory_space<hbm>>
      %dma_wait3A_69 = arith.constant 0 : i32
      %dma_wait3A_70 = arith.constant 0 : i32
      %dma_wait3A_71 = tpu.memref_slice %arg8[%select_n3A, %dma_wait3A_69, %dma_wait3A_70] : memref<8x1024x128xf32, #tpu.memory_space<vmem_shared>> -> memref<1x1024x128xf32, #tpu.memory_space<vmem_shared>>
      %dma_wait3A_72 = tpu.memref_squeeze %dma_wait3A_71 : memref<1x1024x128xf32, #tpu.memory_space<vmem_shared>> -> memref<1024x128xf32, #tpu.memory_space<vmem_shared>>
      %dma_wait3A_73 = arith.constant 0 : i32
      %dma_wait3A_74 = tpu.memref_slice %dma_wait3A_72[%mul3A_29, %dma_wait3A_73] : memref<1024x128xf32, #tpu.memory_space<vmem_shared>> -> memref<512x128xf32, #tpu.memory_space<vmem_shared>>
      tpu.wait_dma2 semaphore(%run_scoped3A : memref<!tpu.dma_semaphore, #tpu.memory_space<semaphore_mem>>) src(%dma_wait3A_74 : memref<512x128xf32, #tpu.memory_space<vmem_shared>>) dst(%dma_wait3A_68 : memref<512x128xf32, #tpu.memory_space<hbm>>)
      tpu.yield
    }) : () -> ()
    %barrier3A_52 = arith.constant 0 : index
    tpu.barrier barrier_id(%barrier3A_52)
    return
  }
}

#map = affine_map<(d0, d1) -> (0, 0, 0)>
#map1 = affine_map<(d0, d1) -> (0, 0)>
module attributes {stable_mosaic.version = 14 : i64} {
  func.func @_scatter_body(%arg0: i32, %arg1: i32, %arg2: memref<32x256x128xf32, #tpu.memory_space<hbm>>, %arg3: memref<32x256xi32, #tpu.memory_space<hbm>>, %arg4: memref<512x128xf32, #tpu.memory_space<hbm>>, %arg5: memref<32x1024x128xf32, #tpu.memory_space<hbm>>, %arg6: memref<128x128xf32, #tpu.memory_space<vmem>>, %arg7: memref<128xi32, #tpu.memory_space<vmem>>, %arg8: memref<8x1024x128xf32, #tpu.memory_space<vmem_shared>>) attributes {dimension_semantics = [#tpu.dimension_semantics<core_parallel>, #tpu.dimension_semantics<subcore_parallel>], iteration_bounds = array<i64: 2, 16>, scalar_prefetch = 0 : i64, scratch_operands = 3 : i64, tpu.core_type = #tpu.core_type<sc_vector_subcore>, window_params = [{transform_indices = #map}, {transform_indices = #map1}, {transform_indices = #map1}, {transform_indices = #map}]} {
    %jit3A = arith.constant 2 : i32
    %div3A = arith.divsi %arg1, %jit3A : i32
    %sign3A = arith.constant 0 : i32
    %sign3A_0 = arith.cmpi sgt, %arg1, %sign3A : i32
    %sign3A_1 = arith.extui %sign3A_0 : i1 to i32
    %sign3A_2 = arith.constant 0 : i32
    %sign3A_3 = arith.cmpi slt, %arg1, %sign3A_2 : i32
    %sign3A_4 = arith.extui %sign3A_3 : i1 to i32
    %sign3A_5 = arith.subi %sign3A_1, %sign3A_4 : i32
    %sign3A_6 = arith.constant 0 : i32
    %sign3A_7 = arith.cmpi sgt, %jit3A, %sign3A_6 : i32
    %sign3A_8 = arith.extui %sign3A_7 : i1 to i32
    %sign3A_9 = arith.constant 0 : i32
    %sign3A_10 = arith.cmpi slt, %jit3A, %sign3A_9 : i32
    %sign3A_11 = arith.extui %sign3A_10 : i1 to i32
    %sign3A_12 = arith.subi %sign3A_8, %sign3A_11 : i32
    %ne3A = arith.cmpi ne, %sign3A_5, %sign3A_12 : i32
    %rem3A = arith.remsi %arg1, %jit3A : i32
    %ne3A_13 = arith.constant 0 : i32
    %ne3A_14 = arith.cmpi ne, %rem3A, %ne3A_13 : i32
    %and3A = arith.andi %ne3A, %ne3A_14 : i1
    %sub3A = arith.constant 1 : i32
    %sub3A_15 = arith.subi %div3A, %sub3A : i32
    %select_n3A = arith.select %and3A, %sub3A_15, %div3A : i32
    %jit3A_16 = arith.constant 2 : i32
    %eq3A = arith.constant 0 : i32
    %eq3A_17 = arith.cmpi eq, %jit3A_16, %eq3A : i32
    %jit3A_18 = arith.constant 1 : i32
    %select_n3A_19 = arith.select %eq3A_17, %jit3A_18, %jit3A_16 : i32
    %rem3A_20 = arith.remsi %arg1, %select_n3A_19 : i32
    %ne3A_21 = arith.constant 0 : i32
    %ne3A_22 = arith.cmpi ne, %rem3A_20, %ne3A_21 : i32
    %lt3A = arith.constant 0 : i32
    %lt3A_23 = arith.cmpi slt, %rem3A_20, %lt3A : i32
    %lt3A_24 = arith.constant 0 : i32
    %lt3A_25 = arith.cmpi slt, %select_n3A_19, %lt3A_24 : i32
    %ne3A_26 = arith.xori %lt3A_23, %lt3A_25 : i1
    %and3A_27 = arith.andi %ne3A_26, %ne3A_22 : i1
    %add3A = arith.addi %rem3A_20, %select_n3A_19 : i32
    %select_n3A_28 = arith.select %and3A_27, %add3A, %rem3A_20 : i32
    %mul3A = arith.constant 512 : i32
    %mul3A_29 = arith.muli %select_n3A_28, %mul3A : i32
    %mul3A_30 = arith.constant 8 : i32
    %mul3A_31 = arith.muli %arg0, %mul3A_30 : i32
    %add3A_32 = arith.constant 0 : i32
    %add3A_33 = arith.addi %add3A_32, %mul3A_31 : i32
    %add3A_34 = arith.addi %add3A_33, %select_n3A : i32
    "tpu.region"() ({
      %run_scoped3A = tpu.sem_alloc : memref<!tpu.dma_semaphore, #tpu.memory_space<semaphore_mem>>
      %dma_start3A = arith.constant 0 : i32
      %dma_start3A_53 = arith.constant 0 : i32
      %dma_start3A_54 = tpu.memref_slice %arg8[%select_n3A, %dma_start3A, %dma_start3A_53] : memref<8x1024x128xf32, #tpu.memory_space<vmem_shared>> -> memref<1x1024x128xf32, #tpu.memory_space<vmem_shared>>
      %dma_start3A_55 = tpu.memref_squeeze %dma_start3A_54 : memref<1x1024x128xf32, #tpu.memory_space<vmem_shared>> -> memref<1024x128xf32, #tpu.memory_space<vmem_shared>>
      %dma_start3A_56 = arith.constant 0 : i32
      %dma_start3A_57 = tpu.memref_slice %dma_start3A_55[%mul3A_29, %dma_start3A_56] : memref<1024x128xf32, #tpu.memory_space<vmem_shared>> -> memref<512x128xf32, #tpu.memory_space<vmem_shared>>
      tpu.enqueue_dma source(%arg4 : memref<512x128xf32, #tpu.memory_space<hbm>>) target(%dma_start3A_57 : memref<512x128xf32, #tpu.memory_space<vmem_shared>>) target_semaphore(%run_scoped3A : memref<!tpu.dma_semaphore, #tpu.memory_space<semaphore_mem>>)
      %dma_wait3A = arith.constant 0 : i32
      %dma_wait3A_58 = arith.constant 0 : i32
      %dma_wait3A_59 = tpu.memref_slice %arg8[%select_n3A, %dma_wait3A, %dma_wait3A_58] : memref<8x1024x128xf32, #tpu.memory_space<vmem_shared>> -> memref<1x1024x128xf32, #tpu.memory_space<vmem_shared>>
      %dma_wait3A_60 = tpu.memref_squeeze %dma_wait3A_59 : memref<1x1024x128xf32, #tpu.memory_space<vmem_shared>> -> memref<1024x128xf32, #tpu.memory_space<vmem_shared>>
      %dma_wait3A_61 = arith.constant 0 : i32
      %dma_wait3A_62 = tpu.memref_slice %dma_wait3A_60[%mul3A_29, %dma_wait3A_61] : memref<1024x128xf32, #tpu.memory_space<vmem_shared>> -> memref<512x128xf32, #tpu.memory_space<vmem_shared>>
      tpu.wait_dma2 semaphore(%run_scoped3A : memref<!tpu.dma_semaphore, #tpu.memory_space<semaphore_mem>>) src(%arg4 : memref<512x128xf32, #tpu.memory_space<hbm>>) dst(%dma_wait3A_62 : memref<512x128xf32, #tpu.memory_space<vmem_shared>>)
      tpu.yield
    }) : () -> ()
    %mul3A_35 = arith.constant 128 : i32
    %mul3A_36 = arith.muli %select_n3A_28, %mul3A_35 : i32
    "tpu.region"() ({
      %run_scoped3A = tpu.sem_alloc : memref<!tpu.dma_semaphore, #tpu.memory_space<semaphore_mem>>
      %dma_start3A = arith.constant 0 : i32
      %dma_start3A_53 = arith.constant 0 : i32
      %dma_start3A_54 = tpu.memref_slice %arg2[%add3A_34, %dma_start3A, %dma_start3A_53] : memref<32x256x128xf32, #tpu.memory_space<hbm>> -> memref<1x256x128xf32, #tpu.memory_space<hbm>>
      %dma_start3A_55 = tpu.memref_squeeze %dma_start3A_54 : memref<1x256x128xf32, #tpu.memory_space<hbm>> -> memref<256x128xf32, #tpu.memory_space<hbm>>
      %dma_start3A_56 = arith.constant 0 : i32
      %dma_start3A_57 = tpu.memref_slice %dma_start3A_55[%mul3A_36, %dma_start3A_56] : memref<256x128xf32, #tpu.memory_space<hbm>> -> memref<128x128xf32, #tpu.memory_space<hbm>>
      %dma_start3A_58 = arith.constant 0 : i32
      %dma_start3A_59 = arith.constant 0 : i32
      %dma_start3A_60 = tpu.memref_slice %arg2[%add3A_34, %dma_start3A_58, %dma_start3A_59] : memref<32x256x128xf32, #tpu.memory_space<hbm>> -> memref<1x256x128xf32, #tpu.memory_space<hbm>>
      %dma_start3A_61 = tpu.memref_squeeze %dma_start3A_60 : memref<1x256x128xf32, #tpu.memory_space<hbm>> -> memref<256x128xf32, #tpu.memory_space<hbm>>
      %dma_start3A_62 = arith.constant 0 : i32
      %dma_start3A_63 = tpu.memref_slice %dma_start3A_61[%mul3A_36, %dma_start3A_62] : memref<256x128xf32, #tpu.memory_space<hbm>> -> memref<128x128xf32, #tpu.memory_space<hbm>>
      tpu.enqueue_dma source(%dma_start3A_63 : memref<128x128xf32, #tpu.memory_space<hbm>>) target(%arg6 : memref<128x128xf32, #tpu.memory_space<vmem>>) target_semaphore(%run_scoped3A : memref<!tpu.dma_semaphore, #tpu.memory_space<semaphore_mem>>)
      %dma_wait3A = arith.constant 0 : i32
      %dma_wait3A_64 = arith.constant 0 : i32
      %dma_wait3A_65 = tpu.memref_slice %arg2[%add3A_34, %dma_wait3A, %dma_wait3A_64] : memref<32x256x128xf32, #tpu.memory_space<hbm>> -> memref<1x256x128xf32, #tpu.memory_space<hbm>>
      %dma_wait3A_66 = tpu.memref_squeeze %dma_wait3A_65 : memref<1x256x128xf32, #tpu.memory_space<hbm>> -> memref<256x128xf32, #tpu.memory_space<hbm>>
      %dma_wait3A_67 = arith.constant 0 : i32
      %dma_wait3A_68 = tpu.memref_slice %dma_wait3A_66[%mul3A_36, %dma_wait3A_67] : memref<256x128xf32, #tpu.memory_space<hbm>> -> memref<128x128xf32, #tpu.memory_space<hbm>>
      %dma_wait3A_69 = arith.constant 0 : i32
      %dma_wait3A_70 = arith.constant 0 : i32
      %dma_wait3A_71 = tpu.memref_slice %arg2[%add3A_34, %dma_wait3A_69, %dma_wait3A_70] : memref<32x256x128xf32, #tpu.memory_space<hbm>> -> memref<1x256x128xf32, #tpu.memory_space<hbm>>
      %dma_wait3A_72 = tpu.memref_squeeze %dma_wait3A_71 : memref<1x256x128xf32, #tpu.memory_space<hbm>> -> memref<256x128xf32, #tpu.memory_space<hbm>>
      %dma_wait3A_73 = arith.constant 0 : i32
      %dma_wait3A_74 = tpu.memref_slice %dma_wait3A_72[%mul3A_36, %dma_wait3A_73] : memref<256x128xf32, #tpu.memory_space<hbm>> -> memref<128x128xf32, #tpu.memory_space<hbm>>
      tpu.wait_dma2 semaphore(%run_scoped3A : memref<!tpu.dma_semaphore, #tpu.memory_space<semaphore_mem>>) src(%dma_wait3A_74 : memref<128x128xf32, #tpu.memory_space<hbm>>) dst(%arg6 : memref<128x128xf32, #tpu.memory_space<vmem>>)
      tpu.yield
    }) : () -> ()
    %mul3A_37 = arith.constant 128 : i32
    %mul3A_38 = arith.muli %select_n3A_28, %mul3A_37 : i32
    "tpu.region"() ({
      %run_scoped3A = tpu.sem_alloc : memref<!tpu.dma_semaphore, #tpu.memory_space<semaphore_mem>>
      %dma_start3A = arith.constant 0 : i32
      %dma_start3A_53 = tpu.memref_slice %arg3[%add3A_34, %dma_start3A] : memref<32x256xi32, #tpu.memory_space<hbm>> -> memref<1x256xi32, #tpu.memory_space<hbm>>
      %dma_start3A_54 = tpu.memref_squeeze %dma_start3A_53 : memref<1x256xi32, #tpu.memory_space<hbm>> -> memref<256xi32, #tpu.memory_space<hbm>>
      %dma_start3A_55 = tpu.memref_slice %dma_start3A_54[%mul3A_38] : memref<256xi32, #tpu.memory_space<hbm>> -> memref<128xi32, #tpu.memory_space<hbm>>
      %dma_start3A_56 = arith.constant 0 : i32
      %dma_start3A_57 = tpu.memref_slice %arg3[%add3A_34, %dma_start3A_56] : memref<32x256xi32, #tpu.memory_space<hbm>> -> memref<1x256xi32, #tpu.memory_space<hbm>>
      %dma_start3A_58 = tpu.memref_squeeze %dma_start3A_57 : memref<1x256xi32, #tpu.memory_space<hbm>> -> memref<256xi32, #tpu.memory_space<hbm>>
      %dma_start3A_59 = tpu.memref_slice %dma_start3A_58[%mul3A_38] : memref<256xi32, #tpu.memory_space<hbm>> -> memref<128xi32, #tpu.memory_space<hbm>>
      tpu.enqueue_dma source(%dma_start3A_59 : memref<128xi32, #tpu.memory_space<hbm>>) target(%arg7 : memref<128xi32, #tpu.memory_space<vmem>>) target_semaphore(%run_scoped3A : memref<!tpu.dma_semaphore, #tpu.memory_space<semaphore_mem>>)
      %dma_wait3A = arith.constant 0 : i32
      %dma_wait3A_60 = tpu.memref_slice %arg3[%add3A_34, %dma_wait3A] : memref<32x256xi32, #tpu.memory_space<hbm>> -> memref<1x256xi32, #tpu.memory_space<hbm>>
      %dma_wait3A_61 = tpu.memref_squeeze %dma_wait3A_60 : memref<1x256xi32, #tpu.memory_space<hbm>> -> memref<256xi32, #tpu.memory_space<hbm>>
      %dma_wait3A_62 = tpu.memref_slice %dma_wait3A_61[%mul3A_38] : memref<256xi32, #tpu.memory_space<hbm>> -> memref<128xi32, #tpu.memory_space<hbm>>
      %dma_wait3A_63 = arith.constant 0 : i32
      %dma_wait3A_64 = tpu.memref_slice %arg3[%add3A_34, %dma_wait3A_63] : memref<32x256xi32, #tpu.memory_space<hbm>> -> memref<1x256xi32, #tpu.memory_space<hbm>>
      %dma_wait3A_65 = tpu.memref_squeeze %dma_wait3A_64 : memref<1x256xi32, #tpu.memory_space<hbm>> -> memref<256xi32, #tpu.memory_space<hbm>>
      %dma_wait3A_66 = tpu.memref_slice %dma_wait3A_65[%mul3A_38] : memref<256xi32, #tpu.memory_space<hbm>> -> memref<128xi32, #tpu.memory_space<hbm>>
      tpu.wait_dma2 semaphore(%run_scoped3A : memref<!tpu.dma_semaphore, #tpu.memory_space<semaphore_mem>>) src(%dma_wait3A_66 : memref<128xi32, #tpu.memory_space<hbm>>) dst(%arg7 : memref<128xi32, #tpu.memory_space<vmem>>)
      tpu.yield
    }) : () -> ()
    %barrier3A = arith.constant 0 : index
    tpu.barrier barrier_id(%barrier3A)
    "tpu.region"() ({
      %run_scoped3A = tpu.sem_alloc : memref<!tpu.dma_semaphore, #tpu.memory_space<semaphore_mem>>
      %dma_start3A = arith.constant 0 : i32
      %dma_start3A_53 = arith.constant 0 : i32
      %dma_start3A_54 = tpu.memref_slice %arg8[%select_n3A, %dma_start3A, %dma_start3A_53] : memref<8x1024x128xf32, #tpu.memory_space<vmem_shared>> -> memref<1x1024x128xf32, #tpu.memory_space<vmem_shared>>
      %dma_start3A_55 = tpu.memref_squeeze %dma_start3A_54 : memref<1x1024x128xf32, #tpu.memory_space<vmem_shared>> -> memref<1024x128xf32, #tpu.memory_space<vmem_shared>>
      %dma_start3A_56 = arith.constant 0 : i32
      %dma_start3A_57 = arith.constant 0 : i32
      %dma_start3A_58 = tpu.memref_slice %dma_start3A_55[%dma_start3A_56, %dma_start3A_57] : memref<1024x128xf32, #tpu.memory_space<vmem_shared>> -> memref<1024x128xf32, #tpu.memory_space<vmem_shared>>
      tpu.enqueue_indirect_dma source(%arg6 : memref<128x128xf32, #tpu.memory_space<vmem>>) target(%dma_start3A_58 : memref<1024x128xf32, #tpu.memory_space<vmem_shared>>) offsets(%arg7 : memref<128xi32, #tpu.memory_space<vmem>>) semaphore(%run_scoped3A : memref<!tpu.dma_semaphore, #tpu.memory_space<semaphore_mem>>) {add = true}
      %dma_wait3A = arith.constant 0 : i32
      %dma_wait3A_59 = arith.constant 0 : i32
      %dma_wait3A_60 = tpu.memref_slice %arg8[%select_n3A, %dma_wait3A, %dma_wait3A_59] : memref<8x1024x128xf32, #tpu.memory_space<vmem_shared>> -> memref<1x1024x128xf32, #tpu.memory_space<vmem_shared>>
      %dma_wait3A_61 = tpu.memref_squeeze %dma_wait3A_60 : memref<1x1024x128xf32, #tpu.memory_space<vmem_shared>> -> memref<1024x128xf32, #tpu.memory_space<vmem_shared>>
      %dma_wait3A_62 = arith.constant 0 : i32
      %dma_wait3A_63 = arith.constant 0 : i32
      %dma_wait3A_64 = tpu.memref_slice %dma_wait3A_61[%dma_wait3A_62, %dma_wait3A_63] : memref<1024x128xf32, #tpu.memory_space<vmem_shared>> -> memref<1024x128xf32, #tpu.memory_space<vmem_shared>>
      tpu.wait_indirect_dma semaphore(%run_scoped3A : memref<!tpu.dma_semaphore, #tpu.memory_space<semaphore_mem>>) src(%arg6 : memref<128x128xf32, #tpu.memory_space<vmem>>) dst(%dma_wait3A_64 : memref<1024x128xf32, #tpu.memory_space<vmem_shared>>)
      tpu.yield
    }) : () -> ()
    %barrier3A_39 = arith.constant 0 : index
    tpu.barrier barrier_id(%barrier3A_39)
    "tpu.region"() ({
      %run_scoped3A = tpu.sem_alloc : memref<!tpu.dma_semaphore, #tpu.memory_space<semaphore_mem>>
      %dma_start3A = arith.constant 0 : i32
      %dma_start3A_53 = arith.constant 0 : i32
      %dma_start3A_54 = tpu.memref_slice %arg5[%add3A_34, %dma_start3A, %dma_start3A_53] : memref<32x1024x128xf32, #tpu.memory_space<hbm>> -> memref<1x1024x128xf32, #tpu.memory_space<hbm>>
      %dma_start3A_55 = tpu.memref_squeeze %dma_start3A_54 : memref<1x1024x128xf32, #tpu.memory_space<hbm>> -> memref<1024x128xf32, #tpu.memory_space<hbm>>
      %dma_start3A_56 = arith.constant 0 : i32
      %dma_start3A_57 = tpu.memref_slice %dma_start3A_55[%mul3A_29, %dma_start3A_56] : memref<1024x128xf32, #tpu.memory_space<hbm>> -> memref<512x128xf32, #tpu.memory_space<hbm>>
      %dma_start3A_58 = arith.constant 0 : i32
      %dma_start3A_59 = arith.constant 0 : i32
      %dma_start3A_60 = tpu.memref_slice %arg8[%select_n3A, %dma_start3A_58, %dma_start3A_59] : memref<8x1024x128xf32, #tpu.memory_space<vmem_shared>> -> memref<1x1024x128xf32, #tpu.memory_space<vmem_shared>>
      %dma_start3A_61 = tpu.memref_squeeze %dma_start3A_60 : memref<1x1024x128xf32, #tpu.memory_space<vmem_shared>> -> memref<1024x128xf32, #tpu.memory_space<vmem_shared>>
      %dma_start3A_62 = arith.constant 0 : i32
      %dma_start3A_63 = tpu.memref_slice %dma_start3A_61[%mul3A_29, %dma_start3A_62] : memref<1024x128xf32, #tpu.memory_space<vmem_shared>> -> memref<512x128xf32, #tpu.memory_space<vmem_shared>>
      tpu.enqueue_dma source(%dma_start3A_63 : memref<512x128xf32, #tpu.memory_space<vmem_shared>>) target(%dma_start3A_57 : memref<512x128xf32, #tpu.memory_space<hbm>>) target_semaphore(%run_scoped3A : memref<!tpu.dma_semaphore, #tpu.memory_space<semaphore_mem>>)
      %dma_wait3A = arith.constant 0 : i32
      %dma_wait3A_64 = arith.constant 0 : i32
      %dma_wait3A_65 = tpu.memref_slice %arg5[%add3A_34, %dma_wait3A, %dma_wait3A_64] : memref<32x1024x128xf32, #tpu.memory_space<hbm>> -> memref<1x1024x128xf32, #tpu.memory_space<hbm>>
      %dma_wait3A_66 = tpu.memref_squeeze %dma_wait3A_65 : memref<1x1024x128xf32, #tpu.memory_space<hbm>> -> memref<1024x128xf32, #tpu.memory_space<hbm>>
      %dma_wait3A_67 = arith.constant 0 : i32
      %dma_wait3A_68 = tpu.memref_slice %dma_wait3A_66[%mul3A_29, %dma_wait3A_67] : memref<1024x128xf32, #tpu.memory_space<hbm>> -> memref<512x128xf32, #tpu.memory_space<hbm>>
      %dma_wait3A_69 = arith.constant 0 : i32
      %dma_wait3A_70 = arith.constant 0 : i32
      %dma_wait3A_71 = tpu.memref_slice %arg8[%select_n3A, %dma_wait3A_69, %dma_wait3A_70] : memref<8x1024x128xf32, #tpu.memory_space<vmem_shared>> -> memref<1x1024x128xf32, #tpu.memory_space<vmem_shared>>
      %dma_wait3A_72 = tpu.memref_squeeze %dma_wait3A_71 : memref<1x1024x128xf32, #tpu.memory_space<vmem_shared>> -> memref<1024x128xf32, #tpu.memory_space<vmem_shared>>
      %dma_wait3A_73 = arith.constant 0 : i32
      %dma_wait3A_74 = tpu.memref_slice %dma_wait3A_72[%mul3A_29, %dma_wait3A_73] : memref<1024x128xf32, #tpu.memory_space<vmem_shared>> -> memref<512x128xf32, #tpu.memory_space<vmem_shared>>
      tpu.wait_dma2 semaphore(%run_scoped3A : memref<!tpu.dma_semaphore, #tpu.memory_space<semaphore_mem>>) src(%dma_wait3A_74 : memref<512x128xf32, #tpu.memory_space<vmem_shared>>) dst(%dma_wait3A_68 : memref<512x128xf32, #tpu.memory_space<hbm>>)
      tpu.yield
    }) : () -> ()
    %barrier3A_40 = arith.constant 0 : index
    tpu.barrier barrier_id(%barrier3A_40)
    %mul3A_41 = arith.constant 8 : i32
    %mul3A_42 = arith.muli %arg0, %mul3A_41 : i32
    %add3A_43 = arith.constant 16 : i32
    %add3A_44 = arith.addi %add3A_43, %mul3A_42 : i32
    %add3A_45 = arith.addi %add3A_44, %select_n3A : i32
    "tpu.region"() ({
      %run_scoped3A = tpu.sem_alloc : memref<!tpu.dma_semaphore, #tpu.memory_space<semaphore_mem>>
      %dma_start3A = arith.constant 0 : i32
      %dma_start3A_53 = arith.constant 0 : i32
      %dma_start3A_54 = tpu.memref_slice %arg8[%select_n3A, %dma_start3A, %dma_start3A_53] : memref<8x1024x128xf32, #tpu.memory_space<vmem_shared>> -> memref<1x1024x128xf32, #tpu.memory_space<vmem_shared>>
      %dma_start3A_55 = tpu.memref_squeeze %dma_start3A_54 : memref<1x1024x128xf32, #tpu.memory_space<vmem_shared>> -> memref<1024x128xf32, #tpu.memory_space<vmem_shared>>
      %dma_start3A_56 = arith.constant 0 : i32
      %dma_start3A_57 = tpu.memref_slice %dma_start3A_55[%mul3A_29, %dma_start3A_56] : memref<1024x128xf32, #tpu.memory_space<vmem_shared>> -> memref<512x128xf32, #tpu.memory_space<vmem_shared>>
      tpu.enqueue_dma source(%arg4 : memref<512x128xf32, #tpu.memory_space<hbm>>) target(%dma_start3A_57 : memref<512x128xf32, #tpu.memory_space<vmem_shared>>) target_semaphore(%run_scoped3A : memref<!tpu.dma_semaphore, #tpu.memory_space<semaphore_mem>>)
      %dma_wait3A = arith.constant 0 : i32
      %dma_wait3A_58 = arith.constant 0 : i32
      %dma_wait3A_59 = tpu.memref_slice %arg8[%select_n3A, %dma_wait3A, %dma_wait3A_58] : memref<8x1024x128xf32, #tpu.memory_space<vmem_shared>> -> memref<1x1024x128xf32, #tpu.memory_space<vmem_shared>>
      %dma_wait3A_60 = tpu.memref_squeeze %dma_wait3A_59 : memref<1x1024x128xf32, #tpu.memory_space<vmem_shared>> -> memref<1024x128xf32, #tpu.memory_space<vmem_shared>>
      %dma_wait3A_61 = arith.constant 0 : i32
      %dma_wait3A_62 = tpu.memref_slice %dma_wait3A_60[%mul3A_29, %dma_wait3A_61] : memref<1024x128xf32, #tpu.memory_space<vmem_shared>> -> memref<512x128xf32, #tpu.memory_space<vmem_shared>>
      tpu.wait_dma2 semaphore(%run_scoped3A : memref<!tpu.dma_semaphore, #tpu.memory_space<semaphore_mem>>) src(%arg4 : memref<512x128xf32, #tpu.memory_space<hbm>>) dst(%dma_wait3A_62 : memref<512x128xf32, #tpu.memory_space<vmem_shared>>)
      tpu.yield
    }) : () -> ()
    %mul3A_46 = arith.constant 128 : i32
    %mul3A_47 = arith.muli %select_n3A_28, %mul3A_46 : i32
    "tpu.region"() ({
      %run_scoped3A = tpu.sem_alloc : memref<!tpu.dma_semaphore, #tpu.memory_space<semaphore_mem>>
      %dma_start3A = arith.constant 0 : i32
      %dma_start3A_53 = arith.constant 0 : i32
      %dma_start3A_54 = tpu.memref_slice %arg2[%add3A_45, %dma_start3A, %dma_start3A_53] : memref<32x256x128xf32, #tpu.memory_space<hbm>> -> memref<1x256x128xf32, #tpu.memory_space<hbm>>
      %dma_start3A_55 = tpu.memref_squeeze %dma_start3A_54 : memref<1x256x128xf32, #tpu.memory_space<hbm>> -> memref<256x128xf32, #tpu.memory_space<hbm>>
      %dma_start3A_56 = arith.constant 0 : i32
      %dma_start3A_57 = tpu.memref_slice %dma_start3A_55[%mul3A_47, %dma_start3A_56] : memref<256x128xf32, #tpu.memory_space<hbm>> -> memref<128x128xf32, #tpu.memory_space<hbm>>
      %dma_start3A_58 = arith.constant 0 : i32
      %dma_start3A_59 = arith.constant 0 : i32
      %dma_start3A_60 = tpu.memref_slice %arg2[%add3A_45, %dma_start3A_58, %dma_start3A_59] : memref<32x256x128xf32, #tpu.memory_space<hbm>> -> memref<1x256x128xf32, #tpu.memory_space<hbm>>
      %dma_start3A_61 = tpu.memref_squeeze %dma_start3A_60 : memref<1x256x128xf32, #tpu.memory_space<hbm>> -> memref<256x128xf32, #tpu.memory_space<hbm>>
      %dma_start3A_62 = arith.constant 0 : i32
      %dma_start3A_63 = tpu.memref_slice %dma_start3A_61[%mul3A_47, %dma_start3A_62] : memref<256x128xf32, #tpu.memory_space<hbm>> -> memref<128x128xf32, #tpu.memory_space<hbm>>
      tpu.enqueue_dma source(%dma_start3A_63 : memref<128x128xf32, #tpu.memory_space<hbm>>) target(%arg6 : memref<128x128xf32, #tpu.memory_space<vmem>>) target_semaphore(%run_scoped3A : memref<!tpu.dma_semaphore, #tpu.memory_space<semaphore_mem>>)
      %dma_wait3A = arith.constant 0 : i32
      %dma_wait3A_64 = arith.constant 0 : i32
      %dma_wait3A_65 = tpu.memref_slice %arg2[%add3A_45, %dma_wait3A, %dma_wait3A_64] : memref<32x256x128xf32, #tpu.memory_space<hbm>> -> memref<1x256x128xf32, #tpu.memory_space<hbm>>
      %dma_wait3A_66 = tpu.memref_squeeze %dma_wait3A_65 : memref<1x256x128xf32, #tpu.memory_space<hbm>> -> memref<256x128xf32, #tpu.memory_space<hbm>>
      %dma_wait3A_67 = arith.constant 0 : i32
      %dma_wait3A_68 = tpu.memref_slice %dma_wait3A_66[%mul3A_47, %dma_wait3A_67] : memref<256x128xf32, #tpu.memory_space<hbm>> -> memref<128x128xf32, #tpu.memory_space<hbm>>
      %dma_wait3A_69 = arith.constant 0 : i32
      %dma_wait3A_70 = arith.constant 0 : i32
      %dma_wait3A_71 = tpu.memref_slice %arg2[%add3A_45, %dma_wait3A_69, %dma_wait3A_70] : memref<32x256x128xf32, #tpu.memory_space<hbm>> -> memref<1x256x128xf32, #tpu.memory_space<hbm>>
      %dma_wait3A_72 = tpu.memref_squeeze %dma_wait3A_71 : memref<1x256x128xf32, #tpu.memory_space<hbm>> -> memref<256x128xf32, #tpu.memory_space<hbm>>
      %dma_wait3A_73 = arith.constant 0 : i32
      %dma_wait3A_74 = tpu.memref_slice %dma_wait3A_72[%mul3A_47, %dma_wait3A_73] : memref<256x128xf32, #tpu.memory_space<hbm>> -> memref<128x128xf32, #tpu.memory_space<hbm>>
      tpu.wait_dma2 semaphore(%run_scoped3A : memref<!tpu.dma_semaphore, #tpu.memory_space<semaphore_mem>>) src(%dma_wait3A_74 : memref<128x128xf32, #tpu.memory_space<hbm>>) dst(%arg6 : memref<128x128xf32, #tpu.memory_space<vmem>>)
      tpu.yield
    }) : () -> ()
    %mul3A_48 = arith.constant 128 : i32
    %mul3A_49 = arith.muli %select_n3A_28, %mul3A_48 : i32
    "tpu.region"() ({
      %run_scoped3A = tpu.sem_alloc : memref<!tpu.dma_semaphore, #tpu.memory_space<semaphore_mem>>
      %dma_start3A = arith.constant 0 : i32
      %dma_start3A_53 = tpu.memref_slice %arg3[%add3A_45, %dma_start3A] : memref<32x256xi32, #tpu.memory_space<hbm>> -> memref<1x256xi32, #tpu.memory_space<hbm>>
      %dma_start3A_54 = tpu.memref_squeeze %dma_start3A_53 : memref<1x256xi32, #tpu.memory_space<hbm>> -> memref<256xi32, #tpu.memory_space<hbm>>
      %dma_start3A_55 = tpu.memref_slice %dma_start3A_54[%mul3A_49] : memref<256xi32, #tpu.memory_space<hbm>> -> memref<128xi32, #tpu.memory_space<hbm>>
      %dma_start3A_56 = arith.constant 0 : i32
      %dma_start3A_57 = tpu.memref_slice %arg3[%add3A_45, %dma_start3A_56] : memref<32x256xi32, #tpu.memory_space<hbm>> -> memref<1x256xi32, #tpu.memory_space<hbm>>
      %dma_start3A_58 = tpu.memref_squeeze %dma_start3A_57 : memref<1x256xi32, #tpu.memory_space<hbm>> -> memref<256xi32, #tpu.memory_space<hbm>>
      %dma_start3A_59 = tpu.memref_slice %dma_start3A_58[%mul3A_49] : memref<256xi32, #tpu.memory_space<hbm>> -> memref<128xi32, #tpu.memory_space<hbm>>
      tpu.enqueue_dma source(%dma_start3A_59 : memref<128xi32, #tpu.memory_space<hbm>>) target(%arg7 : memref<128xi32, #tpu.memory_space<vmem>>) target_semaphore(%run_scoped3A : memref<!tpu.dma_semaphore, #tpu.memory_space<semaphore_mem>>)
      %dma_wait3A = arith.constant 0 : i32
      %dma_wait3A_60 = tpu.memref_slice %arg3[%add3A_45, %dma_wait3A] : memref<32x256xi32, #tpu.memory_space<hbm>> -> memref<1x256xi32, #tpu.memory_space<hbm>>
      %dma_wait3A_61 = tpu.memref_squeeze %dma_wait3A_60 : memref<1x256xi32, #tpu.memory_space<hbm>> -> memref<256xi32, #tpu.memory_space<hbm>>
      %dma_wait3A_62 = tpu.memref_slice %dma_wait3A_61[%mul3A_49] : memref<256xi32, #tpu.memory_space<hbm>> -> memref<128xi32, #tpu.memory_space<hbm>>
      %dma_wait3A_63 = arith.constant 0 : i32
      %dma_wait3A_64 = tpu.memref_slice %arg3[%add3A_45, %dma_wait3A_63] : memref<32x256xi32, #tpu.memory_space<hbm>> -> memref<1x256xi32, #tpu.memory_space<hbm>>
      %dma_wait3A_65 = tpu.memref_squeeze %dma_wait3A_64 : memref<1x256xi32, #tpu.memory_space<hbm>> -> memref<256xi32, #tpu.memory_space<hbm>>
      %dma_wait3A_66 = tpu.memref_slice %dma_wait3A_65[%mul3A_49] : memref<256xi32, #tpu.memory_space<hbm>> -> memref<128xi32, #tpu.memory_space<hbm>>
      tpu.wait_dma2 semaphore(%run_scoped3A : memref<!tpu.dma_semaphore, #tpu.memory_space<semaphore_mem>>) src(%dma_wait3A_66 : memref<128xi32, #tpu.memory_space<hbm>>) dst(%arg7 : memref<128xi32, #tpu.memory_space<vmem>>)
      tpu.yield
    }) : () -> ()
    %barrier3A_50 = arith.constant 0 : index
    tpu.barrier barrier_id(%barrier3A_50)
    "tpu.region"() ({
      %run_scoped3A = tpu.sem_alloc : memref<!tpu.dma_semaphore, #tpu.memory_space<semaphore_mem>>
      %dma_start3A = arith.constant 0 : i32
      %dma_start3A_53 = arith.constant 0 : i32
      %dma_start3A_54 = tpu.memref_slice %arg8[%select_n3A, %dma_start3A, %dma_start3A_53] : memref<8x1024x128xf32, #tpu.memory_space<vmem_shared>> -> memref<1x1024x128xf32, #tpu.memory_space<vmem_shared>>
      %dma_start3A_55 = tpu.memref_squeeze %dma_start3A_54 : memref<1x1024x128xf32, #tpu.memory_space<vmem_shared>> -> memref<1024x128xf32, #tpu.memory_space<vmem_shared>>
      %dma_start3A_56 = arith.constant 0 : i32
      %dma_start3A_57 = arith.constant 0 : i32
      %dma_start3A_58 = tpu.memref_slice %dma_start3A_55[%dma_start3A_56, %dma_start3A_57] : memref<1024x128xf32, #tpu.memory_space<vmem_shared>> -> memref<1024x128xf32, #tpu.memory_space<vmem_shared>>
      tpu.enqueue_indirect_dma source(%arg6 : memref<128x128xf32, #tpu.memory_space<vmem>>) target(%dma_start3A_58 : memref<1024x128xf32, #tpu.memory_space<vmem_shared>>) offsets(%arg7 : memref<128xi32, #tpu.memory_space<vmem>>) semaphore(%run_scoped3A : memref<!tpu.dma_semaphore, #tpu.memory_space<semaphore_mem>>) {add = true}
      %dma_wait3A = arith.constant 0 : i32
      %dma_wait3A_59 = arith.constant 0 : i32
      %dma_wait3A_60 = tpu.memref_slice %arg8[%select_n3A, %dma_wait3A, %dma_wait3A_59] : memref<8x1024x128xf32, #tpu.memory_space<vmem_shared>> -> memref<1x1024x128xf32, #tpu.memory_space<vmem_shared>>
      %dma_wait3A_61 = tpu.memref_squeeze %dma_wait3A_60 : memref<1x1024x128xf32, #tpu.memory_space<vmem_shared>> -> memref<1024x128xf32, #tpu.memory_space<vmem_shared>>
      %dma_wait3A_62 = arith.constant 0 : i32
      %dma_wait3A_63 = arith.constant 0 : i32
      %dma_wait3A_64 = tpu.memref_slice %dma_wait3A_61[%dma_wait3A_62, %dma_wait3A_63] : memref<1024x128xf32, #tpu.memory_space<vmem_shared>> -> memref<1024x128xf32, #tpu.memory_space<vmem_shared>>
      tpu.wait_indirect_dma semaphore(%run_scoped3A : memref<!tpu.dma_semaphore, #tpu.memory_space<semaphore_mem>>) src(%arg6 : memref<128x128xf32, #tpu.memory_space<vmem>>) dst(%dma_wait3A_64 : memref<1024x128xf32, #tpu.memory_space<vmem_shared>>)
      tpu.yield
    }) : () -> ()
    %barrier3A_51 = arith.constant 0 : index
    tpu.barrier barrier_id(%barrier3A_51)
    "tpu.region"() ({
      %run_scoped3A = tpu.sem_alloc : memref<!tpu.dma_semaphore, #tpu.memory_space<semaphore_mem>>
      %dma_start3A = arith.constant 0 : i32
      %dma_start3A_53 = arith.constant 0 : i32
      %dma_start3A_54 = tpu.memref_slice %arg5[%add3A_45, %dma_start3A, %dma_start3A_53] : memref<32x1024x128xf32, #tpu.memory_space<hbm>> -> memref<1x1024x128xf32, #tpu.memory_space<hbm>>
      %dma_start3A_55 = tpu.memref_squeeze %dma_start3A_54 : memref<1x1024x128xf32, #tpu.memory_space<hbm>> -> memref<1024x128xf32, #tpu.memory_space<hbm>>
      %dma_start3A_56 = arith.constant 0 : i32
      %dma_start3A_57 = tpu.memref_slice %dma_start3A_55[%mul3A_29, %dma_start3A_56] : memref<1024x128xf32, #tpu.memory_space<hbm>> -> memref<512x128xf32, #tpu.memory_space<hbm>>
      %dma_start3A_58 = arith.constant 0 : i32
      %dma_start3A_59 = arith.constant 0 : i32
      %dma_start3A_60 = tpu.memref_slice %arg8[%select_n3A, %dma_start3A_58, %dma_start3A_59] : memref<8x1024x128xf32, #tpu.memory_space<vmem_shared>> -> memref<1x1024x128xf32, #tpu.memory_space<vmem_shared>>
      %dma_start3A_61 = tpu.memref_squeeze %dma_start3A_60 : memref<1x1024x128xf32, #tpu.memory_space<vmem_shared>> -> memref<1024x128xf32, #tpu.memory_space<vmem_shared>>
      %dma_start3A_62 = arith.constant 0 : i32
      %dma_start3A_63 = tpu.memref_slice %dma_start3A_61[%mul3A_29, %dma_start3A_62] : memref<1024x128xf32, #tpu.memory_space<vmem_shared>> -> memref<512x128xf32, #tpu.memory_space<vmem_shared>>
      tpu.enqueue_dma source(%dma_start3A_63 : memref<512x128xf32, #tpu.memory_space<vmem_shared>>) target(%dma_start3A_57 : memref<512x128xf32, #tpu.memory_space<hbm>>) target_semaphore(%run_scoped3A : memref<!tpu.dma_semaphore, #tpu.memory_space<semaphore_mem>>)
      %dma_wait3A = arith.constant 0 : i32
      %dma_wait3A_64 = arith.constant 0 : i32
      %dma_wait3A_65 = tpu.memref_slice %arg5[%add3A_45, %dma_wait3A, %dma_wait3A_64] : memref<32x1024x128xf32, #tpu.memory_space<hbm>> -> memref<1x1024x128xf32, #tpu.memory_space<hbm>>
      %dma_wait3A_66 = tpu.memref_squeeze %dma_wait3A_65 : memref<1x1024x128xf32, #tpu.memory_space<hbm>> -> memref<1024x128xf32, #tpu.memory_space<hbm>>
      %dma_wait3A_67 = arith.constant 0 : i32
      %dma_wait3A_68 = tpu.memref_slice %dma_wait3A_66[%mul3A_29, %dma_wait3A_67] : memref<1024x128xf32, #tpu.memory_space<hbm>> -> memref<512x128xf32, #tpu.memory_space<hbm>>
      %dma_wait3A_69 = arith.constant 0 : i32
      %dma_wait3A_70 = arith.constant 0 : i32
      %dma_wait3A_71 = tpu.memref_slice %arg8[%select_n3A, %dma_wait3A_69, %dma_wait3A_70] : memref<8x1024x128xf32, #tpu.memory_space<vmem_shared>> -> memref<1x1024x128xf32, #tpu.memory_space<vmem_shared>>
      %dma_wait3A_72 = tpu.memref_squeeze %dma_wait3A_71 : memref<1x1024x128xf32, #tpu.memory_space<vmem_shared>> -> memref<1024x128xf32, #tpu.memory_space<vmem_shared>>
      %dma_wait3A_73 = arith.constant 0 : i32
      %dma_wait3A_74 = tpu.memref_slice %dma_wait3A_72[%mul3A_29, %dma_wait3A_73] : memref<1024x128xf32, #tpu.memory_space<vmem_shared>> -> memref<512x128xf32, #tpu.memory_space<vmem_shared>>
      tpu.wait_dma2 semaphore(%run_scoped3A : memref<!tpu.dma_semaphore, #tpu.memory_space<semaphore_mem>>) src(%dma_wait3A_74 : memref<512x128xf32, #tpu.memory_space<vmem_shared>>) dst(%dma_wait3A_68 : memref<512x128xf32, #tpu.memory_space<hbm>>)
      tpu.yield
    }) : () -> ()
    %barrier3A_52 = arith.constant 0 : index
    tpu.barrier barrier_id(%barrier3A_52)
    return
  }
}

#map = affine_map<(d0, d1) -> (0, 0, 0)>
#map1 = affine_map<(d0, d1) -> (0, 0)>
module attributes {stable_mosaic.version = 14 : i64} {
  func.func @_scatter_body(%arg0: i32, %arg1: i32, %arg2: memref<32x256x128xf32, #tpu.memory_space<hbm>>, %arg3: memref<32x256xi32, #tpu.memory_space<hbm>>, %arg4: memref<512x128xf32, #tpu.memory_space<hbm>>, %arg5: memref<32x1024x128xf32, #tpu.memory_space<hbm>>, %arg6: memref<128x128xf32, #tpu.memory_space<vmem>>, %arg7: memref<128xi32, #tpu.memory_space<vmem>>, %arg8: memref<8x1024x128xf32, #tpu.memory_space<vmem_shared>>) attributes {dimension_semantics = [#tpu.dimension_semantics<core_parallel>, #tpu.dimension_semantics<subcore_parallel>], iteration_bounds = array<i64: 2, 16>, scalar_prefetch = 0 : i64, scratch_operands = 3 : i64, tpu.core_type = #tpu.core_type<sc_vector_subcore>, window_params = [{transform_indices = #map}, {transform_indices = #map1}, {transform_indices = #map1}, {transform_indices = #map}]} {
    %jit3A = arith.constant 2 : i32
    %div3A = arith.divsi %arg1, %jit3A : i32
    %sign3A = arith.constant 0 : i32
    %sign3A_0 = arith.cmpi sgt, %arg1, %sign3A : i32
    %sign3A_1 = arith.extui %sign3A_0 : i1 to i32
    %sign3A_2 = arith.constant 0 : i32
    %sign3A_3 = arith.cmpi slt, %arg1, %sign3A_2 : i32
    %sign3A_4 = arith.extui %sign3A_3 : i1 to i32
    %sign3A_5 = arith.subi %sign3A_1, %sign3A_4 : i32
    %sign3A_6 = arith.constant 0 : i32
    %sign3A_7 = arith.cmpi sgt, %jit3A, %sign3A_6 : i32
    %sign3A_8 = arith.extui %sign3A_7 : i1 to i32
    %sign3A_9 = arith.constant 0 : i32
    %sign3A_10 = arith.cmpi slt, %jit3A, %sign3A_9 : i32
    %sign3A_11 = arith.extui %sign3A_10 : i1 to i32
    %sign3A_12 = arith.subi %sign3A_8, %sign3A_11 : i32
    %ne3A = arith.cmpi ne, %sign3A_5, %sign3A_12 : i32
    %rem3A = arith.remsi %arg1, %jit3A : i32
    %ne3A_13 = arith.constant 0 : i32
    %ne3A_14 = arith.cmpi ne, %rem3A, %ne3A_13 : i32
    %and3A = arith.andi %ne3A, %ne3A_14 : i1
    %sub3A = arith.constant 1 : i32
    %sub3A_15 = arith.subi %div3A, %sub3A : i32
    %select_n3A = arith.select %and3A, %sub3A_15, %div3A : i32
    %jit3A_16 = arith.constant 2 : i32
    %eq3A = arith.constant 0 : i32
    %eq3A_17 = arith.cmpi eq, %jit3A_16, %eq3A : i32
    %jit3A_18 = arith.constant 1 : i32
    %select_n3A_19 = arith.select %eq3A_17, %jit3A_18, %jit3A_16 : i32
    %rem3A_20 = arith.remsi %arg1, %select_n3A_19 : i32
    %ne3A_21 = arith.constant 0 : i32
    %ne3A_22 = arith.cmpi ne, %rem3A_20, %ne3A_21 : i32
    %lt3A = arith.constant 0 : i32
    %lt3A_23 = arith.cmpi slt, %rem3A_20, %lt3A : i32
    %lt3A_24 = arith.constant 0 : i32
    %lt3A_25 = arith.cmpi slt, %select_n3A_19, %lt3A_24 : i32
    %ne3A_26 = arith.xori %lt3A_23, %lt3A_25 : i1
    %and3A_27 = arith.andi %ne3A_26, %ne3A_22 : i1
    %add3A = arith.addi %rem3A_20, %select_n3A_19 : i32
    %select_n3A_28 = arith.select %and3A_27, %add3A, %rem3A_20 : i32
    %mul3A = arith.constant 512 : i32
    %mul3A_29 = arith.muli %select_n3A_28, %mul3A : i32
    %mul3A_30 = arith.constant 8 : i32
    %mul3A_31 = arith.muli %arg0, %mul3A_30 : i32
    %add3A_32 = arith.constant 0 : i32
    %add3A_33 = arith.addi %add3A_32, %mul3A_31 : i32
    %add3A_34 = arith.addi %add3A_33, %select_n3A : i32
    "tpu.region"() ({
      %run_scoped3A = tpu.sem_alloc : memref<!tpu.dma_semaphore, #tpu.memory_space<semaphore_mem>>
      %dma_start3A = arith.constant 0 : i32
      %dma_start3A_53 = arith.constant 0 : i32
      %dma_start3A_54 = tpu.memref_slice %arg8[%select_n3A, %dma_start3A, %dma_start3A_53] : memref<8x1024x128xf32, #tpu.memory_space<vmem_shared>> -> memref<1x1024x128xf32, #tpu.memory_space<vmem_shared>>
      %dma_start3A_55 = tpu.memref_squeeze %dma_start3A_54 : memref<1x1024x128xf32, #tpu.memory_space<vmem_shared>> -> memref<1024x128xf32, #tpu.memory_space<vmem_shared>>
      %dma_start3A_56 = arith.constant 0 : i32
      %dma_start3A_57 = tpu.memref_slice %dma_start3A_55[%mul3A_29, %dma_start3A_56] : memref<1024x128xf32, #tpu.memory_space<vmem_shared>> -> memref<512x128xf32, #tpu.memory_space<vmem_shared>>
      tpu.enqueue_dma source(%arg4 : memref<512x128xf32, #tpu.memory_space<hbm>>) target(%dma_start3A_57 : memref<512x128xf32, #tpu.memory_space<vmem_shared>>) target_semaphore(%run_scoped3A : memref<!tpu.dma_semaphore, #tpu.memory_space<semaphore_mem>>)
      %dma_wait3A = arith.constant 0 : i32
      %dma_wait3A_58 = arith.constant 0 : i32
      %dma_wait3A_59 = tpu.memref_slice %arg8[%select_n3A, %dma_wait3A, %dma_wait3A_58] : memref<8x1024x128xf32, #tpu.memory_space<vmem_shared>> -> memref<1x1024x128xf32, #tpu.memory_space<vmem_shared>>
      %dma_wait3A_60 = tpu.memref_squeeze %dma_wait3A_59 : memref<1x1024x128xf32, #tpu.memory_space<vmem_shared>> -> memref<1024x128xf32, #tpu.memory_space<vmem_shared>>
      %dma_wait3A_61 = arith.constant 0 : i32
      %dma_wait3A_62 = tpu.memref_slice %dma_wait3A_60[%mul3A_29, %dma_wait3A_61] : memref<1024x128xf32, #tpu.memory_space<vmem_shared>> -> memref<512x128xf32, #tpu.memory_space<vmem_shared>>
      tpu.wait_dma2 semaphore(%run_scoped3A : memref<!tpu.dma_semaphore, #tpu.memory_space<semaphore_mem>>) src(%arg4 : memref<512x128xf32, #tpu.memory_space<hbm>>) dst(%dma_wait3A_62 : memref<512x128xf32, #tpu.memory_space<vmem_shared>>)
      tpu.yield
    }) : () -> ()
    %mul3A_35 = arith.constant 128 : i32
    %mul3A_36 = arith.muli %select_n3A_28, %mul3A_35 : i32
    "tpu.region"() ({
      %run_scoped3A = tpu.sem_alloc : memref<!tpu.dma_semaphore, #tpu.memory_space<semaphore_mem>>
      %dma_start3A = arith.constant 0 : i32
      %dma_start3A_53 = arith.constant 0 : i32
      %dma_start3A_54 = tpu.memref_slice %arg2[%add3A_34, %dma_start3A, %dma_start3A_53] : memref<32x256x128xf32, #tpu.memory_space<hbm>> -> memref<1x256x128xf32, #tpu.memory_space<hbm>>
      %dma_start3A_55 = tpu.memref_squeeze %dma_start3A_54 : memref<1x256x128xf32, #tpu.memory_space<hbm>> -> memref<256x128xf32, #tpu.memory_space<hbm>>
      %dma_start3A_56 = arith.constant 0 : i32
      %dma_start3A_57 = tpu.memref_slice %dma_start3A_55[%mul3A_36, %dma_start3A_56] : memref<256x128xf32, #tpu.memory_space<hbm>> -> memref<128x128xf32, #tpu.memory_space<hbm>>
      %dma_start3A_58 = arith.constant 0 : i32
      %dma_start3A_59 = arith.constant 0 : i32
      %dma_start3A_60 = tpu.memref_slice %arg2[%add3A_34, %dma_start3A_58, %dma_start3A_59] : memref<32x256x128xf32, #tpu.memory_space<hbm>> -> memref<1x256x128xf32, #tpu.memory_space<hbm>>
      %dma_start3A_61 = tpu.memref_squeeze %dma_start3A_60 : memref<1x256x128xf32, #tpu.memory_space<hbm>> -> memref<256x128xf32, #tpu.memory_space<hbm>>
      %dma_start3A_62 = arith.constant 0 : i32
      %dma_start3A_63 = tpu.memref_slice %dma_start3A_61[%mul3A_36, %dma_start3A_62] : memref<256x128xf32, #tpu.memory_space<hbm>> -> memref<128x128xf32, #tpu.memory_space<hbm>>
      tpu.enqueue_dma source(%dma_start3A_63 : memref<128x128xf32, #tpu.memory_space<hbm>>) target(%arg6 : memref<128x128xf32, #tpu.memory_space<vmem>>) target_semaphore(%run_scoped3A : memref<!tpu.dma_semaphore, #tpu.memory_space<semaphore_mem>>)
      %dma_wait3A = arith.constant 0 : i32
      %dma_wait3A_64 = arith.constant 0 : i32
      %dma_wait3A_65 = tpu.memref_slice %arg2[%add3A_34, %dma_wait3A, %dma_wait3A_64] : memref<32x256x128xf32, #tpu.memory_space<hbm>> -> memref<1x256x128xf32, #tpu.memory_space<hbm>>
      %dma_wait3A_66 = tpu.memref_squeeze %dma_wait3A_65 : memref<1x256x128xf32, #tpu.memory_space<hbm>> -> memref<256x128xf32, #tpu.memory_space<hbm>>
      %dma_wait3A_67 = arith.constant 0 : i32
      %dma_wait3A_68 = tpu.memref_slice %dma_wait3A_66[%mul3A_36, %dma_wait3A_67] : memref<256x128xf32, #tpu.memory_space<hbm>> -> memref<128x128xf32, #tpu.memory_space<hbm>>
      %dma_wait3A_69 = arith.constant 0 : i32
      %dma_wait3A_70 = arith.constant 0 : i32
      %dma_wait3A_71 = tpu.memref_slice %arg2[%add3A_34, %dma_wait3A_69, %dma_wait3A_70] : memref<32x256x128xf32, #tpu.memory_space<hbm>> -> memref<1x256x128xf32, #tpu.memory_space<hbm>>
      %dma_wait3A_72 = tpu.memref_squeeze %dma_wait3A_71 : memref<1x256x128xf32, #tpu.memory_space<hbm>> -> memref<256x128xf32, #tpu.memory_space<hbm>>
      %dma_wait3A_73 = arith.constant 0 : i32
      %dma_wait3A_74 = tpu.memref_slice %dma_wait3A_72[%mul3A_36, %dma_wait3A_73] : memref<256x128xf32, #tpu.memory_space<hbm>> -> memref<128x128xf32, #tpu.memory_space<hbm>>
      tpu.wait_dma2 semaphore(%run_scoped3A : memref<!tpu.dma_semaphore, #tpu.memory_space<semaphore_mem>>) src(%dma_wait3A_74 : memref<128x128xf32, #tpu.memory_space<hbm>>) dst(%arg6 : memref<128x128xf32, #tpu.memory_space<vmem>>)
      tpu.yield
    }) : () -> ()
    %mul3A_37 = arith.constant 128 : i32
    %mul3A_38 = arith.muli %select_n3A_28, %mul3A_37 : i32
    "tpu.region"() ({
      %run_scoped3A = tpu.sem_alloc : memref<!tpu.dma_semaphore, #tpu.memory_space<semaphore_mem>>
      %dma_start3A = arith.constant 0 : i32
      %dma_start3A_53 = tpu.memref_slice %arg3[%add3A_34, %dma_start3A] : memref<32x256xi32, #tpu.memory_space<hbm>> -> memref<1x256xi32, #tpu.memory_space<hbm>>
      %dma_start3A_54 = tpu.memref_squeeze %dma_start3A_53 : memref<1x256xi32, #tpu.memory_space<hbm>> -> memref<256xi32, #tpu.memory_space<hbm>>
      %dma_start3A_55 = tpu.memref_slice %dma_start3A_54[%mul3A_38] : memref<256xi32, #tpu.memory_space<hbm>> -> memref<128xi32, #tpu.memory_space<hbm>>
      %dma_start3A_56 = arith.constant 0 : i32
      %dma_start3A_57 = tpu.memref_slice %arg3[%add3A_34, %dma_start3A_56] : memref<32x256xi32, #tpu.memory_space<hbm>> -> memref<1x256xi32, #tpu.memory_space<hbm>>
      %dma_start3A_58 = tpu.memref_squeeze %dma_start3A_57 : memref<1x256xi32, #tpu.memory_space<hbm>> -> memref<256xi32, #tpu.memory_space<hbm>>
      %dma_start3A_59 = tpu.memref_slice %dma_start3A_58[%mul3A_38] : memref<256xi32, #tpu.memory_space<hbm>> -> memref<128xi32, #tpu.memory_space<hbm>>
      tpu.enqueue_dma source(%dma_start3A_59 : memref<128xi32, #tpu.memory_space<hbm>>) target(%arg7 : memref<128xi32, #tpu.memory_space<vmem>>) target_semaphore(%run_scoped3A : memref<!tpu.dma_semaphore, #tpu.memory_space<semaphore_mem>>)
      %dma_wait3A = arith.constant 0 : i32
      %dma_wait3A_60 = tpu.memref_slice %arg3[%add3A_34, %dma_wait3A] : memref<32x256xi32, #tpu.memory_space<hbm>> -> memref<1x256xi32, #tpu.memory_space<hbm>>
      %dma_wait3A_61 = tpu.memref_squeeze %dma_wait3A_60 : memref<1x256xi32, #tpu.memory_space<hbm>> -> memref<256xi32, #tpu.memory_space<hbm>>
      %dma_wait3A_62 = tpu.memref_slice %dma_wait3A_61[%mul3A_38] : memref<256xi32, #tpu.memory_space<hbm>> -> memref<128xi32, #tpu.memory_space<hbm>>
      %dma_wait3A_63 = arith.constant 0 : i32
      %dma_wait3A_64 = tpu.memref_slice %arg3[%add3A_34, %dma_wait3A_63] : memref<32x256xi32, #tpu.memory_space<hbm>> -> memref<1x256xi32, #tpu.memory_space<hbm>>
      %dma_wait3A_65 = tpu.memref_squeeze %dma_wait3A_64 : memref<1x256xi32, #tpu.memory_space<hbm>> -> memref<256xi32, #tpu.memory_space<hbm>>
      %dma_wait3A_66 = tpu.memref_slice %dma_wait3A_65[%mul3A_38] : memref<256xi32, #tpu.memory_space<hbm>> -> memref<128xi32, #tpu.memory_space<hbm>>
      tpu.wait_dma2 semaphore(%run_scoped3A : memref<!tpu.dma_semaphore, #tpu.memory_space<semaphore_mem>>) src(%dma_wait3A_66 : memref<128xi32, #tpu.memory_space<hbm>>) dst(%arg7 : memref<128xi32, #tpu.memory_space<vmem>>)
      tpu.yield
    }) : () -> ()
    %barrier3A = arith.constant 0 : index
    tpu.barrier barrier_id(%barrier3A)
    "tpu.region"() ({
      %run_scoped3A = tpu.sem_alloc : memref<!tpu.dma_semaphore, #tpu.memory_space<semaphore_mem>>
      %dma_start3A = arith.constant 0 : i32
      %dma_start3A_53 = arith.constant 0 : i32
      %dma_start3A_54 = tpu.memref_slice %arg8[%select_n3A, %dma_start3A, %dma_start3A_53] : memref<8x1024x128xf32, #tpu.memory_space<vmem_shared>> -> memref<1x1024x128xf32, #tpu.memory_space<vmem_shared>>
      %dma_start3A_55 = tpu.memref_squeeze %dma_start3A_54 : memref<1x1024x128xf32, #tpu.memory_space<vmem_shared>> -> memref<1024x128xf32, #tpu.memory_space<vmem_shared>>
      %dma_start3A_56 = arith.constant 0 : i32
      %dma_start3A_57 = arith.constant 0 : i32
      %dma_start3A_58 = tpu.memref_slice %dma_start3A_55[%dma_start3A_56, %dma_start3A_57] : memref<1024x128xf32, #tpu.memory_space<vmem_shared>> -> memref<1024x128xf32, #tpu.memory_space<vmem_shared>>
      tpu.enqueue_indirect_dma source(%arg6 : memref<128x128xf32, #tpu.memory_space<vmem>>) target(%dma_start3A_58 : memref<1024x128xf32, #tpu.memory_space<vmem_shared>>) offsets(%arg7 : memref<128xi32, #tpu.memory_space<vmem>>) semaphore(%run_scoped3A : memref<!tpu.dma_semaphore, #tpu.memory_space<semaphore_mem>>) {add = true}
      %dma_wait3A = arith.constant 0 : i32
      %dma_wait3A_59 = arith.constant 0 : i32
      %dma_wait3A_60 = tpu.memref_slice %arg8[%select_n3A, %dma_wait3A, %dma_wait3A_59] : memref<8x1024x128xf32, #tpu.memory_space<vmem_shared>> -> memref<1x1024x128xf32, #tpu.memory_space<vmem_shared>>
      %dma_wait3A_61 = tpu.memref_squeeze %dma_wait3A_60 : memref<1x1024x128xf32, #tpu.memory_space<vmem_shared>> -> memref<1024x128xf32, #tpu.memory_space<vmem_shared>>
      %dma_wait3A_62 = arith.constant 0 : i32
      %dma_wait3A_63 = arith.constant 0 : i32
      %dma_wait3A_64 = tpu.memref_slice %dma_wait3A_61[%dma_wait3A_62, %dma_wait3A_63] : memref<1024x128xf32, #tpu.memory_space<vmem_shared>> -> memref<1024x128xf32, #tpu.memory_space<vmem_shared>>
      tpu.wait_indirect_dma semaphore(%run_scoped3A : memref<!tpu.dma_semaphore, #tpu.memory_space<semaphore_mem>>) src(%arg6 : memref<128x128xf32, #tpu.memory_space<vmem>>) dst(%dma_wait3A_64 : memref<1024x128xf32, #tpu.memory_space<vmem_shared>>)
      tpu.yield
    }) : () -> ()
    %barrier3A_39 = arith.constant 0 : index
    tpu.barrier barrier_id(%barrier3A_39)
    "tpu.region"() ({
      %run_scoped3A = tpu.sem_alloc : memref<!tpu.dma_semaphore, #tpu.memory_space<semaphore_mem>>
      %dma_start3A = arith.constant 0 : i32
      %dma_start3A_53 = arith.constant 0 : i32
      %dma_start3A_54 = tpu.memref_slice %arg5[%add3A_34, %dma_start3A, %dma_start3A_53] : memref<32x1024x128xf32, #tpu.memory_space<hbm>> -> memref<1x1024x128xf32, #tpu.memory_space<hbm>>
      %dma_start3A_55 = tpu.memref_squeeze %dma_start3A_54 : memref<1x1024x128xf32, #tpu.memory_space<hbm>> -> memref<1024x128xf32, #tpu.memory_space<hbm>>
      %dma_start3A_56 = arith.constant 0 : i32
      %dma_start3A_57 = tpu.memref_slice %dma_start3A_55[%mul3A_29, %dma_start3A_56] : memref<1024x128xf32, #tpu.memory_space<hbm>> -> memref<512x128xf32, #tpu.memory_space<hbm>>
      %dma_start3A_58 = arith.constant 0 : i32
      %dma_start3A_59 = arith.constant 0 : i32
      %dma_start3A_60 = tpu.memref_slice %arg8[%select_n3A, %dma_start3A_58, %dma_start3A_59] : memref<8x1024x128xf32, #tpu.memory_space<vmem_shared>> -> memref<1x1024x128xf32, #tpu.memory_space<vmem_shared>>
      %dma_start3A_61 = tpu.memref_squeeze %dma_start3A_60 : memref<1x1024x128xf32, #tpu.memory_space<vmem_shared>> -> memref<1024x128xf32, #tpu.memory_space<vmem_shared>>
      %dma_start3A_62 = arith.constant 0 : i32
      %dma_start3A_63 = tpu.memref_slice %dma_start3A_61[%mul3A_29, %dma_start3A_62] : memref<1024x128xf32, #tpu.memory_space<vmem_shared>> -> memref<512x128xf32, #tpu.memory_space<vmem_shared>>
      tpu.enqueue_dma source(%dma_start3A_63 : memref<512x128xf32, #tpu.memory_space<vmem_shared>>) target(%dma_start3A_57 : memref<512x128xf32, #tpu.memory_space<hbm>>) target_semaphore(%run_scoped3A : memref<!tpu.dma_semaphore, #tpu.memory_space<semaphore_mem>>)
      %dma_wait3A = arith.constant 0 : i32
      %dma_wait3A_64 = arith.constant 0 : i32
      %dma_wait3A_65 = tpu.memref_slice %arg5[%add3A_34, %dma_wait3A, %dma_wait3A_64] : memref<32x1024x128xf32, #tpu.memory_space<hbm>> -> memref<1x1024x128xf32, #tpu.memory_space<hbm>>
      %dma_wait3A_66 = tpu.memref_squeeze %dma_wait3A_65 : memref<1x1024x128xf32, #tpu.memory_space<hbm>> -> memref<1024x128xf32, #tpu.memory_space<hbm>>
      %dma_wait3A_67 = arith.constant 0 : i32
      %dma_wait3A_68 = tpu.memref_slice %dma_wait3A_66[%mul3A_29, %dma_wait3A_67] : memref<1024x128xf32, #tpu.memory_space<hbm>> -> memref<512x128xf32, #tpu.memory_space<hbm>>
      %dma_wait3A_69 = arith.constant 0 : i32
      %dma_wait3A_70 = arith.constant 0 : i32
      %dma_wait3A_71 = tpu.memref_slice %arg8[%select_n3A, %dma_wait3A_69, %dma_wait3A_70] : memref<8x1024x128xf32, #tpu.memory_space<vmem_shared>> -> memref<1x1024x128xf32, #tpu.memory_space<vmem_shared>>
      %dma_wait3A_72 = tpu.memref_squeeze %dma_wait3A_71 : memref<1x1024x128xf32, #tpu.memory_space<vmem_shared>> -> memref<1024x128xf32, #tpu.memory_space<vmem_shared>>
      %dma_wait3A_73 = arith.constant 0 : i32
      %dma_wait3A_74 = tpu.memref_slice %dma_wait3A_72[%mul3A_29, %dma_wait3A_73] : memref<1024x128xf32, #tpu.memory_space<vmem_shared>> -> memref<512x128xf32, #tpu.memory_space<vmem_shared>>
      tpu.wait_dma2 semaphore(%run_scoped3A : memref<!tpu.dma_semaphore, #tpu.memory_space<semaphore_mem>>) src(%dma_wait3A_74 : memref<512x128xf32, #tpu.memory_space<vmem_shared>>) dst(%dma_wait3A_68 : memref<512x128xf32, #tpu.memory_space<hbm>>)
      tpu.yield
    }) : () -> ()
    %barrier3A_40 = arith.constant 0 : index
    tpu.barrier barrier_id(%barrier3A_40)
    %mul3A_41 = arith.constant 8 : i32
    %mul3A_42 = arith.muli %arg0, %mul3A_41 : i32
    %add3A_43 = arith.constant 16 : i32
    %add3A_44 = arith.addi %add3A_43, %mul3A_42 : i32
    %add3A_45 = arith.addi %add3A_44, %select_n3A : i32
    "tpu.region"() ({
      %run_scoped3A = tpu.sem_alloc : memref<!tpu.dma_semaphore, #tpu.memory_space<semaphore_mem>>
      %dma_start3A = arith.constant 0 : i32
      %dma_start3A_53 = arith.constant 0 : i32
      %dma_start3A_54 = tpu.memref_slice %arg8[%select_n3A, %dma_start3A, %dma_start3A_53] : memref<8x1024x128xf32, #tpu.memory_space<vmem_shared>> -> memref<1x1024x128xf32, #tpu.memory_space<vmem_shared>>
      %dma_start3A_55 = tpu.memref_squeeze %dma_start3A_54 : memref<1x1024x128xf32, #tpu.memory_space<vmem_shared>> -> memref<1024x128xf32, #tpu.memory_space<vmem_shared>>
      %dma_start3A_56 = arith.constant 0 : i32
      %dma_start3A_57 = tpu.memref_slice %dma_start3A_55[%mul3A_29, %dma_start3A_56] : memref<1024x128xf32, #tpu.memory_space<vmem_shared>> -> memref<512x128xf32, #tpu.memory_space<vmem_shared>>
      tpu.enqueue_dma source(%arg4 : memref<512x128xf32, #tpu.memory_space<hbm>>) target(%dma_start3A_57 : memref<512x128xf32, #tpu.memory_space<vmem_shared>>) target_semaphore(%run_scoped3A : memref<!tpu.dma_semaphore, #tpu.memory_space<semaphore_mem>>)
      %dma_wait3A = arith.constant 0 : i32
      %dma_wait3A_58 = arith.constant 0 : i32
      %dma_wait3A_59 = tpu.memref_slice %arg8[%select_n3A, %dma_wait3A, %dma_wait3A_58] : memref<8x1024x128xf32, #tpu.memory_space<vmem_shared>> -> memref<1x1024x128xf32, #tpu.memory_space<vmem_shared>>
      %dma_wait3A_60 = tpu.memref_squeeze %dma_wait3A_59 : memref<1x1024x128xf32, #tpu.memory_space<vmem_shared>> -> memref<1024x128xf32, #tpu.memory_space<vmem_shared>>
      %dma_wait3A_61 = arith.constant 0 : i32
      %dma_wait3A_62 = tpu.memref_slice %dma_wait3A_60[%mul3A_29, %dma_wait3A_61] : memref<1024x128xf32, #tpu.memory_space<vmem_shared>> -> memref<512x128xf32, #tpu.memory_space<vmem_shared>>
      tpu.wait_dma2 semaphore(%run_scoped3A : memref<!tpu.dma_semaphore, #tpu.memory_space<semaphore_mem>>) src(%arg4 : memref<512x128xf32, #tpu.memory_space<hbm>>) dst(%dma_wait3A_62 : memref<512x128xf32, #tpu.memory_space<vmem_shared>>)
      tpu.yield
    }) : () -> ()
    %mul3A_46 = arith.constant 128 : i32
    %mul3A_47 = arith.muli %select_n3A_28, %mul3A_46 : i32
    "tpu.region"() ({
      %run_scoped3A = tpu.sem_alloc : memref<!tpu.dma_semaphore, #tpu.memory_space<semaphore_mem>>
      %dma_start3A = arith.constant 0 : i32
      %dma_start3A_53 = arith.constant 0 : i32
      %dma_start3A_54 = tpu.memref_slice %arg2[%add3A_45, %dma_start3A, %dma_start3A_53] : memref<32x256x128xf32, #tpu.memory_space<hbm>> -> memref<1x256x128xf32, #tpu.memory_space<hbm>>
      %dma_start3A_55 = tpu.memref_squeeze %dma_start3A_54 : memref<1x256x128xf32, #tpu.memory_space<hbm>> -> memref<256x128xf32, #tpu.memory_space<hbm>>
      %dma_start3A_56 = arith.constant 0 : i32
      %dma_start3A_57 = tpu.memref_slice %dma_start3A_55[%mul3A_47, %dma_start3A_56] : memref<256x128xf32, #tpu.memory_space<hbm>> -> memref<128x128xf32, #tpu.memory_space<hbm>>
      %dma_start3A_58 = arith.constant 0 : i32
      %dma_start3A_59 = arith.constant 0 : i32
      %dma_start3A_60 = tpu.memref_slice %arg2[%add3A_45, %dma_start3A_58, %dma_start3A_59] : memref<32x256x128xf32, #tpu.memory_space<hbm>> -> memref<1x256x128xf32, #tpu.memory_space<hbm>>
      %dma_start3A_61 = tpu.memref_squeeze %dma_start3A_60 : memref<1x256x128xf32, #tpu.memory_space<hbm>> -> memref<256x128xf32, #tpu.memory_space<hbm>>
      %dma_start3A_62 = arith.constant 0 : i32
      %dma_start3A_63 = tpu.memref_slice %dma_start3A_61[%mul3A_47, %dma_start3A_62] : memref<256x128xf32, #tpu.memory_space<hbm>> -> memref<128x128xf32, #tpu.memory_space<hbm>>
      tpu.enqueue_dma source(%dma_start3A_63 : memref<128x128xf32, #tpu.memory_space<hbm>>) target(%arg6 : memref<128x128xf32, #tpu.memory_space<vmem>>) target_semaphore(%run_scoped3A : memref<!tpu.dma_semaphore, #tpu.memory_space<semaphore_mem>>)
      %dma_wait3A = arith.constant 0 : i32
      %dma_wait3A_64 = arith.constant 0 : i32
      %dma_wait3A_65 = tpu.memref_slice %arg2[%add3A_45, %dma_wait3A, %dma_wait3A_64] : memref<32x256x128xf32, #tpu.memory_space<hbm>> -> memref<1x256x128xf32, #tpu.memory_space<hbm>>
      %dma_wait3A_66 = tpu.memref_squeeze %dma_wait3A_65 : memref<1x256x128xf32, #tpu.memory_space<hbm>> -> memref<256x128xf32, #tpu.memory_space<hbm>>
      %dma_wait3A_67 = arith.constant 0 : i32
      %dma_wait3A_68 = tpu.memref_slice %dma_wait3A_66[%mul3A_47, %dma_wait3A_67] : memref<256x128xf32, #tpu.memory_space<hbm>> -> memref<128x128xf32, #tpu.memory_space<hbm>>
      %dma_wait3A_69 = arith.constant 0 : i32
      %dma_wait3A_70 = arith.constant 0 : i32
      %dma_wait3A_71 = tpu.memref_slice %arg2[%add3A_45, %dma_wait3A_69, %dma_wait3A_70] : memref<32x256x128xf32, #tpu.memory_space<hbm>> -> memref<1x256x128xf32, #tpu.memory_space<hbm>>
      %dma_wait3A_72 = tpu.memref_squeeze %dma_wait3A_71 : memref<1x256x128xf32, #tpu.memory_space<hbm>> -> memref<256x128xf32, #tpu.memory_space<hbm>>
      %dma_wait3A_73 = arith.constant 0 : i32
      %dma_wait3A_74 = tpu.memref_slice %dma_wait3A_72[%mul3A_47, %dma_wait3A_73] : memref<256x128xf32, #tpu.memory_space<hbm>> -> memref<128x128xf32, #tpu.memory_space<hbm>>
      tpu.wait_dma2 semaphore(%run_scoped3A : memref<!tpu.dma_semaphore, #tpu.memory_space<semaphore_mem>>) src(%dma_wait3A_74 : memref<128x128xf32, #tpu.memory_space<hbm>>) dst(%arg6 : memref<128x128xf32, #tpu.memory_space<vmem>>)
      tpu.yield
    }) : () -> ()
    %mul3A_48 = arith.constant 128 : i32
    %mul3A_49 = arith.muli %select_n3A_28, %mul3A_48 : i32
    "tpu.region"() ({
      %run_scoped3A = tpu.sem_alloc : memref<!tpu.dma_semaphore, #tpu.memory_space<semaphore_mem>>
      %dma_start3A = arith.constant 0 : i32
      %dma_start3A_53 = tpu.memref_slice %arg3[%add3A_45, %dma_start3A] : memref<32x256xi32, #tpu.memory_space<hbm>> -> memref<1x256xi32, #tpu.memory_space<hbm>>
      %dma_start3A_54 = tpu.memref_squeeze %dma_start3A_53 : memref<1x256xi32, #tpu.memory_space<hbm>> -> memref<256xi32, #tpu.memory_space<hbm>>
      %dma_start3A_55 = tpu.memref_slice %dma_start3A_54[%mul3A_49] : memref<256xi32, #tpu.memory_space<hbm>> -> memref<128xi32, #tpu.memory_space<hbm>>
      %dma_start3A_56 = arith.constant 0 : i32
      %dma_start3A_57 = tpu.memref_slice %arg3[%add3A_45, %dma_start3A_56] : memref<32x256xi32, #tpu.memory_space<hbm>> -> memref<1x256xi32, #tpu.memory_space<hbm>>
      %dma_start3A_58 = tpu.memref_squeeze %dma_start3A_57 : memref<1x256xi32, #tpu.memory_space<hbm>> -> memref<256xi32, #tpu.memory_space<hbm>>
      %dma_start3A_59 = tpu.memref_slice %dma_start3A_58[%mul3A_49] : memref<256xi32, #tpu.memory_space<hbm>> -> memref<128xi32, #tpu.memory_space<hbm>>
      tpu.enqueue_dma source(%dma_start3A_59 : memref<128xi32, #tpu.memory_space<hbm>>) target(%arg7 : memref<128xi32, #tpu.memory_space<vmem>>) target_semaphore(%run_scoped3A : memref<!tpu.dma_semaphore, #tpu.memory_space<semaphore_mem>>)
      %dma_wait3A = arith.constant 0 : i32
      %dma_wait3A_60 = tpu.memref_slice %arg3[%add3A_45, %dma_wait3A] : memref<32x256xi32, #tpu.memory_space<hbm>> -> memref<1x256xi32, #tpu.memory_space<hbm>>
      %dma_wait3A_61 = tpu.memref_squeeze %dma_wait3A_60 : memref<1x256xi32, #tpu.memory_space<hbm>> -> memref<256xi32, #tpu.memory_space<hbm>>
      %dma_wait3A_62 = tpu.memref_slice %dma_wait3A_61[%mul3A_49] : memref<256xi32, #tpu.memory_space<hbm>> -> memref<128xi32, #tpu.memory_space<hbm>>
      %dma_wait3A_63 = arith.constant 0 : i32
      %dma_wait3A_64 = tpu.memref_slice %arg3[%add3A_45, %dma_wait3A_63] : memref<32x256xi32, #tpu.memory_space<hbm>> -> memref<1x256xi32, #tpu.memory_space<hbm>>
      %dma_wait3A_65 = tpu.memref_squeeze %dma_wait3A_64 : memref<1x256xi32, #tpu.memory_space<hbm>> -> memref<256xi32, #tpu.memory_space<hbm>>
      %dma_wait3A_66 = tpu.memref_slice %dma_wait3A_65[%mul3A_49] : memref<256xi32, #tpu.memory_space<hbm>> -> memref<128xi32, #tpu.memory_space<hbm>>
      tpu.wait_dma2 semaphore(%run_scoped3A : memref<!tpu.dma_semaphore, #tpu.memory_space<semaphore_mem>>) src(%dma_wait3A_66 : memref<128xi32, #tpu.memory_space<hbm>>) dst(%arg7 : memref<128xi32, #tpu.memory_space<vmem>>)
      tpu.yield
    }) : () -> ()
    %barrier3A_50 = arith.constant 0 : index
    tpu.barrier barrier_id(%barrier3A_50)
    "tpu.region"() ({
      %run_scoped3A = tpu.sem_alloc : memref<!tpu.dma_semaphore, #tpu.memory_space<semaphore_mem>>
      %dma_start3A = arith.constant 0 : i32
      %dma_start3A_53 = arith.constant 0 : i32
      %dma_start3A_54 = tpu.memref_slice %arg8[%select_n3A, %dma_start3A, %dma_start3A_53] : memref<8x1024x128xf32, #tpu.memory_space<vmem_shared>> -> memref<1x1024x128xf32, #tpu.memory_space<vmem_shared>>
      %dma_start3A_55 = tpu.memref_squeeze %dma_start3A_54 : memref<1x1024x128xf32, #tpu.memory_space<vmem_shared>> -> memref<1024x128xf32, #tpu.memory_space<vmem_shared>>
      %dma_start3A_56 = arith.constant 0 : i32
      %dma_start3A_57 = arith.constant 0 : i32
      %dma_start3A_58 = tpu.memref_slice %dma_start3A_55[%dma_start3A_56, %dma_start3A_57] : memref<1024x128xf32, #tpu.memory_space<vmem_shared>> -> memref<1024x128xf32, #tpu.memory_space<vmem_shared>>
      tpu.enqueue_indirect_dma source(%arg6 : memref<128x128xf32, #tpu.memory_space<vmem>>) target(%dma_start3A_58 : memref<1024x128xf32, #tpu.memory_space<vmem_shared>>) offsets(%arg7 : memref<128xi32, #tpu.memory_space<vmem>>) semaphore(%run_scoped3A : memref<!tpu.dma_semaphore, #tpu.memory_space<semaphore_mem>>) {add = true}
      %dma_wait3A = arith.constant 0 : i32
      %dma_wait3A_59 = arith.constant 0 : i32
      %dma_wait3A_60 = tpu.memref_slice %arg8[%select_n3A, %dma_wait3A, %dma_wait3A_59] : memref<8x1024x128xf32, #tpu.memory_space<vmem_shared>> -> memref<1x1024x128xf32, #tpu.memory_space<vmem_shared>>
      %dma_wait3A_61 = tpu.memref_squeeze %dma_wait3A_60 : memref<1x1024x128xf32, #tpu.memory_space<vmem_shared>> -> memref<1024x128xf32, #tpu.memory_space<vmem_shared>>
      %dma_wait3A_62 = arith.constant 0 : i32
      %dma_wait3A_63 = arith.constant 0 : i32
      %dma_wait3A_64 = tpu.memref_slice %dma_wait3A_61[%dma_wait3A_62, %dma_wait3A_63] : memref<1024x128xf32, #tpu.memory_space<vmem_shared>> -> memref<1024x128xf32, #tpu.memory_space<vmem_shared>>
      tpu.wait_indirect_dma semaphore(%run_scoped3A : memref<!tpu.dma_semaphore, #tpu.memory_space<semaphore_mem>>) src(%arg6 : memref<128x128xf32, #tpu.memory_space<vmem>>) dst(%dma_wait3A_64 : memref<1024x128xf32, #tpu.memory_space<vmem_shared>>)
      tpu.yield
    }) : () -> ()
    %barrier3A_51 = arith.constant 0 : index
    tpu.barrier barrier_id(%barrier3A_51)
    "tpu.region"() ({
      %run_scoped3A = tpu.sem_alloc : memref<!tpu.dma_semaphore, #tpu.memory_space<semaphore_mem>>
      %dma_start3A = arith.constant 0 : i32
      %dma_start3A_53 = arith.constant 0 : i32
      %dma_start3A_54 = tpu.memref_slice %arg5[%add3A_45, %dma_start3A, %dma_start3A_53] : memref<32x1024x128xf32, #tpu.memory_space<hbm>> -> memref<1x1024x128xf32, #tpu.memory_space<hbm>>
      %dma_start3A_55 = tpu.memref_squeeze %dma_start3A_54 : memref<1x1024x128xf32, #tpu.memory_space<hbm>> -> memref<1024x128xf32, #tpu.memory_space<hbm>>
      %dma_start3A_56 = arith.constant 0 : i32
      %dma_start3A_57 = tpu.memref_slice %dma_start3A_55[%mul3A_29, %dma_start3A_56] : memref<1024x128xf32, #tpu.memory_space<hbm>> -> memref<512x128xf32, #tpu.memory_space<hbm>>
      %dma_start3A_58 = arith.constant 0 : i32
      %dma_start3A_59 = arith.constant 0 : i32
      %dma_start3A_60 = tpu.memref_slice %arg8[%select_n3A, %dma_start3A_58, %dma_start3A_59] : memref<8x1024x128xf32, #tpu.memory_space<vmem_shared>> -> memref<1x1024x128xf32, #tpu.memory_space<vmem_shared>>
      %dma_start3A_61 = tpu.memref_squeeze %dma_start3A_60 : memref<1x1024x128xf32, #tpu.memory_space<vmem_shared>> -> memref<1024x128xf32, #tpu.memory_space<vmem_shared>>
      %dma_start3A_62 = arith.constant 0 : i32
      %dma_start3A_63 = tpu.memref_slice %dma_start3A_61[%mul3A_29, %dma_start3A_62] : memref<1024x128xf32, #tpu.memory_space<vmem_shared>> -> memref<512x128xf32, #tpu.memory_space<vmem_shared>>
      tpu.enqueue_dma source(%dma_start3A_63 : memref<512x128xf32, #tpu.memory_space<vmem_shared>>) target(%dma_start3A_57 : memref<512x128xf32, #tpu.memory_space<hbm>>) target_semaphore(%run_scoped3A : memref<!tpu.dma_semaphore, #tpu.memory_space<semaphore_mem>>)
      %dma_wait3A = arith.constant 0 : i32
      %dma_wait3A_64 = arith.constant 0 : i32
      %dma_wait3A_65 = tpu.memref_slice %arg5[%add3A_45, %dma_wait3A, %dma_wait3A_64] : memref<32x1024x128xf32, #tpu.memory_space<hbm>> -> memref<1x1024x128xf32, #tpu.memory_space<hbm>>
      %dma_wait3A_66 = tpu.memref_squeeze %dma_wait3A_65 : memref<1x1024x128xf32, #tpu.memory_space<hbm>> -> memref<1024x128xf32, #tpu.memory_space<hbm>>
      %dma_wait3A_67 = arith.constant 0 : i32
      %dma_wait3A_68 = tpu.memref_slice %dma_wait3A_66[%mul3A_29, %dma_wait3A_67] : memref<1024x128xf32, #tpu.memory_space<hbm>> -> memref<512x128xf32, #tpu.memory_space<hbm>>
      %dma_wait3A_69 = arith.constant 0 : i32
      %dma_wait3A_70 = arith.constant 0 : i32
      %dma_wait3A_71 = tpu.memref_slice %arg8[%select_n3A, %dma_wait3A_69, %dma_wait3A_70] : memref<8x1024x128xf32, #tpu.memory_space<vmem_shared>> -> memref<1x1024x128xf32, #tpu.memory_space<vmem_shared>>
      %dma_wait3A_72 = tpu.memref_squeeze %dma_wait3A_71 : memref<1x1024x128xf32, #tpu.memory_space<vmem_shared>> -> memref<1024x128xf32, #tpu.memory_space<vmem_shared>>
      %dma_wait3A_73 = arith.constant 0 : i32
      %dma_wait3A_74 = tpu.memref_slice %dma_wait3A_72[%mul3A_29, %dma_wait3A_73] : memref<1024x128xf32, #tpu.memory_space<vmem_shared>> -> memref<512x128xf32, #tpu.memory_space<vmem_shared>>
      tpu.wait_dma2 semaphore(%run_scoped3A : memref<!tpu.dma_semaphore, #tpu.memory_space<semaphore_mem>>) src(%dma_wait3A_74 : memref<512x128xf32, #tpu.memory_space<vmem_shared>>) dst(%dma_wait3A_68 : memref<512x128xf32, #tpu.memory_space<hbm>>)
      tpu.yield
    }) : () -> ()
    %barrier3A_52 = arith.constant 0 : index
    tpu.barrier barrier_id(%barrier3A_52)
    return
  }
}

#map = affine_map<(d0, d1) -> (0, 0, 0)>
#map1 = affine_map<(d0, d1) -> (0, 0)>
module attributes {stable_mosaic.version = 14 : i64} {
  func.func @_scatter_body(%arg0: i32, %arg1: i32, %arg2: memref<32x256x128xf32, #tpu.memory_space<hbm>>, %arg3: memref<32x256xi32, #tpu.memory_space<hbm>>, %arg4: memref<512x128xf32, #tpu.memory_space<hbm>>, %arg5: memref<32x1024x128xf32, #tpu.memory_space<hbm>>, %arg6: memref<128x128xf32, #tpu.memory_space<vmem>>, %arg7: memref<128xi32, #tpu.memory_space<vmem>>, %arg8: memref<8x1024x128xf32, #tpu.memory_space<vmem_shared>>) attributes {dimension_semantics = [#tpu.dimension_semantics<core_parallel>, #tpu.dimension_semantics<subcore_parallel>], iteration_bounds = array<i64: 2, 16>, scalar_prefetch = 0 : i64, scratch_operands = 3 : i64, tpu.core_type = #tpu.core_type<sc_vector_subcore>, window_params = [{transform_indices = #map}, {transform_indices = #map1}, {transform_indices = #map1}, {transform_indices = #map}]} {
    %jit3A = arith.constant 2 : i32
    %div3A = arith.divsi %arg1, %jit3A : i32
    %sign3A = arith.constant 0 : i32
    %sign3A_0 = arith.cmpi sgt, %arg1, %sign3A : i32
    %sign3A_1 = arith.extui %sign3A_0 : i1 to i32
    %sign3A_2 = arith.constant 0 : i32
    %sign3A_3 = arith.cmpi slt, %arg1, %sign3A_2 : i32
    %sign3A_4 = arith.extui %sign3A_3 : i1 to i32
    %sign3A_5 = arith.subi %sign3A_1, %sign3A_4 : i32
    %sign3A_6 = arith.constant 0 : i32
    %sign3A_7 = arith.cmpi sgt, %jit3A, %sign3A_6 : i32
    %sign3A_8 = arith.extui %sign3A_7 : i1 to i32
    %sign3A_9 = arith.constant 0 : i32
    %sign3A_10 = arith.cmpi slt, %jit3A, %sign3A_9 : i32
    %sign3A_11 = arith.extui %sign3A_10 : i1 to i32
    %sign3A_12 = arith.subi %sign3A_8, %sign3A_11 : i32
    %ne3A = arith.cmpi ne, %sign3A_5, %sign3A_12 : i32
    %rem3A = arith.remsi %arg1, %jit3A : i32
    %ne3A_13 = arith.constant 0 : i32
    %ne3A_14 = arith.cmpi ne, %rem3A, %ne3A_13 : i32
    %and3A = arith.andi %ne3A, %ne3A_14 : i1
    %sub3A = arith.constant 1 : i32
    %sub3A_15 = arith.subi %div3A, %sub3A : i32
    %select_n3A = arith.select %and3A, %sub3A_15, %div3A : i32
    %jit3A_16 = arith.constant 2 : i32
    %eq3A = arith.constant 0 : i32
    %eq3A_17 = arith.cmpi eq, %jit3A_16, %eq3A : i32
    %jit3A_18 = arith.constant 1 : i32
    %select_n3A_19 = arith.select %eq3A_17, %jit3A_18, %jit3A_16 : i32
    %rem3A_20 = arith.remsi %arg1, %select_n3A_19 : i32
    %ne3A_21 = arith.constant 0 : i32
    %ne3A_22 = arith.cmpi ne, %rem3A_20, %ne3A_21 : i32
    %lt3A = arith.constant 0 : i32
    %lt3A_23 = arith.cmpi slt, %rem3A_20, %lt3A : i32
    %lt3A_24 = arith.constant 0 : i32
    %lt3A_25 = arith.cmpi slt, %select_n3A_19, %lt3A_24 : i32
    %ne3A_26 = arith.xori %lt3A_23, %lt3A_25 : i1
    %and3A_27 = arith.andi %ne3A_26, %ne3A_22 : i1
    %add3A = arith.addi %rem3A_20, %select_n3A_19 : i32
    %select_n3A_28 = arith.select %and3A_27, %add3A, %rem3A_20 : i32
    %mul3A = arith.constant 512 : i32
    %mul3A_29 = arith.muli %select_n3A_28, %mul3A : i32
    %mul3A_30 = arith.constant 8 : i32
    %mul3A_31 = arith.muli %arg0, %mul3A_30 : i32
    %add3A_32 = arith.constant 0 : i32
    %add3A_33 = arith.addi %add3A_32, %mul3A_31 : i32
    %add3A_34 = arith.addi %add3A_33, %select_n3A : i32
    "tpu.region"() ({
      %run_scoped3A = tpu.sem_alloc : memref<!tpu.dma_semaphore, #tpu.memory_space<semaphore_mem>>
      %dma_start3A = arith.constant 0 : i32
      %dma_start3A_53 = arith.constant 0 : i32
      %dma_start3A_54 = tpu.memref_slice %arg8[%select_n3A, %dma_start3A, %dma_start3A_53] : memref<8x1024x128xf32, #tpu.memory_space<vmem_shared>> -> memref<1x1024x128xf32, #tpu.memory_space<vmem_shared>>
      %dma_start3A_55 = tpu.memref_squeeze %dma_start3A_54 : memref<1x1024x128xf32, #tpu.memory_space<vmem_shared>> -> memref<1024x128xf32, #tpu.memory_space<vmem_shared>>
      %dma_start3A_56 = arith.constant 0 : i32
      %dma_start3A_57 = tpu.memref_slice %dma_start3A_55[%mul3A_29, %dma_start3A_56] : memref<1024x128xf32, #tpu.memory_space<vmem_shared>> -> memref<512x128xf32, #tpu.memory_space<vmem_shared>>
      tpu.enqueue_dma source(%arg4 : memref<512x128xf32, #tpu.memory_space<hbm>>) target(%dma_start3A_57 : memref<512x128xf32, #tpu.memory_space<vmem_shared>>) target_semaphore(%run_scoped3A : memref<!tpu.dma_semaphore, #tpu.memory_space<semaphore_mem>>)
      %dma_wait3A = arith.constant 0 : i32
      %dma_wait3A_58 = arith.constant 0 : i32
      %dma_wait3A_59 = tpu.memref_slice %arg8[%select_n3A, %dma_wait3A, %dma_wait3A_58] : memref<8x1024x128xf32, #tpu.memory_space<vmem_shared>> -> memref<1x1024x128xf32, #tpu.memory_space<vmem_shared>>
      %dma_wait3A_60 = tpu.memref_squeeze %dma_wait3A_59 : memref<1x1024x128xf32, #tpu.memory_space<vmem_shared>> -> memref<1024x128xf32, #tpu.memory_space<vmem_shared>>
      %dma_wait3A_61 = arith.constant 0 : i32
      %dma_wait3A_62 = tpu.memref_slice %dma_wait3A_60[%mul3A_29, %dma_wait3A_61] : memref<1024x128xf32, #tpu.memory_space<vmem_shared>> -> memref<512x128xf32, #tpu.memory_space<vmem_shared>>
      tpu.wait_dma2 semaphore(%run_scoped3A : memref<!tpu.dma_semaphore, #tpu.memory_space<semaphore_mem>>) src(%arg4 : memref<512x128xf32, #tpu.memory_space<hbm>>) dst(%dma_wait3A_62 : memref<512x128xf32, #tpu.memory_space<vmem_shared>>)
      tpu.yield
    }) : () -> ()
    %mul3A_35 = arith.constant 128 : i32
    %mul3A_36 = arith.muli %select_n3A_28, %mul3A_35 : i32
    "tpu.region"() ({
      %run_scoped3A = tpu.sem_alloc : memref<!tpu.dma_semaphore, #tpu.memory_space<semaphore_mem>>
      %dma_start3A = arith.constant 0 : i32
      %dma_start3A_53 = arith.constant 0 : i32
      %dma_start3A_54 = tpu.memref_slice %arg2[%add3A_34, %dma_start3A, %dma_start3A_53] : memref<32x256x128xf32, #tpu.memory_space<hbm>> -> memref<1x256x128xf32, #tpu.memory_space<hbm>>
      %dma_start3A_55 = tpu.memref_squeeze %dma_start3A_54 : memref<1x256x128xf32, #tpu.memory_space<hbm>> -> memref<256x128xf32, #tpu.memory_space<hbm>>
      %dma_start3A_56 = arith.constant 0 : i32
      %dma_start3A_57 = tpu.memref_slice %dma_start3A_55[%mul3A_36, %dma_start3A_56] : memref<256x128xf32, #tpu.memory_space<hbm>> -> memref<128x128xf32, #tpu.memory_space<hbm>>
      %dma_start3A_58 = arith.constant 0 : i32
      %dma_start3A_59 = arith.constant 0 : i32
      %dma_start3A_60 = tpu.memref_slice %arg2[%add3A_34, %dma_start3A_58, %dma_start3A_59] : memref<32x256x128xf32, #tpu.memory_space<hbm>> -> memref<1x256x128xf32, #tpu.memory_space<hbm>>
      %dma_start3A_61 = tpu.memref_squeeze %dma_start3A_60 : memref<1x256x128xf32, #tpu.memory_space<hbm>> -> memref<256x128xf32, #tpu.memory_space<hbm>>
      %dma_start3A_62 = arith.constant 0 : i32
      %dma_start3A_63 = tpu.memref_slice %dma_start3A_61[%mul3A_36, %dma_start3A_62] : memref<256x128xf32, #tpu.memory_space<hbm>> -> memref<128x128xf32, #tpu.memory_space<hbm>>
      tpu.enqueue_dma source(%dma_start3A_63 : memref<128x128xf32, #tpu.memory_space<hbm>>) target(%arg6 : memref<128x128xf32, #tpu.memory_space<vmem>>) target_semaphore(%run_scoped3A : memref<!tpu.dma_semaphore, #tpu.memory_space<semaphore_mem>>)
      %dma_wait3A = arith.constant 0 : i32
      %dma_wait3A_64 = arith.constant 0 : i32
      %dma_wait3A_65 = tpu.memref_slice %arg2[%add3A_34, %dma_wait3A, %dma_wait3A_64] : memref<32x256x128xf32, #tpu.memory_space<hbm>> -> memref<1x256x128xf32, #tpu.memory_space<hbm>>
      %dma_wait3A_66 = tpu.memref_squeeze %dma_wait3A_65 : memref<1x256x128xf32, #tpu.memory_space<hbm>> -> memref<256x128xf32, #tpu.memory_space<hbm>>
      %dma_wait3A_67 = arith.constant 0 : i32
      %dma_wait3A_68 = tpu.memref_slice %dma_wait3A_66[%mul3A_36, %dma_wait3A_67] : memref<256x128xf32, #tpu.memory_space<hbm>> -> memref<128x128xf32, #tpu.memory_space<hbm>>
      %dma_wait3A_69 = arith.constant 0 : i32
      %dma_wait3A_70 = arith.constant 0 : i32
      %dma_wait3A_71 = tpu.memref_slice %arg2[%add3A_34, %dma_wait3A_69, %dma_wait3A_70] : memref<32x256x128xf32, #tpu.memory_space<hbm>> -> memref<1x256x128xf32, #tpu.memory_space<hbm>>
      %dma_wait3A_72 = tpu.memref_squeeze %dma_wait3A_71 : memref<1x256x128xf32, #tpu.memory_space<hbm>> -> memref<256x128xf32, #tpu.memory_space<hbm>>
      %dma_wait3A_73 = arith.constant 0 : i32
      %dma_wait3A_74 = tpu.memref_slice %dma_wait3A_72[%mul3A_36, %dma_wait3A_73] : memref<256x128xf32, #tpu.memory_space<hbm>> -> memref<128x128xf32, #tpu.memory_space<hbm>>
      tpu.wait_dma2 semaphore(%run_scoped3A : memref<!tpu.dma_semaphore, #tpu.memory_space<semaphore_mem>>) src(%dma_wait3A_74 : memref<128x128xf32, #tpu.memory_space<hbm>>) dst(%arg6 : memref<128x128xf32, #tpu.memory_space<vmem>>)
      tpu.yield
    }) : () -> ()
    %mul3A_37 = arith.constant 128 : i32
    %mul3A_38 = arith.muli %select_n3A_28, %mul3A_37 : i32
    "tpu.region"() ({
      %run_scoped3A = tpu.sem_alloc : memref<!tpu.dma_semaphore, #tpu.memory_space<semaphore_mem>>
      %dma_start3A = arith.constant 0 : i32
      %dma_start3A_53 = tpu.memref_slice %arg3[%add3A_34, %dma_start3A] : memref<32x256xi32, #tpu.memory_space<hbm>> -> memref<1x256xi32, #tpu.memory_space<hbm>>
      %dma_start3A_54 = tpu.memref_squeeze %dma_start3A_53 : memref<1x256xi32, #tpu.memory_space<hbm>> -> memref<256xi32, #tpu.memory_space<hbm>>
      %dma_start3A_55 = tpu.memref_slice %dma_start3A_54[%mul3A_38] : memref<256xi32, #tpu.memory_space<hbm>> -> memref<128xi32, #tpu.memory_space<hbm>>
      %dma_start3A_56 = arith.constant 0 : i32
      %dma_start3A_57 = tpu.memref_slice %arg3[%add3A_34, %dma_start3A_56] : memref<32x256xi32, #tpu.memory_space<hbm>> -> memref<1x256xi32, #tpu.memory_space<hbm>>
      %dma_start3A_58 = tpu.memref_squeeze %dma_start3A_57 : memref<1x256xi32, #tpu.memory_space<hbm>> -> memref<256xi32, #tpu.memory_space<hbm>>
      %dma_start3A_59 = tpu.memref_slice %dma_start3A_58[%mul3A_38] : memref<256xi32, #tpu.memory_space<hbm>> -> memref<128xi32, #tpu.memory_space<hbm>>
      tpu.enqueue_dma source(%dma_start3A_59 : memref<128xi32, #tpu.memory_space<hbm>>) target(%arg7 : memref<128xi32, #tpu.memory_space<vmem>>) target_semaphore(%run_scoped3A : memref<!tpu.dma_semaphore, #tpu.memory_space<semaphore_mem>>)
      %dma_wait3A = arith.constant 0 : i32
      %dma_wait3A_60 = tpu.memref_slice %arg3[%add3A_34, %dma_wait3A] : memref<32x256xi32, #tpu.memory_space<hbm>> -> memref<1x256xi32, #tpu.memory_space<hbm>>
      %dma_wait3A_61 = tpu.memref_squeeze %dma_wait3A_60 : memref<1x256xi32, #tpu.memory_space<hbm>> -> memref<256xi32, #tpu.memory_space<hbm>>
      %dma_wait3A_62 = tpu.memref_slice %dma_wait3A_61[%mul3A_38] : memref<256xi32, #tpu.memory_space<hbm>> -> memref<128xi32, #tpu.memory_space<hbm>>
      %dma_wait3A_63 = arith.constant 0 : i32
      %dma_wait3A_64 = tpu.memref_slice %arg3[%add3A_34, %dma_wait3A_63] : memref<32x256xi32, #tpu.memory_space<hbm>> -> memref<1x256xi32, #tpu.memory_space<hbm>>
      %dma_wait3A_65 = tpu.memref_squeeze %dma_wait3A_64 : memref<1x256xi32, #tpu.memory_space<hbm>> -> memref<256xi32, #tpu.memory_space<hbm>>
      %dma_wait3A_66 = tpu.memref_slice %dma_wait3A_65[%mul3A_38] : memref<256xi32, #tpu.memory_space<hbm>> -> memref<128xi32, #tpu.memory_space<hbm>>
      tpu.wait_dma2 semaphore(%run_scoped3A : memref<!tpu.dma_semaphore, #tpu.memory_space<semaphore_mem>>) src(%dma_wait3A_66 : memref<128xi32, #tpu.memory_space<hbm>>) dst(%arg7 : memref<128xi32, #tpu.memory_space<vmem>>)
      tpu.yield
    }) : () -> ()
    %barrier3A = arith.constant 0 : index
    tpu.barrier barrier_id(%barrier3A)
    "tpu.region"() ({
      %run_scoped3A = tpu.sem_alloc : memref<!tpu.dma_semaphore, #tpu.memory_space<semaphore_mem>>
      %dma_start3A = arith.constant 0 : i32
      %dma_start3A_53 = arith.constant 0 : i32
      %dma_start3A_54 = tpu.memref_slice %arg8[%select_n3A, %dma_start3A, %dma_start3A_53] : memref<8x1024x128xf32, #tpu.memory_space<vmem_shared>> -> memref<1x1024x128xf32, #tpu.memory_space<vmem_shared>>
      %dma_start3A_55 = tpu.memref_squeeze %dma_start3A_54 : memref<1x1024x128xf32, #tpu.memory_space<vmem_shared>> -> memref<1024x128xf32, #tpu.memory_space<vmem_shared>>
      %dma_start3A_56 = arith.constant 0 : i32
      %dma_start3A_57 = arith.constant 0 : i32
      %dma_start3A_58 = tpu.memref_slice %dma_start3A_55[%dma_start3A_56, %dma_start3A_57] : memref<1024x128xf32, #tpu.memory_space<vmem_shared>> -> memref<1024x128xf32, #tpu.memory_space<vmem_shared>>
      tpu.enqueue_indirect_dma source(%arg6 : memref<128x128xf32, #tpu.memory_space<vmem>>) target(%dma_start3A_58 : memref<1024x128xf32, #tpu.memory_space<vmem_shared>>) offsets(%arg7 : memref<128xi32, #tpu.memory_space<vmem>>) semaphore(%run_scoped3A : memref<!tpu.dma_semaphore, #tpu.memory_space<semaphore_mem>>) {add = true}
      %dma_wait3A = arith.constant 0 : i32
      %dma_wait3A_59 = arith.constant 0 : i32
      %dma_wait3A_60 = tpu.memref_slice %arg8[%select_n3A, %dma_wait3A, %dma_wait3A_59] : memref<8x1024x128xf32, #tpu.memory_space<vmem_shared>> -> memref<1x1024x128xf32, #tpu.memory_space<vmem_shared>>
      %dma_wait3A_61 = tpu.memref_squeeze %dma_wait3A_60 : memref<1x1024x128xf32, #tpu.memory_space<vmem_shared>> -> memref<1024x128xf32, #tpu.memory_space<vmem_shared>>
      %dma_wait3A_62 = arith.constant 0 : i32
      %dma_wait3A_63 = arith.constant 0 : i32
      %dma_wait3A_64 = tpu.memref_slice %dma_wait3A_61[%dma_wait3A_62, %dma_wait3A_63] : memref<1024x128xf32, #tpu.memory_space<vmem_shared>> -> memref<1024x128xf32, #tpu.memory_space<vmem_shared>>
      tpu.wait_indirect_dma semaphore(%run_scoped3A : memref<!tpu.dma_semaphore, #tpu.memory_space<semaphore_mem>>) src(%arg6 : memref<128x128xf32, #tpu.memory_space<vmem>>) dst(%dma_wait3A_64 : memref<1024x128xf32, #tpu.memory_space<vmem_shared>>)
      tpu.yield
    }) : () -> ()
    %barrier3A_39 = arith.constant 0 : index
    tpu.barrier barrier_id(%barrier3A_39)
    "tpu.region"() ({
      %run_scoped3A = tpu.sem_alloc : memref<!tpu.dma_semaphore, #tpu.memory_space<semaphore_mem>>
      %dma_start3A = arith.constant 0 : i32
      %dma_start3A_53 = arith.constant 0 : i32
      %dma_start3A_54 = tpu.memref_slice %arg5[%add3A_34, %dma_start3A, %dma_start3A_53] : memref<32x1024x128xf32, #tpu.memory_space<hbm>> -> memref<1x1024x128xf32, #tpu.memory_space<hbm>>
      %dma_start3A_55 = tpu.memref_squeeze %dma_start3A_54 : memref<1x1024x128xf32, #tpu.memory_space<hbm>> -> memref<1024x128xf32, #tpu.memory_space<hbm>>
      %dma_start3A_56 = arith.constant 0 : i32
      %dma_start3A_57 = tpu.memref_slice %dma_start3A_55[%mul3A_29, %dma_start3A_56] : memref<1024x128xf32, #tpu.memory_space<hbm>> -> memref<512x128xf32, #tpu.memory_space<hbm>>
      %dma_start3A_58 = arith.constant 0 : i32
      %dma_start3A_59 = arith.constant 0 : i32
      %dma_start3A_60 = tpu.memref_slice %arg8[%select_n3A, %dma_start3A_58, %dma_start3A_59] : memref<8x1024x128xf32, #tpu.memory_space<vmem_shared>> -> memref<1x1024x128xf32, #tpu.memory_space<vmem_shared>>
      %dma_start3A_61 = tpu.memref_squeeze %dma_start3A_60 : memref<1x1024x128xf32, #tpu.memory_space<vmem_shared>> -> memref<1024x128xf32, #tpu.memory_space<vmem_shared>>
      %dma_start3A_62 = arith.constant 0 : i32
      %dma_start3A_63 = tpu.memref_slice %dma_start3A_61[%mul3A_29, %dma_start3A_62] : memref<1024x128xf32, #tpu.memory_space<vmem_shared>> -> memref<512x128xf32, #tpu.memory_space<vmem_shared>>
      tpu.enqueue_dma source(%dma_start3A_63 : memref<512x128xf32, #tpu.memory_space<vmem_shared>>) target(%dma_start3A_57 : memref<512x128xf32, #tpu.memory_space<hbm>>) target_semaphore(%run_scoped3A : memref<!tpu.dma_semaphore, #tpu.memory_space<semaphore_mem>>)
      %dma_wait3A = arith.constant 0 : i32
      %dma_wait3A_64 = arith.constant 0 : i32
      %dma_wait3A_65 = tpu.memref_slice %arg5[%add3A_34, %dma_wait3A, %dma_wait3A_64] : memref<32x1024x128xf32, #tpu.memory_space<hbm>> -> memref<1x1024x128xf32, #tpu.memory_space<hbm>>
      %dma_wait3A_66 = tpu.memref_squeeze %dma_wait3A_65 : memref<1x1024x128xf32, #tpu.memory_space<hbm>> -> memref<1024x128xf32, #tpu.memory_space<hbm>>
      %dma_wait3A_67 = arith.constant 0 : i32
      %dma_wait3A_68 = tpu.memref_slice %dma_wait3A_66[%mul3A_29, %dma_wait3A_67] : memref<1024x128xf32, #tpu.memory_space<hbm>> -> memref<512x128xf32, #tpu.memory_space<hbm>>
      %dma_wait3A_69 = arith.constant 0 : i32
      %dma_wait3A_70 = arith.constant 0 : i32
      %dma_wait3A_71 = tpu.memref_slice %arg8[%select_n3A, %dma_wait3A_69, %dma_wait3A_70] : memref<8x1024x128xf32, #tpu.memory_space<vmem_shared>> -> memref<1x1024x128xf32, #tpu.memory_space<vmem_shared>>
      %dma_wait3A_72 = tpu.memref_squeeze %dma_wait3A_71 : memref<1x1024x128xf32, #tpu.memory_space<vmem_shared>> -> memref<1024x128xf32, #tpu.memory_space<vmem_shared>>
      %dma_wait3A_73 = arith.constant 0 : i32
      %dma_wait3A_74 = tpu.memref_slice %dma_wait3A_72[%mul3A_29, %dma_wait3A_73] : memref<1024x128xf32, #tpu.memory_space<vmem_shared>> -> memref<512x128xf32, #tpu.memory_space<vmem_shared>>
      tpu.wait_dma2 semaphore(%run_scoped3A : memref<!tpu.dma_semaphore, #tpu.memory_space<semaphore_mem>>) src(%dma_wait3A_74 : memref<512x128xf32, #tpu.memory_space<vmem_shared>>) dst(%dma_wait3A_68 : memref<512x128xf32, #tpu.memory_space<hbm>>)
      tpu.yield
    }) : () -> ()
    %barrier3A_40 = arith.constant 0 : index
    tpu.barrier barrier_id(%barrier3A_40)
    %mul3A_41 = arith.constant 8 : i32
    %mul3A_42 = arith.muli %arg0, %mul3A_41 : i32
    %add3A_43 = arith.constant 16 : i32
    %add3A_44 = arith.addi %add3A_43, %mul3A_42 : i32
    %add3A_45 = arith.addi %add3A_44, %select_n3A : i32
    "tpu.region"() ({
      %run_scoped3A = tpu.sem_alloc : memref<!tpu.dma_semaphore, #tpu.memory_space<semaphore_mem>>
      %dma_start3A = arith.constant 0 : i32
      %dma_start3A_53 = arith.constant 0 : i32
      %dma_start3A_54 = tpu.memref_slice %arg8[%select_n3A, %dma_start3A, %dma_start3A_53] : memref<8x1024x128xf32, #tpu.memory_space<vmem_shared>> -> memref<1x1024x128xf32, #tpu.memory_space<vmem_shared>>
      %dma_start3A_55 = tpu.memref_squeeze %dma_start3A_54 : memref<1x1024x128xf32, #tpu.memory_space<vmem_shared>> -> memref<1024x128xf32, #tpu.memory_space<vmem_shared>>
      %dma_start3A_56 = arith.constant 0 : i32
      %dma_start3A_57 = tpu.memref_slice %dma_start3A_55[%mul3A_29, %dma_start3A_56] : memref<1024x128xf32, #tpu.memory_space<vmem_shared>> -> memref<512x128xf32, #tpu.memory_space<vmem_shared>>
      tpu.enqueue_dma source(%arg4 : memref<512x128xf32, #tpu.memory_space<hbm>>) target(%dma_start3A_57 : memref<512x128xf32, #tpu.memory_space<vmem_shared>>) target_semaphore(%run_scoped3A : memref<!tpu.dma_semaphore, #tpu.memory_space<semaphore_mem>>)
      %dma_wait3A = arith.constant 0 : i32
      %dma_wait3A_58 = arith.constant 0 : i32
      %dma_wait3A_59 = tpu.memref_slice %arg8[%select_n3A, %dma_wait3A, %dma_wait3A_58] : memref<8x1024x128xf32, #tpu.memory_space<vmem_shared>> -> memref<1x1024x128xf32, #tpu.memory_space<vmem_shared>>
      %dma_wait3A_60 = tpu.memref_squeeze %dma_wait3A_59 : memref<1x1024x128xf32, #tpu.memory_space<vmem_shared>> -> memref<1024x128xf32, #tpu.memory_space<vmem_shared>>
      %dma_wait3A_61 = arith.constant 0 : i32
      %dma_wait3A_62 = tpu.memref_slice %dma_wait3A_60[%mul3A_29, %dma_wait3A_61] : memref<1024x128xf32, #tpu.memory_space<vmem_shared>> -> memref<512x128xf32, #tpu.memory_space<vmem_shared>>
      tpu.wait_dma2 semaphore(%run_scoped3A : memref<!tpu.dma_semaphore, #tpu.memory_space<semaphore_mem>>) src(%arg4 : memref<512x128xf32, #tpu.memory_space<hbm>>) dst(%dma_wait3A_62 : memref<512x128xf32, #tpu.memory_space<vmem_shared>>)
      tpu.yield
    }) : () -> ()
    %mul3A_46 = arith.constant 128 : i32
    %mul3A_47 = arith.muli %select_n3A_28, %mul3A_46 : i32
    "tpu.region"() ({
      %run_scoped3A = tpu.sem_alloc : memref<!tpu.dma_semaphore, #tpu.memory_space<semaphore_mem>>
      %dma_start3A = arith.constant 0 : i32
      %dma_start3A_53 = arith.constant 0 : i32
      %dma_start3A_54 = tpu.memref_slice %arg2[%add3A_45, %dma_start3A, %dma_start3A_53] : memref<32x256x128xf32, #tpu.memory_space<hbm>> -> memref<1x256x128xf32, #tpu.memory_space<hbm>>
      %dma_start3A_55 = tpu.memref_squeeze %dma_start3A_54 : memref<1x256x128xf32, #tpu.memory_space<hbm>> -> memref<256x128xf32, #tpu.memory_space<hbm>>
      %dma_start3A_56 = arith.constant 0 : i32
      %dma_start3A_57 = tpu.memref_slice %dma_start3A_55[%mul3A_47, %dma_start3A_56] : memref<256x128xf32, #tpu.memory_space<hbm>> -> memref<128x128xf32, #tpu.memory_space<hbm>>
      %dma_start3A_58 = arith.constant 0 : i32
      %dma_start3A_59 = arith.constant 0 : i32
      %dma_start3A_60 = tpu.memref_slice %arg2[%add3A_45, %dma_start3A_58, %dma_start3A_59] : memref<32x256x128xf32, #tpu.memory_space<hbm>> -> memref<1x256x128xf32, #tpu.memory_space<hbm>>
      %dma_start3A_61 = tpu.memref_squeeze %dma_start3A_60 : memref<1x256x128xf32, #tpu.memory_space<hbm>> -> memref<256x128xf32, #tpu.memory_space<hbm>>
      %dma_start3A_62 = arith.constant 0 : i32
      %dma_start3A_63 = tpu.memref_slice %dma_start3A_61[%mul3A_47, %dma_start3A_62] : memref<256x128xf32, #tpu.memory_space<hbm>> -> memref<128x128xf32, #tpu.memory_space<hbm>>
      tpu.enqueue_dma source(%dma_start3A_63 : memref<128x128xf32, #tpu.memory_space<hbm>>) target(%arg6 : memref<128x128xf32, #tpu.memory_space<vmem>>) target_semaphore(%run_scoped3A : memref<!tpu.dma_semaphore, #tpu.memory_space<semaphore_mem>>)
      %dma_wait3A = arith.constant 0 : i32
      %dma_wait3A_64 = arith.constant 0 : i32
      %dma_wait3A_65 = tpu.memref_slice %arg2[%add3A_45, %dma_wait3A, %dma_wait3A_64] : memref<32x256x128xf32, #tpu.memory_space<hbm>> -> memref<1x256x128xf32, #tpu.memory_space<hbm>>
      %dma_wait3A_66 = tpu.memref_squeeze %dma_wait3A_65 : memref<1x256x128xf32, #tpu.memory_space<hbm>> -> memref<256x128xf32, #tpu.memory_space<hbm>>
      %dma_wait3A_67 = arith.constant 0 : i32
      %dma_wait3A_68 = tpu.memref_slice %dma_wait3A_66[%mul3A_47, %dma_wait3A_67] : memref<256x128xf32, #tpu.memory_space<hbm>> -> memref<128x128xf32, #tpu.memory_space<hbm>>
      %dma_wait3A_69 = arith.constant 0 : i32
      %dma_wait3A_70 = arith.constant 0 : i32
      %dma_wait3A_71 = tpu.memref_slice %arg2[%add3A_45, %dma_wait3A_69, %dma_wait3A_70] : memref<32x256x128xf32, #tpu.memory_space<hbm>> -> memref<1x256x128xf32, #tpu.memory_space<hbm>>
      %dma_wait3A_72 = tpu.memref_squeeze %dma_wait3A_71 : memref<1x256x128xf32, #tpu.memory_space<hbm>> -> memref<256x128xf32, #tpu.memory_space<hbm>>
      %dma_wait3A_73 = arith.constant 0 : i32
      %dma_wait3A_74 = tpu.memref_slice %dma_wait3A_72[%mul3A_47, %dma_wait3A_73] : memref<256x128xf32, #tpu.memory_space<hbm>> -> memref<128x128xf32, #tpu.memory_space<hbm>>
      tpu.wait_dma2 semaphore(%run_scoped3A : memref<!tpu.dma_semaphore, #tpu.memory_space<semaphore_mem>>) src(%dma_wait3A_74 : memref<128x128xf32, #tpu.memory_space<hbm>>) dst(%arg6 : memref<128x128xf32, #tpu.memory_space<vmem>>)
      tpu.yield
    }) : () -> ()
    %mul3A_48 = arith.constant 128 : i32
    %mul3A_49 = arith.muli %select_n3A_28, %mul3A_48 : i32
    "tpu.region"() ({
      %run_scoped3A = tpu.sem_alloc : memref<!tpu.dma_semaphore, #tpu.memory_space<semaphore_mem>>
      %dma_start3A = arith.constant 0 : i32
      %dma_start3A_53 = tpu.memref_slice %arg3[%add3A_45, %dma_start3A] : memref<32x256xi32, #tpu.memory_space<hbm>> -> memref<1x256xi32, #tpu.memory_space<hbm>>
      %dma_start3A_54 = tpu.memref_squeeze %dma_start3A_53 : memref<1x256xi32, #tpu.memory_space<hbm>> -> memref<256xi32, #tpu.memory_space<hbm>>
      %dma_start3A_55 = tpu.memref_slice %dma_start3A_54[%mul3A_49] : memref<256xi32, #tpu.memory_space<hbm>> -> memref<128xi32, #tpu.memory_space<hbm>>
      %dma_start3A_56 = arith.constant 0 : i32
      %dma_start3A_57 = tpu.memref_slice %arg3[%add3A_45, %dma_start3A_56] : memref<32x256xi32, #tpu.memory_space<hbm>> -> memref<1x256xi32, #tpu.memory_space<hbm>>
      %dma_start3A_58 = tpu.memref_squeeze %dma_start3A_57 : memref<1x256xi32, #tpu.memory_space<hbm>> -> memref<256xi32, #tpu.memory_space<hbm>>
      %dma_start3A_59 = tpu.memref_slice %dma_start3A_58[%mul3A_49] : memref<256xi32, #tpu.memory_space<hbm>> -> memref<128xi32, #tpu.memory_space<hbm>>
      tpu.enqueue_dma source(%dma_start3A_59 : memref<128xi32, #tpu.memory_space<hbm>>) target(%arg7 : memref<128xi32, #tpu.memory_space<vmem>>) target_semaphore(%run_scoped3A : memref<!tpu.dma_semaphore, #tpu.memory_space<semaphore_mem>>)
      %dma_wait3A = arith.constant 0 : i32
      %dma_wait3A_60 = tpu.memref_slice %arg3[%add3A_45, %dma_wait3A] : memref<32x256xi32, #tpu.memory_space<hbm>> -> memref<1x256xi32, #tpu.memory_space<hbm>>
      %dma_wait3A_61 = tpu.memref_squeeze %dma_wait3A_60 : memref<1x256xi32, #tpu.memory_space<hbm>> -> memref<256xi32, #tpu.memory_space<hbm>>
      %dma_wait3A_62 = tpu.memref_slice %dma_wait3A_61[%mul3A_49] : memref<256xi32, #tpu.memory_space<hbm>> -> memref<128xi32, #tpu.memory_space<hbm>>
      %dma_wait3A_63 = arith.constant 0 : i32
      %dma_wait3A_64 = tpu.memref_slice %arg3[%add3A_45, %dma_wait3A_63] : memref<32x256xi32, #tpu.memory_space<hbm>> -> memref<1x256xi32, #tpu.memory_space<hbm>>
      %dma_wait3A_65 = tpu.memref_squeeze %dma_wait3A_64 : memref<1x256xi32, #tpu.memory_space<hbm>> -> memref<256xi32, #tpu.memory_space<hbm>>
      %dma_wait3A_66 = tpu.memref_slice %dma_wait3A_65[%mul3A_49] : memref<256xi32, #tpu.memory_space<hbm>> -> memref<128xi32, #tpu.memory_space<hbm>>
      tpu.wait_dma2 semaphore(%run_scoped3A : memref<!tpu.dma_semaphore, #tpu.memory_space<semaphore_mem>>) src(%dma_wait3A_66 : memref<128xi32, #tpu.memory_space<hbm>>) dst(%arg7 : memref<128xi32, #tpu.memory_space<vmem>>)
      tpu.yield
    }) : () -> ()
    %barrier3A_50 = arith.constant 0 : index
    tpu.barrier barrier_id(%barrier3A_50)
    "tpu.region"() ({
      %run_scoped3A = tpu.sem_alloc : memref<!tpu.dma_semaphore, #tpu.memory_space<semaphore_mem>>
      %dma_start3A = arith.constant 0 : i32
      %dma_start3A_53 = arith.constant 0 : i32
      %dma_start3A_54 = tpu.memref_slice %arg8[%select_n3A, %dma_start3A, %dma_start3A_53] : memref<8x1024x128xf32, #tpu.memory_space<vmem_shared>> -> memref<1x1024x128xf32, #tpu.memory_space<vmem_shared>>
      %dma_start3A_55 = tpu.memref_squeeze %dma_start3A_54 : memref<1x1024x128xf32, #tpu.memory_space<vmem_shared>> -> memref<1024x128xf32, #tpu.memory_space<vmem_shared>>
      %dma_start3A_56 = arith.constant 0 : i32
      %dma_start3A_57 = arith.constant 0 : i32
      %dma_start3A_58 = tpu.memref_slice %dma_start3A_55[%dma_start3A_56, %dma_start3A_57] : memref<1024x128xf32, #tpu.memory_space<vmem_shared>> -> memref<1024x128xf32, #tpu.memory_space<vmem_shared>>
      tpu.enqueue_indirect_dma source(%arg6 : memref<128x128xf32, #tpu.memory_space<vmem>>) target(%dma_start3A_58 : memref<1024x128xf32, #tpu.memory_space<vmem_shared>>) offsets(%arg7 : memref<128xi32, #tpu.memory_space<vmem>>) semaphore(%run_scoped3A : memref<!tpu.dma_semaphore, #tpu.memory_space<semaphore_mem>>) {add = true}
      %dma_wait3A = arith.constant 0 : i32
      %dma_wait3A_59 = arith.constant 0 : i32
      %dma_wait3A_60 = tpu.memref_slice %arg8[%select_n3A, %dma_wait3A, %dma_wait3A_59] : memref<8x1024x128xf32, #tpu.memory_space<vmem_shared>> -> memref<1x1024x128xf32, #tpu.memory_space<vmem_shared>>
      %dma_wait3A_61 = tpu.memref_squeeze %dma_wait3A_60 : memref<1x1024x128xf32, #tpu.memory_space<vmem_shared>> -> memref<1024x128xf32, #tpu.memory_space<vmem_shared>>
      %dma_wait3A_62 = arith.constant 0 : i32
      %dma_wait3A_63 = arith.constant 0 : i32
      %dma_wait3A_64 = tpu.memref_slice %dma_wait3A_61[%dma_wait3A_62, %dma_wait3A_63] : memref<1024x128xf32, #tpu.memory_space<vmem_shared>> -> memref<1024x128xf32, #tpu.memory_space<vmem_shared>>
      tpu.wait_indirect_dma semaphore(%run_scoped3A : memref<!tpu.dma_semaphore, #tpu.memory_space<semaphore_mem>>) src(%arg6 : memref<128x128xf32, #tpu.memory_space<vmem>>) dst(%dma_wait3A_64 : memref<1024x128xf32, #tpu.memory_space<vmem_shared>>)
      tpu.yield
    }) : () -> ()
    %barrier3A_51 = arith.constant 0 : index
    tpu.barrier barrier_id(%barrier3A_51)
    "tpu.region"() ({
      %run_scoped3A = tpu.sem_alloc : memref<!tpu.dma_semaphore, #tpu.memory_space<semaphore_mem>>
      %dma_start3A = arith.constant 0 : i32
      %dma_start3A_53 = arith.constant 0 : i32
      %dma_start3A_54 = tpu.memref_slice %arg5[%add3A_45, %dma_start3A, %dma_start3A_53] : memref<32x1024x128xf32, #tpu.memory_space<hbm>> -> memref<1x1024x128xf32, #tpu.memory_space<hbm>>
      %dma_start3A_55 = tpu.memref_squeeze %dma_start3A_54 : memref<1x1024x128xf32, #tpu.memory_space<hbm>> -> memref<1024x128xf32, #tpu.memory_space<hbm>>
      %dma_start3A_56 = arith.constant 0 : i32
      %dma_start3A_57 = tpu.memref_slice %dma_start3A_55[%mul3A_29, %dma_start3A_56] : memref<1024x128xf32, #tpu.memory_space<hbm>> -> memref<512x128xf32, #tpu.memory_space<hbm>>
      %dma_start3A_58 = arith.constant 0 : i32
      %dma_start3A_59 = arith.constant 0 : i32
      %dma_start3A_60 = tpu.memref_slice %arg8[%select_n3A, %dma_start3A_58, %dma_start3A_59] : memref<8x1024x128xf32, #tpu.memory_space<vmem_shared>> -> memref<1x1024x128xf32, #tpu.memory_space<vmem_shared>>
      %dma_start3A_61 = tpu.memref_squeeze %dma_start3A_60 : memref<1x1024x128xf32, #tpu.memory_space<vmem_shared>> -> memref<1024x128xf32, #tpu.memory_space<vmem_shared>>
      %dma_start3A_62 = arith.constant 0 : i32
      %dma_start3A_63 = tpu.memref_slice %dma_start3A_61[%mul3A_29, %dma_start3A_62] : memref<1024x128xf32, #tpu.memory_space<vmem_shared>> -> memref<512x128xf32, #tpu.memory_space<vmem_shared>>
      tpu.enqueue_dma source(%dma_start3A_63 : memref<512x128xf32, #tpu.memory_space<vmem_shared>>) target(%dma_start3A_57 : memref<512x128xf32, #tpu.memory_space<hbm>>) target_semaphore(%run_scoped3A : memref<!tpu.dma_semaphore, #tpu.memory_space<semaphore_mem>>)
      %dma_wait3A = arith.constant 0 : i32
      %dma_wait3A_64 = arith.constant 0 : i32
      %dma_wait3A_65 = tpu.memref_slice %arg5[%add3A_45, %dma_wait3A, %dma_wait3A_64] : memref<32x1024x128xf32, #tpu.memory_space<hbm>> -> memref<1x1024x128xf32, #tpu.memory_space<hbm>>
      %dma_wait3A_66 = tpu.memref_squeeze %dma_wait3A_65 : memref<1x1024x128xf32, #tpu.memory_space<hbm>> -> memref<1024x128xf32, #tpu.memory_space<hbm>>
      %dma_wait3A_67 = arith.constant 0 : i32
      %dma_wait3A_68 = tpu.memref_slice %dma_wait3A_66[%mul3A_29, %dma_wait3A_67] : memref<1024x128xf32, #tpu.memory_space<hbm>> -> memref<512x128xf32, #tpu.memory_space<hbm>>
      %dma_wait3A_69 = arith.constant 0 : i32
      %dma_wait3A_70 = arith.constant 0 : i32
      %dma_wait3A_71 = tpu.memref_slice %arg8[%select_n3A, %dma_wait3A_69, %dma_wait3A_70] : memref<8x1024x128xf32, #tpu.memory_space<vmem_shared>> -> memref<1x1024x128xf32, #tpu.memory_space<vmem_shared>>
      %dma_wait3A_72 = tpu.memref_squeeze %dma_wait3A_71 : memref<1x1024x128xf32, #tpu.memory_space<vmem_shared>> -> memref<1024x128xf32, #tpu.memory_space<vmem_shared>>
      %dma_wait3A_73 = arith.constant 0 : i32
      %dma_wait3A_74 = tpu.memref_slice %dma_wait3A_72[%mul3A_29, %dma_wait3A_73] : memref<1024x128xf32, #tpu.memory_space<vmem_shared>> -> memref<512x128xf32, #tpu.memory_space<vmem_shared>>
      tpu.wait_dma2 semaphore(%run_scoped3A : memref<!tpu.dma_semaphore, #tpu.memory_space<semaphore_mem>>) src(%dma_wait3A_74 : memref<512x128xf32, #tpu.memory_space<vmem_shared>>) dst(%dma_wait3A_68 : memref<512x128xf32, #tpu.memory_space<hbm>>)
      tpu.yield
    }) : () -> ()
    %barrier3A_52 = arith.constant 0 : index
    tpu.barrier barrier_id(%barrier3A_52)
    return
  }
}

module attributes {stable_mosaic.version = 14 : i64} {
  func.func @_embed_body(%arg0: i32, %arg1: memref<8x200x64xf32, #tpu.memory_space<vmem>>, %arg2: memref<8x56x64xf32, #tpu.memory_space<vmem>>, %arg3: memref<64x256xf32, #tpu.memory_space<vmem>>, %arg4: memref<256x256xf32, #tpu.memory_space<vmem>>, %arg5: memref<256x128xf32, #tpu.memory_space<vmem>>, %arg6: memref<1x128xf32, #tpu.memory_space<vmem>>, %arg7: memref<8x256x128xf32, #tpu.memory_space<vmem>>, %arg8: memref<8x256xi32, #tpu.memory_space<vmem>>) attributes {dimension_semantics = [#tpu.dimension_semantics<arbitrary>], iteration_bounds = array<i64: 16>, scalar_prefetch = 0 : i64, scratch_operands = 0 : i64, tpu.core_type = #tpu.core_type<tc>, window_params = [{transform_indices = @transform_0, window_bounds = array<i64: 8, 200, 64>}, {transform_indices = @transform_1, window_bounds = array<i64: 8, 56, 64>}, {pipeline_mode = #tpu.pipeline_mode<synchronous>, transform_indices = @transform_2, window_bounds = array<i64: 64, 256>}, {pipeline_mode = #tpu.pipeline_mode<synchronous>, transform_indices = @transform_3, window_bounds = array<i64: 256, 256>}, {pipeline_mode = #tpu.pipeline_mode<synchronous>, transform_indices = @transform_4, window_bounds = array<i64: 256, 128>}, {pipeline_mode = #tpu.pipeline_mode<synchronous>, transform_indices = @transform_5, window_bounds = array<i64: 1, 128>}, {transform_indices = @transform_6, window_bounds = array<i64: 8, 256, 128>}, {transform_indices = @transform_7, window_bounds = array<i64: 8, 256>}]} {
    %get3A = arith.constant 0 : index
    %get3A_0 = arith.constant 0 : index
    %get3A_1 = arith.constant 0 : index
    %get3A_2 = vector.load %arg1[%get3A, %get3A_0, %get3A_1] : memref<8x200x64xf32, #tpu.memory_space<vmem>>, vector<8x200x64xf32>
    %get3A_3 = arith.constant 0 : index
    %get3A_4 = arith.constant 0 : index
    %get3A_5 = arith.constant 0 : index
    %get3A_6 = vector.load %arg2[%get3A_3, %get3A_4, %get3A_5] : memref<8x56x64xf32, #tpu.memory_space<vmem>>, vector<8x56x64xf32>
    %concatenate3A = tpu.concatenate %get3A_2, %get3A_6 in 1 : vector<8x200x64xf32>, vector<8x56x64xf32> -> vector<8x256x64xf32>
    %reshape3A = vector.shape_cast %concatenate3A : vector<8x256x64xf32> to vector<2048x64xf32>
    %get3A_7 = arith.constant 0 : index
    %get3A_8 = arith.constant 0 : index
    %get3A_9 = vector.load %arg3[%get3A_7, %get3A_8] : memref<64x256xf32, #tpu.memory_space<vmem>>, vector<64x256xf32>
    %dot_general3A = arith.constant dense<0.000000e+00> : vector<2048x256xf32>
    %dot_general3A_10 = tpu.matmul %reshape3A, %get3A_9, %dot_general3A {dimension_numbers = #tpu.dot_dimension_numbers<[1], [0], [0], [1], [0, 0, 1, 1], [], []>, transpose_lhs_hint = false} : vector<2048x64xf32>, vector<64x256xf32>, vector<2048x256xf32> -> vector<2048x256xf32>
    %get3A_11 = arith.constant 0 : index
    %get3A_12 = arith.constant 0 : index
    %get3A_13 = vector.load %arg4[%get3A_11, %get3A_12] : memref<256x256xf32, #tpu.memory_space<vmem>>, vector<256x256xf32>
    %tile3A = tpu.concatenate %get3A_13, %get3A_13, %get3A_13, %get3A_13, %get3A_13, %get3A_13, %get3A_13, %get3A_13 in 0 : vector<256x256xf32>, vector<256x256xf32>, vector<256x256xf32>, vector<256x256xf32>, vector<256x256xf32>, vector<256x256xf32>, vector<256x256xf32>, vector<256x256xf32> -> vector<2048x256xf32>
    %add3A = arith.addf %dot_general3A_10, %tile3A : vector<2048x256xf32>
    %max3A = arith.constant 0.000000e+00 : f32
    %max3A_14 = vector.broadcast %max3A : f32 to vector<2048x256xf32>
    %max3A_15 = arith.maximumf %add3A, %max3A_14 : vector<2048x256xf32>
    %get3A_16 = arith.constant 0 : index
    %get3A_17 = arith.constant 0 : index
    %get3A_18 = vector.load %arg5[%get3A_16, %get3A_17] : memref<256x128xf32, #tpu.memory_space<vmem>>, vector<256x128xf32>
    %dot_general3A_19 = arith.constant dense<0.000000e+00> : vector<2048x128xf32>
    %dot_general3A_20 = tpu.matmul %max3A_15, %get3A_18, %dot_general3A_19 {dimension_numbers = #tpu.dot_dimension_numbers<[1], [0], [0], [1], [0, 0, 1, 1], [], []>, transpose_lhs_hint = false} : vector<2048x256xf32>, vector<256x128xf32>, vector<2048x128xf32> -> vector<2048x128xf32>
    %get3A_21 = arith.constant 0 : index
    %get3A_22 = arith.constant 0 : index
    %get3A_23 = vector.load %arg6[%get3A_21, %get3A_22] : memref<1x128xf32, #tpu.memory_space<vmem>>, vector<1x128xf32>
    %add3A_24 = vector.broadcast %get3A_23 : vector<1x128xf32> to vector<2048x128xf32>
    %add3A_25 = arith.addf %dot_general3A_20, %add3A_24 : vector<2048x128xf32>
    %max3A_26 = arith.constant 0.000000e+00 : f32
    %max3A_27 = vector.broadcast %max3A_26 : f32 to vector<2048x128xf32>
    %max3A_28 = arith.maximumf %add3A_25, %max3A_27 : vector<2048x128xf32>
    %reshape3A_29 = vector.shape_cast %max3A_28 : vector<2048x128xf32> to vector<8x256x128xf32>
    %swap3A = arith.constant 0 : index
    %swap3A_30 = arith.constant 0 : index
    %swap3A_31 = arith.constant 0 : index
    %swap3A_32 = vector.load %arg7[%swap3A, %swap3A_30, %swap3A_31] : memref<8x256x128xf32, #tpu.memory_space<vmem>>, vector<8x256x128xf32>
    tpu.vector_store %arg7[%swap3A, %swap3A_30, %swap3A_31], %reshape3A_29 {strides = array<i32>} : memref<8x256x128xf32, #tpu.memory_space<vmem>>, vector<8x256x128xf32>,
    %slice3A = vector.extract_strided_slice %get3A_2 {offsets = [0, 0, 4], sizes = [8, 200, 2], strides = [1, 1, 1]} : vector<8x200x64xf32> to vector<8x200x2xf32>
    %slice3A_33 = vector.extract_strided_slice %get3A_6 {offsets = [0, 0, 0], sizes = [8, 56, 2], strides = [1, 1, 1]} : vector<8x56x64xf32> to vector<8x56x2xf32>
    %concatenate3A_34 = tpu.concatenate %slice3A, %slice3A_33 in 1 : vector<8x200x2xf32>, vector<8x56x2xf32> -> vector<8x256x2xf32>
    %mul3A = arith.constant 3.200000e+01 : f32
    %mul3A_35 = vector.broadcast %mul3A : f32 to vector<8x256x2xf32>
    %mul3A_36 = arith.mulf %concatenate3A_34, %mul3A_35 : vector<8x256x2xf32>
    %floor3A = math.floor %mul3A_36 : vector<8x256x2xf32>
    %jit3A = arith.constant 0 : i32
    %jit3A_37 = arith.constant 31 : i32
    %convert_element_type3A = arith.sitofp %jit3A : i32 to f32
    %max3A_38 = vector.broadcast %convert_element_type3A : f32 to vector<8x256x2xf32>
    %max3A_39 = arith.maximumf %max3A_38, %floor3A : vector<8x256x2xf32>
    %convert_element_type3A_40 = arith.sitofp %jit3A_37 : i32 to f32
    %min3A = vector.broadcast %convert_element_type3A_40 : f32 to vector<8x256x2xf32>
    %min3A_41 = arith.minimumf %min3A, %max3A_39 : vector<8x256x2xf32>
    %convert_element_type3A_42 = arith.fptosi %min3A_41 : vector<8x256x2xf32> to vector<8x256x2xi32>
    %slice3A_43 = vector.extract_strided_slice %convert_element_type3A_42 {offsets = [0, 0, 0], sizes = [8, 256, 1], strides = [1, 1, 1]} : vector<8x256x2xi32> to vector<8x256x1xi32>
    %squeeze3A = vector.shape_cast %slice3A_43 : vector<8x256x1xi32> to vector<8x256xi32>
    %mul3A_44 = arith.constant 32 : i32
    %mul3A_45 = vector.broadcast %mul3A_44 : i32 to vector<8x256xi32>
    %mul3A_46 = arith.muli %squeeze3A, %mul3A_45 : vector<8x256xi32>
    %slice3A_47 = vector.extract_strided_slice %convert_element_type3A_42 {offsets = [0, 0, 1], sizes = [8, 256, 1], strides = [1, 1, 1]} : vector<8x256x2xi32> to vector<8x256x1xi32>
    %squeeze3A_48 = vector.shape_cast %slice3A_47 : vector<8x256x1xi32> to vector<8x256xi32>
    %add3A_49 = arith.addi %mul3A_46, %squeeze3A_48 : vector<8x256xi32>
    %swap3A_50 = arith.constant 0 : index
    %swap3A_51 = arith.constant 0 : index
    %swap3A_52 = vector.load %arg8[%swap3A_50, %swap3A_51] : memref<8x256xi32, #tpu.memory_space<vmem>>, vector<8x256xi32>
    tpu.vector_store %arg8[%swap3A_50, %swap3A_51], %add3A_49 {strides = array<i32>} : memref<8x256xi32, #tpu.memory_space<vmem>>, vector<8x256xi32>,
    return
  }
  func.func @transform_0(%arg0: i32) -> (i32, i32, i32) {
    %c0_i32 = arith.constant 0 : i32
    %c0_i32_0 = arith.constant 0 : i32
    %c0_i32_1 = arith.constant 0 : i32
    return %arg0, %c0_i32, %c0_i32_0 : i32, i32, i32
  }
  func.func @transform_1(%arg0: i32) -> (i32, i32, i32) {
    %c0_i32 = arith.constant 0 : i32
    %c0_i32_0 = arith.constant 0 : i32
    %c0_i32_1 = arith.constant 0 : i32
    return %arg0, %c0_i32, %c0_i32_0 : i32, i32, i32
  }
  func.func @transform_2(%arg0: i32) -> (i32, i32) {
    %c0_i32 = arith.constant 0 : i32
    %c0_i32_0 = arith.constant 0 : i32
    %c0_i32_1 = arith.constant 0 : i32
    return %c0_i32, %c0_i32_0 : i32, i32
  }
  func.func @transform_3(%arg0: i32) -> (i32, i32) {
    %c0_i32 = arith.constant 0 : i32
    %c0_i32_0 = arith.constant 0 : i32
    %c0_i32_1 = arith.constant 0 : i32
    return %c0_i32, %c0_i32_0 : i32, i32
  }
  func.func @transform_4(%arg0: i32) -> (i32, i32) {
    %c0_i32 = arith.constant 0 : i32
    %c0_i32_0 = arith.constant 0 : i32
    %c0_i32_1 = arith.constant 0 : i32
    return %c0_i32, %c0_i32_0 : i32, i32
  }
  func.func @transform_5(%arg0: i32) -> (i32, i32) {
    %c0_i32 = arith.constant 0 : i32
    %c0_i32_0 = arith.constant 0 : i32
    %c0_i32_1 = arith.constant 0 : i32
    return %c0_i32, %c0_i32_0 : i32, i32
  }
  func.func @transform_6(%arg0: i32) -> (i32, i32, i32) {
    %c0_i32 = arith.constant 0 : i32
    %c0_i32_0 = arith.constant 0 : i32
    %c0_i32_1 = arith.constant 0 : i32
    return %arg0, %c0_i32, %c0_i32_0 : i32, i32, i32
  }
  func.func @transform_7(%arg0: i32) -> (i32, i32) {
    %c0_i32 = arith.constant 0 : i32
    %c0_i32_0 = arith.constant 0 : i32
    return %arg0, %c0_i32 : i32, i32
  }
}

module attributes {stable_mosaic.version = 14 : i64} {
  func.func @_conv_body(%arg0: i32, %arg1: memref<8x1024x128xf32, #tpu.memory_space<vmem>>, %arg2: memref<8x200x64xf32, #tpu.memory_space<vmem>>, %arg3: memref<6x128x128xf32, #tpu.memory_space<vmem>>, %arg4: memref<6x128xf32, #tpu.memory_space<vmem>>, %arg5: memref<8x4x128xf32, #tpu.memory_space<vmem>>) attributes {dimension_semantics = [#tpu.dimension_semantics<arbitrary>], iteration_bounds = array<i64: 4>, scalar_prefetch = 0 : i64, scratch_operands = 0 : i64, tpu.core_type = #tpu.core_type<tc>, window_params = [{transform_indices = @transform_0, window_bounds = array<i64: 8, 1024, 128>}, {transform_indices = @transform_1, window_bounds = array<i64: 8, 200, 64>}, {pipeline_mode = #tpu.pipeline_mode<synchronous>, transform_indices = @transform_2, window_bounds = array<i64: 6, 128, 128>}, {pipeline_mode = #tpu.pipeline_mode<synchronous>, transform_indices = @transform_3, window_bounds = array<i64: 6, 128>}, {transform_indices = @transform_4, window_bounds = array<i64: 8, 4, 128>}]} {
    %get3A = arith.constant 0 : index
    %get3A_0 = arith.constant 0 : index
    %get3A_1 = arith.constant 0 : index
    %get3A_2 = vector.load %arg2[%get3A, %get3A_0, %get3A_1] : memref<8x200x64xf32, #tpu.memory_space<vmem>>, vector<8x200x64xf32>
    %iota3A = tpu.iota {dimensions = array<i32: 0>} : vector<1024x1xi32>
    %jit3A = arith.constant 32 : i32
    %eq3A = arith.constant 0 : i32
    %eq3A_3 = arith.cmpi eq, %jit3A, %eq3A : i32
    %jit3A_4 = arith.constant 1 : i32
    %select_n3A = arith.select %eq3A_3, %jit3A_4, %jit3A : i32
    %rem3A = vector.broadcast %select_n3A : i32 to vector<1024x1xi32>
    %rem3A_5 = arith.remsi %iota3A, %rem3A : vector<1024x1xi32>
    %ne3A = arith.constant 0 : i32
    %ne3A_6 = vector.broadcast %ne3A : i32 to vector<1024x1xi32>
    %ne3A_7 = arith.cmpi ne, %rem3A_5, %ne3A_6 : vector<1024x1xi32>
    %lt3A = arith.constant 0 : i32
    %lt3A_8 = vector.broadcast %lt3A : i32 to vector<1024x1xi32>
    %lt3A_9 = arith.cmpi slt, %rem3A_5, %lt3A_8 : vector<1024x1xi32>
    %lt3A_10 = arith.constant 0 : i32
    %lt3A_11 = arith.cmpi slt, %select_n3A, %lt3A_10 : i32
    %ne3A_12 = vector.broadcast %lt3A_11 : i1 to vector<1024x1xi1>
    %ne3A_13 = vector.broadcast %ne3A_12 : vector<1024x1xi1> to vector<1024x1xi1>
    %ne3A_14 = arith.xori %lt3A_9, %ne3A_13 : vector<1024x1xi1>
    %and3A = arith.andi %ne3A_14, %ne3A_7 : vector<1024x1xi1>
    %add3A = vector.broadcast %select_n3A : i32 to vector<1024x1xi32>
    %add3A_15 = arith.addi %rem3A_5, %add3A : vector<1024x1xi32>
    %select_n3A_16 = arith.select %and3A, %add3A_15, %rem3A_5 : vector<1024x1xi1>, vector<1024x1xi32>
    %jit3A_17 = arith.constant 32 : i32
    %div3A = vector.broadcast %jit3A_17 : i32 to vector<1024x1xi32>
    %div3A_18 = arith.divsi %iota3A, %div3A : vector<1024x1xi32>
    %sign3A = arith.constant 0 : i32
    %sign3A_19 = vector.broadcast %sign3A : i32 to vector<1024x1xi32>
    %sign3A_20 = arith.cmpi sgt, %iota3A, %sign3A_19 : vector<1024x1xi32>
    %sign3A_21 = arith.extui %sign3A_20 : vector<1024x1xi1> to vector<1024x1xi32>
    %sign3A_22 = arith.constant 0 : i32
    %sign3A_23 = vector.broadcast %sign3A_22 : i32 to vector<1024x1xi32>
    %sign3A_24 = arith.cmpi slt, %iota3A, %sign3A_23 : vector<1024x1xi32>
    %sign3A_25 = arith.extui %sign3A_24 : vector<1024x1xi1> to vector<1024x1xi32>
    %sign3A_26 = arith.subi %sign3A_21, %sign3A_25 : vector<1024x1xi32>
    %sign3A_27 = arith.constant 0 : i32
    %sign3A_28 = arith.cmpi sgt, %jit3A_17, %sign3A_27 : i32
    %sign3A_29 = arith.extui %sign3A_28 : i1 to i32
    %sign3A_30 = arith.constant 0 : i32
    %sign3A_31 = arith.cmpi slt, %jit3A_17, %sign3A_30 : i32
    %sign3A_32 = arith.extui %sign3A_31 : i1 to i32
    %sign3A_33 = arith.subi %sign3A_29, %sign3A_32 : i32
    %ne3A_34 = vector.broadcast %sign3A_33 : i32 to vector<1024x1xi32>
    %ne3A_35 = arith.cmpi ne, %sign3A_26, %ne3A_34 : vector<1024x1xi32>
    %rem3A_36 = vector.broadcast %jit3A_17 : i32 to vector<1024x1xi32>
    %rem3A_37 = arith.remsi %iota3A, %rem3A_36 : vector<1024x1xi32>
    %ne3A_38 = arith.constant 0 : i32
    %ne3A_39 = vector.broadcast %ne3A_38 : i32 to vector<1024x1xi32>
    %ne3A_40 = arith.cmpi ne, %rem3A_37, %ne3A_39 : vector<1024x1xi32>
    %and3A_41 = arith.andi %ne3A_35, %ne3A_40 : vector<1024x1xi1>
    %sub3A = arith.constant 1 : i32
    %sub3A_42 = vector.broadcast %sub3A : i32 to vector<1024x1xi32>
    %sub3A_43 = arith.subi %div3A_18, %sub3A_42 : vector<1024x1xi32>
    %select_n3A_44 = arith.select %and3A_41, %sub3A_43, %div3A_18 : vector<1024x1xi1>, vector<1024x1xi32>
    %gt3A = arith.constant 0 : i32
    %gt3A_45 = vector.broadcast %gt3A : i32 to vector<1024x1xi32>
    %gt3A_46 = arith.cmpi sgt, %select_n3A_16, %gt3A_45 : vector<1024x1xi32>
    %convert_element_type3A = arith.extui %gt3A_46 : vector<1024x1xi1> to vector<1024x1xi32>
    %convert_element_type3A_47 = arith.sitofp %convert_element_type3A : vector<1024x1xi32> to vector<1024x1xf32>
    %add3A_48 = arith.constant 1.000000e+00 : f32
    %add3A_49 = vector.broadcast %add3A_48 : f32 to vector<1024x1xf32>
    %add3A_50 = arith.addf %add3A_49, %convert_element_type3A_47 : vector<1024x1xf32>
    %lt3A_51 = arith.constant 31 : i32
    %lt3A_52 = vector.broadcast %lt3A_51 : i32 to vector<1024x1xi32>
    %lt3A_53 = arith.cmpi slt, %select_n3A_16, %lt3A_52 : vector<1024x1xi32>
    %convert_element_type3A_54 = arith.extui %lt3A_53 : vector<1024x1xi1> to vector<1024x1xi32>
    %convert_element_type3A_55 = arith.sitofp %convert_element_type3A_54 : vector<1024x1xi32> to vector<1024x1xf32>
    %add3A_56 = arith.addf %add3A_50, %convert_element_type3A_55 : vector<1024x1xf32>
    %gt3A_57 = arith.constant 0 : i32
    %gt3A_58 = vector.broadcast %gt3A_57 : i32 to vector<1024x1xi32>
    %gt3A_59 = arith.cmpi sgt, %select_n3A_44, %gt3A_58 : vector<1024x1xi32>
    %convert_element_type3A_60 = arith.extui %gt3A_59 : vector<1024x1xi1> to vector<1024x1xi32>
    %convert_element_type3A_61 = arith.sitofp %convert_element_type3A_60 : vector<1024x1xi32> to vector<1024x1xf32>
    %add3A_62 = arith.addf %add3A_56, %convert_element_type3A_61 : vector<1024x1xf32>
    %lt3A_63 = arith.constant 31 : i32
    %lt3A_64 = vector.broadcast %lt3A_63 : i32 to vector<1024x1xi32>
    %lt3A_65 = arith.cmpi slt, %select_n3A_44, %lt3A_64 : vector<1024x1xi32>
    %convert_element_type3A_66 = arith.extui %lt3A_65 : vector<1024x1xi1> to vector<1024x1xi32>
    %convert_element_type3A_67 = arith.sitofp %convert_element_type3A_66 : vector<1024x1xi32> to vector<1024x1xf32>
    %add3A_68 = arith.addf %add3A_62, %convert_element_type3A_67 : vector<1024x1xf32>
    %rsqrt3A = math.rsqrt %add3A_68 : vector<1024x1xf32>
    %slice3A = vector.extract_strided_slice %get3A_2 {offsets = [0, 0, 6], sizes = [1, 1, 2], strides = [1, 1, 1]} : vector<8x200x64xf32> to vector<1x1x2xf32>
    %squeeze3A = vector.shape_cast %slice3A : vector<1x1x2xf32> to vector<1x2xf32>
    %mul3A = arith.constant 3.200000e+01 : f32
    %mul3A_69 = vector.broadcast %mul3A : f32 to vector<1x2xf32>
    %mul3A_70 = arith.mulf %squeeze3A, %mul3A_69 : vector<1x2xf32>
    %floor3A = math.floor %mul3A_70 : vector<1x2xf32>
    %jit3A_71 = arith.constant 0 : i32
    %jit3A_72 = arith.constant 31 : i32
    %convert_element_type3A_73 = arith.sitofp %jit3A_71 : i32 to f32
    %max3A = vector.broadcast %convert_element_type3A_73 : f32 to vector<1x2xf32>
    %max3A_74 = arith.maximumf %max3A, %floor3A : vector<1x2xf32>
    %convert_element_type3A_75 = arith.sitofp %jit3A_72 : i32 to f32
    %min3A = vector.broadcast %convert_element_type3A_75 : f32 to vector<1x2xf32>
    %min3A_76 = arith.minimumf %min3A, %max3A_74 : vector<1x2xf32>
    %convert_element_type3A_77 = arith.fptosi %min3A_76 : vector<1x2xf32> to vector<1x2xi32>
    %slice3A_78 = vector.extract_strided_slice %convert_element_type3A_77 {offsets = [0, 0], sizes = [1, 1], strides = [1, 1]} : vector<1x2xi32> to vector<1x1xi32>
    %mul3A_79 = arith.constant 32 : i32
    %mul3A_80 = vector.broadcast %mul3A_79 : i32 to vector<1x1xi32>
    %mul3A_81 = arith.muli %slice3A_78, %mul3A_80 : vector<1x1xi32>
    %slice3A_82 = vector.extract_strided_slice %convert_element_type3A_77 {offsets = [0, 1], sizes = [1, 1], strides = [1, 1]} : vector<1x2xi32> to vector<1x1xi32>
    %add3A_83 = arith.addi %mul3A_81, %slice3A_82 : vector<1x1xi32>
    %eq3A_84 = vector.broadcast %add3A_83 : vector<1x1xi32> to vector<1024x1xi32>
    %eq3A_85 = arith.cmpi eq, %iota3A, %eq3A_84 : vector<1024x1xi32>
    %get3A_86 = arith.constant 0 : index
    %get3A_87 = arith.constant 0 : index
    %get3A_88 = arith.constant 0 : index
    %get3A_89 = vector.load %arg1[%get3A_86, %get3A_87, %get3A_88] : memref<8x1024x128xf32, #tpu.memory_space<vmem>>, vector<1x1024x128xf32>
    %get3A_90 = vector.shape_cast %get3A_89 : vector<1x1024x128xf32> to vector<1024x128xf32>
    %jit3A_91 = arith.constant 1.000000e+00 : f32
    %broadcast_in_dim3A = vector.shape_cast %eq3A_85 : vector<1024x1xi1> to vector<1024x1xi1>
    %broadcast_in_dim3A_92 = vector.broadcast %broadcast_in_dim3A : vector<1024x1xi1> to vector<1024x128xi1>
    %broadcast_in_dim3A_93 = vector.broadcast %jit3A_91 : f32 to vector<1024x128xf32>
    %select_n3A_94 = arith.select %broadcast_in_dim3A_92, %broadcast_in_dim3A_93, %get3A_90 : vector<1024x128xi1>, vector<1024x128xf32>
    %slice3A_95 = vector.extract_strided_slice %get3A_2 {offsets = [1, 0, 6], sizes = [1, 1, 2], strides = [1, 1, 1]} : vector<8x200x64xf32> to vector<1x1x2xf32>
    %squeeze3A_96 = vector.shape_cast %slice3A_95 : vector<1x1x2xf32> to vector<1x2xf32>
    %mul3A_97 = arith.constant 3.200000e+01 : f32
    %mul3A_98 = vector.broadcast %mul3A_97 : f32 to vector<1x2xf32>
    %mul3A_99 = arith.mulf %squeeze3A_96, %mul3A_98 : vector<1x2xf32>
    %floor3A_100 = math.floor %mul3A_99 : vector<1x2xf32>
    %jit3A_101 = arith.constant 0 : i32
    %jit3A_102 = arith.constant 31 : i32
    %convert_element_type3A_103 = arith.sitofp %jit3A_101 : i32 to f32
    %max3A_104 = vector.broadcast %convert_element_type3A_103 : f32 to vector<1x2xf32>
    %max3A_105 = arith.maximumf %max3A_104, %floor3A_100 : vector<1x2xf32>
    %convert_element_type3A_106 = arith.sitofp %jit3A_102 : i32 to f32
    %min3A_107 = vector.broadcast %convert_element_type3A_106 : f32 to vector<1x2xf32>
    %min3A_108 = arith.minimumf %min3A_107, %max3A_105 : vector<1x2xf32>
    %convert_element_type3A_109 = arith.fptosi %min3A_108 : vector<1x2xf32> to vector<1x2xi32>
    %slice3A_110 = vector.extract_strided_slice %convert_element_type3A_109 {offsets = [0, 0], sizes = [1, 1], strides = [1, 1]} : vector<1x2xi32> to vector<1x1xi32>
    %mul3A_111 = arith.constant 32 : i32
    %mul3A_112 = vector.broadcast %mul3A_111 : i32 to vector<1x1xi32>
    %mul3A_113 = arith.muli %slice3A_110, %mul3A_112 : vector<1x1xi32>
    %slice3A_114 = vector.extract_strided_slice %convert_element_type3A_109 {offsets = [0, 1], sizes = [1, 1], strides = [1, 1]} : vector<1x2xi32> to vector<1x1xi32>
    %add3A_115 = arith.addi %mul3A_113, %slice3A_114 : vector<1x1xi32>
    %eq3A_116 = vector.broadcast %add3A_115 : vector<1x1xi32> to vector<1024x1xi32>
    %eq3A_117 = arith.cmpi eq, %iota3A, %eq3A_116 : vector<1024x1xi32>
    %get3A_118 = arith.constant 1 : index
    %get3A_119 = arith.constant 0 : index
    %get3A_120 = arith.constant 0 : index
    %get3A_121 = vector.load %arg1[%get3A_118, %get3A_119, %get3A_120] : memref<8x1024x128xf32, #tpu.memory_space<vmem>>, vector<1x1024x128xf32>
    %get3A_122 = vector.shape_cast %get3A_121 : vector<1x1024x128xf32> to vector<1024x128xf32>
    %jit3A_123 = arith.constant 1.000000e+00 : f32
    %broadcast_in_dim3A_124 = vector.shape_cast %eq3A_117 : vector<1024x1xi1> to vector<1024x1xi1>
    %broadcast_in_dim3A_125 = vector.broadcast %broadcast_in_dim3A_124 : vector<1024x1xi1> to vector<1024x128xi1>
    %broadcast_in_dim3A_126 = vector.broadcast %jit3A_123 : f32 to vector<1024x128xf32>
    %select_n3A_127 = arith.select %broadcast_in_dim3A_125, %broadcast_in_dim3A_126, %get3A_122 : vector<1024x128xi1>, vector<1024x128xf32>
    %slice3A_128 = vector.extract_strided_slice %get3A_2 {offsets = [2, 0, 6], sizes = [1, 1, 2], strides = [1, 1, 1]} : vector<8x200x64xf32> to vector<1x1x2xf32>
    %squeeze3A_129 = vector.shape_cast %slice3A_128 : vector<1x1x2xf32> to vector<1x2xf32>
    %mul3A_130 = arith.constant 3.200000e+01 : f32
    %mul3A_131 = vector.broadcast %mul3A_130 : f32 to vector<1x2xf32>
    %mul3A_132 = arith.mulf %squeeze3A_129, %mul3A_131 : vector<1x2xf32>
    %floor3A_133 = math.floor %mul3A_132 : vector<1x2xf32>
    %jit3A_134 = arith.constant 0 : i32
    %jit3A_135 = arith.constant 31 : i32
    %convert_element_type3A_136 = arith.sitofp %jit3A_134 : i32 to f32
    %max3A_137 = vector.broadcast %convert_element_type3A_136 : f32 to vector<1x2xf32>
    %max3A_138 = arith.maximumf %max3A_137, %floor3A_133 : vector<1x2xf32>
    %convert_element_type3A_139 = arith.sitofp %jit3A_135 : i32 to f32
    %min3A_140 = vector.broadcast %convert_element_type3A_139 : f32 to vector<1x2xf32>
    %min3A_141 = arith.minimumf %min3A_140, %max3A_138 : vector<1x2xf32>
    %convert_element_type3A_142 = arith.fptosi %min3A_141 : vector<1x2xf32> to vector<1x2xi32>
    %slice3A_143 = vector.extract_strided_slice %convert_element_type3A_142 {offsets = [0, 0], sizes = [1, 1], strides = [1, 1]} : vector<1x2xi32> to vector<1x1xi32>
    %mul3A_144 = arith.constant 32 : i32
    %mul3A_145 = vector.broadcast %mul3A_144 : i32 to vector<1x1xi32>
    %mul3A_146 = arith.muli %slice3A_143, %mul3A_145 : vector<1x1xi32>
    %slice3A_147 = vector.extract_strided_slice %convert_element_type3A_142 {offsets = [0, 1], sizes = [1, 1], strides = [1, 1]} : vector<1x2xi32> to vector<1x1xi32>
    %add3A_148 = arith.addi %mul3A_146, %slice3A_147 : vector<1x1xi32>
    %eq3A_149 = vector.broadcast %add3A_148 : vector<1x1xi32> to vector<1024x1xi32>
    %eq3A_150 = arith.cmpi eq, %iota3A, %eq3A_149 : vector<1024x1xi32>
    %get3A_151 = arith.constant 2 : index
    %get3A_152 = arith.constant 0 : index
    %get3A_153 = arith.constant 0 : index
    %get3A_154 = vector.load %arg1[%get3A_151, %get3A_152, %get3A_153] : memref<8x1024x128xf32, #tpu.memory_space<vmem>>, vector<1x1024x128xf32>
    %get3A_155 = vector.shape_cast %get3A_154 : vector<1x1024x128xf32> to vector<1024x128xf32>
    %jit3A_156 = arith.constant 1.000000e+00 : f32
    %broadcast_in_dim3A_157 = vector.shape_cast %eq3A_150 : vector<1024x1xi1> to vector<1024x1xi1>
    %broadcast_in_dim3A_158 = vector.broadcast %broadcast_in_dim3A_157 : vector<1024x1xi1> to vector<1024x128xi1>
    %broadcast_in_dim3A_159 = vector.broadcast %jit3A_156 : f32 to vector<1024x128xf32>
    %select_n3A_160 = arith.select %broadcast_in_dim3A_158, %broadcast_in_dim3A_159, %get3A_155 : vector<1024x128xi1>, vector<1024x128xf32>
    %slice3A_161 = vector.extract_strided_slice %get3A_2 {offsets = [3, 0, 6], sizes = [1, 1, 2], strides = [1, 1, 1]} : vector<8x200x64xf32> to vector<1x1x2xf32>
    %squeeze3A_162 = vector.shape_cast %slice3A_161 : vector<1x1x2xf32> to vector<1x2xf32>
    %mul3A_163 = arith.constant 3.200000e+01 : f32
    %mul3A_164 = vector.broadcast %mul3A_163 : f32 to vector<1x2xf32>
    %mul3A_165 = arith.mulf %squeeze3A_162, %mul3A_164 : vector<1x2xf32>
    %floor3A_166 = math.floor %mul3A_165 : vector<1x2xf32>
    %jit3A_167 = arith.constant 0 : i32
    %jit3A_168 = arith.constant 31 : i32
    %convert_element_type3A_169 = arith.sitofp %jit3A_167 : i32 to f32
    %max3A_170 = vector.broadcast %convert_element_type3A_169 : f32 to vector<1x2xf32>
    %max3A_171 = arith.maximumf %max3A_170, %floor3A_166 : vector<1x2xf32>
    %convert_element_type3A_172 = arith.sitofp %jit3A_168 : i32 to f32
    %min3A_173 = vector.broadcast %convert_element_type3A_172 : f32 to vector<1x2xf32>
    %min3A_174 = arith.minimumf %min3A_173, %max3A_171 : vector<1x2xf32>
    %convert_element_type3A_175 = arith.fptosi %min3A_174 : vector<1x2xf32> to vector<1x2xi32>
    %slice3A_176 = vector.extract_strided_slice %convert_element_type3A_175 {offsets = [0, 0], sizes = [1, 1], strides = [1, 1]} : vector<1x2xi32> to vector<1x1xi32>
    %mul3A_177 = arith.constant 32 : i32
    %mul3A_178 = vector.broadcast %mul3A_177 : i32 to vector<1x1xi32>
    %mul3A_179 = arith.muli %slice3A_176, %mul3A_178 : vector<1x1xi32>
    %slice3A_180 = vector.extract_strided_slice %convert_element_type3A_175 {offsets = [0, 1], sizes = [1, 1], strides = [1, 1]} : vector<1x2xi32> to vector<1x1xi32>
    %add3A_181 = arith.addi %mul3A_179, %slice3A_180 : vector<1x1xi32>
    %eq3A_182 = vector.broadcast %add3A_181 : vector<1x1xi32> to vector<1024x1xi32>
    %eq3A_183 = arith.cmpi eq, %iota3A, %eq3A_182 : vector<1024x1xi32>
    %get3A_184 = arith.constant 3 : index
    %get3A_185 = arith.constant 0 : index
    %get3A_186 = arith.constant 0 : index
    %get3A_187 = vector.load %arg1[%get3A_184, %get3A_185, %get3A_186] : memref<8x1024x128xf32, #tpu.memory_space<vmem>>, vector<1x1024x128xf32>
    %get3A_188 = vector.shape_cast %get3A_187 : vector<1x1024x128xf32> to vector<1024x128xf32>
    %jit3A_189 = arith.constant 1.000000e+00 : f32
    %broadcast_in_dim3A_190 = vector.shape_cast %eq3A_183 : vector<1024x1xi1> to vector<1024x1xi1>
    %broadcast_in_dim3A_191 = vector.broadcast %broadcast_in_dim3A_190 : vector<1024x1xi1> to vector<1024x128xi1>
    %broadcast_in_dim3A_192 = vector.broadcast %jit3A_189 : f32 to vector<1024x128xf32>
    %select_n3A_193 = arith.select %broadcast_in_dim3A_191, %broadcast_in_dim3A_192, %get3A_188 : vector<1024x128xi1>, vector<1024x128xf32>
    %slice3A_194 = vector.extract_strided_slice %get3A_2 {offsets = [4, 0, 6], sizes = [1, 1, 2], strides = [1, 1, 1]} : vector<8x200x64xf32> to vector<1x1x2xf32>
    %squeeze3A_195 = vector.shape_cast %slice3A_194 : vector<1x1x2xf32> to vector<1x2xf32>
    %mul3A_196 = arith.constant 3.200000e+01 : f32
    %mul3A_197 = vector.broadcast %mul3A_196 : f32 to vector<1x2xf32>
    %mul3A_198 = arith.mulf %squeeze3A_195, %mul3A_197 : vector<1x2xf32>
    %floor3A_199 = math.floor %mul3A_198 : vector<1x2xf32>
    %jit3A_200 = arith.constant 0 : i32
    %jit3A_201 = arith.constant 31 : i32
    %convert_element_type3A_202 = arith.sitofp %jit3A_200 : i32 to f32
    %max3A_203 = vector.broadcast %convert_element_type3A_202 : f32 to vector<1x2xf32>
    %max3A_204 = arith.maximumf %max3A_203, %floor3A_199 : vector<1x2xf32>
    %convert_element_type3A_205 = arith.sitofp %jit3A_201 : i32 to f32
    %min3A_206 = vector.broadcast %convert_element_type3A_205 : f32 to vector<1x2xf32>
    %min3A_207 = arith.minimumf %min3A_206, %max3A_204 : vector<1x2xf32>
    %convert_element_type3A_208 = arith.fptosi %min3A_207 : vector<1x2xf32> to vector<1x2xi32>
    %slice3A_209 = vector.extract_strided_slice %convert_element_type3A_208 {offsets = [0, 0], sizes = [1, 1], strides = [1, 1]} : vector<1x2xi32> to vector<1x1xi32>
    %mul3A_210 = arith.constant 32 : i32
    %mul3A_211 = vector.broadcast %mul3A_210 : i32 to vector<1x1xi32>
    %mul3A_212 = arith.muli %slice3A_209, %mul3A_211 : vector<1x1xi32>
    %slice3A_213 = vector.extract_strided_slice %convert_element_type3A_208 {offsets = [0, 1], sizes = [1, 1], strides = [1, 1]} : vector<1x2xi32> to vector<1x1xi32>
    %add3A_214 = arith.addi %mul3A_212, %slice3A_213 : vector<1x1xi32>
    %eq3A_215 = vector.broadcast %add3A_214 : vector<1x1xi32> to vector<1024x1xi32>
    %eq3A_216 = arith.cmpi eq, %iota3A, %eq3A_215 : vector<1024x1xi32>
    %get3A_217 = arith.constant 4 : index
    %get3A_218 = arith.constant 0 : index
    %get3A_219 = arith.constant 0 : index
    %get3A_220 = vector.load %arg1[%get3A_217, %get3A_218, %get3A_219] : memref<8x1024x128xf32, #tpu.memory_space<vmem>>, vector<1x1024x128xf32>
    %get3A_221 = vector.shape_cast %get3A_220 : vector<1x1024x128xf32> to vector<1024x128xf32>
    %jit3A_222 = arith.constant 1.000000e+00 : f32
    %broadcast_in_dim3A_223 = vector.shape_cast %eq3A_216 : vector<1024x1xi1> to vector<1024x1xi1>
    %broadcast_in_dim3A_224 = vector.broadcast %broadcast_in_dim3A_223 : vector<1024x1xi1> to vector<1024x128xi1>
    %broadcast_in_dim3A_225 = vector.broadcast %jit3A_222 : f32 to vector<1024x128xf32>
    %select_n3A_226 = arith.select %broadcast_in_dim3A_224, %broadcast_in_dim3A_225, %get3A_221 : vector<1024x128xi1>, vector<1024x128xf32>
    %slice3A_227 = vector.extract_strided_slice %get3A_2 {offsets = [5, 0, 6], sizes = [1, 1, 2], strides = [1, 1, 1]} : vector<8x200x64xf32> to vector<1x1x2xf32>
    %squeeze3A_228 = vector.shape_cast %slice3A_227 : vector<1x1x2xf32> to vector<1x2xf32>
    %mul3A_229 = arith.constant 3.200000e+01 : f32
    %mul3A_230 = vector.broadcast %mul3A_229 : f32 to vector<1x2xf32>
    %mul3A_231 = arith.mulf %squeeze3A_228, %mul3A_230 : vector<1x2xf32>
    %floor3A_232 = math.floor %mul3A_231 : vector<1x2xf32>
    %jit3A_233 = arith.constant 0 : i32
    %jit3A_234 = arith.constant 31 : i32
    %convert_element_type3A_235 = arith.sitofp %jit3A_233 : i32 to f32
    %max3A_236 = vector.broadcast %convert_element_type3A_235 : f32 to vector<1x2xf32>
    %max3A_237 = arith.maximumf %max3A_236, %floor3A_232 : vector<1x2xf32>
    %convert_element_type3A_238 = arith.sitofp %jit3A_234 : i32 to f32
    %min3A_239 = vector.broadcast %convert_element_type3A_238 : f32 to vector<1x2xf32>
    %min3A_240 = arith.minimumf %min3A_239, %max3A_237 : vector<1x2xf32>
    %convert_element_type3A_241 = arith.fptosi %min3A_240 : vector<1x2xf32> to vector<1x2xi32>
    %slice3A_242 = vector.extract_strided_slice %convert_element_type3A_241 {offsets = [0, 0], sizes = [1, 1], strides = [1, 1]} : vector<1x2xi32> to vector<1x1xi32>
    %mul3A_243 = arith.constant 32 : i32
    %mul3A_244 = vector.broadcast %mul3A_243 : i32 to vector<1x1xi32>
    %mul3A_245 = arith.muli %slice3A_242, %mul3A_244 : vector<1x1xi32>
    %slice3A_246 = vector.extract_strided_slice %convert_element_type3A_241 {offsets = [0, 1], sizes = [1, 1], strides = [1, 1]} : vector<1x2xi32> to vector<1x1xi32>
    %add3A_247 = arith.addi %mul3A_245, %slice3A_246 : vector<1x1xi32>
    %eq3A_248 = vector.broadcast %add3A_247 : vector<1x1xi32> to vector<1024x1xi32>
    %eq3A_249 = arith.cmpi eq, %iota3A, %eq3A_248 : vector<1024x1xi32>
    %get3A_250 = arith.constant 5 : index
    %get3A_251 = arith.constant 0 : index
    %get3A_252 = arith.constant 0 : index
    %get3A_253 = vector.load %arg1[%get3A_250, %get3A_251, %get3A_252] : memref<8x1024x128xf32, #tpu.memory_space<vmem>>, vector<1x1024x128xf32>
    %get3A_254 = vector.shape_cast %get3A_253 : vector<1x1024x128xf32> to vector<1024x128xf32>
    %jit3A_255 = arith.constant 1.000000e+00 : f32
    %broadcast_in_dim3A_256 = vector.shape_cast %eq3A_249 : vector<1024x1xi1> to vector<1024x1xi1>
    %broadcast_in_dim3A_257 = vector.broadcast %broadcast_in_dim3A_256 : vector<1024x1xi1> to vector<1024x128xi1>
    %broadcast_in_dim3A_258 = vector.broadcast %jit3A_255 : f32 to vector<1024x128xf32>
    %select_n3A_259 = arith.select %broadcast_in_dim3A_257, %broadcast_in_dim3A_258, %get3A_254 : vector<1024x128xi1>, vector<1024x128xf32>
    %slice3A_260 = vector.extract_strided_slice %get3A_2 {offsets = [6, 0, 6], sizes = [1, 1, 2], strides = [1, 1, 1]} : vector<8x200x64xf32> to vector<1x1x2xf32>
    %squeeze3A_261 = vector.shape_cast %slice3A_260 : vector<1x1x2xf32> to vector<1x2xf32>
    %mul3A_262 = arith.constant 3.200000e+01 : f32
    %mul3A_263 = vector.broadcast %mul3A_262 : f32 to vector<1x2xf32>
    %mul3A_264 = arith.mulf %squeeze3A_261, %mul3A_263 : vector<1x2xf32>
    %floor3A_265 = math.floor %mul3A_264 : vector<1x2xf32>
    %jit3A_266 = arith.constant 0 : i32
    %jit3A_267 = arith.constant 31 : i32
    %convert_element_type3A_268 = arith.sitofp %jit3A_266 : i32 to f32
    %max3A_269 = vector.broadcast %convert_element_type3A_268 : f32 to vector<1x2xf32>
    %max3A_270 = arith.maximumf %max3A_269, %floor3A_265 : vector<1x2xf32>
    %convert_element_type3A_271 = arith.sitofp %jit3A_267 : i32 to f32
    %min3A_272 = vector.broadcast %convert_element_type3A_271 : f32 to vector<1x2xf32>
    %min3A_273 = arith.minimumf %min3A_272, %max3A_270 : vector<1x2xf32>
    %convert_element_type3A_274 = arith.fptosi %min3A_273 : vector<1x2xf32> to vector<1x2xi32>
    %slice3A_275 = vector.extract_strided_slice %convert_element_type3A_274 {offsets = [0, 0], sizes = [1, 1], strides = [1, 1]} : vector<1x2xi32> to vector<1x1xi32>
    %mul3A_276 = arith.constant 32 : i32
    %mul3A_277 = vector.broadcast %mul3A_276 : i32 to vector<1x1xi32>
    %mul3A_278 = arith.muli %slice3A_275, %mul3A_277 : vector<1x1xi32>
    %slice3A_279 = vector.extract_strided_slice %convert_element_type3A_274 {offsets = [0, 1], sizes = [1, 1], strides = [1, 1]} : vector<1x2xi32> to vector<1x1xi32>
    %add3A_280 = arith.addi %mul3A_278, %slice3A_279 : vector<1x1xi32>
    %eq3A_281 = vector.broadcast %add3A_280 : vector<1x1xi32> to vector<1024x1xi32>
    %eq3A_282 = arith.cmpi eq, %iota3A, %eq3A_281 : vector<1024x1xi32>
    %get3A_283 = arith.constant 6 : index
    %get3A_284 = arith.constant 0 : index
    %get3A_285 = arith.constant 0 : index
    %get3A_286 = vector.load %arg1[%get3A_283, %get3A_284, %get3A_285] : memref<8x1024x128xf32, #tpu.memory_space<vmem>>, vector<1x1024x128xf32>
    %get3A_287 = vector.shape_cast %get3A_286 : vector<1x1024x128xf32> to vector<1024x128xf32>
    %jit3A_288 = arith.constant 1.000000e+00 : f32
    %broadcast_in_dim3A_289 = vector.shape_cast %eq3A_282 : vector<1024x1xi1> to vector<1024x1xi1>
    %broadcast_in_dim3A_290 = vector.broadcast %broadcast_in_dim3A_289 : vector<1024x1xi1> to vector<1024x128xi1>
    %broadcast_in_dim3A_291 = vector.broadcast %jit3A_288 : f32 to vector<1024x128xf32>
    %select_n3A_292 = arith.select %broadcast_in_dim3A_290, %broadcast_in_dim3A_291, %get3A_287 : vector<1024x128xi1>, vector<1024x128xf32>
    %slice3A_293 = vector.extract_strided_slice %get3A_2 {offsets = [7, 0, 6], sizes = [1, 1, 2], strides = [1, 1, 1]} : vector<8x200x64xf32> to vector<1x1x2xf32>
    %squeeze3A_294 = vector.shape_cast %slice3A_293 : vector<1x1x2xf32> to vector<1x2xf32>
    %mul3A_295 = arith.constant 3.200000e+01 : f32
    %mul3A_296 = vector.broadcast %mul3A_295 : f32 to vector<1x2xf32>
    %mul3A_297 = arith.mulf %squeeze3A_294, %mul3A_296 : vector<1x2xf32>
    %floor3A_298 = math.floor %mul3A_297 : vector<1x2xf32>
    %jit3A_299 = arith.constant 0 : i32
    %jit3A_300 = arith.constant 31 : i32
    %convert_element_type3A_301 = arith.sitofp %jit3A_299 : i32 to f32
    %max3A_302 = vector.broadcast %convert_element_type3A_301 : f32 to vector<1x2xf32>
    %max3A_303 = arith.maximumf %max3A_302, %floor3A_298 : vector<1x2xf32>
    %convert_element_type3A_304 = arith.sitofp %jit3A_300 : i32 to f32
    %min3A_305 = vector.broadcast %convert_element_type3A_304 : f32 to vector<1x2xf32>
    %min3A_306 = arith.minimumf %min3A_305, %max3A_303 : vector<1x2xf32>
    %convert_element_type3A_307 = arith.fptosi %min3A_306 : vector<1x2xf32> to vector<1x2xi32>
    %slice3A_308 = vector.extract_strided_slice %convert_element_type3A_307 {offsets = [0, 0], sizes = [1, 1], strides = [1, 1]} : vector<1x2xi32> to vector<1x1xi32>
    %mul3A_309 = arith.constant 32 : i32
    %mul3A_310 = vector.broadcast %mul3A_309 : i32 to vector<1x1xi32>
    %mul3A_311 = arith.muli %slice3A_308, %mul3A_310 : vector<1x1xi32>
    %slice3A_312 = vector.extract_strided_slice %convert_element_type3A_307 {offsets = [0, 1], sizes = [1, 1], strides = [1, 1]} : vector<1x2xi32> to vector<1x1xi32>
    %add3A_313 = arith.addi %mul3A_311, %slice3A_312 : vector<1x1xi32>
    %eq3A_314 = vector.broadcast %add3A_313 : vector<1x1xi32> to vector<1024x1xi32>
    %eq3A_315 = arith.cmpi eq, %iota3A, %eq3A_314 : vector<1024x1xi32>
    %get3A_316 = arith.constant 7 : index
    %get3A_317 = arith.constant 0 : index
    %get3A_318 = arith.constant 0 : index
    %get3A_319 = vector.load %arg1[%get3A_316, %get3A_317, %get3A_318] : memref<8x1024x128xf32, #tpu.memory_space<vmem>>, vector<1x1024x128xf32>
    %get3A_320 = vector.shape_cast %get3A_319 : vector<1x1024x128xf32> to vector<1024x128xf32>
    %jit3A_321 = arith.constant 1.000000e+00 : f32
    %broadcast_in_dim3A_322 = vector.shape_cast %eq3A_315 : vector<1024x1xi1> to vector<1024x1xi1>
    %broadcast_in_dim3A_323 = vector.broadcast %broadcast_in_dim3A_322 : vector<1024x1xi1> to vector<1024x128xi1>
    %broadcast_in_dim3A_324 = vector.broadcast %jit3A_321 : f32 to vector<1024x128xf32>
    %select_n3A_325 = arith.select %broadcast_in_dim3A_323, %broadcast_in_dim3A_324, %get3A_320 : vector<1024x128xi1>, vector<1024x128xf32>
    %broadcast_in_dim3A_326 = arith.constant 0.000000e+00 : f32
    %broadcast_in_dim3A_327 = vector.broadcast %broadcast_in_dim3A_326 : f32 to vector<1x32x128xf32>
    %broadcast_in_dim3A_328 = arith.constant 0.000000e+00 : f32
    %broadcast_in_dim3A_329 = vector.broadcast %broadcast_in_dim3A_328 : f32 to vector<32x1x128xf32>
    %get3A_330 = arith.constant 0 : index
    %get3A_331 = arith.constant 0 : index
    %get3A_332 = arith.constant 0 : index
    %get3A_333 = vector.load %arg3[%get3A_330, %get3A_331, %get3A_332] : memref<6x128x128xf32, #tpu.memory_space<vmem>>, vector<1x128x128xf32>
    %get3A_334 = vector.shape_cast %get3A_333 : vector<1x128x128xf32> to vector<128x128xf32>
    %dot_general3A = arith.constant dense<0.000000e+00> : vector<1024x128xf32>
    %dot_general3A_335 = tpu.matmul %select_n3A_94, %get3A_334, %dot_general3A {dimension_numbers = #tpu.dot_dimension_numbers<[1], [0], [0], [1], [0, 0, 1, 1], [], []>, transpose_lhs_hint = false} : vector<1024x128xf32>, vector<128x128xf32>, vector<1024x128xf32> -> vector<1024x128xf32>
    %mul3A_336 = vector.broadcast %rsqrt3A : vector<1024x1xf32> to vector<1024x128xf32>
    %mul3A_337 = arith.mulf %dot_general3A_335, %mul3A_336 : vector<1024x128xf32>
    %reshape3A = vector.shape_cast %mul3A_337 : vector<1024x128xf32> to vector<32x32x128xf32>
    %slice3A_338 = vector.extract_strided_slice %reshape3A {offsets = [0, 0, 0], sizes = [31, 32, 128], strides = [1, 1, 1]} : vector<32x32x128xf32> to vector<31x32x128xf32>
    %concatenate3A = tpu.concatenate %broadcast_in_dim3A_327, %slice3A_338 in 0 : vector<1x32x128xf32>, vector<31x32x128xf32> -> vector<32x32x128xf32>
    %slice3A_339 = vector.extract_strided_slice %reshape3A {offsets = [1, 0, 0], sizes = [31, 32, 128], strides = [1, 1, 1]} : vector<32x32x128xf32> to vector<31x32x128xf32>
    %concatenate3A_340 = tpu.concatenate %slice3A_339, %broadcast_in_dim3A_327 in 0 : vector<31x32x128xf32>, vector<1x32x128xf32> -> vector<32x32x128xf32>
    %slice3A_341 = vector.extract_strided_slice %reshape3A {offsets = [0, 0, 0], sizes = [32, 31, 128], strides = [1, 1, 1]} : vector<32x32x128xf32> to vector<32x31x128xf32>
    %concatenate3A_342 = tpu.concatenate %broadcast_in_dim3A_329, %slice3A_341 in 1 : vector<32x1x128xf32>, vector<32x31x128xf32> -> vector<32x32x128xf32>
    %slice3A_343 = vector.extract_strided_slice %reshape3A {offsets = [0, 1, 0], sizes = [32, 31, 128], strides = [1, 1, 1]} : vector<32x32x128xf32> to vector<32x31x128xf32>
    %concatenate3A_344 = tpu.concatenate %slice3A_343, %broadcast_in_dim3A_329 in 1 : vector<32x31x128xf32>, vector<32x1x128xf32> -> vector<32x32x128xf32>
    %add3A_345 = arith.addf %reshape3A, %concatenate3A : vector<32x32x128xf32>
    %add3A_346 = arith.addf %concatenate3A_340, %concatenate3A_342 : vector<32x32x128xf32>
    %add3A_347 = arith.addf %add3A_345, %add3A_346 : vector<32x32x128xf32>
    %add3A_348 = arith.addf %add3A_347, %concatenate3A_344 : vector<32x32x128xf32>
    %reshape3A_349 = vector.shape_cast %add3A_348 : vector<32x32x128xf32> to vector<1024x128xf32>
    %mul3A_350 = vector.broadcast %rsqrt3A : vector<1024x1xf32> to vector<1024x128xf32>
    %mul3A_351 = arith.mulf %reshape3A_349, %mul3A_350 : vector<1024x128xf32>
    %get3A_352 = arith.constant 0 : index
    %get3A_353 = arith.constant 0 : index
    %get3A_354 = vector.load %arg4[%get3A_352, %get3A_353] : memref<6x128xf32, #tpu.memory_space<vmem>>, vector<1x128xf32>
    %get3A_355 = vector.shape_cast %get3A_354 : vector<1x128xf32> to vector<128xf32>
    %broadcast_in_dim3A_356 = vector.shape_cast %get3A_355 : vector<128xf32> to vector<1x128xf32>
    %add3A_357 = vector.broadcast %broadcast_in_dim3A_356 : vector<1x128xf32> to vector<1024x128xf32>
    %add3A_358 = arith.addf %mul3A_351, %add3A_357 : vector<1024x128xf32>
    %max3A_359 = arith.constant 0.000000e+00 : f32
    %max3A_360 = vector.broadcast %max3A_359 : f32 to vector<1024x128xf32>
    %max3A_361 = arith.maximumf %add3A_358, %max3A_360 : vector<1024x128xf32>
    %get3A_362 = arith.constant 0 : index
    %get3A_363 = arith.constant 0 : index
    %get3A_364 = arith.constant 0 : index
    %get3A_365 = vector.load %arg3[%get3A_362, %get3A_363, %get3A_364] : memref<6x128x128xf32, #tpu.memory_space<vmem>>, vector<1x128x128xf32>
    %get3A_366 = vector.shape_cast %get3A_365 : vector<1x128x128xf32> to vector<128x128xf32>
    %dot_general3A_367 = arith.constant dense<0.000000e+00> : vector<1024x128xf32>
    %dot_general3A_368 = tpu.matmul %select_n3A_127, %get3A_366, %dot_general3A_367 {dimension_numbers = #tpu.dot_dimension_numbers<[1], [0], [0], [1], [0, 0, 1, 1], [], []>, transpose_lhs_hint = false} : vector<1024x128xf32>, vector<128x128xf32>, vector<1024x128xf32> -> vector<1024x128xf32>
    %mul3A_369 = vector.broadcast %rsqrt3A : vector<1024x1xf32> to vector<1024x128xf32>
    %mul3A_370 = arith.mulf %dot_general3A_368, %mul3A_369 : vector<1024x128xf32>
    %reshape3A_371 = vector.shape_cast %mul3A_370 : vector<1024x128xf32> to vector<32x32x128xf32>
    %slice3A_372 = vector.extract_strided_slice %reshape3A_371 {offsets = [0, 0, 0], sizes = [31, 32, 128], strides = [1, 1, 1]} : vector<32x32x128xf32> to vector<31x32x128xf32>
    %concatenate3A_373 = tpu.concatenate %broadcast_in_dim3A_327, %slice3A_372 in 0 : vector<1x32x128xf32>, vector<31x32x128xf32> -> vector<32x32x128xf32>
    %slice3A_374 = vector.extract_strided_slice %reshape3A_371 {offsets = [1, 0, 0], sizes = [31, 32, 128], strides = [1, 1, 1]} : vector<32x32x128xf32> to vector<31x32x128xf32>
    %concatenate3A_375 = tpu.concatenate %slice3A_374, %broadcast_in_dim3A_327 in 0 : vector<31x32x128xf32>, vector<1x32x128xf32> -> vector<32x32x128xf32>
    %slice3A_376 = vector.extract_strided_slice %reshape3A_371 {offsets = [0, 0, 0], sizes = [32, 31, 128], strides = [1, 1, 1]} : vector<32x32x128xf32> to vector<32x31x128xf32>
    %concatenate3A_377 = tpu.concatenate %broadcast_in_dim3A_329, %slice3A_376 in 1 : vector<32x1x128xf32>, vector<32x31x128xf32> -> vector<32x32x128xf32>
    %slice3A_378 = vector.extract_strided_slice %reshape3A_371 {offsets = [0, 1, 0], sizes = [32, 31, 128], strides = [1, 1, 1]} : vector<32x32x128xf32> to vector<32x31x128xf32>
    %concatenate3A_379 = tpu.concatenate %slice3A_378, %broadcast_in_dim3A_329 in 1 : vector<32x31x128xf32>, vector<32x1x128xf32> -> vector<32x32x128xf32>
    %add3A_380 = arith.addf %reshape3A_371, %concatenate3A_373 : vector<32x32x128xf32>
    %add3A_381 = arith.addf %concatenate3A_375, %concatenate3A_377 : vector<32x32x128xf32>
    %add3A_382 = arith.addf %add3A_380, %add3A_381 : vector<32x32x128xf32>
    %add3A_383 = arith.addf %add3A_382, %concatenate3A_379 : vector<32x32x128xf32>
    %reshape3A_384 = vector.shape_cast %add3A_383 : vector<32x32x128xf32> to vector<1024x128xf32>
    %mul3A_385 = vector.broadcast %rsqrt3A : vector<1024x1xf32> to vector<1024x128xf32>
    %mul3A_386 = arith.mulf %reshape3A_384, %mul3A_385 : vector<1024x128xf32>
    %get3A_387 = arith.constant 0 : index
    %get3A_388 = arith.constant 0 : index
    %get3A_389 = vector.load %arg4[%get3A_387, %get3A_388] : memref<6x128xf32, #tpu.memory_space<vmem>>, vector<1x128xf32>
    %get3A_390 = vector.shape_cast %get3A_389 : vector<1x128xf32> to vector<128xf32>
    %broadcast_in_dim3A_391 = vector.shape_cast %get3A_390 : vector<128xf32> to vector<1x128xf32>
    %add3A_392 = vector.broadcast %broadcast_in_dim3A_391 : vector<1x128xf32> to vector<1024x128xf32>
    %add3A_393 = arith.addf %mul3A_386, %add3A_392 : vector<1024x128xf32>
    %max3A_394 = arith.constant 0.000000e+00 : f32
    %max3A_395 = vector.broadcast %max3A_394 : f32 to vector<1024x128xf32>
    %max3A_396 = arith.maximumf %add3A_393, %max3A_395 : vector<1024x128xf32>
    %get3A_397 = arith.constant 0 : index
    %get3A_398 = arith.constant 0 : index
    %get3A_399 = arith.constant 0 : index
    %get3A_400 = vector.load %arg3[%get3A_397, %get3A_398, %get3A_399] : memref<6x128x128xf32, #tpu.memory_space<vmem>>, vector<1x128x128xf32>
    %get3A_401 = vector.shape_cast %get3A_400 : vector<1x128x128xf32> to vector<128x128xf32>
    %dot_general3A_402 = arith.constant dense<0.000000e+00> : vector<1024x128xf32>
    %dot_general3A_403 = tpu.matmul %select_n3A_160, %get3A_401, %dot_general3A_402 {dimension_numbers = #tpu.dot_dimension_numbers<[1], [0], [0], [1], [0, 0, 1, 1], [], []>, transpose_lhs_hint = false} : vector<1024x128xf32>, vector<128x128xf32>, vector<1024x128xf32> -> vector<1024x128xf32>
    %mul3A_404 = vector.broadcast %rsqrt3A : vector<1024x1xf32> to vector<1024x128xf32>
    %mul3A_405 = arith.mulf %dot_general3A_403, %mul3A_404 : vector<1024x128xf32>
    %reshape3A_406 = vector.shape_cast %mul3A_405 : vector<1024x128xf32> to vector<32x32x128xf32>
    %slice3A_407 = vector.extract_strided_slice %reshape3A_406 {offsets = [0, 0, 0], sizes = [31, 32, 128], strides = [1, 1, 1]} : vector<32x32x128xf32> to vector<31x32x128xf32>
    %concatenate3A_408 = tpu.concatenate %broadcast_in_dim3A_327, %slice3A_407 in 0 : vector<1x32x128xf32>, vector<31x32x128xf32> -> vector<32x32x128xf32>
    %slice3A_409 = vector.extract_strided_slice %reshape3A_406 {offsets = [1, 0, 0], sizes = [31, 32, 128], strides = [1, 1, 1]} : vector<32x32x128xf32> to vector<31x32x128xf32>
    %concatenate3A_410 = tpu.concatenate %slice3A_409, %broadcast_in_dim3A_327 in 0 : vector<31x32x128xf32>, vector<1x32x128xf32> -> vector<32x32x128xf32>
    %slice3A_411 = vector.extract_strided_slice %reshape3A_406 {offsets = [0, 0, 0], sizes = [32, 31, 128], strides = [1, 1, 1]} : vector<32x32x128xf32> to vector<32x31x128xf32>
    %concatenate3A_412 = tpu.concatenate %broadcast_in_dim3A_329, %slice3A_411 in 1 : vector<32x1x128xf32>, vector<32x31x128xf32> -> vector<32x32x128xf32>
    %slice3A_413 = vector.extract_strided_slice %reshape3A_406 {offsets = [0, 1, 0], sizes = [32, 31, 128], strides = [1, 1, 1]} : vector<32x32x128xf32> to vector<32x31x128xf32>
    %concatenate3A_414 = tpu.concatenate %slice3A_413, %broadcast_in_dim3A_329 in 1 : vector<32x31x128xf32>, vector<32x1x128xf32> -> vector<32x32x128xf32>
    %add3A_415 = arith.addf %reshape3A_406, %concatenate3A_408 : vector<32x32x128xf32>
    %add3A_416 = arith.addf %concatenate3A_410, %concatenate3A_412 : vector<32x32x128xf32>
    %add3A_417 = arith.addf %add3A_415, %add3A_416 : vector<32x32x128xf32>
    %add3A_418 = arith.addf %add3A_417, %concatenate3A_414 : vector<32x32x128xf32>
    %reshape3A_419 = vector.shape_cast %add3A_418 : vector<32x32x128xf32> to vector<1024x128xf32>
    %mul3A_420 = vector.broadcast %rsqrt3A : vector<1024x1xf32> to vector<1024x128xf32>
    %mul3A_421 = arith.mulf %reshape3A_419, %mul3A_420 : vector<1024x128xf32>
    %get3A_422 = arith.constant 0 : index
    %get3A_423 = arith.constant 0 : index
    %get3A_424 = vector.load %arg4[%get3A_422, %get3A_423] : memref<6x128xf32, #tpu.memory_space<vmem>>, vector<1x128xf32>
    %get3A_425 = vector.shape_cast %get3A_424 : vector<1x128xf32> to vector<128xf32>
    %broadcast_in_dim3A_426 = vector.shape_cast %get3A_425 : vector<128xf32> to vector<1x128xf32>
    %add3A_427 = vector.broadcast %broadcast_in_dim3A_426 : vector<1x128xf32> to vector<1024x128xf32>
    %add3A_428 = arith.addf %mul3A_421, %add3A_427 : vector<1024x128xf32>
    %max3A_429 = arith.constant 0.000000e+00 : f32
    %max3A_430 = vector.broadcast %max3A_429 : f32 to vector<1024x128xf32>
    %max3A_431 = arith.maximumf %add3A_428, %max3A_430 : vector<1024x128xf32>
    %get3A_432 = arith.constant 0 : index
    %get3A_433 = arith.constant 0 : index
    %get3A_434 = arith.constant 0 : index
    %get3A_435 = vector.load %arg3[%get3A_432, %get3A_433, %get3A_434] : memref<6x128x128xf32, #tpu.memory_space<vmem>>, vector<1x128x128xf32>
    %get3A_436 = vector.shape_cast %get3A_435 : vector<1x128x128xf32> to vector<128x128xf32>
    %dot_general3A_437 = arith.constant dense<0.000000e+00> : vector<1024x128xf32>
    %dot_general3A_438 = tpu.matmul %select_n3A_193, %get3A_436, %dot_general3A_437 {dimension_numbers = #tpu.dot_dimension_numbers<[1], [0], [0], [1], [0, 0, 1, 1], [], []>, transpose_lhs_hint = false} : vector<1024x128xf32>, vector<128x128xf32>, vector<1024x128xf32> -> vector<1024x128xf32>
    %mul3A_439 = vector.broadcast %rsqrt3A : vector<1024x1xf32> to vector<1024x128xf32>
    %mul3A_440 = arith.mulf %dot_general3A_438, %mul3A_439 : vector<1024x128xf32>
    %reshape3A_441 = vector.shape_cast %mul3A_440 : vector<1024x128xf32> to vector<32x32x128xf32>
    %slice3A_442 = vector.extract_strided_slice %reshape3A_441 {offsets = [0, 0, 0], sizes = [31, 32, 128], strides = [1, 1, 1]} : vector<32x32x128xf32> to vector<31x32x128xf32>
    %concatenate3A_443 = tpu.concatenate %broadcast_in_dim3A_327, %slice3A_442 in 0 : vector<1x32x128xf32>, vector<31x32x128xf32> -> vector<32x32x128xf32>
    %slice3A_444 = vector.extract_strided_slice %reshape3A_441 {offsets = [1, 0, 0], sizes = [31, 32, 128], strides = [1, 1, 1]} : vector<32x32x128xf32> to vector<31x32x128xf32>
    %concatenate3A_445 = tpu.concatenate %slice3A_444, %broadcast_in_dim3A_327 in 0 : vector<31x32x128xf32>, vector<1x32x128xf32> -> vector<32x32x128xf32>
    %slice3A_446 = vector.extract_strided_slice %reshape3A_441 {offsets = [0, 0, 0], sizes = [32, 31, 128], strides = [1, 1, 1]} : vector<32x32x128xf32> to vector<32x31x128xf32>
    %concatenate3A_447 = tpu.concatenate %broadcast_in_dim3A_329, %slice3A_446 in 1 : vector<32x1x128xf32>, vector<32x31x128xf32> -> vector<32x32x128xf32>
    %slice3A_448 = vector.extract_strided_slice %reshape3A_441 {offsets = [0, 1, 0], sizes = [32, 31, 128], strides = [1, 1, 1]} : vector<32x32x128xf32> to vector<32x31x128xf32>
    %concatenate3A_449 = tpu.concatenate %slice3A_448, %broadcast_in_dim3A_329 in 1 : vector<32x31x128xf32>, vector<32x1x128xf32> -> vector<32x32x128xf32>
    %add3A_450 = arith.addf %reshape3A_441, %concatenate3A_443 : vector<32x32x128xf32>
    %add3A_451 = arith.addf %concatenate3A_445, %concatenate3A_447 : vector<32x32x128xf32>
    %add3A_452 = arith.addf %add3A_450, %add3A_451 : vector<32x32x128xf32>
    %add3A_453 = arith.addf %add3A_452, %concatenate3A_449 : vector<32x32x128xf32>
    %reshape3A_454 = vector.shape_cast %add3A_453 : vector<32x32x128xf32> to vector<1024x128xf32>
    %mul3A_455 = vector.broadcast %rsqrt3A : vector<1024x1xf32> to vector<1024x128xf32>
    %mul3A_456 = arith.mulf %reshape3A_454, %mul3A_455 : vector<1024x128xf32>
    %get3A_457 = arith.constant 0 : index
    %get3A_458 = arith.constant 0 : index
    %get3A_459 = vector.load %arg4[%get3A_457, %get3A_458] : memref<6x128xf32, #tpu.memory_space<vmem>>, vector<1x128xf32>
    %get3A_460 = vector.shape_cast %get3A_459 : vector<1x128xf32> to vector<128xf32>
    %broadcast_in_dim3A_461 = vector.shape_cast %get3A_460 : vector<128xf32> to vector<1x128xf32>
    %add3A_462 = vector.broadcast %broadcast_in_dim3A_461 : vector<1x128xf32> to vector<1024x128xf32>
    %add3A_463 = arith.addf %mul3A_456, %add3A_462 : vector<1024x128xf32>
    %max3A_464 = arith.constant 0.000000e+00 : f32
    %max3A_465 = vector.broadcast %max3A_464 : f32 to vector<1024x128xf32>
    %max3A_466 = arith.maximumf %add3A_463, %max3A_465 : vector<1024x128xf32>
    %get3A_467 = arith.constant 0 : index
    %get3A_468 = arith.constant 0 : index
    %get3A_469 = arith.constant 0 : index
    %get3A_470 = vector.load %arg3[%get3A_467, %get3A_468, %get3A_469] : memref<6x128x128xf32, #tpu.memory_space<vmem>>, vector<1x128x128xf32>
    %get3A_471 = vector.shape_cast %get3A_470 : vector<1x128x128xf32> to vector<128x128xf32>
    %dot_general3A_472 = arith.constant dense<0.000000e+00> : vector<1024x128xf32>
    %dot_general3A_473 = tpu.matmul %select_n3A_226, %get3A_471, %dot_general3A_472 {dimension_numbers = #tpu.dot_dimension_numbers<[1], [0], [0], [1], [0, 0, 1, 1], [], []>, transpose_lhs_hint = false} : vector<1024x128xf32>, vector<128x128xf32>, vector<1024x128xf32> -> vector<1024x128xf32>
    %mul3A_474 = vector.broadcast %rsqrt3A : vector<1024x1xf32> to vector<1024x128xf32>
    %mul3A_475 = arith.mulf %dot_general3A_473, %mul3A_474 : vector<1024x128xf32>
    %reshape3A_476 = vector.shape_cast %mul3A_475 : vector<1024x128xf32> to vector<32x32x128xf32>
    %slice3A_477 = vector.extract_strided_slice %reshape3A_476 {offsets = [0, 0, 0], sizes = [31, 32, 128], strides = [1, 1, 1]} : vector<32x32x128xf32> to vector<31x32x128xf32>
    %concatenate3A_478 = tpu.concatenate %broadcast_in_dim3A_327, %slice3A_477 in 0 : vector<1x32x128xf32>, vector<31x32x128xf32> -> vector<32x32x128xf32>
    %slice3A_479 = vector.extract_strided_slice %reshape3A_476 {offsets = [1, 0, 0], sizes = [31, 32, 128], strides = [1, 1, 1]} : vector<32x32x128xf32> to vector<31x32x128xf32>
    %concatenate3A_480 = tpu.concatenate %slice3A_479, %broadcast_in_dim3A_327 in 0 : vector<31x32x128xf32>, vector<1x32x128xf32> -> vector<32x32x128xf32>
    %slice3A_481 = vector.extract_strided_slice %reshape3A_476 {offsets = [0, 0, 0], sizes = [32, 31, 128], strides = [1, 1, 1]} : vector<32x32x128xf32> to vector<32x31x128xf32>
    %concatenate3A_482 = tpu.concatenate %broadcast_in_dim3A_329, %slice3A_481 in 1 : vector<32x1x128xf32>, vector<32x31x128xf32> -> vector<32x32x128xf32>
    %slice3A_483 = vector.extract_strided_slice %reshape3A_476 {offsets = [0, 1, 0], sizes = [32, 31, 128], strides = [1, 1, 1]} : vector<32x32x128xf32> to vector<32x31x128xf32>
    %concatenate3A_484 = tpu.concatenate %slice3A_483, %broadcast_in_dim3A_329 in 1 : vector<32x31x128xf32>, vector<32x1x128xf32> -> vector<32x32x128xf32>
    %add3A_485 = arith.addf %reshape3A_476, %concatenate3A_478 : vector<32x32x128xf32>
    %add3A_486 = arith.addf %concatenate3A_480, %concatenate3A_482 : vector<32x32x128xf32>
    %add3A_487 = arith.addf %add3A_485, %add3A_486 : vector<32x32x128xf32>
    %add3A_488 = arith.addf %add3A_487, %concatenate3A_484 : vector<32x32x128xf32>
    %reshape3A_489 = vector.shape_cast %add3A_488 : vector<32x32x128xf32> to vector<1024x128xf32>
    %mul3A_490 = vector.broadcast %rsqrt3A : vector<1024x1xf32> to vector<1024x128xf32>
    %mul3A_491 = arith.mulf %reshape3A_489, %mul3A_490 : vector<1024x128xf32>
    %get3A_492 = arith.constant 0 : index
    %get3A_493 = arith.constant 0 : index
    %get3A_494 = vector.load %arg4[%get3A_492, %get3A_493] : memref<6x128xf32, #tpu.memory_space<vmem>>, vector<1x128xf32>
    %get3A_495 = vector.shape_cast %get3A_494 : vector<1x128xf32> to vector<128xf32>
    %broadcast_in_dim3A_496 = vector.shape_cast %get3A_495 : vector<128xf32> to vector<1x128xf32>
    %add3A_497 = vector.broadcast %broadcast_in_dim3A_496 : vector<1x128xf32> to vector<1024x128xf32>
    %add3A_498 = arith.addf %mul3A_491, %add3A_497 : vector<1024x128xf32>
    %max3A_499 = arith.constant 0.000000e+00 : f32
    %max3A_500 = vector.broadcast %max3A_499 : f32 to vector<1024x128xf32>
    %max3A_501 = arith.maximumf %add3A_498, %max3A_500 : vector<1024x128xf32>
    %get3A_502 = arith.constant 0 : index
    %get3A_503 = arith.constant 0 : index
    %get3A_504 = arith.constant 0 : index
    %get3A_505 = vector.load %arg3[%get3A_502, %get3A_503, %get3A_504] : memref<6x128x128xf32, #tpu.memory_space<vmem>>, vector<1x128x128xf32>
    %get3A_506 = vector.shape_cast %get3A_505 : vector<1x128x128xf32> to vector<128x128xf32>
    %dot_general3A_507 = arith.constant dense<0.000000e+00> : vector<1024x128xf32>
    %dot_general3A_508 = tpu.matmul %select_n3A_259, %get3A_506, %dot_general3A_507 {dimension_numbers = #tpu.dot_dimension_numbers<[1], [0], [0], [1], [0, 0, 1, 1], [], []>, transpose_lhs_hint = false} : vector<1024x128xf32>, vector<128x128xf32>, vector<1024x128xf32> -> vector<1024x128xf32>
    %mul3A_509 = vector.broadcast %rsqrt3A : vector<1024x1xf32> to vector<1024x128xf32>
    %mul3A_510 = arith.mulf %dot_general3A_508, %mul3A_509 : vector<1024x128xf32>
    %reshape3A_511 = vector.shape_cast %mul3A_510 : vector<1024x128xf32> to vector<32x32x128xf32>
    %slice3A_512 = vector.extract_strided_slice %reshape3A_511 {offsets = [0, 0, 0], sizes = [31, 32, 128], strides = [1, 1, 1]} : vector<32x32x128xf32> to vector<31x32x128xf32>
    %concatenate3A_513 = tpu.concatenate %broadcast_in_dim3A_327, %slice3A_512 in 0 : vector<1x32x128xf32>, vector<31x32x128xf32> -> vector<32x32x128xf32>
    %slice3A_514 = vector.extract_strided_slice %reshape3A_511 {offsets = [1, 0, 0], sizes = [31, 32, 128], strides = [1, 1, 1]} : vector<32x32x128xf32> to vector<31x32x128xf32>
    %concatenate3A_515 = tpu.concatenate %slice3A_514, %broadcast_in_dim3A_327 in 0 : vector<31x32x128xf32>, vector<1x32x128xf32> -> vector<32x32x128xf32>
    %slice3A_516 = vector.extract_strided_slice %reshape3A_511 {offsets = [0, 0, 0], sizes = [32, 31, 128], strides = [1, 1, 1]} : vector<32x32x128xf32> to vector<32x31x128xf32>
    %concatenate3A_517 = tpu.concatenate %broadcast_in_dim3A_329, %slice3A_516 in 1 : vector<32x1x128xf32>, vector<32x31x128xf32> -> vector<32x32x128xf32>
    %slice3A_518 = vector.extract_strided_slice %reshape3A_511 {offsets = [0, 1, 0], sizes = [32, 31, 128], strides = [1, 1, 1]} : vector<32x32x128xf32> to vector<32x31x128xf32>
    %concatenate3A_519 = tpu.concatenate %slice3A_518, %broadcast_in_dim3A_329 in 1 : vector<32x31x128xf32>, vector<32x1x128xf32> -> vector<32x32x128xf32>
    %add3A_520 = arith.addf %reshape3A_511, %concatenate3A_513 : vector<32x32x128xf32>
    %add3A_521 = arith.addf %concatenate3A_515, %concatenate3A_517 : vector<32x32x128xf32>
    %add3A_522 = arith.addf %add3A_520, %add3A_521 : vector<32x32x128xf32>
    %add3A_523 = arith.addf %add3A_522, %concatenate3A_519 : vector<32x32x128xf32>
    %reshape3A_524 = vector.shape_cast %add3A_523 : vector<32x32x128xf32> to vector<1024x128xf32>
    %mul3A_525 = vector.broadcast %rsqrt3A : vector<1024x1xf32> to vector<1024x128xf32>
    %mul3A_526 = arith.mulf %reshape3A_524, %mul3A_525 : vector<1024x128xf32>
    %get3A_527 = arith.constant 0 : index
    %get3A_528 = arith.constant 0 : index
    %get3A_529 = vector.load %arg4[%get3A_527, %get3A_528] : memref<6x128xf32, #tpu.memory_space<vmem>>, vector<1x128xf32>
    %get3A_530 = vector.shape_cast %get3A_529 : vector<1x128xf32> to vector<128xf32>
    %broadcast_in_dim3A_531 = vector.shape_cast %get3A_530 : vector<128xf32> to vector<1x128xf32>
    %add3A_532 = vector.broadcast %broadcast_in_dim3A_531 : vector<1x128xf32> to vector<1024x128xf32>
    %add3A_533 = arith.addf %mul3A_526, %add3A_532 : vector<1024x128xf32>
    %max3A_534 = arith.constant 0.000000e+00 : f32
    %max3A_535 = vector.broadcast %max3A_534 : f32 to vector<1024x128xf32>
    %max3A_536 = arith.maximumf %add3A_533, %max3A_535 : vector<1024x128xf32>
    %get3A_537 = arith.constant 0 : index
    %get3A_538 = arith.constant 0 : index
    %get3A_539 = arith.constant 0 : index
    %get3A_540 = vector.load %arg3[%get3A_537, %get3A_538, %get3A_539] : memref<6x128x128xf32, #tpu.memory_space<vmem>>, vector<1x128x128xf32>
    %get3A_541 = vector.shape_cast %get3A_540 : vector<1x128x128xf32> to vector<128x128xf32>
    %dot_general3A_542 = arith.constant dense<0.000000e+00> : vector<1024x128xf32>
    %dot_general3A_543 = tpu.matmul %select_n3A_292, %get3A_541, %dot_general3A_542 {dimension_numbers = #tpu.dot_dimension_numbers<[1], [0], [0], [1], [0, 0, 1, 1], [], []>, transpose_lhs_hint = false} : vector<1024x128xf32>, vector<128x128xf32>, vector<1024x128xf32> -> vector<1024x128xf32>
    %mul3A_544 = vector.broadcast %rsqrt3A : vector<1024x1xf32> to vector<1024x128xf32>
    %mul3A_545 = arith.mulf %dot_general3A_543, %mul3A_544 : vector<1024x128xf32>
    %reshape3A_546 = vector.shape_cast %mul3A_545 : vector<1024x128xf32> to vector<32x32x128xf32>
    %slice3A_547 = vector.extract_strided_slice %reshape3A_546 {offsets = [0, 0, 0], sizes = [31, 32, 128], strides = [1, 1, 1]} : vector<32x32x128xf32> to vector<31x32x128xf32>
    %concatenate3A_548 = tpu.concatenate %broadcast_in_dim3A_327, %slice3A_547 in 0 : vector<1x32x128xf32>, vector<31x32x128xf32> -> vector<32x32x128xf32>
    %slice3A_549 = vector.extract_strided_slice %reshape3A_546 {offsets = [1, 0, 0], sizes = [31, 32, 128], strides = [1, 1, 1]} : vector<32x32x128xf32> to vector<31x32x128xf32>
    %concatenate3A_550 = tpu.concatenate %slice3A_549, %broadcast_in_dim3A_327 in 0 : vector<31x32x128xf32>, vector<1x32x128xf32> -> vector<32x32x128xf32>
    %slice3A_551 = vector.extract_strided_slice %reshape3A_546 {offsets = [0, 0, 0], sizes = [32, 31, 128], strides = [1, 1, 1]} : vector<32x32x128xf32> to vector<32x31x128xf32>
    %concatenate3A_552 = tpu.concatenate %broadcast_in_dim3A_329, %slice3A_551 in 1 : vector<32x1x128xf32>, vector<32x31x128xf32> -> vector<32x32x128xf32>
    %slice3A_553 = vector.extract_strided_slice %reshape3A_546 {offsets = [0, 1, 0], sizes = [32, 31, 128], strides = [1, 1, 1]} : vector<32x32x128xf32> to vector<32x31x128xf32>
    %concatenate3A_554 = tpu.concatenate %slice3A_553, %broadcast_in_dim3A_329 in 1 : vector<32x31x128xf32>, vector<32x1x128xf32> -> vector<32x32x128xf32>
    %add3A_555 = arith.addf %reshape3A_546, %concatenate3A_548 : vector<32x32x128xf32>
    %add3A_556 = arith.addf %concatenate3A_550, %concatenate3A_552 : vector<32x32x128xf32>
    %add3A_557 = arith.addf %add3A_555, %add3A_556 : vector<32x32x128xf32>
    %add3A_558 = arith.addf %add3A_557, %concatenate3A_554 : vector<32x32x128xf32>
    %reshape3A_559 = vector.shape_cast %add3A_558 : vector<32x32x128xf32> to vector<1024x128xf32>
    %mul3A_560 = vector.broadcast %rsqrt3A : vector<1024x1xf32> to vector<1024x128xf32>
    %mul3A_561 = arith.mulf %reshape3A_559, %mul3A_560 : vector<1024x128xf32>
    %get3A_562 = arith.constant 0 : index
    %get3A_563 = arith.constant 0 : index
    %get3A_564 = vector.load %arg4[%get3A_562, %get3A_563] : memref<6x128xf32, #tpu.memory_space<vmem>>, vector<1x128xf32>
    %get3A_565 = vector.shape_cast %get3A_564 : vector<1x128xf32> to vector<128xf32>
    %broadcast_in_dim3A_566 = vector.shape_cast %get3A_565 : vector<128xf32> to vector<1x128xf32>
    %add3A_567 = vector.broadcast %broadcast_in_dim3A_566 : vector<1x128xf32> to vector<1024x128xf32>
    %add3A_568 = arith.addf %mul3A_561, %add3A_567 : vector<1024x128xf32>
    %max3A_569 = arith.constant 0.000000e+00 : f32
    %max3A_570 = vector.broadcast %max3A_569 : f32 to vector<1024x128xf32>
    %max3A_571 = arith.maximumf %add3A_568, %max3A_570 : vector<1024x128xf32>
    %get3A_572 = arith.constant 0 : index
    %get3A_573 = arith.constant 0 : index
    %get3A_574 = arith.constant 0 : index
    %get3A_575 = vector.load %arg3[%get3A_572, %get3A_573, %get3A_574] : memref<6x128x128xf32, #tpu.memory_space<vmem>>, vector<1x128x128xf32>
    %get3A_576 = vector.shape_cast %get3A_575 : vector<1x128x128xf32> to vector<128x128xf32>
    %dot_general3A_577 = arith.constant dense<0.000000e+00> : vector<1024x128xf32>
    %dot_general3A_578 = tpu.matmul %select_n3A_325, %get3A_576, %dot_general3A_577 {dimension_numbers = #tpu.dot_dimension_numbers<[1], [0], [0], [1], [0, 0, 1, 1], [], []>, transpose_lhs_hint = false} : vector<1024x128xf32>, vector<128x128xf32>, vector<1024x128xf32> -> vector<1024x128xf32>
    %mul3A_579 = vector.broadcast %rsqrt3A : vector<1024x1xf32> to vector<1024x128xf32>
    %mul3A_580 = arith.mulf %dot_general3A_578, %mul3A_579 : vector<1024x128xf32>
    %reshape3A_581 = vector.shape_cast %mul3A_580 : vector<1024x128xf32> to vector<32x32x128xf32>
    %slice3A_582 = vector.extract_strided_slice %reshape3A_581 {offsets = [0, 0, 0], sizes = [31, 32, 128], strides = [1, 1, 1]} : vector<32x32x128xf32> to vector<31x32x128xf32>
    %concatenate3A_583 = tpu.concatenate %broadcast_in_dim3A_327, %slice3A_582 in 0 : vector<1x32x128xf32>, vector<31x32x128xf32> -> vector<32x32x128xf32>
    %slice3A_584 = vector.extract_strided_slice %reshape3A_581 {offsets = [1, 0, 0], sizes = [31, 32, 128], strides = [1, 1, 1]} : vector<32x32x128xf32> to vector<31x32x128xf32>
    %concatenate3A_585 = tpu.concatenate %slice3A_584, %broadcast_in_dim3A_327 in 0 : vector<31x32x128xf32>, vector<1x32x128xf32> -> vector<32x32x128xf32>
    %slice3A_586 = vector.extract_strided_slice %reshape3A_581 {offsets = [0, 0, 0], sizes = [32, 31, 128], strides = [1, 1, 1]} : vector<32x32x128xf32> to vector<32x31x128xf32>
    %concatenate3A_587 = tpu.concatenate %broadcast_in_dim3A_329, %slice3A_586 in 1 : vector<32x1x128xf32>, vector<32x31x128xf32> -> vector<32x32x128xf32>
    %slice3A_588 = vector.extract_strided_slice %reshape3A_581 {offsets = [0, 1, 0], sizes = [32, 31, 128], strides = [1, 1, 1]} : vector<32x32x128xf32> to vector<32x31x128xf32>
    %concatenate3A_589 = tpu.concatenate %slice3A_588, %broadcast_in_dim3A_329 in 1 : vector<32x31x128xf32>, vector<32x1x128xf32> -> vector<32x32x128xf32>
    %add3A_590 = arith.addf %reshape3A_581, %concatenate3A_583 : vector<32x32x128xf32>
    %add3A_591 = arith.addf %concatenate3A_585, %concatenate3A_587 : vector<32x32x128xf32>
    %add3A_592 = arith.addf %add3A_590, %add3A_591 : vector<32x32x128xf32>
    %add3A_593 = arith.addf %add3A_592, %concatenate3A_589 : vector<32x32x128xf32>
    %reshape3A_594 = vector.shape_cast %add3A_593 : vector<32x32x128xf32> to vector<1024x128xf32>
    %mul3A_595 = vector.broadcast %rsqrt3A : vector<1024x1xf32> to vector<1024x128xf32>
    %mul3A_596 = arith.mulf %reshape3A_594, %mul3A_595 : vector<1024x128xf32>
    %get3A_597 = arith.constant 0 : index
    %get3A_598 = arith.constant 0 : index
    %get3A_599 = vector.load %arg4[%get3A_597, %get3A_598] : memref<6x128xf32, #tpu.memory_space<vmem>>, vector<1x128xf32>
    %get3A_600 = vector.shape_cast %get3A_599 : vector<1x128xf32> to vector<128xf32>
    %broadcast_in_dim3A_601 = vector.shape_cast %get3A_600 : vector<128xf32> to vector<1x128xf32>
    %add3A_602 = vector.broadcast %broadcast_in_dim3A_601 : vector<1x128xf32> to vector<1024x128xf32>
    %add3A_603 = arith.addf %mul3A_596, %add3A_602 : vector<1024x128xf32>
    %max3A_604 = arith.constant 0.000000e+00 : f32
    %max3A_605 = vector.broadcast %max3A_604 : f32 to vector<1024x128xf32>
    %max3A_606 = arith.maximumf %add3A_603, %max3A_605 : vector<1024x128xf32>
    %get3A_607 = arith.constant 1 : index
    %get3A_608 = arith.constant 0 : index
    %get3A_609 = arith.constant 0 : index
    %get3A_610 = vector.load %arg3[%get3A_607, %get3A_608, %get3A_609] : memref<6x128x128xf32, #tpu.memory_space<vmem>>, vector<1x128x128xf32>
    %get3A_611 = vector.shape_cast %get3A_610 : vector<1x128x128xf32> to vector<128x128xf32>
    %dot_general3A_612 = arith.constant dense<0.000000e+00> : vector<1024x128xf32>
    %dot_general3A_613 = tpu.matmul %max3A_361, %get3A_611, %dot_general3A_612 {dimension_numbers = #tpu.dot_dimension_numbers<[1], [0], [0], [1], [0, 0, 1, 1], [], []>, transpose_lhs_hint = false} : vector<1024x128xf32>, vector<128x128xf32>, vector<1024x128xf32> -> vector<1024x128xf32>
    %mul3A_614 = vector.broadcast %rsqrt3A : vector<1024x1xf32> to vector<1024x128xf32>
    %mul3A_615 = arith.mulf %dot_general3A_613, %mul3A_614 : vector<1024x128xf32>
    %reshape3A_616 = vector.shape_cast %mul3A_615 : vector<1024x128xf32> to vector<32x32x128xf32>
    %slice3A_617 = vector.extract_strided_slice %reshape3A_616 {offsets = [0, 0, 0], sizes = [31, 32, 128], strides = [1, 1, 1]} : vector<32x32x128xf32> to vector<31x32x128xf32>
    %concatenate3A_618 = tpu.concatenate %broadcast_in_dim3A_327, %slice3A_617 in 0 : vector<1x32x128xf32>, vector<31x32x128xf32> -> vector<32x32x128xf32>
    %slice3A_619 = vector.extract_strided_slice %reshape3A_616 {offsets = [1, 0, 0], sizes = [31, 32, 128], strides = [1, 1, 1]} : vector<32x32x128xf32> to vector<31x32x128xf32>
    %concatenate3A_620 = tpu.concatenate %slice3A_619, %broadcast_in_dim3A_327 in 0 : vector<31x32x128xf32>, vector<1x32x128xf32> -> vector<32x32x128xf32>
    %slice3A_621 = vector.extract_strided_slice %reshape3A_616 {offsets = [0, 0, 0], sizes = [32, 31, 128], strides = [1, 1, 1]} : vector<32x32x128xf32> to vector<32x31x128xf32>
    %concatenate3A_622 = tpu.concatenate %broadcast_in_dim3A_329, %slice3A_621 in 1 : vector<32x1x128xf32>, vector<32x31x128xf32> -> vector<32x32x128xf32>
    %slice3A_623 = vector.extract_strided_slice %reshape3A_616 {offsets = [0, 1, 0], sizes = [32, 31, 128], strides = [1, 1, 1]} : vector<32x32x128xf32> to vector<32x31x128xf32>
    %concatenate3A_624 = tpu.concatenate %slice3A_623, %broadcast_in_dim3A_329 in 1 : vector<32x31x128xf32>, vector<32x1x128xf32> -> vector<32x32x128xf32>
    %add3A_625 = arith.addf %reshape3A_616, %concatenate3A_618 : vector<32x32x128xf32>
    %add3A_626 = arith.addf %concatenate3A_620, %concatenate3A_622 : vector<32x32x128xf32>
    %add3A_627 = arith.addf %add3A_625, %add3A_626 : vector<32x32x128xf32>
    %add3A_628 = arith.addf %add3A_627, %concatenate3A_624 : vector<32x32x128xf32>
    %reshape3A_629 = vector.shape_cast %add3A_628 : vector<32x32x128xf32> to vector<1024x128xf32>
    %mul3A_630 = vector.broadcast %rsqrt3A : vector<1024x1xf32> to vector<1024x128xf32>
    %mul3A_631 = arith.mulf %reshape3A_629, %mul3A_630 : vector<1024x128xf32>
    %get3A_632 = arith.constant 1 : index
    %get3A_633 = arith.constant 0 : index
    %get3A_634 = vector.load %arg4[%get3A_632, %get3A_633] : memref<6x128xf32, #tpu.memory_space<vmem>>, vector<1x128xf32>
    %get3A_635 = vector.shape_cast %get3A_634 : vector<1x128xf32> to vector<128xf32>
    %broadcast_in_dim3A_636 = vector.shape_cast %get3A_635 : vector<128xf32> to vector<1x128xf32>
    %add3A_637 = vector.broadcast %broadcast_in_dim3A_636 : vector<1x128xf32> to vector<1024x128xf32>
    %add3A_638 = arith.addf %mul3A_631, %add3A_637 : vector<1024x128xf32>
    %max3A_639 = arith.constant 0.000000e+00 : f32
    %max3A_640 = vector.broadcast %max3A_639 : f32 to vector<1024x128xf32>
    %max3A_641 = arith.maximumf %add3A_638, %max3A_640 : vector<1024x128xf32>
    %get3A_642 = arith.constant 1 : index
    %get3A_643 = arith.constant 0 : index
    %get3A_644 = arith.constant 0 : index
    %get3A_645 = vector.load %arg3[%get3A_642, %get3A_643, %get3A_644] : memref<6x128x128xf32, #tpu.memory_space<vmem>>, vector<1x128x128xf32>
    %get3A_646 = vector.shape_cast %get3A_645 : vector<1x128x128xf32> to vector<128x128xf32>
    %dot_general3A_647 = arith.constant dense<0.000000e+00> : vector<1024x128xf32>
    %dot_general3A_648 = tpu.matmul %max3A_396, %get3A_646, %dot_general3A_647 {dimension_numbers = #tpu.dot_dimension_numbers<[1], [0], [0], [1], [0, 0, 1, 1], [], []>, transpose_lhs_hint = false} : vector<1024x128xf32>, vector<128x128xf32>, vector<1024x128xf32> -> vector<1024x128xf32>
    %mul3A_649 = vector.broadcast %rsqrt3A : vector<1024x1xf32> to vector<1024x128xf32>
    %mul3A_650 = arith.mulf %dot_general3A_648, %mul3A_649 : vector<1024x128xf32>
    %reshape3A_651 = vector.shape_cast %mul3A_650 : vector<1024x128xf32> to vector<32x32x128xf32>
    %slice3A_652 = vector.extract_strided_slice %reshape3A_651 {offsets = [0, 0, 0], sizes = [31, 32, 128], strides = [1, 1, 1]} : vector<32x32x128xf32> to vector<31x32x128xf32>
    %concatenate3A_653 = tpu.concatenate %broadcast_in_dim3A_327, %slice3A_652 in 0 : vector<1x32x128xf32>, vector<31x32x128xf32> -> vector<32x32x128xf32>
    %slice3A_654 = vector.extract_strided_slice %reshape3A_651 {offsets = [1, 0, 0], sizes = [31, 32, 128], strides = [1, 1, 1]} : vector<32x32x128xf32> to vector<31x32x128xf32>
    %concatenate3A_655 = tpu.concatenate %slice3A_654, %broadcast_in_dim3A_327 in 0 : vector<31x32x128xf32>, vector<1x32x128xf32> -> vector<32x32x128xf32>
    %slice3A_656 = vector.extract_strided_slice %reshape3A_651 {offsets = [0, 0, 0], sizes = [32, 31, 128], strides = [1, 1, 1]} : vector<32x32x128xf32> to vector<32x31x128xf32>
    %concatenate3A_657 = tpu.concatenate %broadcast_in_dim3A_329, %slice3A_656 in 1 : vector<32x1x128xf32>, vector<32x31x128xf32> -> vector<32x32x128xf32>
    %slice3A_658 = vector.extract_strided_slice %reshape3A_651 {offsets = [0, 1, 0], sizes = [32, 31, 128], strides = [1, 1, 1]} : vector<32x32x128xf32> to vector<32x31x128xf32>
    %concatenate3A_659 = tpu.concatenate %slice3A_658, %broadcast_in_dim3A_329 in 1 : vector<32x31x128xf32>, vector<32x1x128xf32> -> vector<32x32x128xf32>
    %add3A_660 = arith.addf %reshape3A_651, %concatenate3A_653 : vector<32x32x128xf32>
    %add3A_661 = arith.addf %concatenate3A_655, %concatenate3A_657 : vector<32x32x128xf32>
    %add3A_662 = arith.addf %add3A_660, %add3A_661 : vector<32x32x128xf32>
    %add3A_663 = arith.addf %add3A_662, %concatenate3A_659 : vector<32x32x128xf32>
    %reshape3A_664 = vector.shape_cast %add3A_663 : vector<32x32x128xf32> to vector<1024x128xf32>
    %mul3A_665 = vector.broadcast %rsqrt3A : vector<1024x1xf32> to vector<1024x128xf32>
    %mul3A_666 = arith.mulf %reshape3A_664, %mul3A_665 : vector<1024x128xf32>
    %get3A_667 = arith.constant 1 : index
    %get3A_668 = arith.constant 0 : index
    %get3A_669 = vector.load %arg4[%get3A_667, %get3A_668] : memref<6x128xf32, #tpu.memory_space<vmem>>, vector<1x128xf32>
    %get3A_670 = vector.shape_cast %get3A_669 : vector<1x128xf32> to vector<128xf32>
    %broadcast_in_dim3A_671 = vector.shape_cast %get3A_670 : vector<128xf32> to vector<1x128xf32>
    %add3A_672 = vector.broadcast %broadcast_in_dim3A_671 : vector<1x128xf32> to vector<1024x128xf32>
    %add3A_673 = arith.addf %mul3A_666, %add3A_672 : vector<1024x128xf32>
    %max3A_674 = arith.constant 0.000000e+00 : f32
    %max3A_675 = vector.broadcast %max3A_674 : f32 to vector<1024x128xf32>
    %max3A_676 = arith.maximumf %add3A_673, %max3A_675 : vector<1024x128xf32>
    %get3A_677 = arith.constant 1 : index
    %get3A_678 = arith.constant 0 : index
    %get3A_679 = arith.constant 0 : index
    %get3A_680 = vector.load %arg3[%get3A_677, %get3A_678, %get3A_679] : memref<6x128x128xf32, #tpu.memory_space<vmem>>, vector<1x128x128xf32>
    %get3A_681 = vector.shape_cast %get3A_680 : vector<1x128x128xf32> to vector<128x128xf32>
    %dot_general3A_682 = arith.constant dense<0.000000e+00> : vector<1024x128xf32>
    %dot_general3A_683 = tpu.matmul %max3A_431, %get3A_681, %dot_general3A_682 {dimension_numbers = #tpu.dot_dimension_numbers<[1], [0], [0], [1], [0, 0, 1, 1], [], []>, transpose_lhs_hint = false} : vector<1024x128xf32>, vector<128x128xf32>, vector<1024x128xf32> -> vector<1024x128xf32>
    %mul3A_684 = vector.broadcast %rsqrt3A : vector<1024x1xf32> to vector<1024x128xf32>
    %mul3A_685 = arith.mulf %dot_general3A_683, %mul3A_684 : vector<1024x128xf32>
    %reshape3A_686 = vector.shape_cast %mul3A_685 : vector<1024x128xf32> to vector<32x32x128xf32>
    %slice3A_687 = vector.extract_strided_slice %reshape3A_686 {offsets = [0, 0, 0], sizes = [31, 32, 128], strides = [1, 1, 1]} : vector<32x32x128xf32> to vector<31x32x128xf32>
    %concatenate3A_688 = tpu.concatenate %broadcast_in_dim3A_327, %slice3A_687 in 0 : vector<1x32x128xf32>, vector<31x32x128xf32> -> vector<32x32x128xf32>
    %slice3A_689 = vector.extract_strided_slice %reshape3A_686 {offsets = [1, 0, 0], sizes = [31, 32, 128], strides = [1, 1, 1]} : vector<32x32x128xf32> to vector<31x32x128xf32>
    %concatenate3A_690 = tpu.concatenate %slice3A_689, %broadcast_in_dim3A_327 in 0 : vector<31x32x128xf32>, vector<1x32x128xf32> -> vector<32x32x128xf32>
    %slice3A_691 = vector.extract_strided_slice %reshape3A_686 {offsets = [0, 0, 0], sizes = [32, 31, 128], strides = [1, 1, 1]} : vector<32x32x128xf32> to vector<32x31x128xf32>
    %concatenate3A_692 = tpu.concatenate %broadcast_in_dim3A_329, %slice3A_691 in 1 : vector<32x1x128xf32>, vector<32x31x128xf32> -> vector<32x32x128xf32>
    %slice3A_693 = vector.extract_strided_slice %reshape3A_686 {offsets = [0, 1, 0], sizes = [32, 31, 128], strides = [1, 1, 1]} : vector<32x32x128xf32> to vector<32x31x128xf32>
    %concatenate3A_694 = tpu.concatenate %slice3A_693, %broadcast_in_dim3A_329 in 1 : vector<32x31x128xf32>, vector<32x1x128xf32> -> vector<32x32x128xf32>
    %add3A_695 = arith.addf %reshape3A_686, %concatenate3A_688 : vector<32x32x128xf32>
    %add3A_696 = arith.addf %concatenate3A_690, %concatenate3A_692 : vector<32x32x128xf32>
    %add3A_697 = arith.addf %add3A_695, %add3A_696 : vector<32x32x128xf32>
    %add3A_698 = arith.addf %add3A_697, %concatenate3A_694 : vector<32x32x128xf32>
    %reshape3A_699 = vector.shape_cast %add3A_698 : vector<32x32x128xf32> to vector<1024x128xf32>
    %mul3A_700 = vector.broadcast %rsqrt3A : vector<1024x1xf32> to vector<1024x128xf32>
    %mul3A_701 = arith.mulf %reshape3A_699, %mul3A_700 : vector<1024x128xf32>
    %get3A_702 = arith.constant 1 : index
    %get3A_703 = arith.constant 0 : index
    %get3A_704 = vector.load %arg4[%get3A_702, %get3A_703] : memref<6x128xf32, #tpu.memory_space<vmem>>, vector<1x128xf32>
    %get3A_705 = vector.shape_cast %get3A_704 : vector<1x128xf32> to vector<128xf32>
    %broadcast_in_dim3A_706 = vector.shape_cast %get3A_705 : vector<128xf32> to vector<1x128xf32>
    %add3A_707 = vector.broadcast %broadcast_in_dim3A_706 : vector<1x128xf32> to vector<1024x128xf32>
    %add3A_708 = arith.addf %mul3A_701, %add3A_707 : vector<1024x128xf32>
    %max3A_709 = arith.constant 0.000000e+00 : f32
    %max3A_710 = vector.broadcast %max3A_709 : f32 to vector<1024x128xf32>
    %max3A_711 = arith.maximumf %add3A_708, %max3A_710 : vector<1024x128xf32>
    %get3A_712 = arith.constant 1 : index
    %get3A_713 = arith.constant 0 : index
    %get3A_714 = arith.constant 0 : index
    %get3A_715 = vector.load %arg3[%get3A_712, %get3A_713, %get3A_714] : memref<6x128x128xf32, #tpu.memory_space<vmem>>, vector<1x128x128xf32>
    %get3A_716 = vector.shape_cast %get3A_715 : vector<1x128x128xf32> to vector<128x128xf32>
    %dot_general3A_717 = arith.constant dense<0.000000e+00> : vector<1024x128xf32>
    %dot_general3A_718 = tpu.matmul %max3A_466, %get3A_716, %dot_general3A_717 {dimension_numbers = #tpu.dot_dimension_numbers<[1], [0], [0], [1], [0, 0, 1, 1], [], []>, transpose_lhs_hint = false} : vector<1024x128xf32>, vector<128x128xf32>, vector<1024x128xf32> -> vector<1024x128xf32>
    %mul3A_719 = vector.broadcast %rsqrt3A : vector<1024x1xf32> to vector<1024x128xf32>
    %mul3A_720 = arith.mulf %dot_general3A_718, %mul3A_719 : vector<1024x128xf32>
    %reshape3A_721 = vector.shape_cast %mul3A_720 : vector<1024x128xf32> to vector<32x32x128xf32>
    %slice3A_722 = vector.extract_strided_slice %reshape3A_721 {offsets = [0, 0, 0], sizes = [31, 32, 128], strides = [1, 1, 1]} : vector<32x32x128xf32> to vector<31x32x128xf32>
    %concatenate3A_723 = tpu.concatenate %broadcast_in_dim3A_327, %slice3A_722 in 0 : vector<1x32x128xf32>, vector<31x32x128xf32> -> vector<32x32x128xf32>
    %slice3A_724 = vector.extract_strided_slice %reshape3A_721 {offsets = [1, 0, 0], sizes = [31, 32, 128], strides = [1, 1, 1]} : vector<32x32x128xf32> to vector<31x32x128xf32>
    %concatenate3A_725 = tpu.concatenate %slice3A_724, %broadcast_in_dim3A_327 in 0 : vector<31x32x128xf32>, vector<1x32x128xf32> -> vector<32x32x128xf32>
    %slice3A_726 = vector.extract_strided_slice %reshape3A_721 {offsets = [0, 0, 0], sizes = [32, 31, 128], strides = [1, 1, 1]} : vector<32x32x128xf32> to vector<32x31x128xf32>
    %concatenate3A_727 = tpu.concatenate %broadcast_in_dim3A_329, %slice3A_726 in 1 : vector<32x1x128xf32>, vector<32x31x128xf32> -> vector<32x32x128xf32>
    %slice3A_728 = vector.extract_strided_slice %reshape3A_721 {offsets = [0, 1, 0], sizes = [32, 31, 128], strides = [1, 1, 1]} : vector<32x32x128xf32> to vector<32x31x128xf32>
    %concatenate3A_729 = tpu.concatenate %slice3A_728, %broadcast_in_dim3A_329 in 1 : vector<32x31x128xf32>, vector<32x1x128xf32> -> vector<32x32x128xf32>
    %add3A_730 = arith.addf %reshape3A_721, %concatenate3A_723 : vector<32x32x128xf32>
    %add3A_731 = arith.addf %concatenate3A_725, %concatenate3A_727 : vector<32x32x128xf32>
    %add3A_732 = arith.addf %add3A_730, %add3A_731 : vector<32x32x128xf32>
    %add3A_733 = arith.addf %add3A_732, %concatenate3A_729 : vector<32x32x128xf32>
    %reshape3A_734 = vector.shape_cast %add3A_733 : vector<32x32x128xf32> to vector<1024x128xf32>
    %mul3A_735 = vector.broadcast %rsqrt3A : vector<1024x1xf32> to vector<1024x128xf32>
    %mul3A_736 = arith.mulf %reshape3A_734, %mul3A_735 : vector<1024x128xf32>
    %get3A_737 = arith.constant 1 : index
    %get3A_738 = arith.constant 0 : index
    %get3A_739 = vector.load %arg4[%get3A_737, %get3A_738] : memref<6x128xf32, #tpu.memory_space<vmem>>, vector<1x128xf32>
    %get3A_740 = vector.shape_cast %get3A_739 : vector<1x128xf32> to vector<128xf32>
    %broadcast_in_dim3A_741 = vector.shape_cast %get3A_740 : vector<128xf32> to vector<1x128xf32>
    %add3A_742 = vector.broadcast %broadcast_in_dim3A_741 : vector<1x128xf32> to vector<1024x128xf32>
    %add3A_743 = arith.addf %mul3A_736, %add3A_742 : vector<1024x128xf32>
    %max3A_744 = arith.constant 0.000000e+00 : f32
    %max3A_745 = vector.broadcast %max3A_744 : f32 to vector<1024x128xf32>
    %max3A_746 = arith.maximumf %add3A_743, %max3A_745 : vector<1024x128xf32>
    %get3A_747 = arith.constant 1 : index
    %get3A_748 = arith.constant 0 : index
    %get3A_749 = arith.constant 0 : index
    %get3A_750 = vector.load %arg3[%get3A_747, %get3A_748, %get3A_749] : memref<6x128x128xf32, #tpu.memory_space<vmem>>, vector<1x128x128xf32>
    %get3A_751 = vector.shape_cast %get3A_750 : vector<1x128x128xf32> to vector<128x128xf32>
    %dot_general3A_752 = arith.constant dense<0.000000e+00> : vector<1024x128xf32>
    %dot_general3A_753 = tpu.matmul %max3A_501, %get3A_751, %dot_general3A_752 {dimension_numbers = #tpu.dot_dimension_numbers<[1], [0], [0], [1], [0, 0, 1, 1], [], []>, transpose_lhs_hint = false} : vector<1024x128xf32>, vector<128x128xf32>, vector<1024x128xf32> -> vector<1024x128xf32>
    %mul3A_754 = vector.broadcast %rsqrt3A : vector<1024x1xf32> to vector<1024x128xf32>
    %mul3A_755 = arith.mulf %dot_general3A_753, %mul3A_754 : vector<1024x128xf32>
    %reshape3A_756 = vector.shape_cast %mul3A_755 : vector<1024x128xf32> to vector<32x32x128xf32>
    %slice3A_757 = vector.extract_strided_slice %reshape3A_756 {offsets = [0, 0, 0], sizes = [31, 32, 128], strides = [1, 1, 1]} : vector<32x32x128xf32> to vector<31x32x128xf32>
    %concatenate3A_758 = tpu.concatenate %broadcast_in_dim3A_327, %slice3A_757 in 0 : vector<1x32x128xf32>, vector<31x32x128xf32> -> vector<32x32x128xf32>
    %slice3A_759 = vector.extract_strided_slice %reshape3A_756 {offsets = [1, 0, 0], sizes = [31, 32, 128], strides = [1, 1, 1]} : vector<32x32x128xf32> to vector<31x32x128xf32>
    %concatenate3A_760 = tpu.concatenate %slice3A_759, %broadcast_in_dim3A_327 in 0 : vector<31x32x128xf32>, vector<1x32x128xf32> -> vector<32x32x128xf32>
    %slice3A_761 = vector.extract_strided_slice %reshape3A_756 {offsets = [0, 0, 0], sizes = [32, 31, 128], strides = [1, 1, 1]} : vector<32x32x128xf32> to vector<32x31x128xf32>
    %concatenate3A_762 = tpu.concatenate %broadcast_in_dim3A_329, %slice3A_761 in 1 : vector<32x1x128xf32>, vector<32x31x128xf32> -> vector<32x32x128xf32>
    %slice3A_763 = vector.extract_strided_slice %reshape3A_756 {offsets = [0, 1, 0], sizes = [32, 31, 128], strides = [1, 1, 1]} : vector<32x32x128xf32> to vector<32x31x128xf32>
    %concatenate3A_764 = tpu.concatenate %slice3A_763, %broadcast_in_dim3A_329 in 1 : vector<32x31x128xf32>, vector<32x1x128xf32> -> vector<32x32x128xf32>
    %add3A_765 = arith.addf %reshape3A_756, %concatenate3A_758 : vector<32x32x128xf32>
    %add3A_766 = arith.addf %concatenate3A_760, %concatenate3A_762 : vector<32x32x128xf32>
    %add3A_767 = arith.addf %add3A_765, %add3A_766 : vector<32x32x128xf32>
    %add3A_768 = arith.addf %add3A_767, %concatenate3A_764 : vector<32x32x128xf32>
    %reshape3A_769 = vector.shape_cast %add3A_768 : vector<32x32x128xf32> to vector<1024x128xf32>
    %mul3A_770 = vector.broadcast %rsqrt3A : vector<1024x1xf32> to vector<1024x128xf32>
    %mul3A_771 = arith.mulf %reshape3A_769, %mul3A_770 : vector<1024x128xf32>
    %get3A_772 = arith.constant 1 : index
    %get3A_773 = arith.constant 0 : index
    %get3A_774 = vector.load %arg4[%get3A_772, %get3A_773] : memref<6x128xf32, #tpu.memory_space<vmem>>, vector<1x128xf32>
    %get3A_775 = vector.shape_cast %get3A_774 : vector<1x128xf32> to vector<128xf32>
    %broadcast_in_dim3A_776 = vector.shape_cast %get3A_775 : vector<128xf32> to vector<1x128xf32>
    %add3A_777 = vector.broadcast %broadcast_in_dim3A_776 : vector<1x128xf32> to vector<1024x128xf32>
    %add3A_778 = arith.addf %mul3A_771, %add3A_777 : vector<1024x128xf32>
    %max3A_779 = arith.constant 0.000000e+00 : f32
    %max3A_780 = vector.broadcast %max3A_779 : f32 to vector<1024x128xf32>
    %max3A_781 = arith.maximumf %add3A_778, %max3A_780 : vector<1024x128xf32>
    %get3A_782 = arith.constant 1 : index
    %get3A_783 = arith.constant 0 : index
    %get3A_784 = arith.constant 0 : index
    %get3A_785 = vector.load %arg3[%get3A_782, %get3A_783, %get3A_784] : memref<6x128x128xf32, #tpu.memory_space<vmem>>, vector<1x128x128xf32>
    %get3A_786 = vector.shape_cast %get3A_785 : vector<1x128x128xf32> to vector<128x128xf32>
    %dot_general3A_787 = arith.constant dense<0.000000e+00> : vector<1024x128xf32>
    %dot_general3A_788 = tpu.matmul %max3A_536, %get3A_786, %dot_general3A_787 {dimension_numbers = #tpu.dot_dimension_numbers<[1], [0], [0], [1], [0, 0, 1, 1], [], []>, transpose_lhs_hint = false} : vector<1024x128xf32>, vector<128x128xf32>, vector<1024x128xf32> -> vector<1024x128xf32>
    %mul3A_789 = vector.broadcast %rsqrt3A : vector<1024x1xf32> to vector<1024x128xf32>
    %mul3A_790 = arith.mulf %dot_general3A_788, %mul3A_789 : vector<1024x128xf32>
    %reshape3A_791 = vector.shape_cast %mul3A_790 : vector<1024x128xf32> to vector<32x32x128xf32>
    %slice3A_792 = vector.extract_strided_slice %reshape3A_791 {offsets = [0, 0, 0], sizes = [31, 32, 128], strides = [1, 1, 1]} : vector<32x32x128xf32> to vector<31x32x128xf32>
    %concatenate3A_793 = tpu.concatenate %broadcast_in_dim3A_327, %slice3A_792 in 0 : vector<1x32x128xf32>, vector<31x32x128xf32> -> vector<32x32x128xf32>
    %slice3A_794 = vector.extract_strided_slice %reshape3A_791 {offsets = [1, 0, 0], sizes = [31, 32, 128], strides = [1, 1, 1]} : vector<32x32x128xf32> to vector<31x32x128xf32>
    %concatenate3A_795 = tpu.concatenate %slice3A_794, %broadcast_in_dim3A_327 in 0 : vector<31x32x128xf32>, vector<1x32x128xf32> -> vector<32x32x128xf32>
    %slice3A_796 = vector.extract_strided_slice %reshape3A_791 {offsets = [0, 0, 0], sizes = [32, 31, 128], strides = [1, 1, 1]} : vector<32x32x128xf32> to vector<32x31x128xf32>
    %concatenate3A_797 = tpu.concatenate %broadcast_in_dim3A_329, %slice3A_796 in 1 : vector<32x1x128xf32>, vector<32x31x128xf32> -> vector<32x32x128xf32>
    %slice3A_798 = vector.extract_strided_slice %reshape3A_791 {offsets = [0, 1, 0], sizes = [32, 31, 128], strides = [1, 1, 1]} : vector<32x32x128xf32> to vector<32x31x128xf32>
    %concatenate3A_799 = tpu.concatenate %slice3A_798, %broadcast_in_dim3A_329 in 1 : vector<32x31x128xf32>, vector<32x1x128xf32> -> vector<32x32x128xf32>
    %add3A_800 = arith.addf %reshape3A_791, %concatenate3A_793 : vector<32x32x128xf32>
    %add3A_801 = arith.addf %concatenate3A_795, %concatenate3A_797 : vector<32x32x128xf32>
    %add3A_802 = arith.addf %add3A_800, %add3A_801 : vector<32x32x128xf32>
    %add3A_803 = arith.addf %add3A_802, %concatenate3A_799 : vector<32x32x128xf32>
    %reshape3A_804 = vector.shape_cast %add3A_803 : vector<32x32x128xf32> to vector<1024x128xf32>
    %mul3A_805 = vector.broadcast %rsqrt3A : vector<1024x1xf32> to vector<1024x128xf32>
    %mul3A_806 = arith.mulf %reshape3A_804, %mul3A_805 : vector<1024x128xf32>
    %get3A_807 = arith.constant 1 : index
    %get3A_808 = arith.constant 0 : index
    %get3A_809 = vector.load %arg4[%get3A_807, %get3A_808] : memref<6x128xf32, #tpu.memory_space<vmem>>, vector<1x128xf32>
    %get3A_810 = vector.shape_cast %get3A_809 : vector<1x128xf32> to vector<128xf32>
    %broadcast_in_dim3A_811 = vector.shape_cast %get3A_810 : vector<128xf32> to vector<1x128xf32>
    %add3A_812 = vector.broadcast %broadcast_in_dim3A_811 : vector<1x128xf32> to vector<1024x128xf32>
    %add3A_813 = arith.addf %mul3A_806, %add3A_812 : vector<1024x128xf32>
    %max3A_814 = arith.constant 0.000000e+00 : f32
    %max3A_815 = vector.broadcast %max3A_814 : f32 to vector<1024x128xf32>
    %max3A_816 = arith.maximumf %add3A_813, %max3A_815 : vector<1024x128xf32>
    %get3A_817 = arith.constant 1 : index
    %get3A_818 = arith.constant 0 : index
    %get3A_819 = arith.constant 0 : index
    %get3A_820 = vector.load %arg3[%get3A_817, %get3A_818, %get3A_819] : memref<6x128x128xf32, #tpu.memory_space<vmem>>, vector<1x128x128xf32>
    %get3A_821 = vector.shape_cast %get3A_820 : vector<1x128x128xf32> to vector<128x128xf32>
    %dot_general3A_822 = arith.constant dense<0.000000e+00> : vector<1024x128xf32>
    %dot_general3A_823 = tpu.matmul %max3A_571, %get3A_821, %dot_general3A_822 {dimension_numbers = #tpu.dot_dimension_numbers<[1], [0], [0], [1], [0, 0, 1, 1], [], []>, transpose_lhs_hint = false} : vector<1024x128xf32>, vector<128x128xf32>, vector<1024x128xf32> -> vector<1024x128xf32>
    %mul3A_824 = vector.broadcast %rsqrt3A : vector<1024x1xf32> to vector<1024x128xf32>
    %mul3A_825 = arith.mulf %dot_general3A_823, %mul3A_824 : vector<1024x128xf32>
    %reshape3A_826 = vector.shape_cast %mul3A_825 : vector<1024x128xf32> to vector<32x32x128xf32>
    %slice3A_827 = vector.extract_strided_slice %reshape3A_826 {offsets = [0, 0, 0], sizes = [31, 32, 128], strides = [1, 1, 1]} : vector<32x32x128xf32> to vector<31x32x128xf32>
    %concatenate3A_828 = tpu.concatenate %broadcast_in_dim3A_327, %slice3A_827 in 0 : vector<1x32x128xf32>, vector<31x32x128xf32> -> vector<32x32x128xf32>
    %slice3A_829 = vector.extract_strided_slice %reshape3A_826 {offsets = [1, 0, 0], sizes = [31, 32, 128], strides = [1, 1, 1]} : vector<32x32x128xf32> to vector<31x32x128xf32>
    %concatenate3A_830 = tpu.concatenate %slice3A_829, %broadcast_in_dim3A_327 in 0 : vector<31x32x128xf32>, vector<1x32x128xf32> -> vector<32x32x128xf32>
    %slice3A_831 = vector.extract_strided_slice %reshape3A_826 {offsets = [0, 0, 0], sizes = [32, 31, 128], strides = [1, 1, 1]} : vector<32x32x128xf32> to vector<32x31x128xf32>
    %concatenate3A_832 = tpu.concatenate %broadcast_in_dim3A_329, %slice3A_831 in 1 : vector<32x1x128xf32>, vector<32x31x128xf32> -> vector<32x32x128xf32>
    %slice3A_833 = vector.extract_strided_slice %reshape3A_826 {offsets = [0, 1, 0], sizes = [32, 31, 128], strides = [1, 1, 1]} : vector<32x32x128xf32> to vector<32x31x128xf32>
    %concatenate3A_834 = tpu.concatenate %slice3A_833, %broadcast_in_dim3A_329 in 1 : vector<32x31x128xf32>, vector<32x1x128xf32> -> vector<32x32x128xf32>
    %add3A_835 = arith.addf %reshape3A_826, %concatenate3A_828 : vector<32x32x128xf32>
    %add3A_836 = arith.addf %concatenate3A_830, %concatenate3A_832 : vector<32x32x128xf32>
    %add3A_837 = arith.addf %add3A_835, %add3A_836 : vector<32x32x128xf32>
    %add3A_838 = arith.addf %add3A_837, %concatenate3A_834 : vector<32x32x128xf32>
    %reshape3A_839 = vector.shape_cast %add3A_838 : vector<32x32x128xf32> to vector<1024x128xf32>
    %mul3A_840 = vector.broadcast %rsqrt3A : vector<1024x1xf32> to vector<1024x128xf32>
    %mul3A_841 = arith.mulf %reshape3A_839, %mul3A_840 : vector<1024x128xf32>
    %get3A_842 = arith.constant 1 : index
    %get3A_843 = arith.constant 0 : index
    %get3A_844 = vector.load %arg4[%get3A_842, %get3A_843] : memref<6x128xf32, #tpu.memory_space<vmem>>, vector<1x128xf32>
    %get3A_845 = vector.shape_cast %get3A_844 : vector<1x128xf32> to vector<128xf32>
    %broadcast_in_dim3A_846 = vector.shape_cast %get3A_845 : vector<128xf32> to vector<1x128xf32>
    %add3A_847 = vector.broadcast %broadcast_in_dim3A_846 : vector<1x128xf32> to vector<1024x128xf32>
    %add3A_848 = arith.addf %mul3A_841, %add3A_847 : vector<1024x128xf32>
    %max3A_849 = arith.constant 0.000000e+00 : f32
    %max3A_850 = vector.broadcast %max3A_849 : f32 to vector<1024x128xf32>
    %max3A_851 = arith.maximumf %add3A_848, %max3A_850 : vector<1024x128xf32>
    %get3A_852 = arith.constant 1 : index
    %get3A_853 = arith.constant 0 : index
    %get3A_854 = arith.constant 0 : index
    %get3A_855 = vector.load %arg3[%get3A_852, %get3A_853, %get3A_854] : memref<6x128x128xf32, #tpu.memory_space<vmem>>, vector<1x128x128xf32>
    %get3A_856 = vector.shape_cast %get3A_855 : vector<1x128x128xf32> to vector<128x128xf32>
    %dot_general3A_857 = arith.constant dense<0.000000e+00> : vector<1024x128xf32>
    %dot_general3A_858 = tpu.matmul %max3A_606, %get3A_856, %dot_general3A_857 {dimension_numbers = #tpu.dot_dimension_numbers<[1], [0], [0], [1], [0, 0, 1, 1], [], []>, transpose_lhs_hint = false} : vector<1024x128xf32>, vector<128x128xf32>, vector<1024x128xf32> -> vector<1024x128xf32>
    %mul3A_859 = vector.broadcast %rsqrt3A : vector<1024x1xf32> to vector<1024x128xf32>
    %mul3A_860 = arith.mulf %dot_general3A_858, %mul3A_859 : vector<1024x128xf32>
    %reshape3A_861 = vector.shape_cast %mul3A_860 : vector<1024x128xf32> to vector<32x32x128xf32>
    %slice3A_862 = vector.extract_strided_slice %reshape3A_861 {offsets = [0, 0, 0], sizes = [31, 32, 128], strides = [1, 1, 1]} : vector<32x32x128xf32> to vector<31x32x128xf32>
    %concatenate3A_863 = tpu.concatenate %broadcast_in_dim3A_327, %slice3A_862 in 0 : vector<1x32x128xf32>, vector<31x32x128xf32> -> vector<32x32x128xf32>
    %slice3A_864 = vector.extract_strided_slice %reshape3A_861 {offsets = [1, 0, 0], sizes = [31, 32, 128], strides = [1, 1, 1]} : vector<32x32x128xf32> to vector<31x32x128xf32>
    %concatenate3A_865 = tpu.concatenate %slice3A_864, %broadcast_in_dim3A_327 in 0 : vector<31x32x128xf32>, vector<1x32x128xf32> -> vector<32x32x128xf32>
    %slice3A_866 = vector.extract_strided_slice %reshape3A_861 {offsets = [0, 0, 0], sizes = [32, 31, 128], strides = [1, 1, 1]} : vector<32x32x128xf32> to vector<32x31x128xf32>
    %concatenate3A_867 = tpu.concatenate %broadcast_in_dim3A_329, %slice3A_866 in 1 : vector<32x1x128xf32>, vector<32x31x128xf32> -> vector<32x32x128xf32>
    %slice3A_868 = vector.extract_strided_slice %reshape3A_861 {offsets = [0, 1, 0], sizes = [32, 31, 128], strides = [1, 1, 1]} : vector<32x32x128xf32> to vector<32x31x128xf32>
    %concatenate3A_869 = tpu.concatenate %slice3A_868, %broadcast_in_dim3A_329 in 1 : vector<32x31x128xf32>, vector<32x1x128xf32> -> vector<32x32x128xf32>
    %add3A_870 = arith.addf %reshape3A_861, %concatenate3A_863 : vector<32x32x128xf32>
    %add3A_871 = arith.addf %concatenate3A_865, %concatenate3A_867 : vector<32x32x128xf32>
    %add3A_872 = arith.addf %add3A_870, %add3A_871 : vector<32x32x128xf32>
    %add3A_873 = arith.addf %add3A_872, %concatenate3A_869 : vector<32x32x128xf32>
    %reshape3A_874 = vector.shape_cast %add3A_873 : vector<32x32x128xf32> to vector<1024x128xf32>
    %mul3A_875 = vector.broadcast %rsqrt3A : vector<1024x1xf32> to vector<1024x128xf32>
    %mul3A_876 = arith.mulf %reshape3A_874, %mul3A_875 : vector<1024x128xf32>
    %get3A_877 = arith.constant 1 : index
    %get3A_878 = arith.constant 0 : index
    %get3A_879 = vector.load %arg4[%get3A_877, %get3A_878] : memref<6x128xf32, #tpu.memory_space<vmem>>, vector<1x128xf32>
    %get3A_880 = vector.shape_cast %get3A_879 : vector<1x128xf32> to vector<128xf32>
    %broadcast_in_dim3A_881 = vector.shape_cast %get3A_880 : vector<128xf32> to vector<1x128xf32>
    %add3A_882 = vector.broadcast %broadcast_in_dim3A_881 : vector<1x128xf32> to vector<1024x128xf32>
    %add3A_883 = arith.addf %mul3A_876, %add3A_882 : vector<1024x128xf32>
    %max3A_884 = arith.constant 0.000000e+00 : f32
    %max3A_885 = vector.broadcast %max3A_884 : f32 to vector<1024x128xf32>
    %max3A_886 = arith.maximumf %add3A_883, %max3A_885 : vector<1024x128xf32>
    %get3A_887 = arith.constant 2 : index
    %get3A_888 = arith.constant 0 : index
    %get3A_889 = arith.constant 0 : index
    %get3A_890 = vector.load %arg3[%get3A_887, %get3A_888, %get3A_889] : memref<6x128x128xf32, #tpu.memory_space<vmem>>, vector<1x128x128xf32>
    %get3A_891 = vector.shape_cast %get3A_890 : vector<1x128x128xf32> to vector<128x128xf32>
    %dot_general3A_892 = arith.constant dense<0.000000e+00> : vector<1024x128xf32>
    %dot_general3A_893 = tpu.matmul %max3A_641, %get3A_891, %dot_general3A_892 {dimension_numbers = #tpu.dot_dimension_numbers<[1], [0], [0], [1], [0, 0, 1, 1], [], []>, transpose_lhs_hint = false} : vector<1024x128xf32>, vector<128x128xf32>, vector<1024x128xf32> -> vector<1024x128xf32>
    %mul3A_894 = vector.broadcast %rsqrt3A : vector<1024x1xf32> to vector<1024x128xf32>
    %mul3A_895 = arith.mulf %dot_general3A_893, %mul3A_894 : vector<1024x128xf32>
    %reshape3A_896 = vector.shape_cast %mul3A_895 : vector<1024x128xf32> to vector<32x32x128xf32>
    %slice3A_897 = vector.extract_strided_slice %reshape3A_896 {offsets = [0, 0, 0], sizes = [31, 32, 128], strides = [1, 1, 1]} : vector<32x32x128xf32> to vector<31x32x128xf32>
    %concatenate3A_898 = tpu.concatenate %broadcast_in_dim3A_327, %slice3A_897 in 0 : vector<1x32x128xf32>, vector<31x32x128xf32> -> vector<32x32x128xf32>
    %slice3A_899 = vector.extract_strided_slice %reshape3A_896 {offsets = [1, 0, 0], sizes = [31, 32, 128], strides = [1, 1, 1]} : vector<32x32x128xf32> to vector<31x32x128xf32>
    %concatenate3A_900 = tpu.concatenate %slice3A_899, %broadcast_in_dim3A_327 in 0 : vector<31x32x128xf32>, vector<1x32x128xf32> -> vector<32x32x128xf32>
    %slice3A_901 = vector.extract_strided_slice %reshape3A_896 {offsets = [0, 0, 0], sizes = [32, 31, 128], strides = [1, 1, 1]} : vector<32x32x128xf32> to vector<32x31x128xf32>
    %concatenate3A_902 = tpu.concatenate %broadcast_in_dim3A_329, %slice3A_901 in 1 : vector<32x1x128xf32>, vector<32x31x128xf32> -> vector<32x32x128xf32>
    %slice3A_903 = vector.extract_strided_slice %reshape3A_896 {offsets = [0, 1, 0], sizes = [32, 31, 128], strides = [1, 1, 1]} : vector<32x32x128xf32> to vector<32x31x128xf32>
    %concatenate3A_904 = tpu.concatenate %slice3A_903, %broadcast_in_dim3A_329 in 1 : vector<32x31x128xf32>, vector<32x1x128xf32> -> vector<32x32x128xf32>
    %add3A_905 = arith.addf %reshape3A_896, %concatenate3A_898 : vector<32x32x128xf32>
    %add3A_906 = arith.addf %concatenate3A_900, %concatenate3A_902 : vector<32x32x128xf32>
    %add3A_907 = arith.addf %add3A_905, %add3A_906 : vector<32x32x128xf32>
    %add3A_908 = arith.addf %add3A_907, %concatenate3A_904 : vector<32x32x128xf32>
    %reshape3A_909 = vector.shape_cast %add3A_908 : vector<32x32x128xf32> to vector<1024x128xf32>
    %mul3A_910 = vector.broadcast %rsqrt3A : vector<1024x1xf32> to vector<1024x128xf32>
    %mul3A_911 = arith.mulf %reshape3A_909, %mul3A_910 : vector<1024x128xf32>
    %get3A_912 = arith.constant 2 : index
    %get3A_913 = arith.constant 0 : index
    %get3A_914 = vector.load %arg4[%get3A_912, %get3A_913] : memref<6x128xf32, #tpu.memory_space<vmem>>, vector<1x128xf32>
    %get3A_915 = vector.shape_cast %get3A_914 : vector<1x128xf32> to vector<128xf32>
    %broadcast_in_dim3A_916 = vector.shape_cast %get3A_915 : vector<128xf32> to vector<1x128xf32>
    %add3A_917 = vector.broadcast %broadcast_in_dim3A_916 : vector<1x128xf32> to vector<1024x128xf32>
    %add3A_918 = arith.addf %mul3A_911, %add3A_917 : vector<1024x128xf32>
    %max3A_919 = arith.constant 0.000000e+00 : f32
    %max3A_920 = vector.broadcast %max3A_919 : f32 to vector<1024x128xf32>
    %max3A_921 = arith.maximumf %add3A_918, %max3A_920 : vector<1024x128xf32>
    %get3A_922 = arith.constant 2 : index
    %get3A_923 = arith.constant 0 : index
    %get3A_924 = arith.constant 0 : index
    %get3A_925 = vector.load %arg3[%get3A_922, %get3A_923, %get3A_924] : memref<6x128x128xf32, #tpu.memory_space<vmem>>, vector<1x128x128xf32>
    %get3A_926 = vector.shape_cast %get3A_925 : vector<1x128x128xf32> to vector<128x128xf32>
    %dot_general3A_927 = arith.constant dense<0.000000e+00> : vector<1024x128xf32>
    %dot_general3A_928 = tpu.matmul %max3A_676, %get3A_926, %dot_general3A_927 {dimension_numbers = #tpu.dot_dimension_numbers<[1], [0], [0], [1], [0, 0, 1, 1], [], []>, transpose_lhs_hint = false} : vector<1024x128xf32>, vector<128x128xf32>, vector<1024x128xf32> -> vector<1024x128xf32>
    %mul3A_929 = vector.broadcast %rsqrt3A : vector<1024x1xf32> to vector<1024x128xf32>
    %mul3A_930 = arith.mulf %dot_general3A_928, %mul3A_929 : vector<1024x128xf32>
    %reshape3A_931 = vector.shape_cast %mul3A_930 : vector<1024x128xf32> to vector<32x32x128xf32>
    %slice3A_932 = vector.extract_strided_slice %reshape3A_931 {offsets = [0, 0, 0], sizes = [31, 32, 128], strides = [1, 1, 1]} : vector<32x32x128xf32> to vector<31x32x128xf32>
    %concatenate3A_933 = tpu.concatenate %broadcast_in_dim3A_327, %slice3A_932 in 0 : vector<1x32x128xf32>, vector<31x32x128xf32> -> vector<32x32x128xf32>
    %slice3A_934 = vector.extract_strided_slice %reshape3A_931 {offsets = [1, 0, 0], sizes = [31, 32, 128], strides = [1, 1, 1]} : vector<32x32x128xf32> to vector<31x32x128xf32>
    %concatenate3A_935 = tpu.concatenate %slice3A_934, %broadcast_in_dim3A_327 in 0 : vector<31x32x128xf32>, vector<1x32x128xf32> -> vector<32x32x128xf32>
    %slice3A_936 = vector.extract_strided_slice %reshape3A_931 {offsets = [0, 0, 0], sizes = [32, 31, 128], strides = [1, 1, 1]} : vector<32x32x128xf32> to vector<32x31x128xf32>
    %concatenate3A_937 = tpu.concatenate %broadcast_in_dim3A_329, %slice3A_936 in 1 : vector<32x1x128xf32>, vector<32x31x128xf32> -> vector<32x32x128xf32>
    %slice3A_938 = vector.extract_strided_slice %reshape3A_931 {offsets = [0, 1, 0], sizes = [32, 31, 128], strides = [1, 1, 1]} : vector<32x32x128xf32> to vector<32x31x128xf32>
    %concatenate3A_939 = tpu.concatenate %slice3A_938, %broadcast_in_dim3A_329 in 1 : vector<32x31x128xf32>, vector<32x1x128xf32> -> vector<32x32x128xf32>
    %add3A_940 = arith.addf %reshape3A_931, %concatenate3A_933 : vector<32x32x128xf32>
    %add3A_941 = arith.addf %concatenate3A_935, %concatenate3A_937 : vector<32x32x128xf32>
    %add3A_942 = arith.addf %add3A_940, %add3A_941 : vector<32x32x128xf32>
    %add3A_943 = arith.addf %add3A_942, %concatenate3A_939 : vector<32x32x128xf32>
    %reshape3A_944 = vector.shape_cast %add3A_943 : vector<32x32x128xf32> to vector<1024x128xf32>
    %mul3A_945 = vector.broadcast %rsqrt3A : vector<1024x1xf32> to vector<1024x128xf32>
    %mul3A_946 = arith.mulf %reshape3A_944, %mul3A_945 : vector<1024x128xf32>
    %get3A_947 = arith.constant 2 : index
    %get3A_948 = arith.constant 0 : index
    %get3A_949 = vector.load %arg4[%get3A_947, %get3A_948] : memref<6x128xf32, #tpu.memory_space<vmem>>, vector<1x128xf32>
    %get3A_950 = vector.shape_cast %get3A_949 : vector<1x128xf32> to vector<128xf32>
    %broadcast_in_dim3A_951 = vector.shape_cast %get3A_950 : vector<128xf32> to vector<1x128xf32>
    %add3A_952 = vector.broadcast %broadcast_in_dim3A_951 : vector<1x128xf32> to vector<1024x128xf32>
    %add3A_953 = arith.addf %mul3A_946, %add3A_952 : vector<1024x128xf32>
    %max3A_954 = arith.constant 0.000000e+00 : f32
    %max3A_955 = vector.broadcast %max3A_954 : f32 to vector<1024x128xf32>
    %max3A_956 = arith.maximumf %add3A_953, %max3A_955 : vector<1024x128xf32>
    %get3A_957 = arith.constant 2 : index
    %get3A_958 = arith.constant 0 : index
    %get3A_959 = arith.constant 0 : index
    %get3A_960 = vector.load %arg3[%get3A_957, %get3A_958, %get3A_959] : memref<6x128x128xf32, #tpu.memory_space<vmem>>, vector<1x128x128xf32>
    %get3A_961 = vector.shape_cast %get3A_960 : vector<1x128x128xf32> to vector<128x128xf32>
    %dot_general3A_962 = arith.constant dense<0.000000e+00> : vector<1024x128xf32>
    %dot_general3A_963 = tpu.matmul %max3A_711, %get3A_961, %dot_general3A_962 {dimension_numbers = #tpu.dot_dimension_numbers<[1], [0], [0], [1], [0, 0, 1, 1], [], []>, transpose_lhs_hint = false} : vector<1024x128xf32>, vector<128x128xf32>, vector<1024x128xf32> -> vector<1024x128xf32>
    %mul3A_964 = vector.broadcast %rsqrt3A : vector<1024x1xf32> to vector<1024x128xf32>
    %mul3A_965 = arith.mulf %dot_general3A_963, %mul3A_964 : vector<1024x128xf32>
    %reshape3A_966 = vector.shape_cast %mul3A_965 : vector<1024x128xf32> to vector<32x32x128xf32>
    %slice3A_967 = vector.extract_strided_slice %reshape3A_966 {offsets = [0, 0, 0], sizes = [31, 32, 128], strides = [1, 1, 1]} : vector<32x32x128xf32> to vector<31x32x128xf32>
    %concatenate3A_968 = tpu.concatenate %broadcast_in_dim3A_327, %slice3A_967 in 0 : vector<1x32x128xf32>, vector<31x32x128xf32> -> vector<32x32x128xf32>
    %slice3A_969 = vector.extract_strided_slice %reshape3A_966 {offsets = [1, 0, 0], sizes = [31, 32, 128], strides = [1, 1, 1]} : vector<32x32x128xf32> to vector<31x32x128xf32>
    %concatenate3A_970 = tpu.concatenate %slice3A_969, %broadcast_in_dim3A_327 in 0 : vector<31x32x128xf32>, vector<1x32x128xf32> -> vector<32x32x128xf32>
    %slice3A_971 = vector.extract_strided_slice %reshape3A_966 {offsets = [0, 0, 0], sizes = [32, 31, 128], strides = [1, 1, 1]} : vector<32x32x128xf32> to vector<32x31x128xf32>
    %concatenate3A_972 = tpu.concatenate %broadcast_in_dim3A_329, %slice3A_971 in 1 : vector<32x1x128xf32>, vector<32x31x128xf32> -> vector<32x32x128xf32>
    %slice3A_973 = vector.extract_strided_slice %reshape3A_966 {offsets = [0, 1, 0], sizes = [32, 31, 128], strides = [1, 1, 1]} : vector<32x32x128xf32> to vector<32x31x128xf32>
    %concatenate3A_974 = tpu.concatenate %slice3A_973, %broadcast_in_dim3A_329 in 1 : vector<32x31x128xf32>, vector<32x1x128xf32> -> vector<32x32x128xf32>
    %add3A_975 = arith.addf %reshape3A_966, %concatenate3A_968 : vector<32x32x128xf32>
    %add3A_976 = arith.addf %concatenate3A_970, %concatenate3A_972 : vector<32x32x128xf32>
    %add3A_977 = arith.addf %add3A_975, %add3A_976 : vector<32x32x128xf32>
    %add3A_978 = arith.addf %add3A_977, %concatenate3A_974 : vector<32x32x128xf32>
    %reshape3A_979 = vector.shape_cast %add3A_978 : vector<32x32x128xf32> to vector<1024x128xf32>
    %mul3A_980 = vector.broadcast %rsqrt3A : vector<1024x1xf32> to vector<1024x128xf32>
    %mul3A_981 = arith.mulf %reshape3A_979, %mul3A_980 : vector<1024x128xf32>
    %get3A_982 = arith.constant 2 : index
    %get3A_983 = arith.constant 0 : index
    %get3A_984 = vector.load %arg4[%get3A_982, %get3A_983] : memref<6x128xf32, #tpu.memory_space<vmem>>, vector<1x128xf32>
    %get3A_985 = vector.shape_cast %get3A_984 : vector<1x128xf32> to vector<128xf32>
    %broadcast_in_dim3A_986 = vector.shape_cast %get3A_985 : vector<128xf32> to vector<1x128xf32>
    %add3A_987 = vector.broadcast %broadcast_in_dim3A_986 : vector<1x128xf32> to vector<1024x128xf32>
    %add3A_988 = arith.addf %mul3A_981, %add3A_987 : vector<1024x128xf32>
    %max3A_989 = arith.constant 0.000000e+00 : f32
    %max3A_990 = vector.broadcast %max3A_989 : f32 to vector<1024x128xf32>
    %max3A_991 = arith.maximumf %add3A_988, %max3A_990 : vector<1024x128xf32>
    %get3A_992 = arith.constant 2 : index
    %get3A_993 = arith.constant 0 : index
    %get3A_994 = arith.constant 0 : index
    %get3A_995 = vector.load %arg3[%get3A_992, %get3A_993, %get3A_994] : memref<6x128x128xf32, #tpu.memory_space<vmem>>, vector<1x128x128xf32>
    %get3A_996 = vector.shape_cast %get3A_995 : vector<1x128x128xf32> to vector<128x128xf32>
    %dot_general3A_997 = arith.constant dense<0.000000e+00> : vector<1024x128xf32>
    %dot_general3A_998 = tpu.matmul %max3A_746, %get3A_996, %dot_general3A_997 {dimension_numbers = #tpu.dot_dimension_numbers<[1], [0], [0], [1], [0, 0, 1, 1], [], []>, transpose_lhs_hint = false} : vector<1024x128xf32>, vector<128x128xf32>, vector<1024x128xf32> -> vector<1024x128xf32>
    %mul3A_999 = vector.broadcast %rsqrt3A : vector<1024x1xf32> to vector<1024x128xf32>
    %mul3A_1000 = arith.mulf %dot_general3A_998, %mul3A_999 : vector<1024x128xf32>
    %reshape3A_1001 = vector.shape_cast %mul3A_1000 : vector<1024x128xf32> to vector<32x32x128xf32>
    %slice3A_1002 = vector.extract_strided_slice %reshape3A_1001 {offsets = [0, 0, 0], sizes = [31, 32, 128], strides = [1, 1, 1]} : vector<32x32x128xf32> to vector<31x32x128xf32>
    %concatenate3A_1003 = tpu.concatenate %broadcast_in_dim3A_327, %slice3A_1002 in 0 : vector<1x32x128xf32>, vector<31x32x128xf32> -> vector<32x32x128xf32>
    %slice3A_1004 = vector.extract_strided_slice %reshape3A_1001 {offsets = [1, 0, 0], sizes = [31, 32, 128], strides = [1, 1, 1]} : vector<32x32x128xf32> to vector<31x32x128xf32>
    %concatenate3A_1005 = tpu.concatenate %slice3A_1004, %broadcast_in_dim3A_327 in 0 : vector<31x32x128xf32>, vector<1x32x128xf32> -> vector<32x32x128xf32>
    %slice3A_1006 = vector.extract_strided_slice %reshape3A_1001 {offsets = [0, 0, 0], sizes = [32, 31, 128], strides = [1, 1, 1]} : vector<32x32x128xf32> to vector<32x31x128xf32>
    %concatenate3A_1007 = tpu.concatenate %broadcast_in_dim3A_329, %slice3A_1006 in 1 : vector<32x1x128xf32>, vector<32x31x128xf32> -> vector<32x32x128xf32>
    %slice3A_1008 = vector.extract_strided_slice %reshape3A_1001 {offsets = [0, 1, 0], sizes = [32, 31, 128], strides = [1, 1, 1]} : vector<32x32x128xf32> to vector<32x31x128xf32>
    %concatenate3A_1009 = tpu.concatenate %slice3A_1008, %broadcast_in_dim3A_329 in 1 : vector<32x31x128xf32>, vector<32x1x128xf32> -> vector<32x32x128xf32>
    %add3A_1010 = arith.addf %reshape3A_1001, %concatenate3A_1003 : vector<32x32x128xf32>
    %add3A_1011 = arith.addf %concatenate3A_1005, %concatenate3A_1007 : vector<32x32x128xf32>
    %add3A_1012 = arith.addf %add3A_1010, %add3A_1011 : vector<32x32x128xf32>
    %add3A_1013 = arith.addf %add3A_1012, %concatenate3A_1009 : vector<32x32x128xf32>
    %reshape3A_1014 = vector.shape_cast %add3A_1013 : vector<32x32x128xf32> to vector<1024x128xf32>
    %mul3A_1015 = vector.broadcast %rsqrt3A : vector<1024x1xf32> to vector<1024x128xf32>
    %mul3A_1016 = arith.mulf %reshape3A_1014, %mul3A_1015 : vector<1024x128xf32>
    %get3A_1017 = arith.constant 2 : index
    %get3A_1018 = arith.constant 0 : index
    %get3A_1019 = vector.load %arg4[%get3A_1017, %get3A_1018] : memref<6x128xf32, #tpu.memory_space<vmem>>, vector<1x128xf32>
    %get3A_1020 = vector.shape_cast %get3A_1019 : vector<1x128xf32> to vector<128xf32>
    %broadcast_in_dim3A_1021 = vector.shape_cast %get3A_1020 : vector<128xf32> to vector<1x128xf32>
    %add3A_1022 = vector.broadcast %broadcast_in_dim3A_1021 : vector<1x128xf32> to vector<1024x128xf32>
    %add3A_1023 = arith.addf %mul3A_1016, %add3A_1022 : vector<1024x128xf32>
    %max3A_1024 = arith.constant 0.000000e+00 : f32
    %max3A_1025 = vector.broadcast %max3A_1024 : f32 to vector<1024x128xf32>
    %max3A_1026 = arith.maximumf %add3A_1023, %max3A_1025 : vector<1024x128xf32>
    %get3A_1027 = arith.constant 2 : index
    %get3A_1028 = arith.constant 0 : index
    %get3A_1029 = arith.constant 0 : index
    %get3A_1030 = vector.load %arg3[%get3A_1027, %get3A_1028, %get3A_1029] : memref<6x128x128xf32, #tpu.memory_space<vmem>>, vector<1x128x128xf32>
    %get3A_1031 = vector.shape_cast %get3A_1030 : vector<1x128x128xf32> to vector<128x128xf32>
    %dot_general3A_1032 = arith.constant dense<0.000000e+00> : vector<1024x128xf32>
    %dot_general3A_1033 = tpu.matmul %max3A_781, %get3A_1031, %dot_general3A_1032 {dimension_numbers = #tpu.dot_dimension_numbers<[1], [0], [0], [1], [0, 0, 1, 1], [], []>, transpose_lhs_hint = false} : vector<1024x128xf32>, vector<128x128xf32>, vector<1024x128xf32> -> vector<1024x128xf32>
    %mul3A_1034 = vector.broadcast %rsqrt3A : vector<1024x1xf32> to vector<1024x128xf32>
    %mul3A_1035 = arith.mulf %dot_general3A_1033, %mul3A_1034 : vector<1024x128xf32>
    %reshape3A_1036 = vector.shape_cast %mul3A_1035 : vector<1024x128xf32> to vector<32x32x128xf32>
    %slice3A_1037 = vector.extract_strided_slice %reshape3A_1036 {offsets = [0, 0, 0], sizes = [31, 32, 128], strides = [1, 1, 1]} : vector<32x32x128xf32> to vector<31x32x128xf32>
    %concatenate3A_1038 = tpu.concatenate %broadcast_in_dim3A_327, %slice3A_1037 in 0 : vector<1x32x128xf32>, vector<31x32x128xf32> -> vector<32x32x128xf32>
    %slice3A_1039 = vector.extract_strided_slice %reshape3A_1036 {offsets = [1, 0, 0], sizes = [31, 32, 128], strides = [1, 1, 1]} : vector<32x32x128xf32> to vector<31x32x128xf32>
    %concatenate3A_1040 = tpu.concatenate %slice3A_1039, %broadcast_in_dim3A_327 in 0 : vector<31x32x128xf32>, vector<1x32x128xf32> -> vector<32x32x128xf32>
    %slice3A_1041 = vector.extract_strided_slice %reshape3A_1036 {offsets = [0, 0, 0], sizes = [32, 31, 128], strides = [1, 1, 1]} : vector<32x32x128xf32> to vector<32x31x128xf32>
    %concatenate3A_1042 = tpu.concatenate %broadcast_in_dim3A_329, %slice3A_1041 in 1 : vector<32x1x128xf32>, vector<32x31x128xf32> -> vector<32x32x128xf32>
    %slice3A_1043 = vector.extract_strided_slice %reshape3A_1036 {offsets = [0, 1, 0], sizes = [32, 31, 128], strides = [1, 1, 1]} : vector<32x32x128xf32> to vector<32x31x128xf32>
    %concatenate3A_1044 = tpu.concatenate %slice3A_1043, %broadcast_in_dim3A_329 in 1 : vector<32x31x128xf32>, vector<32x1x128xf32> -> vector<32x32x128xf32>
    %add3A_1045 = arith.addf %reshape3A_1036, %concatenate3A_1038 : vector<32x32x128xf32>
    %add3A_1046 = arith.addf %concatenate3A_1040, %concatenate3A_1042 : vector<32x32x128xf32>
    %add3A_1047 = arith.addf %add3A_1045, %add3A_1046 : vector<32x32x128xf32>
    %add3A_1048 = arith.addf %add3A_1047, %concatenate3A_1044 : vector<32x32x128xf32>
    %reshape3A_1049 = vector.shape_cast %add3A_1048 : vector<32x32x128xf32> to vector<1024x128xf32>
    %mul3A_1050 = vector.broadcast %rsqrt3A : vector<1024x1xf32> to vector<1024x128xf32>
    %mul3A_1051 = arith.mulf %reshape3A_1049, %mul3A_1050 : vector<1024x128xf32>
    %get3A_1052 = arith.constant 2 : index
    %get3A_1053 = arith.constant 0 : index
    %get3A_1054 = vector.load %arg4[%get3A_1052, %get3A_1053] : memref<6x128xf32, #tpu.memory_space<vmem>>, vector<1x128xf32>
    %get3A_1055 = vector.shape_cast %get3A_1054 : vector<1x128xf32> to vector<128xf32>
    %broadcast_in_dim3A_1056 = vector.shape_cast %get3A_1055 : vector<128xf32> to vector<1x128xf32>
    %add3A_1057 = vector.broadcast %broadcast_in_dim3A_1056 : vector<1x128xf32> to vector<1024x128xf32>
    %add3A_1058 = arith.addf %mul3A_1051, %add3A_1057 : vector<1024x128xf32>
    %max3A_1059 = arith.constant 0.000000e+00 : f32
    %max3A_1060 = vector.broadcast %max3A_1059 : f32 to vector<1024x128xf32>
    %max3A_1061 = arith.maximumf %add3A_1058, %max3A_1060 : vector<1024x128xf32>
    %get3A_1062 = arith.constant 2 : index
    %get3A_1063 = arith.constant 0 : index
    %get3A_1064 = arith.constant 0 : index
    %get3A_1065 = vector.load %arg3[%get3A_1062, %get3A_1063, %get3A_1064] : memref<6x128x128xf32, #tpu.memory_space<vmem>>, vector<1x128x128xf32>
    %get3A_1066 = vector.shape_cast %get3A_1065 : vector<1x128x128xf32> to vector<128x128xf32>
    %dot_general3A_1067 = arith.constant dense<0.000000e+00> : vector<1024x128xf32>
    %dot_general3A_1068 = tpu.matmul %max3A_816, %get3A_1066, %dot_general3A_1067 {dimension_numbers = #tpu.dot_dimension_numbers<[1], [0], [0], [1], [0, 0, 1, 1], [], []>, transpose_lhs_hint = false} : vector<1024x128xf32>, vector<128x128xf32>, vector<1024x128xf32> -> vector<1024x128xf32>
    %mul3A_1069 = vector.broadcast %rsqrt3A : vector<1024x1xf32> to vector<1024x128xf32>
    %mul3A_1070 = arith.mulf %dot_general3A_1068, %mul3A_1069 : vector<1024x128xf32>
    %reshape3A_1071 = vector.shape_cast %mul3A_1070 : vector<1024x128xf32> to vector<32x32x128xf32>
    %slice3A_1072 = vector.extract_strided_slice %reshape3A_1071 {offsets = [0, 0, 0], sizes = [31, 32, 128], strides = [1, 1, 1]} : vector<32x32x128xf32> to vector<31x32x128xf32>
    %concatenate3A_1073 = tpu.concatenate %broadcast_in_dim3A_327, %slice3A_1072 in 0 : vector<1x32x128xf32>, vector<31x32x128xf32> -> vector<32x32x128xf32>
    %slice3A_1074 = vector.extract_strided_slice %reshape3A_1071 {offsets = [1, 0, 0], sizes = [31, 32, 128], strides = [1, 1, 1]} : vector<32x32x128xf32> to vector<31x32x128xf32>
    %concatenate3A_1075 = tpu.concatenate %slice3A_1074, %broadcast_in_dim3A_327 in 0 : vector<31x32x128xf32>, vector<1x32x128xf32> -> vector<32x32x128xf32>
    %slice3A_1076 = vector.extract_strided_slice %reshape3A_1071 {offsets = [0, 0, 0], sizes = [32, 31, 128], strides = [1, 1, 1]} : vector<32x32x128xf32> to vector<32x31x128xf32>
    %concatenate3A_1077 = tpu.concatenate %broadcast_in_dim3A_329, %slice3A_1076 in 1 : vector<32x1x128xf32>, vector<32x31x128xf32> -> vector<32x32x128xf32>
    %slice3A_1078 = vector.extract_strided_slice %reshape3A_1071 {offsets = [0, 1, 0], sizes = [32, 31, 128], strides = [1, 1, 1]} : vector<32x32x128xf32> to vector<32x31x128xf32>
    %concatenate3A_1079 = tpu.concatenate %slice3A_1078, %broadcast_in_dim3A_329 in 1 : vector<32x31x128xf32>, vector<32x1x128xf32> -> vector<32x32x128xf32>
    %add3A_1080 = arith.addf %reshape3A_1071, %concatenate3A_1073 : vector<32x32x128xf32>
    %add3A_1081 = arith.addf %concatenate3A_1075, %concatenate3A_1077 : vector<32x32x128xf32>
    %add3A_1082 = arith.addf %add3A_1080, %add3A_1081 : vector<32x32x128xf32>
    %add3A_1083 = arith.addf %add3A_1082, %concatenate3A_1079 : vector<32x32x128xf32>
    %reshape3A_1084 = vector.shape_cast %add3A_1083 : vector<32x32x128xf32> to vector<1024x128xf32>
    %mul3A_1085 = vector.broadcast %rsqrt3A : vector<1024x1xf32> to vector<1024x128xf32>
    %mul3A_1086 = arith.mulf %reshape3A_1084, %mul3A_1085 : vector<1024x128xf32>
    %get3A_1087 = arith.constant 2 : index
    %get3A_1088 = arith.constant 0 : index
    %get3A_1089 = vector.load %arg4[%get3A_1087, %get3A_1088] : memref<6x128xf32, #tpu.memory_space<vmem>>, vector<1x128xf32>
    %get3A_1090 = vector.shape_cast %get3A_1089 : vector<1x128xf32> to vector<128xf32>
    %broadcast_in_dim3A_1091 = vector.shape_cast %get3A_1090 : vector<128xf32> to vector<1x128xf32>
    %add3A_1092 = vector.broadcast %broadcast_in_dim3A_1091 : vector<1x128xf32> to vector<1024x128xf32>
    %add3A_1093 = arith.addf %mul3A_1086, %add3A_1092 : vector<1024x128xf32>
    %max3A_1094 = arith.constant 0.000000e+00 : f32
    %max3A_1095 = vector.broadcast %max3A_1094 : f32 to vector<1024x128xf32>
    %max3A_1096 = arith.maximumf %add3A_1093, %max3A_1095 : vector<1024x128xf32>
    %get3A_1097 = arith.constant 2 : index
    %get3A_1098 = arith.constant 0 : index
    %get3A_1099 = arith.constant 0 : index
    %get3A_1100 = vector.load %arg3[%get3A_1097, %get3A_1098, %get3A_1099] : memref<6x128x128xf32, #tpu.memory_space<vmem>>, vector<1x128x128xf32>
    %get3A_1101 = vector.shape_cast %get3A_1100 : vector<1x128x128xf32> to vector<128x128xf32>
    %dot_general3A_1102 = arith.constant dense<0.000000e+00> : vector<1024x128xf32>
    %dot_general3A_1103 = tpu.matmul %max3A_851, %get3A_1101, %dot_general3A_1102 {dimension_numbers = #tpu.dot_dimension_numbers<[1], [0], [0], [1], [0, 0, 1, 1], [], []>, transpose_lhs_hint = false} : vector<1024x128xf32>, vector<128x128xf32>, vector<1024x128xf32> -> vector<1024x128xf32>
    %mul3A_1104 = vector.broadcast %rsqrt3A : vector<1024x1xf32> to vector<1024x128xf32>
    %mul3A_1105 = arith.mulf %dot_general3A_1103, %mul3A_1104 : vector<1024x128xf32>
    %reshape3A_1106 = vector.shape_cast %mul3A_1105 : vector<1024x128xf32> to vector<32x32x128xf32>
    %slice3A_1107 = vector.extract_strided_slice %reshape3A_1106 {offsets = [0, 0, 0], sizes = [31, 32, 128], strides = [1, 1, 1]} : vector<32x32x128xf32> to vector<31x32x128xf32>
    %concatenate3A_1108 = tpu.concatenate %broadcast_in_dim3A_327, %slice3A_1107 in 0 : vector<1x32x128xf32>, vector<31x32x128xf32> -> vector<32x32x128xf32>
    %slice3A_1109 = vector.extract_strided_slice %reshape3A_1106 {offsets = [1, 0, 0], sizes = [31, 32, 128], strides = [1, 1, 1]} : vector<32x32x128xf32> to vector<31x32x128xf32>
    %concatenate3A_1110 = tpu.concatenate %slice3A_1109, %broadcast_in_dim3A_327 in 0 : vector<31x32x128xf32>, vector<1x32x128xf32> -> vector<32x32x128xf32>
    %slice3A_1111 = vector.extract_strided_slice %reshape3A_1106 {offsets = [0, 0, 0], sizes = [32, 31, 128], strides = [1, 1, 1]} : vector<32x32x128xf32> to vector<32x31x128xf32>
    %concatenate3A_1112 = tpu.concatenate %broadcast_in_dim3A_329, %slice3A_1111 in 1 : vector<32x1x128xf32>, vector<32x31x128xf32> -> vector<32x32x128xf32>
    %slice3A_1113 = vector.extract_strided_slice %reshape3A_1106 {offsets = [0, 1, 0], sizes = [32, 31, 128], strides = [1, 1, 1]} : vector<32x32x128xf32> to vector<32x31x128xf32>
    %concatenate3A_1114 = tpu.concatenate %slice3A_1113, %broadcast_in_dim3A_329 in 1 : vector<32x31x128xf32>, vector<32x1x128xf32> -> vector<32x32x128xf32>
    %add3A_1115 = arith.addf %reshape3A_1106, %concatenate3A_1108 : vector<32x32x128xf32>
    %add3A_1116 = arith.addf %concatenate3A_1110, %concatenate3A_1112 : vector<32x32x128xf32>
    %add3A_1117 = arith.addf %add3A_1115, %add3A_1116 : vector<32x32x128xf32>
    %add3A_1118 = arith.addf %add3A_1117, %concatenate3A_1114 : vector<32x32x128xf32>
    %reshape3A_1119 = vector.shape_cast %add3A_1118 : vector<32x32x128xf32> to vector<1024x128xf32>
    %mul3A_1120 = vector.broadcast %rsqrt3A : vector<1024x1xf32> to vector<1024x128xf32>
    %mul3A_1121 = arith.mulf %reshape3A_1119, %mul3A_1120 : vector<1024x128xf32>
    %get3A_1122 = arith.constant 2 : index
    %get3A_1123 = arith.constant 0 : index
    %get3A_1124 = vector.load %arg4[%get3A_1122, %get3A_1123] : memref<6x128xf32, #tpu.memory_space<vmem>>, vector<1x128xf32>
    %get3A_1125 = vector.shape_cast %get3A_1124 : vector<1x128xf32> to vector<128xf32>
    %broadcast_in_dim3A_1126 = vector.shape_cast %get3A_1125 : vector<128xf32> to vector<1x128xf32>
    %add3A_1127 = vector.broadcast %broadcast_in_dim3A_1126 : vector<1x128xf32> to vector<1024x128xf32>
    %add3A_1128 = arith.addf %mul3A_1121, %add3A_1127 : vector<1024x128xf32>
    %max3A_1129 = arith.constant 0.000000e+00 : f32
    %max3A_1130 = vector.broadcast %max3A_1129 : f32 to vector<1024x128xf32>
    %max3A_1131 = arith.maximumf %add3A_1128, %max3A_1130 : vector<1024x128xf32>
    %get3A_1132 = arith.constant 2 : index
    %get3A_1133 = arith.constant 0 : index
    %get3A_1134 = arith.constant 0 : index
    %get3A_1135 = vector.load %arg3[%get3A_1132, %get3A_1133, %get3A_1134] : memref<6x128x128xf32, #tpu.memory_space<vmem>>, vector<1x128x128xf32>
    %get3A_1136 = vector.shape_cast %get3A_1135 : vector<1x128x128xf32> to vector<128x128xf32>
    %dot_general3A_1137 = arith.constant dense<0.000000e+00> : vector<1024x128xf32>
    %dot_general3A_1138 = tpu.matmul %max3A_886, %get3A_1136, %dot_general3A_1137 {dimension_numbers = #tpu.dot_dimension_numbers<[1], [0], [0], [1], [0, 0, 1, 1], [], []>, transpose_lhs_hint = false} : vector<1024x128xf32>, vector<128x128xf32>, vector<1024x128xf32> -> vector<1024x128xf32>
    %mul3A_1139 = vector.broadcast %rsqrt3A : vector<1024x1xf32> to vector<1024x128xf32>
    %mul3A_1140 = arith.mulf %dot_general3A_1138, %mul3A_1139 : vector<1024x128xf32>
    %reshape3A_1141 = vector.shape_cast %mul3A_1140 : vector<1024x128xf32> to vector<32x32x128xf32>
    %slice3A_1142 = vector.extract_strided_slice %reshape3A_1141 {offsets = [0, 0, 0], sizes = [31, 32, 128], strides = [1, 1, 1]} : vector<32x32x128xf32> to vector<31x32x128xf32>
    %concatenate3A_1143 = tpu.concatenate %broadcast_in_dim3A_327, %slice3A_1142 in 0 : vector<1x32x128xf32>, vector<31x32x128xf32> -> vector<32x32x128xf32>
    %slice3A_1144 = vector.extract_strided_slice %reshape3A_1141 {offsets = [1, 0, 0], sizes = [31, 32, 128], strides = [1, 1, 1]} : vector<32x32x128xf32> to vector<31x32x128xf32>
    %concatenate3A_1145 = tpu.concatenate %slice3A_1144, %broadcast_in_dim3A_327 in 0 : vector<31x32x128xf32>, vector<1x32x128xf32> -> vector<32x32x128xf32>
    %slice3A_1146 = vector.extract_strided_slice %reshape3A_1141 {offsets = [0, 0, 0], sizes = [32, 31, 128], strides = [1, 1, 1]} : vector<32x32x128xf32> to vector<32x31x128xf32>
    %concatenate3A_1147 = tpu.concatenate %broadcast_in_dim3A_329, %slice3A_1146 in 1 : vector<32x1x128xf32>, vector<32x31x128xf32> -> vector<32x32x128xf32>
    %slice3A_1148 = vector.extract_strided_slice %reshape3A_1141 {offsets = [0, 1, 0], sizes = [32, 31, 128], strides = [1, 1, 1]} : vector<32x32x128xf32> to vector<32x31x128xf32>
    %concatenate3A_1149 = tpu.concatenate %slice3A_1148, %broadcast_in_dim3A_329 in 1 : vector<32x31x128xf32>, vector<32x1x128xf32> -> vector<32x32x128xf32>
    %add3A_1150 = arith.addf %reshape3A_1141, %concatenate3A_1143 : vector<32x32x128xf32>
    %add3A_1151 = arith.addf %concatenate3A_1145, %concatenate3A_1147 : vector<32x32x128xf32>
    %add3A_1152 = arith.addf %add3A_1150, %add3A_1151 : vector<32x32x128xf32>
    %add3A_1153 = arith.addf %add3A_1152, %concatenate3A_1149 : vector<32x32x128xf32>
    %reshape3A_1154 = vector.shape_cast %add3A_1153 : vector<32x32x128xf32> to vector<1024x128xf32>
    %mul3A_1155 = vector.broadcast %rsqrt3A : vector<1024x1xf32> to vector<1024x128xf32>
    %mul3A_1156 = arith.mulf %reshape3A_1154, %mul3A_1155 : vector<1024x128xf32>
    %get3A_1157 = arith.constant 2 : index
    %get3A_1158 = arith.constant 0 : index
    %get3A_1159 = vector.load %arg4[%get3A_1157, %get3A_1158] : memref<6x128xf32, #tpu.memory_space<vmem>>, vector<1x128xf32>
    %get3A_1160 = vector.shape_cast %get3A_1159 : vector<1x128xf32> to vector<128xf32>
    %broadcast_in_dim3A_1161 = vector.shape_cast %get3A_1160 : vector<128xf32> to vector<1x128xf32>
    %add3A_1162 = vector.broadcast %broadcast_in_dim3A_1161 : vector<1x128xf32> to vector<1024x128xf32>
    %add3A_1163 = arith.addf %mul3A_1156, %add3A_1162 : vector<1024x128xf32>
    %max3A_1164 = arith.constant 0.000000e+00 : f32
    %max3A_1165 = vector.broadcast %max3A_1164 : f32 to vector<1024x128xf32>
    %max3A_1166 = arith.maximumf %add3A_1163, %max3A_1165 : vector<1024x128xf32>
    %get3A_1167 = arith.constant 3 : index
    %get3A_1168 = arith.constant 0 : index
    %get3A_1169 = arith.constant 0 : index
    %get3A_1170 = vector.load %arg3[%get3A_1167, %get3A_1168, %get3A_1169] : memref<6x128x128xf32, #tpu.memory_space<vmem>>, vector<1x128x128xf32>
    %get3A_1171 = vector.shape_cast %get3A_1170 : vector<1x128x128xf32> to vector<128x128xf32>
    %dot_general3A_1172 = arith.constant dense<0.000000e+00> : vector<1024x128xf32>
    %dot_general3A_1173 = tpu.matmul %max3A_921, %get3A_1171, %dot_general3A_1172 {dimension_numbers = #tpu.dot_dimension_numbers<[1], [0], [0], [1], [0, 0, 1, 1], [], []>, transpose_lhs_hint = false} : vector<1024x128xf32>, vector<128x128xf32>, vector<1024x128xf32> -> vector<1024x128xf32>
    %mul3A_1174 = vector.broadcast %rsqrt3A : vector<1024x1xf32> to vector<1024x128xf32>
    %mul3A_1175 = arith.mulf %dot_general3A_1173, %mul3A_1174 : vector<1024x128xf32>
    %reshape3A_1176 = vector.shape_cast %mul3A_1175 : vector<1024x128xf32> to vector<32x32x128xf32>
    %slice3A_1177 = vector.extract_strided_slice %reshape3A_1176 {offsets = [0, 0, 0], sizes = [31, 32, 128], strides = [1, 1, 1]} : vector<32x32x128xf32> to vector<31x32x128xf32>
    %concatenate3A_1178 = tpu.concatenate %broadcast_in_dim3A_327, %slice3A_1177 in 0 : vector<1x32x128xf32>, vector<31x32x128xf32> -> vector<32x32x128xf32>
    %slice3A_1179 = vector.extract_strided_slice %reshape3A_1176 {offsets = [1, 0, 0], sizes = [31, 32, 128], strides = [1, 1, 1]} : vector<32x32x128xf32> to vector<31x32x128xf32>
    %concatenate3A_1180 = tpu.concatenate %slice3A_1179, %broadcast_in_dim3A_327 in 0 : vector<31x32x128xf32>, vector<1x32x128xf32> -> vector<32x32x128xf32>
    %slice3A_1181 = vector.extract_strided_slice %reshape3A_1176 {offsets = [0, 0, 0], sizes = [32, 31, 128], strides = [1, 1, 1]} : vector<32x32x128xf32> to vector<32x31x128xf32>
    %concatenate3A_1182 = tpu.concatenate %broadcast_in_dim3A_329, %slice3A_1181 in 1 : vector<32x1x128xf32>, vector<32x31x128xf32> -> vector<32x32x128xf32>
    %slice3A_1183 = vector.extract_strided_slice %reshape3A_1176 {offsets = [0, 1, 0], sizes = [32, 31, 128], strides = [1, 1, 1]} : vector<32x32x128xf32> to vector<32x31x128xf32>
    %concatenate3A_1184 = tpu.concatenate %slice3A_1183, %broadcast_in_dim3A_329 in 1 : vector<32x31x128xf32>, vector<32x1x128xf32> -> vector<32x32x128xf32>
    %add3A_1185 = arith.addf %reshape3A_1176, %concatenate3A_1178 : vector<32x32x128xf32>
    %add3A_1186 = arith.addf %concatenate3A_1180, %concatenate3A_1182 : vector<32x32x128xf32>
    %add3A_1187 = arith.addf %add3A_1185, %add3A_1186 : vector<32x32x128xf32>
    %add3A_1188 = arith.addf %add3A_1187, %concatenate3A_1184 : vector<32x32x128xf32>
    %reshape3A_1189 = vector.shape_cast %add3A_1188 : vector<32x32x128xf32> to vector<1024x128xf32>
    %mul3A_1190 = vector.broadcast %rsqrt3A : vector<1024x1xf32> to vector<1024x128xf32>
    %mul3A_1191 = arith.mulf %reshape3A_1189, %mul3A_1190 : vector<1024x128xf32>
    %get3A_1192 = arith.constant 3 : index
    %get3A_1193 = arith.constant 0 : index
    %get3A_1194 = vector.load %arg4[%get3A_1192, %get3A_1193] : memref<6x128xf32, #tpu.memory_space<vmem>>, vector<1x128xf32>
    %get3A_1195 = vector.shape_cast %get3A_1194 : vector<1x128xf32> to vector<128xf32>
    %broadcast_in_dim3A_1196 = vector.shape_cast %get3A_1195 : vector<128xf32> to vector<1x128xf32>
    %add3A_1197 = vector.broadcast %broadcast_in_dim3A_1196 : vector<1x128xf32> to vector<1024x128xf32>
    %add3A_1198 = arith.addf %mul3A_1191, %add3A_1197 : vector<1024x128xf32>
    %max3A_1199 = arith.constant 0.000000e+00 : f32
    %max3A_1200 = vector.broadcast %max3A_1199 : f32 to vector<1024x128xf32>
    %max3A_1201 = arith.maximumf %add3A_1198, %max3A_1200 : vector<1024x128xf32>
    %get3A_1202 = arith.constant 3 : index
    %get3A_1203 = arith.constant 0 : index
    %get3A_1204 = arith.constant 0 : index
    %get3A_1205 = vector.load %arg3[%get3A_1202, %get3A_1203, %get3A_1204] : memref<6x128x128xf32, #tpu.memory_space<vmem>>, vector<1x128x128xf32>
    %get3A_1206 = vector.shape_cast %get3A_1205 : vector<1x128x128xf32> to vector<128x128xf32>
    %dot_general3A_1207 = arith.constant dense<0.000000e+00> : vector<1024x128xf32>
    %dot_general3A_1208 = tpu.matmul %max3A_956, %get3A_1206, %dot_general3A_1207 {dimension_numbers = #tpu.dot_dimension_numbers<[1], [0], [0], [1], [0, 0, 1, 1], [], []>, transpose_lhs_hint = false} : vector<1024x128xf32>, vector<128x128xf32>, vector<1024x128xf32> -> vector<1024x128xf32>
    %mul3A_1209 = vector.broadcast %rsqrt3A : vector<1024x1xf32> to vector<1024x128xf32>
    %mul3A_1210 = arith.mulf %dot_general3A_1208, %mul3A_1209 : vector<1024x128xf32>
    %reshape3A_1211 = vector.shape_cast %mul3A_1210 : vector<1024x128xf32> to vector<32x32x128xf32>
    %slice3A_1212 = vector.extract_strided_slice %reshape3A_1211 {offsets = [0, 0, 0], sizes = [31, 32, 128], strides = [1, 1, 1]} : vector<32x32x128xf32> to vector<31x32x128xf32>
    %concatenate3A_1213 = tpu.concatenate %broadcast_in_dim3A_327, %slice3A_1212 in 0 : vector<1x32x128xf32>, vector<31x32x128xf32> -> vector<32x32x128xf32>
    %slice3A_1214 = vector.extract_strided_slice %reshape3A_1211 {offsets = [1, 0, 0], sizes = [31, 32, 128], strides = [1, 1, 1]} : vector<32x32x128xf32> to vector<31x32x128xf32>
    %concatenate3A_1215 = tpu.concatenate %slice3A_1214, %broadcast_in_dim3A_327 in 0 : vector<31x32x128xf32>, vector<1x32x128xf32> -> vector<32x32x128xf32>
    %slice3A_1216 = vector.extract_strided_slice %reshape3A_1211 {offsets = [0, 0, 0], sizes = [32, 31, 128], strides = [1, 1, 1]} : vector<32x32x128xf32> to vector<32x31x128xf32>
    %concatenate3A_1217 = tpu.concatenate %broadcast_in_dim3A_329, %slice3A_1216 in 1 : vector<32x1x128xf32>, vector<32x31x128xf32> -> vector<32x32x128xf32>
    %slice3A_1218 = vector.extract_strided_slice %reshape3A_1211 {offsets = [0, 1, 0], sizes = [32, 31, 128], strides = [1, 1, 1]} : vector<32x32x128xf32> to vector<32x31x128xf32>
    %concatenate3A_1219 = tpu.concatenate %slice3A_1218, %broadcast_in_dim3A_329 in 1 : vector<32x31x128xf32>, vector<32x1x128xf32> -> vector<32x32x128xf32>
    %add3A_1220 = arith.addf %reshape3A_1211, %concatenate3A_1213 : vector<32x32x128xf32>
    %add3A_1221 = arith.addf %concatenate3A_1215, %concatenate3A_1217 : vector<32x32x128xf32>
    %add3A_1222 = arith.addf %add3A_1220, %add3A_1221 : vector<32x32x128xf32>
    %add3A_1223 = arith.addf %add3A_1222, %concatenate3A_1219 : vector<32x32x128xf32>
    %reshape3A_1224 = vector.shape_cast %add3A_1223 : vector<32x32x128xf32> to vector<1024x128xf32>
    %mul3A_1225 = vector.broadcast %rsqrt3A : vector<1024x1xf32> to vector<1024x128xf32>
    %mul3A_1226 = arith.mulf %reshape3A_1224, %mul3A_1225 : vector<1024x128xf32>
    %get3A_1227 = arith.constant 3 : index
    %get3A_1228 = arith.constant 0 : index
    %get3A_1229 = vector.load %arg4[%get3A_1227, %get3A_1228] : memref<6x128xf32, #tpu.memory_space<vmem>>, vector<1x128xf32>
    %get3A_1230 = vector.shape_cast %get3A_1229 : vector<1x128xf32> to vector<128xf32>
    %broadcast_in_dim3A_1231 = vector.shape_cast %get3A_1230 : vector<128xf32> to vector<1x128xf32>
    %add3A_1232 = vector.broadcast %broadcast_in_dim3A_1231 : vector<1x128xf32> to vector<1024x128xf32>
    %add3A_1233 = arith.addf %mul3A_1226, %add3A_1232 : vector<1024x128xf32>
    %max3A_1234 = arith.constant 0.000000e+00 : f32
    %max3A_1235 = vector.broadcast %max3A_1234 : f32 to vector<1024x128xf32>
    %max3A_1236 = arith.maximumf %add3A_1233, %max3A_1235 : vector<1024x128xf32>
    %get3A_1237 = arith.constant 3 : index
    %get3A_1238 = arith.constant 0 : index
    %get3A_1239 = arith.constant 0 : index
    %get3A_1240 = vector.load %arg3[%get3A_1237, %get3A_1238, %get3A_1239] : memref<6x128x128xf32, #tpu.memory_space<vmem>>, vector<1x128x128xf32>
    %get3A_1241 = vector.shape_cast %get3A_1240 : vector<1x128x128xf32> to vector<128x128xf32>
    %dot_general3A_1242 = arith.constant dense<0.000000e+00> : vector<1024x128xf32>
    %dot_general3A_1243 = tpu.matmul %max3A_991, %get3A_1241, %dot_general3A_1242 {dimension_numbers = #tpu.dot_dimension_numbers<[1], [0], [0], [1], [0, 0, 1, 1], [], []>, transpose_lhs_hint = false} : vector<1024x128xf32>, vector<128x128xf32>, vector<1024x128xf32> -> vector<1024x128xf32>
    %mul3A_1244 = vector.broadcast %rsqrt3A : vector<1024x1xf32> to vector<1024x128xf32>
    %mul3A_1245 = arith.mulf %dot_general3A_1243, %mul3A_1244 : vector<1024x128xf32>
    %reshape3A_1246 = vector.shape_cast %mul3A_1245 : vector<1024x128xf32> to vector<32x32x128xf32>
    %slice3A_1247 = vector.extract_strided_slice %reshape3A_1246 {offsets = [0, 0, 0], sizes = [31, 32, 128], strides = [1, 1, 1]} : vector<32x32x128xf32> to vector<31x32x128xf32>
    %concatenate3A_1248 = tpu.concatenate %broadcast_in_dim3A_327, %slice3A_1247 in 0 : vector<1x32x128xf32>, vector<31x32x128xf32> -> vector<32x32x128xf32>
    %slice3A_1249 = vector.extract_strided_slice %reshape3A_1246 {offsets = [1, 0, 0], sizes = [31, 32, 128], strides = [1, 1, 1]} : vector<32x32x128xf32> to vector<31x32x128xf32>
    %concatenate3A_1250 = tpu.concatenate %slice3A_1249, %broadcast_in_dim3A_327 in 0 : vector<31x32x128xf32>, vector<1x32x128xf32> -> vector<32x32x128xf32>
    %slice3A_1251 = vector.extract_strided_slice %reshape3A_1246 {offsets = [0, 0, 0], sizes = [32, 31, 128], strides = [1, 1, 1]} : vector<32x32x128xf32> to vector<32x31x128xf32>
    %concatenate3A_1252 = tpu.concatenate %broadcast_in_dim3A_329, %slice3A_1251 in 1 : vector<32x1x128xf32>, vector<32x31x128xf32> -> vector<32x32x128xf32>
    %slice3A_1253 = vector.extract_strided_slice %reshape3A_1246 {offsets = [0, 1, 0], sizes = [32, 31, 128], strides = [1, 1, 1]} : vector<32x32x128xf32> to vector<32x31x128xf32>
    %concatenate3A_1254 = tpu.concatenate %slice3A_1253, %broadcast_in_dim3A_329 in 1 : vector<32x31x128xf32>, vector<32x1x128xf32> -> vector<32x32x128xf32>
    %add3A_1255 = arith.addf %reshape3A_1246, %concatenate3A_1248 : vector<32x32x128xf32>
    %add3A_1256 = arith.addf %concatenate3A_1250, %concatenate3A_1252 : vector<32x32x128xf32>
    %add3A_1257 = arith.addf %add3A_1255, %add3A_1256 : vector<32x32x128xf32>
    %add3A_1258 = arith.addf %add3A_1257, %concatenate3A_1254 : vector<32x32x128xf32>
    %reshape3A_1259 = vector.shape_cast %add3A_1258 : vector<32x32x128xf32> to vector<1024x128xf32>
    %mul3A_1260 = vector.broadcast %rsqrt3A : vector<1024x1xf32> to vector<1024x128xf32>
    %mul3A_1261 = arith.mulf %reshape3A_1259, %mul3A_1260 : vector<1024x128xf32>
    %get3A_1262 = arith.constant 3 : index
    %get3A_1263 = arith.constant 0 : index
    %get3A_1264 = vector.load %arg4[%get3A_1262, %get3A_1263] : memref<6x128xf32, #tpu.memory_space<vmem>>, vector<1x128xf32>
    %get3A_1265 = vector.shape_cast %get3A_1264 : vector<1x128xf32> to vector<128xf32>
    %broadcast_in_dim3A_1266 = vector.shape_cast %get3A_1265 : vector<128xf32> to vector<1x128xf32>
    %add3A_1267 = vector.broadcast %broadcast_in_dim3A_1266 : vector<1x128xf32> to vector<1024x128xf32>
    %add3A_1268 = arith.addf %mul3A_1261, %add3A_1267 : vector<1024x128xf32>
    %max3A_1269 = arith.constant 0.000000e+00 : f32
    %max3A_1270 = vector.broadcast %max3A_1269 : f32 to vector<1024x128xf32>
    %max3A_1271 = arith.maximumf %add3A_1268, %max3A_1270 : vector<1024x128xf32>
    %get3A_1272 = arith.constant 3 : index
    %get3A_1273 = arith.constant 0 : index
    %get3A_1274 = arith.constant 0 : index
    %get3A_1275 = vector.load %arg3[%get3A_1272, %get3A_1273, %get3A_1274] : memref<6x128x128xf32, #tpu.memory_space<vmem>>, vector<1x128x128xf32>
    %get3A_1276 = vector.shape_cast %get3A_1275 : vector<1x128x128xf32> to vector<128x128xf32>
    %dot_general3A_1277 = arith.constant dense<0.000000e+00> : vector<1024x128xf32>
    %dot_general3A_1278 = tpu.matmul %max3A_1026, %get3A_1276, %dot_general3A_1277 {dimension_numbers = #tpu.dot_dimension_numbers<[1], [0], [0], [1], [0, 0, 1, 1], [], []>, transpose_lhs_hint = false} : vector<1024x128xf32>, vector<128x128xf32>, vector<1024x128xf32> -> vector<1024x128xf32>
    %mul3A_1279 = vector.broadcast %rsqrt3A : vector<1024x1xf32> to vector<1024x128xf32>
    %mul3A_1280 = arith.mulf %dot_general3A_1278, %mul3A_1279 : vector<1024x128xf32>
    %reshape3A_1281 = vector.shape_cast %mul3A_1280 : vector<1024x128xf32> to vector<32x32x128xf32>
    %slice3A_1282 = vector.extract_strided_slice %reshape3A_1281 {offsets = [0, 0, 0], sizes = [31, 32, 128], strides = [1, 1, 1]} : vector<32x32x128xf32> to vector<31x32x128xf32>
    %concatenate3A_1283 = tpu.concatenate %broadcast_in_dim3A_327, %slice3A_1282 in 0 : vector<1x32x128xf32>, vector<31x32x128xf32> -> vector<32x32x128xf32>
    %slice3A_1284 = vector.extract_strided_slice %reshape3A_1281 {offsets = [1, 0, 0], sizes = [31, 32, 128], strides = [1, 1, 1]} : vector<32x32x128xf32> to vector<31x32x128xf32>
    %concatenate3A_1285 = tpu.concatenate %slice3A_1284, %broadcast_in_dim3A_327 in 0 : vector<31x32x128xf32>, vector<1x32x128xf32> -> vector<32x32x128xf32>
    %slice3A_1286 = vector.extract_strided_slice %reshape3A_1281 {offsets = [0, 0, 0], sizes = [32, 31, 128], strides = [1, 1, 1]} : vector<32x32x128xf32> to vector<32x31x128xf32>
    %concatenate3A_1287 = tpu.concatenate %broadcast_in_dim3A_329, %slice3A_1286 in 1 : vector<32x1x128xf32>, vector<32x31x128xf32> -> vector<32x32x128xf32>
    %slice3A_1288 = vector.extract_strided_slice %reshape3A_1281 {offsets = [0, 1, 0], sizes = [32, 31, 128], strides = [1, 1, 1]} : vector<32x32x128xf32> to vector<32x31x128xf32>
    %concatenate3A_1289 = tpu.concatenate %slice3A_1288, %broadcast_in_dim3A_329 in 1 : vector<32x31x128xf32>, vector<32x1x128xf32> -> vector<32x32x128xf32>
    %add3A_1290 = arith.addf %reshape3A_1281, %concatenate3A_1283 : vector<32x32x128xf32>
    %add3A_1291 = arith.addf %concatenate3A_1285, %concatenate3A_1287 : vector<32x32x128xf32>
    %add3A_1292 = arith.addf %add3A_1290, %add3A_1291 : vector<32x32x128xf32>
    %add3A_1293 = arith.addf %add3A_1292, %concatenate3A_1289 : vector<32x32x128xf32>
    %reshape3A_1294 = vector.shape_cast %add3A_1293 : vector<32x32x128xf32> to vector<1024x128xf32>
    %mul3A_1295 = vector.broadcast %rsqrt3A : vector<1024x1xf32> to vector<1024x128xf32>
    %mul3A_1296 = arith.mulf %reshape3A_1294, %mul3A_1295 : vector<1024x128xf32>
    %get3A_1297 = arith.constant 3 : index
    %get3A_1298 = arith.constant 0 : index
    %get3A_1299 = vector.load %arg4[%get3A_1297, %get3A_1298] : memref<6x128xf32, #tpu.memory_space<vmem>>, vector<1x128xf32>
    %get3A_1300 = vector.shape_cast %get3A_1299 : vector<1x128xf32> to vector<128xf32>
    %broadcast_in_dim3A_1301 = vector.shape_cast %get3A_1300 : vector<128xf32> to vector<1x128xf32>
    %add3A_1302 = vector.broadcast %broadcast_in_dim3A_1301 : vector<1x128xf32> to vector<1024x128xf32>
    %add3A_1303 = arith.addf %mul3A_1296, %add3A_1302 : vector<1024x128xf32>
    %max3A_1304 = arith.constant 0.000000e+00 : f32
    %max3A_1305 = vector.broadcast %max3A_1304 : f32 to vector<1024x128xf32>
    %max3A_1306 = arith.maximumf %add3A_1303, %max3A_1305 : vector<1024x128xf32>
    %get3A_1307 = arith.constant 3 : index
    %get3A_1308 = arith.constant 0 : index
    %get3A_1309 = arith.constant 0 : index
    %get3A_1310 = vector.load %arg3[%get3A_1307, %get3A_1308, %get3A_1309] : memref<6x128x128xf32, #tpu.memory_space<vmem>>, vector<1x128x128xf32>
    %get3A_1311 = vector.shape_cast %get3A_1310 : vector<1x128x128xf32> to vector<128x128xf32>
    %dot_general3A_1312 = arith.constant dense<0.000000e+00> : vector<1024x128xf32>
    %dot_general3A_1313 = tpu.matmul %max3A_1061, %get3A_1311, %dot_general3A_1312 {dimension_numbers = #tpu.dot_dimension_numbers<[1], [0], [0], [1], [0, 0, 1, 1], [], []>, transpose_lhs_hint = false} : vector<1024x128xf32>, vector<128x128xf32>, vector<1024x128xf32> -> vector<1024x128xf32>
    %mul3A_1314 = vector.broadcast %rsqrt3A : vector<1024x1xf32> to vector<1024x128xf32>
    %mul3A_1315 = arith.mulf %dot_general3A_1313, %mul3A_1314 : vector<1024x128xf32>
    %reshape3A_1316 = vector.shape_cast %mul3A_1315 : vector<1024x128xf32> to vector<32x32x128xf32>
    %slice3A_1317 = vector.extract_strided_slice %reshape3A_1316 {offsets = [0, 0, 0], sizes = [31, 32, 128], strides = [1, 1, 1]} : vector<32x32x128xf32> to vector<31x32x128xf32>
    %concatenate3A_1318 = tpu.concatenate %broadcast_in_dim3A_327, %slice3A_1317 in 0 : vector<1x32x128xf32>, vector<31x32x128xf32> -> vector<32x32x128xf32>
    %slice3A_1319 = vector.extract_strided_slice %reshape3A_1316 {offsets = [1, 0, 0], sizes = [31, 32, 128], strides = [1, 1, 1]} : vector<32x32x128xf32> to vector<31x32x128xf32>
    %concatenate3A_1320 = tpu.concatenate %slice3A_1319, %broadcast_in_dim3A_327 in 0 : vector<31x32x128xf32>, vector<1x32x128xf32> -> vector<32x32x128xf32>
    %slice3A_1321 = vector.extract_strided_slice %reshape3A_1316 {offsets = [0, 0, 0], sizes = [32, 31, 128], strides = [1, 1, 1]} : vector<32x32x128xf32> to vector<32x31x128xf32>
    %concatenate3A_1322 = tpu.concatenate %broadcast_in_dim3A_329, %slice3A_1321 in 1 : vector<32x1x128xf32>, vector<32x31x128xf32> -> vector<32x32x128xf32>
    %slice3A_1323 = vector.extract_strided_slice %reshape3A_1316 {offsets = [0, 1, 0], sizes = [32, 31, 128], strides = [1, 1, 1]} : vector<32x32x128xf32> to vector<32x31x128xf32>
    %concatenate3A_1324 = tpu.concatenate %slice3A_1323, %broadcast_in_dim3A_329 in 1 : vector<32x31x128xf32>, vector<32x1x128xf32> -> vector<32x32x128xf32>
    %add3A_1325 = arith.addf %reshape3A_1316, %concatenate3A_1318 : vector<32x32x128xf32>
    %add3A_1326 = arith.addf %concatenate3A_1320, %concatenate3A_1322 : vector<32x32x128xf32>
    %add3A_1327 = arith.addf %add3A_1325, %add3A_1326 : vector<32x32x128xf32>
    %add3A_1328 = arith.addf %add3A_1327, %concatenate3A_1324 : vector<32x32x128xf32>
    %reshape3A_1329 = vector.shape_cast %add3A_1328 : vector<32x32x128xf32> to vector<1024x128xf32>
    %mul3A_1330 = vector.broadcast %rsqrt3A : vector<1024x1xf32> to vector<1024x128xf32>
    %mul3A_1331 = arith.mulf %reshape3A_1329, %mul3A_1330 : vector<1024x128xf32>
    %get3A_1332 = arith.constant 3 : index
    %get3A_1333 = arith.constant 0 : index
    %get3A_1334 = vector.load %arg4[%get3A_1332, %get3A_1333] : memref<6x128xf32, #tpu.memory_space<vmem>>, vector<1x128xf32>
    %get3A_1335 = vector.shape_cast %get3A_1334 : vector<1x128xf32> to vector<128xf32>
    %broadcast_in_dim3A_1336 = vector.shape_cast %get3A_1335 : vector<128xf32> to vector<1x128xf32>
    %add3A_1337 = vector.broadcast %broadcast_in_dim3A_1336 : vector<1x128xf32> to vector<1024x128xf32>
    %add3A_1338 = arith.addf %mul3A_1331, %add3A_1337 : vector<1024x128xf32>
    %max3A_1339 = arith.constant 0.000000e+00 : f32
    %max3A_1340 = vector.broadcast %max3A_1339 : f32 to vector<1024x128xf32>
    %max3A_1341 = arith.maximumf %add3A_1338, %max3A_1340 : vector<1024x128xf32>
    %get3A_1342 = arith.constant 3 : index
    %get3A_1343 = arith.constant 0 : index
    %get3A_1344 = arith.constant 0 : index
    %get3A_1345 = vector.load %arg3[%get3A_1342, %get3A_1343, %get3A_1344] : memref<6x128x128xf32, #tpu.memory_space<vmem>>, vector<1x128x128xf32>
    %get3A_1346 = vector.shape_cast %get3A_1345 : vector<1x128x128xf32> to vector<128x128xf32>
    %dot_general3A_1347 = arith.constant dense<0.000000e+00> : vector<1024x128xf32>
    %dot_general3A_1348 = tpu.matmul %max3A_1096, %get3A_1346, %dot_general3A_1347 {dimension_numbers = #tpu.dot_dimension_numbers<[1], [0], [0], [1], [0, 0, 1, 1], [], []>, transpose_lhs_hint = false} : vector<1024x128xf32>, vector<128x128xf32>, vector<1024x128xf32> -> vector<1024x128xf32>
    %mul3A_1349 = vector.broadcast %rsqrt3A : vector<1024x1xf32> to vector<1024x128xf32>
    %mul3A_1350 = arith.mulf %dot_general3A_1348, %mul3A_1349 : vector<1024x128xf32>
    %reshape3A_1351 = vector.shape_cast %mul3A_1350 : vector<1024x128xf32> to vector<32x32x128xf32>
    %slice3A_1352 = vector.extract_strided_slice %reshape3A_1351 {offsets = [0, 0, 0], sizes = [31, 32, 128], strides = [1, 1, 1]} : vector<32x32x128xf32> to vector<31x32x128xf32>
    %concatenate3A_1353 = tpu.concatenate %broadcast_in_dim3A_327, %slice3A_1352 in 0 : vector<1x32x128xf32>, vector<31x32x128xf32> -> vector<32x32x128xf32>
    %slice3A_1354 = vector.extract_strided_slice %reshape3A_1351 {offsets = [1, 0, 0], sizes = [31, 32, 128], strides = [1, 1, 1]} : vector<32x32x128xf32> to vector<31x32x128xf32>
    %concatenate3A_1355 = tpu.concatenate %slice3A_1354, %broadcast_in_dim3A_327 in 0 : vector<31x32x128xf32>, vector<1x32x128xf32> -> vector<32x32x128xf32>
    %slice3A_1356 = vector.extract_strided_slice %reshape3A_1351 {offsets = [0, 0, 0], sizes = [32, 31, 128], strides = [1, 1, 1]} : vector<32x32x128xf32> to vector<32x31x128xf32>
    %concatenate3A_1357 = tpu.concatenate %broadcast_in_dim3A_329, %slice3A_1356 in 1 : vector<32x1x128xf32>, vector<32x31x128xf32> -> vector<32x32x128xf32>
    %slice3A_1358 = vector.extract_strided_slice %reshape3A_1351 {offsets = [0, 1, 0], sizes = [32, 31, 128], strides = [1, 1, 1]} : vector<32x32x128xf32> to vector<32x31x128xf32>
    %concatenate3A_1359 = tpu.concatenate %slice3A_1358, %broadcast_in_dim3A_329 in 1 : vector<32x31x128xf32>, vector<32x1x128xf32> -> vector<32x32x128xf32>
    %add3A_1360 = arith.addf %reshape3A_1351, %concatenate3A_1353 : vector<32x32x128xf32>
    %add3A_1361 = arith.addf %concatenate3A_1355, %concatenate3A_1357 : vector<32x32x128xf32>
    %add3A_1362 = arith.addf %add3A_1360, %add3A_1361 : vector<32x32x128xf32>
    %add3A_1363 = arith.addf %add3A_1362, %concatenate3A_1359 : vector<32x32x128xf32>
    %reshape3A_1364 = vector.shape_cast %add3A_1363 : vector<32x32x128xf32> to vector<1024x128xf32>
    %mul3A_1365 = vector.broadcast %rsqrt3A : vector<1024x1xf32> to vector<1024x128xf32>
    %mul3A_1366 = arith.mulf %reshape3A_1364, %mul3A_1365 : vector<1024x128xf32>
    %get3A_1367 = arith.constant 3 : index
    %get3A_1368 = arith.constant 0 : index
    %get3A_1369 = vector.load %arg4[%get3A_1367, %get3A_1368] : memref<6x128xf32, #tpu.memory_space<vmem>>, vector<1x128xf32>
    %get3A_1370 = vector.shape_cast %get3A_1369 : vector<1x128xf32> to vector<128xf32>
    %broadcast_in_dim3A_1371 = vector.shape_cast %get3A_1370 : vector<128xf32> to vector<1x128xf32>
    %add3A_1372 = vector.broadcast %broadcast_in_dim3A_1371 : vector<1x128xf32> to vector<1024x128xf32>
    %add3A_1373 = arith.addf %mul3A_1366, %add3A_1372 : vector<1024x128xf32>
    %max3A_1374 = arith.constant 0.000000e+00 : f32
    %max3A_1375 = vector.broadcast %max3A_1374 : f32 to vector<1024x128xf32>
    %max3A_1376 = arith.maximumf %add3A_1373, %max3A_1375 : vector<1024x128xf32>
    %get3A_1377 = arith.constant 3 : index
    %get3A_1378 = arith.constant 0 : index
    %get3A_1379 = arith.constant 0 : index
    %get3A_1380 = vector.load %arg3[%get3A_1377, %get3A_1378, %get3A_1379] : memref<6x128x128xf32, #tpu.memory_space<vmem>>, vector<1x128x128xf32>
    %get3A_1381 = vector.shape_cast %get3A_1380 : vector<1x128x128xf32> to vector<128x128xf32>
    %dot_general3A_1382 = arith.constant dense<0.000000e+00> : vector<1024x128xf32>
    %dot_general3A_1383 = tpu.matmul %max3A_1131, %get3A_1381, %dot_general3A_1382 {dimension_numbers = #tpu.dot_dimension_numbers<[1], [0], [0], [1], [0, 0, 1, 1], [], []>, transpose_lhs_hint = false} : vector<1024x128xf32>, vector<128x128xf32>, vector<1024x128xf32> -> vector<1024x128xf32>
    %mul3A_1384 = vector.broadcast %rsqrt3A : vector<1024x1xf32> to vector<1024x128xf32>
    %mul3A_1385 = arith.mulf %dot_general3A_1383, %mul3A_1384 : vector<1024x128xf32>
    %reshape3A_1386 = vector.shape_cast %mul3A_1385 : vector<1024x128xf32> to vector<32x32x128xf32>
    %slice3A_1387 = vector.extract_strided_slice %reshape3A_1386 {offsets = [0, 0, 0], sizes = [31, 32, 128], strides = [1, 1, 1]} : vector<32x32x128xf32> to vector<31x32x128xf32>
    %concatenate3A_1388 = tpu.concatenate %broadcast_in_dim3A_327, %slice3A_1387 in 0 : vector<1x32x128xf32>, vector<31x32x128xf32> -> vector<32x32x128xf32>
    %slice3A_1389 = vector.extract_strided_slice %reshape3A_1386 {offsets = [1, 0, 0], sizes = [31, 32, 128], strides = [1, 1, 1]} : vector<32x32x128xf32> to vector<31x32x128xf32>
    %concatenate3A_1390 = tpu.concatenate %slice3A_1389, %broadcast_in_dim3A_327 in 0 : vector<31x32x128xf32>, vector<1x32x128xf32> -> vector<32x32x128xf32>
    %slice3A_1391 = vector.extract_strided_slice %reshape3A_1386 {offsets = [0, 0, 0], sizes = [32, 31, 128], strides = [1, 1, 1]} : vector<32x32x128xf32> to vector<32x31x128xf32>
    %concatenate3A_1392 = tpu.concatenate %broadcast_in_dim3A_329, %slice3A_1391 in 1 : vector<32x1x128xf32>, vector<32x31x128xf32> -> vector<32x32x128xf32>
    %slice3A_1393 = vector.extract_strided_slice %reshape3A_1386 {offsets = [0, 1, 0], sizes = [32, 31, 128], strides = [1, 1, 1]} : vector<32x32x128xf32> to vector<32x31x128xf32>
    %concatenate3A_1394 = tpu.concatenate %slice3A_1393, %broadcast_in_dim3A_329 in 1 : vector<32x31x128xf32>, vector<32x1x128xf32> -> vector<32x32x128xf32>
    %add3A_1395 = arith.addf %reshape3A_1386, %concatenate3A_1388 : vector<32x32x128xf32>
    %add3A_1396 = arith.addf %concatenate3A_1390, %concatenate3A_1392 : vector<32x32x128xf32>
    %add3A_1397 = arith.addf %add3A_1395, %add3A_1396 : vector<32x32x128xf32>
    %add3A_1398 = arith.addf %add3A_1397, %concatenate3A_1394 : vector<32x32x128xf32>
    %reshape3A_1399 = vector.shape_cast %add3A_1398 : vector<32x32x128xf32> to vector<1024x128xf32>
    %mul3A_1400 = vector.broadcast %rsqrt3A : vector<1024x1xf32> to vector<1024x128xf32>
    %mul3A_1401 = arith.mulf %reshape3A_1399, %mul3A_1400 : vector<1024x128xf32>
    %get3A_1402 = arith.constant 3 : index
    %get3A_1403 = arith.constant 0 : index
    %get3A_1404 = vector.load %arg4[%get3A_1402, %get3A_1403] : memref<6x128xf32, #tpu.memory_space<vmem>>, vector<1x128xf32>
    %get3A_1405 = vector.shape_cast %get3A_1404 : vector<1x128xf32> to vector<128xf32>
    %broadcast_in_dim3A_1406 = vector.shape_cast %get3A_1405 : vector<128xf32> to vector<1x128xf32>
    %add3A_1407 = vector.broadcast %broadcast_in_dim3A_1406 : vector<1x128xf32> to vector<1024x128xf32>
    %add3A_1408 = arith.addf %mul3A_1401, %add3A_1407 : vector<1024x128xf32>
    %max3A_1409 = arith.constant 0.000000e+00 : f32
    %max3A_1410 = vector.broadcast %max3A_1409 : f32 to vector<1024x128xf32>
    %max3A_1411 = arith.maximumf %add3A_1408, %max3A_1410 : vector<1024x128xf32>
    %get3A_1412 = arith.constant 3 : index
    %get3A_1413 = arith.constant 0 : index
    %get3A_1414 = arith.constant 0 : index
    %get3A_1415 = vector.load %arg3[%get3A_1412, %get3A_1413, %get3A_1414] : memref<6x128x128xf32, #tpu.memory_space<vmem>>, vector<1x128x128xf32>
    %get3A_1416 = vector.shape_cast %get3A_1415 : vector<1x128x128xf32> to vector<128x128xf32>
    %dot_general3A_1417 = arith.constant dense<0.000000e+00> : vector<1024x128xf32>
    %dot_general3A_1418 = tpu.matmul %max3A_1166, %get3A_1416, %dot_general3A_1417 {dimension_numbers = #tpu.dot_dimension_numbers<[1], [0], [0], [1], [0, 0, 1, 1], [], []>, transpose_lhs_hint = false} : vector<1024x128xf32>, vector<128x128xf32>, vector<1024x128xf32> -> vector<1024x128xf32>
    %mul3A_1419 = vector.broadcast %rsqrt3A : vector<1024x1xf32> to vector<1024x128xf32>
    %mul3A_1420 = arith.mulf %dot_general3A_1418, %mul3A_1419 : vector<1024x128xf32>
    %reshape3A_1421 = vector.shape_cast %mul3A_1420 : vector<1024x128xf32> to vector<32x32x128xf32>
    %slice3A_1422 = vector.extract_strided_slice %reshape3A_1421 {offsets = [0, 0, 0], sizes = [31, 32, 128], strides = [1, 1, 1]} : vector<32x32x128xf32> to vector<31x32x128xf32>
    %concatenate3A_1423 = tpu.concatenate %broadcast_in_dim3A_327, %slice3A_1422 in 0 : vector<1x32x128xf32>, vector<31x32x128xf32> -> vector<32x32x128xf32>
    %slice3A_1424 = vector.extract_strided_slice %reshape3A_1421 {offsets = [1, 0, 0], sizes = [31, 32, 128], strides = [1, 1, 1]} : vector<32x32x128xf32> to vector<31x32x128xf32>
    %concatenate3A_1425 = tpu.concatenate %slice3A_1424, %broadcast_in_dim3A_327 in 0 : vector<31x32x128xf32>, vector<1x32x128xf32> -> vector<32x32x128xf32>
    %slice3A_1426 = vector.extract_strided_slice %reshape3A_1421 {offsets = [0, 0, 0], sizes = [32, 31, 128], strides = [1, 1, 1]} : vector<32x32x128xf32> to vector<32x31x128xf32>
    %concatenate3A_1427 = tpu.concatenate %broadcast_in_dim3A_329, %slice3A_1426 in 1 : vector<32x1x128xf32>, vector<32x31x128xf32> -> vector<32x32x128xf32>
    %slice3A_1428 = vector.extract_strided_slice %reshape3A_1421 {offsets = [0, 1, 0], sizes = [32, 31, 128], strides = [1, 1, 1]} : vector<32x32x128xf32> to vector<32x31x128xf32>
    %concatenate3A_1429 = tpu.concatenate %slice3A_1428, %broadcast_in_dim3A_329 in 1 : vector<32x31x128xf32>, vector<32x1x128xf32> -> vector<32x32x128xf32>
    %add3A_1430 = arith.addf %reshape3A_1421, %concatenate3A_1423 : vector<32x32x128xf32>
    %add3A_1431 = arith.addf %concatenate3A_1425, %concatenate3A_1427 : vector<32x32x128xf32>
    %add3A_1432 = arith.addf %add3A_1430, %add3A_1431 : vector<32x32x128xf32>
    %add3A_1433 = arith.addf %add3A_1432, %concatenate3A_1429 : vector<32x32x128xf32>
    %reshape3A_1434 = vector.shape_cast %add3A_1433 : vector<32x32x128xf32> to vector<1024x128xf32>
    %mul3A_1435 = vector.broadcast %rsqrt3A : vector<1024x1xf32> to vector<1024x128xf32>
    %mul3A_1436 = arith.mulf %reshape3A_1434, %mul3A_1435 : vector<1024x128xf32>
    %get3A_1437 = arith.constant 3 : index
    %get3A_1438 = arith.constant 0 : index
    %get3A_1439 = vector.load %arg4[%get3A_1437, %get3A_1438] : memref<6x128xf32, #tpu.memory_space<vmem>>, vector<1x128xf32>
    %get3A_1440 = vector.shape_cast %get3A_1439 : vector<1x128xf32> to vector<128xf32>
    %broadcast_in_dim3A_1441 = vector.shape_cast %get3A_1440 : vector<128xf32> to vector<1x128xf32>
    %add3A_1442 = vector.broadcast %broadcast_in_dim3A_1441 : vector<1x128xf32> to vector<1024x128xf32>
    %add3A_1443 = arith.addf %mul3A_1436, %add3A_1442 : vector<1024x128xf32>
    %max3A_1444 = arith.constant 0.000000e+00 : f32
    %max3A_1445 = vector.broadcast %max3A_1444 : f32 to vector<1024x128xf32>
    %max3A_1446 = arith.maximumf %add3A_1443, %max3A_1445 : vector<1024x128xf32>
    %get3A_1447 = arith.constant 4 : index
    %get3A_1448 = arith.constant 0 : index
    %get3A_1449 = arith.constant 0 : index
    %get3A_1450 = vector.load %arg3[%get3A_1447, %get3A_1448, %get3A_1449] : memref<6x128x128xf32, #tpu.memory_space<vmem>>, vector<1x128x128xf32>
    %get3A_1451 = vector.shape_cast %get3A_1450 : vector<1x128x128xf32> to vector<128x128xf32>
    %dot_general3A_1452 = arith.constant dense<0.000000e+00> : vector<1024x128xf32>
    %dot_general3A_1453 = tpu.matmul %max3A_1201, %get3A_1451, %dot_general3A_1452 {dimension_numbers = #tpu.dot_dimension_numbers<[1], [0], [0], [1], [0, 0, 1, 1], [], []>, transpose_lhs_hint = false} : vector<1024x128xf32>, vector<128x128xf32>, vector<1024x128xf32> -> vector<1024x128xf32>
    %mul3A_1454 = vector.broadcast %rsqrt3A : vector<1024x1xf32> to vector<1024x128xf32>
    %mul3A_1455 = arith.mulf %dot_general3A_1453, %mul3A_1454 : vector<1024x128xf32>
    %reshape3A_1456 = vector.shape_cast %mul3A_1455 : vector<1024x128xf32> to vector<32x32x128xf32>
    %slice3A_1457 = vector.extract_strided_slice %reshape3A_1456 {offsets = [0, 0, 0], sizes = [31, 32, 128], strides = [1, 1, 1]} : vector<32x32x128xf32> to vector<31x32x128xf32>
    %concatenate3A_1458 = tpu.concatenate %broadcast_in_dim3A_327, %slice3A_1457 in 0 : vector<1x32x128xf32>, vector<31x32x128xf32> -> vector<32x32x128xf32>
    %slice3A_1459 = vector.extract_strided_slice %reshape3A_1456 {offsets = [1, 0, 0], sizes = [31, 32, 128], strides = [1, 1, 1]} : vector<32x32x128xf32> to vector<31x32x128xf32>
    %concatenate3A_1460 = tpu.concatenate %slice3A_1459, %broadcast_in_dim3A_327 in 0 : vector<31x32x128xf32>, vector<1x32x128xf32> -> vector<32x32x128xf32>
    %slice3A_1461 = vector.extract_strided_slice %reshape3A_1456 {offsets = [0, 0, 0], sizes = [32, 31, 128], strides = [1, 1, 1]} : vector<32x32x128xf32> to vector<32x31x128xf32>
    %concatenate3A_1462 = tpu.concatenate %broadcast_in_dim3A_329, %slice3A_1461 in 1 : vector<32x1x128xf32>, vector<32x31x128xf32> -> vector<32x32x128xf32>
    %slice3A_1463 = vector.extract_strided_slice %reshape3A_1456 {offsets = [0, 1, 0], sizes = [32, 31, 128], strides = [1, 1, 1]} : vector<32x32x128xf32> to vector<32x31x128xf32>
    %concatenate3A_1464 = tpu.concatenate %slice3A_1463, %broadcast_in_dim3A_329 in 1 : vector<32x31x128xf32>, vector<32x1x128xf32> -> vector<32x32x128xf32>
    %add3A_1465 = arith.addf %reshape3A_1456, %concatenate3A_1458 : vector<32x32x128xf32>
    %add3A_1466 = arith.addf %concatenate3A_1460, %concatenate3A_1462 : vector<32x32x128xf32>
    %add3A_1467 = arith.addf %add3A_1465, %add3A_1466 : vector<32x32x128xf32>
    %add3A_1468 = arith.addf %add3A_1467, %concatenate3A_1464 : vector<32x32x128xf32>
    %reshape3A_1469 = vector.shape_cast %add3A_1468 : vector<32x32x128xf32> to vector<1024x128xf32>
    %mul3A_1470 = vector.broadcast %rsqrt3A : vector<1024x1xf32> to vector<1024x128xf32>
    %mul3A_1471 = arith.mulf %reshape3A_1469, %mul3A_1470 : vector<1024x128xf32>
    %get3A_1472 = arith.constant 4 : index
    %get3A_1473 = arith.constant 0 : index
    %get3A_1474 = vector.load %arg4[%get3A_1472, %get3A_1473] : memref<6x128xf32, #tpu.memory_space<vmem>>, vector<1x128xf32>
    %get3A_1475 = vector.shape_cast %get3A_1474 : vector<1x128xf32> to vector<128xf32>
    %broadcast_in_dim3A_1476 = vector.shape_cast %get3A_1475 : vector<128xf32> to vector<1x128xf32>
    %add3A_1477 = vector.broadcast %broadcast_in_dim3A_1476 : vector<1x128xf32> to vector<1024x128xf32>
    %add3A_1478 = arith.addf %mul3A_1471, %add3A_1477 : vector<1024x128xf32>
    %max3A_1479 = arith.constant 0.000000e+00 : f32
    %max3A_1480 = vector.broadcast %max3A_1479 : f32 to vector<1024x128xf32>
    %max3A_1481 = arith.maximumf %add3A_1478, %max3A_1480 : vector<1024x128xf32>
    %get3A_1482 = arith.constant 4 : index
    %get3A_1483 = arith.constant 0 : index
    %get3A_1484 = arith.constant 0 : index
    %get3A_1485 = vector.load %arg3[%get3A_1482, %get3A_1483, %get3A_1484] : memref<6x128x128xf32, #tpu.memory_space<vmem>>, vector<1x128x128xf32>
    %get3A_1486 = vector.shape_cast %get3A_1485 : vector<1x128x128xf32> to vector<128x128xf32>
    %dot_general3A_1487 = arith.constant dense<0.000000e+00> : vector<1024x128xf32>
    %dot_general3A_1488 = tpu.matmul %max3A_1236, %get3A_1486, %dot_general3A_1487 {dimension_numbers = #tpu.dot_dimension_numbers<[1], [0], [0], [1], [0, 0, 1, 1], [], []>, transpose_lhs_hint = false} : vector<1024x128xf32>, vector<128x128xf32>, vector<1024x128xf32> -> vector<1024x128xf32>
    %mul3A_1489 = vector.broadcast %rsqrt3A : vector<1024x1xf32> to vector<1024x128xf32>
    %mul3A_1490 = arith.mulf %dot_general3A_1488, %mul3A_1489 : vector<1024x128xf32>
    %reshape3A_1491 = vector.shape_cast %mul3A_1490 : vector<1024x128xf32> to vector<32x32x128xf32>
    %slice3A_1492 = vector.extract_strided_slice %reshape3A_1491 {offsets = [0, 0, 0], sizes = [31, 32, 128], strides = [1, 1, 1]} : vector<32x32x128xf32> to vector<31x32x128xf32>
    %concatenate3A_1493 = tpu.concatenate %broadcast_in_dim3A_327, %slice3A_1492 in 0 : vector<1x32x128xf32>, vector<31x32x128xf32> -> vector<32x32x128xf32>
    %slice3A_1494 = vector.extract_strided_slice %reshape3A_1491 {offsets = [1, 0, 0], sizes = [31, 32, 128], strides = [1, 1, 1]} : vector<32x32x128xf32> to vector<31x32x128xf32>
    %concatenate3A_1495 = tpu.concatenate %slice3A_1494, %broadcast_in_dim3A_327 in 0 : vector<31x32x128xf32>, vector<1x32x128xf32> -> vector<32x32x128xf32>
    %slice3A_1496 = vector.extract_strided_slice %reshape3A_1491 {offsets = [0, 0, 0], sizes = [32, 31, 128], strides = [1, 1, 1]} : vector<32x32x128xf32> to vector<32x31x128xf32>
    %concatenate3A_1497 = tpu.concatenate %broadcast_in_dim3A_329, %slice3A_1496 in 1 : vector<32x1x128xf32>, vector<32x31x128xf32> -> vector<32x32x128xf32>
    %slice3A_1498 = vector.extract_strided_slice %reshape3A_1491 {offsets = [0, 1, 0], sizes = [32, 31, 128], strides = [1, 1, 1]} : vector<32x32x128xf32> to vector<32x31x128xf32>
    %concatenate3A_1499 = tpu.concatenate %slice3A_1498, %broadcast_in_dim3A_329 in 1 : vector<32x31x128xf32>, vector<32x1x128xf32> -> vector<32x32x128xf32>
    %add3A_1500 = arith.addf %reshape3A_1491, %concatenate3A_1493 : vector<32x32x128xf32>
    %add3A_1501 = arith.addf %concatenate3A_1495, %concatenate3A_1497 : vector<32x32x128xf32>
    %add3A_1502 = arith.addf %add3A_1500, %add3A_1501 : vector<32x32x128xf32>
    %add3A_1503 = arith.addf %add3A_1502, %concatenate3A_1499 : vector<32x32x128xf32>
    %reshape3A_1504 = vector.shape_cast %add3A_1503 : vector<32x32x128xf32> to vector<1024x128xf32>
    %mul3A_1505 = vector.broadcast %rsqrt3A : vector<1024x1xf32> to vector<1024x128xf32>
    %mul3A_1506 = arith.mulf %reshape3A_1504, %mul3A_1505 : vector<1024x128xf32>
    %get3A_1507 = arith.constant 4 : index
    %get3A_1508 = arith.constant 0 : index
    %get3A_1509 = vector.load %arg4[%get3A_1507, %get3A_1508] : memref<6x128xf32, #tpu.memory_space<vmem>>, vector<1x128xf32>
    %get3A_1510 = vector.shape_cast %get3A_1509 : vector<1x128xf32> to vector<128xf32>
    %broadcast_in_dim3A_1511 = vector.shape_cast %get3A_1510 : vector<128xf32> to vector<1x128xf32>
    %add3A_1512 = vector.broadcast %broadcast_in_dim3A_1511 : vector<1x128xf32> to vector<1024x128xf32>
    %add3A_1513 = arith.addf %mul3A_1506, %add3A_1512 : vector<1024x128xf32>
    %max3A_1514 = arith.constant 0.000000e+00 : f32
    %max3A_1515 = vector.broadcast %max3A_1514 : f32 to vector<1024x128xf32>
    %max3A_1516 = arith.maximumf %add3A_1513, %max3A_1515 : vector<1024x128xf32>
    %get3A_1517 = arith.constant 4 : index
    %get3A_1518 = arith.constant 0 : index
    %get3A_1519 = arith.constant 0 : index
    %get3A_1520 = vector.load %arg3[%get3A_1517, %get3A_1518, %get3A_1519] : memref<6x128x128xf32, #tpu.memory_space<vmem>>, vector<1x128x128xf32>
    %get3A_1521 = vector.shape_cast %get3A_1520 : vector<1x128x128xf32> to vector<128x128xf32>
    %dot_general3A_1522 = arith.constant dense<0.000000e+00> : vector<1024x128xf32>
    %dot_general3A_1523 = tpu.matmul %max3A_1271, %get3A_1521, %dot_general3A_1522 {dimension_numbers = #tpu.dot_dimension_numbers<[1], [0], [0], [1], [0, 0, 1, 1], [], []>, transpose_lhs_hint = false} : vector<1024x128xf32>, vector<128x128xf32>, vector<1024x128xf32> -> vector<1024x128xf32>
    %mul3A_1524 = vector.broadcast %rsqrt3A : vector<1024x1xf32> to vector<1024x128xf32>
    %mul3A_1525 = arith.mulf %dot_general3A_1523, %mul3A_1524 : vector<1024x128xf32>
    %reshape3A_1526 = vector.shape_cast %mul3A_1525 : vector<1024x128xf32> to vector<32x32x128xf32>
    %slice3A_1527 = vector.extract_strided_slice %reshape3A_1526 {offsets = [0, 0, 0], sizes = [31, 32, 128], strides = [1, 1, 1]} : vector<32x32x128xf32> to vector<31x32x128xf32>
    %concatenate3A_1528 = tpu.concatenate %broadcast_in_dim3A_327, %slice3A_1527 in 0 : vector<1x32x128xf32>, vector<31x32x128xf32> -> vector<32x32x128xf32>
    %slice3A_1529 = vector.extract_strided_slice %reshape3A_1526 {offsets = [1, 0, 0], sizes = [31, 32, 128], strides = [1, 1, 1]} : vector<32x32x128xf32> to vector<31x32x128xf32>
    %concatenate3A_1530 = tpu.concatenate %slice3A_1529, %broadcast_in_dim3A_327 in 0 : vector<31x32x128xf32>, vector<1x32x128xf32> -> vector<32x32x128xf32>
    %slice3A_1531 = vector.extract_strided_slice %reshape3A_1526 {offsets = [0, 0, 0], sizes = [32, 31, 128], strides = [1, 1, 1]} : vector<32x32x128xf32> to vector<32x31x128xf32>
    %concatenate3A_1532 = tpu.concatenate %broadcast_in_dim3A_329, %slice3A_1531 in 1 : vector<32x1x128xf32>, vector<32x31x128xf32> -> vector<32x32x128xf32>
    %slice3A_1533 = vector.extract_strided_slice %reshape3A_1526 {offsets = [0, 1, 0], sizes = [32, 31, 128], strides = [1, 1, 1]} : vector<32x32x128xf32> to vector<32x31x128xf32>
    %concatenate3A_1534 = tpu.concatenate %slice3A_1533, %broadcast_in_dim3A_329 in 1 : vector<32x31x128xf32>, vector<32x1x128xf32> -> vector<32x32x128xf32>
    %add3A_1535 = arith.addf %reshape3A_1526, %concatenate3A_1528 : vector<32x32x128xf32>
    %add3A_1536 = arith.addf %concatenate3A_1530, %concatenate3A_1532 : vector<32x32x128xf32>
    %add3A_1537 = arith.addf %add3A_1535, %add3A_1536 : vector<32x32x128xf32>
    %add3A_1538 = arith.addf %add3A_1537, %concatenate3A_1534 : vector<32x32x128xf32>
    %reshape3A_1539 = vector.shape_cast %add3A_1538 : vector<32x32x128xf32> to vector<1024x128xf32>
    %mul3A_1540 = vector.broadcast %rsqrt3A : vector<1024x1xf32> to vector<1024x128xf32>
    %mul3A_1541 = arith.mulf %reshape3A_1539, %mul3A_1540 : vector<1024x128xf32>
    %get3A_1542 = arith.constant 4 : index
    %get3A_1543 = arith.constant 0 : index
    %get3A_1544 = vector.load %arg4[%get3A_1542, %get3A_1543] : memref<6x128xf32, #tpu.memory_space<vmem>>, vector<1x128xf32>
    %get3A_1545 = vector.shape_cast %get3A_1544 : vector<1x128xf32> to vector<128xf32>
    %broadcast_in_dim3A_1546 = vector.shape_cast %get3A_1545 : vector<128xf32> to vector<1x128xf32>
    %add3A_1547 = vector.broadcast %broadcast_in_dim3A_1546 : vector<1x128xf32> to vector<1024x128xf32>
    %add3A_1548 = arith.addf %mul3A_1541, %add3A_1547 : vector<1024x128xf32>
    %max3A_1549 = arith.constant 0.000000e+00 : f32
    %max3A_1550 = vector.broadcast %max3A_1549 : f32 to vector<1024x128xf32>
    %max3A_1551 = arith.maximumf %add3A_1548, %max3A_1550 : vector<1024x128xf32>
    %get3A_1552 = arith.constant 4 : index
    %get3A_1553 = arith.constant 0 : index
    %get3A_1554 = arith.constant 0 : index
    %get3A_1555 = vector.load %arg3[%get3A_1552, %get3A_1553, %get3A_1554] : memref<6x128x128xf32, #tpu.memory_space<vmem>>, vector<1x128x128xf32>
    %get3A_1556 = vector.shape_cast %get3A_1555 : vector<1x128x128xf32> to vector<128x128xf32>
    %dot_general3A_1557 = arith.constant dense<0.000000e+00> : vector<1024x128xf32>
    %dot_general3A_1558 = tpu.matmul %max3A_1306, %get3A_1556, %dot_general3A_1557 {dimension_numbers = #tpu.dot_dimension_numbers<[1], [0], [0], [1], [0, 0, 1, 1], [], []>, transpose_lhs_hint = false} : vector<1024x128xf32>, vector<128x128xf32>, vector<1024x128xf32> -> vector<1024x128xf32>
    %mul3A_1559 = vector.broadcast %rsqrt3A : vector<1024x1xf32> to vector<1024x128xf32>
    %mul3A_1560 = arith.mulf %dot_general3A_1558, %mul3A_1559 : vector<1024x128xf32>
    %reshape3A_1561 = vector.shape_cast %mul3A_1560 : vector<1024x128xf32> to vector<32x32x128xf32>
    %slice3A_1562 = vector.extract_strided_slice %reshape3A_1561 {offsets = [0, 0, 0], sizes = [31, 32, 128], strides = [1, 1, 1]} : vector<32x32x128xf32> to vector<31x32x128xf32>
    %concatenate3A_1563 = tpu.concatenate %broadcast_in_dim3A_327, %slice3A_1562 in 0 : vector<1x32x128xf32>, vector<31x32x128xf32> -> vector<32x32x128xf32>
    %slice3A_1564 = vector.extract_strided_slice %reshape3A_1561 {offsets = [1, 0, 0], sizes = [31, 32, 128], strides = [1, 1, 1]} : vector<32x32x128xf32> to vector<31x32x128xf32>
    %concatenate3A_1565 = tpu.concatenate %slice3A_1564, %broadcast_in_dim3A_327 in 0 : vector<31x32x128xf32>, vector<1x32x128xf32> -> vector<32x32x128xf32>
    %slice3A_1566 = vector.extract_strided_slice %reshape3A_1561 {offsets = [0, 0, 0], sizes = [32, 31, 128], strides = [1, 1, 1]} : vector<32x32x128xf32> to vector<32x31x128xf32>
    %concatenate3A_1567 = tpu.concatenate %broadcast_in_dim3A_329, %slice3A_1566 in 1 : vector<32x1x128xf32>, vector<32x31x128xf32> -> vector<32x32x128xf32>
    %slice3A_1568 = vector.extract_strided_slice %reshape3A_1561 {offsets = [0, 1, 0], sizes = [32, 31, 128], strides = [1, 1, 1]} : vector<32x32x128xf32> to vector<32x31x128xf32>
    %concatenate3A_1569 = tpu.concatenate %slice3A_1568, %broadcast_in_dim3A_329 in 1 : vector<32x31x128xf32>, vector<32x1x128xf32> -> vector<32x32x128xf32>
    %add3A_1570 = arith.addf %reshape3A_1561, %concatenate3A_1563 : vector<32x32x128xf32>
    %add3A_1571 = arith.addf %concatenate3A_1565, %concatenate3A_1567 : vector<32x32x128xf32>
    %add3A_1572 = arith.addf %add3A_1570, %add3A_1571 : vector<32x32x128xf32>
    %add3A_1573 = arith.addf %add3A_1572, %concatenate3A_1569 : vector<32x32x128xf32>
    %reshape3A_1574 = vector.shape_cast %add3A_1573 : vector<32x32x128xf32> to vector<1024x128xf32>
    %mul3A_1575 = vector.broadcast %rsqrt3A : vector<1024x1xf32> to vector<1024x128xf32>
    %mul3A_1576 = arith.mulf %reshape3A_1574, %mul3A_1575 : vector<1024x128xf32>
    %get3A_1577 = arith.constant 4 : index
    %get3A_1578 = arith.constant 0 : index
    %get3A_1579 = vector.load %arg4[%get3A_1577, %get3A_1578] : memref<6x128xf32, #tpu.memory_space<vmem>>, vector<1x128xf32>
    %get3A_1580 = vector.shape_cast %get3A_1579 : vector<1x128xf32> to vector<128xf32>
    %broadcast_in_dim3A_1581 = vector.shape_cast %get3A_1580 : vector<128xf32> to vector<1x128xf32>
    %add3A_1582 = vector.broadcast %broadcast_in_dim3A_1581 : vector<1x128xf32> to vector<1024x128xf32>
    %add3A_1583 = arith.addf %mul3A_1576, %add3A_1582 : vector<1024x128xf32>
    %max3A_1584 = arith.constant 0.000000e+00 : f32
    %max3A_1585 = vector.broadcast %max3A_1584 : f32 to vector<1024x128xf32>
    %max3A_1586 = arith.maximumf %add3A_1583, %max3A_1585 : vector<1024x128xf32>
    %get3A_1587 = arith.constant 4 : index
    %get3A_1588 = arith.constant 0 : index
    %get3A_1589 = arith.constant 0 : index
    %get3A_1590 = vector.load %arg3[%get3A_1587, %get3A_1588, %get3A_1589] : memref<6x128x128xf32, #tpu.memory_space<vmem>>, vector<1x128x128xf32>
    %get3A_1591 = vector.shape_cast %get3A_1590 : vector<1x128x128xf32> to vector<128x128xf32>
    %dot_general3A_1592 = arith.constant dense<0.000000e+00> : vector<1024x128xf32>
    %dot_general3A_1593 = tpu.matmul %max3A_1341, %get3A_1591, %dot_general3A_1592 {dimension_numbers = #tpu.dot_dimension_numbers<[1], [0], [0], [1], [0, 0, 1, 1], [], []>, transpose_lhs_hint = false} : vector<1024x128xf32>, vector<128x128xf32>, vector<1024x128xf32> -> vector<1024x128xf32>
    %mul3A_1594 = vector.broadcast %rsqrt3A : vector<1024x1xf32> to vector<1024x128xf32>
    %mul3A_1595 = arith.mulf %dot_general3A_1593, %mul3A_1594 : vector<1024x128xf32>
    %reshape3A_1596 = vector.shape_cast %mul3A_1595 : vector<1024x128xf32> to vector<32x32x128xf32>
    %slice3A_1597 = vector.extract_strided_slice %reshape3A_1596 {offsets = [0, 0, 0], sizes = [31, 32, 128], strides = [1, 1, 1]} : vector<32x32x128xf32> to vector<31x32x128xf32>
    %concatenate3A_1598 = tpu.concatenate %broadcast_in_dim3A_327, %slice3A_1597 in 0 : vector<1x32x128xf32>, vector<31x32x128xf32> -> vector<32x32x128xf32>
    %slice3A_1599 = vector.extract_strided_slice %reshape3A_1596 {offsets = [1, 0, 0], sizes = [31, 32, 128], strides = [1, 1, 1]} : vector<32x32x128xf32> to vector<31x32x128xf32>
    %concatenate3A_1600 = tpu.concatenate %slice3A_1599, %broadcast_in_dim3A_327 in 0 : vector<31x32x128xf32>, vector<1x32x128xf32> -> vector<32x32x128xf32>
    %slice3A_1601 = vector.extract_strided_slice %reshape3A_1596 {offsets = [0, 0, 0], sizes = [32, 31, 128], strides = [1, 1, 1]} : vector<32x32x128xf32> to vector<32x31x128xf32>
    %concatenate3A_1602 = tpu.concatenate %broadcast_in_dim3A_329, %slice3A_1601 in 1 : vector<32x1x128xf32>, vector<32x31x128xf32> -> vector<32x32x128xf32>
    %slice3A_1603 = vector.extract_strided_slice %reshape3A_1596 {offsets = [0, 1, 0], sizes = [32, 31, 128], strides = [1, 1, 1]} : vector<32x32x128xf32> to vector<32x31x128xf32>
    %concatenate3A_1604 = tpu.concatenate %slice3A_1603, %broadcast_in_dim3A_329 in 1 : vector<32x31x128xf32>, vector<32x1x128xf32> -> vector<32x32x128xf32>
    %add3A_1605 = arith.addf %reshape3A_1596, %concatenate3A_1598 : vector<32x32x128xf32>
    %add3A_1606 = arith.addf %concatenate3A_1600, %concatenate3A_1602 : vector<32x32x128xf32>
    %add3A_1607 = arith.addf %add3A_1605, %add3A_1606 : vector<32x32x128xf32>
    %add3A_1608 = arith.addf %add3A_1607, %concatenate3A_1604 : vector<32x32x128xf32>
    %reshape3A_1609 = vector.shape_cast %add3A_1608 : vector<32x32x128xf32> to vector<1024x128xf32>
    %mul3A_1610 = vector.broadcast %rsqrt3A : vector<1024x1xf32> to vector<1024x128xf32>
    %mul3A_1611 = arith.mulf %reshape3A_1609, %mul3A_1610 : vector<1024x128xf32>
    %get3A_1612 = arith.constant 4 : index
    %get3A_1613 = arith.constant 0 : index
    %get3A_1614 = vector.load %arg4[%get3A_1612, %get3A_1613] : memref<6x128xf32, #tpu.memory_space<vmem>>, vector<1x128xf32>
    %get3A_1615 = vector.shape_cast %get3A_1614 : vector<1x128xf32> to vector<128xf32>
    %broadcast_in_dim3A_1616 = vector.shape_cast %get3A_1615 : vector<128xf32> to vector<1x128xf32>
    %add3A_1617 = vector.broadcast %broadcast_in_dim3A_1616 : vector<1x128xf32> to vector<1024x128xf32>
    %add3A_1618 = arith.addf %mul3A_1611, %add3A_1617 : vector<1024x128xf32>
    %max3A_1619 = arith.constant 0.000000e+00 : f32
    %max3A_1620 = vector.broadcast %max3A_1619 : f32 to vector<1024x128xf32>
    %max3A_1621 = arith.maximumf %add3A_1618, %max3A_1620 : vector<1024x128xf32>
    %get3A_1622 = arith.constant 4 : index
    %get3A_1623 = arith.constant 0 : index
    %get3A_1624 = arith.constant 0 : index
    %get3A_1625 = vector.load %arg3[%get3A_1622, %get3A_1623, %get3A_1624] : memref<6x128x128xf32, #tpu.memory_space<vmem>>, vector<1x128x128xf32>
    %get3A_1626 = vector.shape_cast %get3A_1625 : vector<1x128x128xf32> to vector<128x128xf32>
    %dot_general3A_1627 = arith.constant dense<0.000000e+00> : vector<1024x128xf32>
    %dot_general3A_1628 = tpu.matmul %max3A_1376, %get3A_1626, %dot_general3A_1627 {dimension_numbers = #tpu.dot_dimension_numbers<[1], [0], [0], [1], [0, 0, 1, 1], [], []>, transpose_lhs_hint = false} : vector<1024x128xf32>, vector<128x128xf32>, vector<1024x128xf32> -> vector<1024x128xf32>
    %mul3A_1629 = vector.broadcast %rsqrt3A : vector<1024x1xf32> to vector<1024x128xf32>
    %mul3A_1630 = arith.mulf %dot_general3A_1628, %mul3A_1629 : vector<1024x128xf32>
    %reshape3A_1631 = vector.shape_cast %mul3A_1630 : vector<1024x128xf32> to vector<32x32x128xf32>
    %slice3A_1632 = vector.extract_strided_slice %reshape3A_1631 {offsets = [0, 0, 0], sizes = [31, 32, 128], strides = [1, 1, 1]} : vector<32x32x128xf32> to vector<31x32x128xf32>
    %concatenate3A_1633 = tpu.concatenate %broadcast_in_dim3A_327, %slice3A_1632 in 0 : vector<1x32x128xf32>, vector<31x32x128xf32> -> vector<32x32x128xf32>
    %slice3A_1634 = vector.extract_strided_slice %reshape3A_1631 {offsets = [1, 0, 0], sizes = [31, 32, 128], strides = [1, 1, 1]} : vector<32x32x128xf32> to vector<31x32x128xf32>
    %concatenate3A_1635 = tpu.concatenate %slice3A_1634, %broadcast_in_dim3A_327 in 0 : vector<31x32x128xf32>, vector<1x32x128xf32> -> vector<32x32x128xf32>
    %slice3A_1636 = vector.extract_strided_slice %reshape3A_1631 {offsets = [0, 0, 0], sizes = [32, 31, 128], strides = [1, 1, 1]} : vector<32x32x128xf32> to vector<32x31x128xf32>
    %concatenate3A_1637 = tpu.concatenate %broadcast_in_dim3A_329, %slice3A_1636 in 1 : vector<32x1x128xf32>, vector<32x31x128xf32> -> vector<32x32x128xf32>
    %slice3A_1638 = vector.extract_strided_slice %reshape3A_1631 {offsets = [0, 1, 0], sizes = [32, 31, 128], strides = [1, 1, 1]} : vector<32x32x128xf32> to vector<32x31x128xf32>
    %concatenate3A_1639 = tpu.concatenate %slice3A_1638, %broadcast_in_dim3A_329 in 1 : vector<32x31x128xf32>, vector<32x1x128xf32> -> vector<32x32x128xf32>
    %add3A_1640 = arith.addf %reshape3A_1631, %concatenate3A_1633 : vector<32x32x128xf32>
    %add3A_1641 = arith.addf %concatenate3A_1635, %concatenate3A_1637 : vector<32x32x128xf32>
    %add3A_1642 = arith.addf %add3A_1640, %add3A_1641 : vector<32x32x128xf32>
    %add3A_1643 = arith.addf %add3A_1642, %concatenate3A_1639 : vector<32x32x128xf32>
    %reshape3A_1644 = vector.shape_cast %add3A_1643 : vector<32x32x128xf32> to vector<1024x128xf32>
    %mul3A_1645 = vector.broadcast %rsqrt3A : vector<1024x1xf32> to vector<1024x128xf32>
    %mul3A_1646 = arith.mulf %reshape3A_1644, %mul3A_1645 : vector<1024x128xf32>
    %get3A_1647 = arith.constant 4 : index
    %get3A_1648 = arith.constant 0 : index
    %get3A_1649 = vector.load %arg4[%get3A_1647, %get3A_1648] : memref<6x128xf32, #tpu.memory_space<vmem>>, vector<1x128xf32>
    %get3A_1650 = vector.shape_cast %get3A_1649 : vector<1x128xf32> to vector<128xf32>
    %broadcast_in_dim3A_1651 = vector.shape_cast %get3A_1650 : vector<128xf32> to vector<1x128xf32>
    %add3A_1652 = vector.broadcast %broadcast_in_dim3A_1651 : vector<1x128xf32> to vector<1024x128xf32>
    %add3A_1653 = arith.addf %mul3A_1646, %add3A_1652 : vector<1024x128xf32>
    %max3A_1654 = arith.constant 0.000000e+00 : f32
    %max3A_1655 = vector.broadcast %max3A_1654 : f32 to vector<1024x128xf32>
    %max3A_1656 = arith.maximumf %add3A_1653, %max3A_1655 : vector<1024x128xf32>
    %get3A_1657 = arith.constant 4 : index
    %get3A_1658 = arith.constant 0 : index
    %get3A_1659 = arith.constant 0 : index
    %get3A_1660 = vector.load %arg3[%get3A_1657, %get3A_1658, %get3A_1659] : memref<6x128x128xf32, #tpu.memory_space<vmem>>, vector<1x128x128xf32>
    %get3A_1661 = vector.shape_cast %get3A_1660 : vector<1x128x128xf32> to vector<128x128xf32>
    %dot_general3A_1662 = arith.constant dense<0.000000e+00> : vector<1024x128xf32>
    %dot_general3A_1663 = tpu.matmul %max3A_1411, %get3A_1661, %dot_general3A_1662 {dimension_numbers = #tpu.dot_dimension_numbers<[1], [0], [0], [1], [0, 0, 1, 1], [], []>, transpose_lhs_hint = false} : vector<1024x128xf32>, vector<128x128xf32>, vector<1024x128xf32> -> vector<1024x128xf32>
    %mul3A_1664 = vector.broadcast %rsqrt3A : vector<1024x1xf32> to vector<1024x128xf32>
    %mul3A_1665 = arith.mulf %dot_general3A_1663, %mul3A_1664 : vector<1024x128xf32>
    %reshape3A_1666 = vector.shape_cast %mul3A_1665 : vector<1024x128xf32> to vector<32x32x128xf32>
    %slice3A_1667 = vector.extract_strided_slice %reshape3A_1666 {offsets = [0, 0, 0], sizes = [31, 32, 128], strides = [1, 1, 1]} : vector<32x32x128xf32> to vector<31x32x128xf32>
    %concatenate3A_1668 = tpu.concatenate %broadcast_in_dim3A_327, %slice3A_1667 in 0 : vector<1x32x128xf32>, vector<31x32x128xf32> -> vector<32x32x128xf32>
    %slice3A_1669 = vector.extract_strided_slice %reshape3A_1666 {offsets = [1, 0, 0], sizes = [31, 32, 128], strides = [1, 1, 1]} : vector<32x32x128xf32> to vector<31x32x128xf32>
    %concatenate3A_1670 = tpu.concatenate %slice3A_1669, %broadcast_in_dim3A_327 in 0 : vector<31x32x128xf32>, vector<1x32x128xf32> -> vector<32x32x128xf32>
    %slice3A_1671 = vector.extract_strided_slice %reshape3A_1666 {offsets = [0, 0, 0], sizes = [32, 31, 128], strides = [1, 1, 1]} : vector<32x32x128xf32> to vector<32x31x128xf32>
    %concatenate3A_1672 = tpu.concatenate %broadcast_in_dim3A_329, %slice3A_1671 in 1 : vector<32x1x128xf32>, vector<32x31x128xf32> -> vector<32x32x128xf32>
    %slice3A_1673 = vector.extract_strided_slice %reshape3A_1666 {offsets = [0, 1, 0], sizes = [32, 31, 128], strides = [1, 1, 1]} : vector<32x32x128xf32> to vector<32x31x128xf32>
    %concatenate3A_1674 = tpu.concatenate %slice3A_1673, %broadcast_in_dim3A_329 in 1 : vector<32x31x128xf32>, vector<32x1x128xf32> -> vector<32x32x128xf32>
    %add3A_1675 = arith.addf %reshape3A_1666, %concatenate3A_1668 : vector<32x32x128xf32>
    %add3A_1676 = arith.addf %concatenate3A_1670, %concatenate3A_1672 : vector<32x32x128xf32>
    %add3A_1677 = arith.addf %add3A_1675, %add3A_1676 : vector<32x32x128xf32>
    %add3A_1678 = arith.addf %add3A_1677, %concatenate3A_1674 : vector<32x32x128xf32>
    %reshape3A_1679 = vector.shape_cast %add3A_1678 : vector<32x32x128xf32> to vector<1024x128xf32>
    %mul3A_1680 = vector.broadcast %rsqrt3A : vector<1024x1xf32> to vector<1024x128xf32>
    %mul3A_1681 = arith.mulf %reshape3A_1679, %mul3A_1680 : vector<1024x128xf32>
    %get3A_1682 = arith.constant 4 : index
    %get3A_1683 = arith.constant 0 : index
    %get3A_1684 = vector.load %arg4[%get3A_1682, %get3A_1683] : memref<6x128xf32, #tpu.memory_space<vmem>>, vector<1x128xf32>
    %get3A_1685 = vector.shape_cast %get3A_1684 : vector<1x128xf32> to vector<128xf32>
    %broadcast_in_dim3A_1686 = vector.shape_cast %get3A_1685 : vector<128xf32> to vector<1x128xf32>
    %add3A_1687 = vector.broadcast %broadcast_in_dim3A_1686 : vector<1x128xf32> to vector<1024x128xf32>
    %add3A_1688 = arith.addf %mul3A_1681, %add3A_1687 : vector<1024x128xf32>
    %max3A_1689 = arith.constant 0.000000e+00 : f32
    %max3A_1690 = vector.broadcast %max3A_1689 : f32 to vector<1024x128xf32>
    %max3A_1691 = arith.maximumf %add3A_1688, %max3A_1690 : vector<1024x128xf32>
    %get3A_1692 = arith.constant 4 : index
    %get3A_1693 = arith.constant 0 : index
    %get3A_1694 = arith.constant 0 : index
    %get3A_1695 = vector.load %arg3[%get3A_1692, %get3A_1693, %get3A_1694] : memref<6x128x128xf32, #tpu.memory_space<vmem>>, vector<1x128x128xf32>
    %get3A_1696 = vector.shape_cast %get3A_1695 : vector<1x128x128xf32> to vector<128x128xf32>
    %dot_general3A_1697 = arith.constant dense<0.000000e+00> : vector<1024x128xf32>
    %dot_general3A_1698 = tpu.matmul %max3A_1446, %get3A_1696, %dot_general3A_1697 {dimension_numbers = #tpu.dot_dimension_numbers<[1], [0], [0], [1], [0, 0, 1, 1], [], []>, transpose_lhs_hint = false} : vector<1024x128xf32>, vector<128x128xf32>, vector<1024x128xf32> -> vector<1024x128xf32>
    %mul3A_1699 = vector.broadcast %rsqrt3A : vector<1024x1xf32> to vector<1024x128xf32>
    %mul3A_1700 = arith.mulf %dot_general3A_1698, %mul3A_1699 : vector<1024x128xf32>
    %reshape3A_1701 = vector.shape_cast %mul3A_1700 : vector<1024x128xf32> to vector<32x32x128xf32>
    %slice3A_1702 = vector.extract_strided_slice %reshape3A_1701 {offsets = [0, 0, 0], sizes = [31, 32, 128], strides = [1, 1, 1]} : vector<32x32x128xf32> to vector<31x32x128xf32>
    %concatenate3A_1703 = tpu.concatenate %broadcast_in_dim3A_327, %slice3A_1702 in 0 : vector<1x32x128xf32>, vector<31x32x128xf32> -> vector<32x32x128xf32>
    %slice3A_1704 = vector.extract_strided_slice %reshape3A_1701 {offsets = [1, 0, 0], sizes = [31, 32, 128], strides = [1, 1, 1]} : vector<32x32x128xf32> to vector<31x32x128xf32>
    %concatenate3A_1705 = tpu.concatenate %slice3A_1704, %broadcast_in_dim3A_327 in 0 : vector<31x32x128xf32>, vector<1x32x128xf32> -> vector<32x32x128xf32>
    %slice3A_1706 = vector.extract_strided_slice %reshape3A_1701 {offsets = [0, 0, 0], sizes = [32, 31, 128], strides = [1, 1, 1]} : vector<32x32x128xf32> to vector<32x31x128xf32>
    %concatenate3A_1707 = tpu.concatenate %broadcast_in_dim3A_329, %slice3A_1706 in 1 : vector<32x1x128xf32>, vector<32x31x128xf32> -> vector<32x32x128xf32>
    %slice3A_1708 = vector.extract_strided_slice %reshape3A_1701 {offsets = [0, 1, 0], sizes = [32, 31, 128], strides = [1, 1, 1]} : vector<32x32x128xf32> to vector<32x31x128xf32>
    %concatenate3A_1709 = tpu.concatenate %slice3A_1708, %broadcast_in_dim3A_329 in 1 : vector<32x31x128xf32>, vector<32x1x128xf32> -> vector<32x32x128xf32>
    %add3A_1710 = arith.addf %reshape3A_1701, %concatenate3A_1703 : vector<32x32x128xf32>
    %add3A_1711 = arith.addf %concatenate3A_1705, %concatenate3A_1707 : vector<32x32x128xf32>
    %add3A_1712 = arith.addf %add3A_1710, %add3A_1711 : vector<32x32x128xf32>
    %add3A_1713 = arith.addf %add3A_1712, %concatenate3A_1709 : vector<32x32x128xf32>
    %reshape3A_1714 = vector.shape_cast %add3A_1713 : vector<32x32x128xf32> to vector<1024x128xf32>
    %mul3A_1715 = vector.broadcast %rsqrt3A : vector<1024x1xf32> to vector<1024x128xf32>
    %mul3A_1716 = arith.mulf %reshape3A_1714, %mul3A_1715 : vector<1024x128xf32>
    %get3A_1717 = arith.constant 4 : index
    %get3A_1718 = arith.constant 0 : index
    %get3A_1719 = vector.load %arg4[%get3A_1717, %get3A_1718] : memref<6x128xf32, #tpu.memory_space<vmem>>, vector<1x128xf32>
    %get3A_1720 = vector.shape_cast %get3A_1719 : vector<1x128xf32> to vector<128xf32>
    %broadcast_in_dim3A_1721 = vector.shape_cast %get3A_1720 : vector<128xf32> to vector<1x128xf32>
    %add3A_1722 = vector.broadcast %broadcast_in_dim3A_1721 : vector<1x128xf32> to vector<1024x128xf32>
    %add3A_1723 = arith.addf %mul3A_1716, %add3A_1722 : vector<1024x128xf32>
    %max3A_1724 = arith.constant 0.000000e+00 : f32
    %max3A_1725 = vector.broadcast %max3A_1724 : f32 to vector<1024x128xf32>
    %max3A_1726 = arith.maximumf %add3A_1723, %max3A_1725 : vector<1024x128xf32>
    %get3A_1727 = arith.constant 5 : index
    %get3A_1728 = arith.constant 0 : index
    %get3A_1729 = arith.constant 0 : index
    %get3A_1730 = vector.load %arg3[%get3A_1727, %get3A_1728, %get3A_1729] : memref<6x128x128xf32, #tpu.memory_space<vmem>>, vector<1x128x128xf32>
    %get3A_1731 = vector.shape_cast %get3A_1730 : vector<1x128x128xf32> to vector<128x128xf32>
    %dot_general3A_1732 = arith.constant dense<0.000000e+00> : vector<1024x128xf32>
    %dot_general3A_1733 = tpu.matmul %max3A_1481, %get3A_1731, %dot_general3A_1732 {dimension_numbers = #tpu.dot_dimension_numbers<[1], [0], [0], [1], [0, 0, 1, 1], [], []>, transpose_lhs_hint = false} : vector<1024x128xf32>, vector<128x128xf32>, vector<1024x128xf32> -> vector<1024x128xf32>
    %mul3A_1734 = vector.broadcast %rsqrt3A : vector<1024x1xf32> to vector<1024x128xf32>
    %mul3A_1735 = arith.mulf %dot_general3A_1733, %mul3A_1734 : vector<1024x128xf32>
    %reshape3A_1736 = vector.shape_cast %mul3A_1735 : vector<1024x128xf32> to vector<32x32x128xf32>
    %slice3A_1737 = vector.extract_strided_slice %reshape3A_1736 {offsets = [0, 0, 0], sizes = [31, 32, 128], strides = [1, 1, 1]} : vector<32x32x128xf32> to vector<31x32x128xf32>
    %concatenate3A_1738 = tpu.concatenate %broadcast_in_dim3A_327, %slice3A_1737 in 0 : vector<1x32x128xf32>, vector<31x32x128xf32> -> vector<32x32x128xf32>
    %slice3A_1739 = vector.extract_strided_slice %reshape3A_1736 {offsets = [1, 0, 0], sizes = [31, 32, 128], strides = [1, 1, 1]} : vector<32x32x128xf32> to vector<31x32x128xf32>
    %concatenate3A_1740 = tpu.concatenate %slice3A_1739, %broadcast_in_dim3A_327 in 0 : vector<31x32x128xf32>, vector<1x32x128xf32> -> vector<32x32x128xf32>
    %slice3A_1741 = vector.extract_strided_slice %reshape3A_1736 {offsets = [0, 0, 0], sizes = [32, 31, 128], strides = [1, 1, 1]} : vector<32x32x128xf32> to vector<32x31x128xf32>
    %concatenate3A_1742 = tpu.concatenate %broadcast_in_dim3A_329, %slice3A_1741 in 1 : vector<32x1x128xf32>, vector<32x31x128xf32> -> vector<32x32x128xf32>
    %slice3A_1743 = vector.extract_strided_slice %reshape3A_1736 {offsets = [0, 1, 0], sizes = [32, 31, 128], strides = [1, 1, 1]} : vector<32x32x128xf32> to vector<32x31x128xf32>
    %concatenate3A_1744 = tpu.concatenate %slice3A_1743, %broadcast_in_dim3A_329 in 1 : vector<32x31x128xf32>, vector<32x1x128xf32> -> vector<32x32x128xf32>
    %add3A_1745 = arith.addf %reshape3A_1736, %concatenate3A_1738 : vector<32x32x128xf32>
    %add3A_1746 = arith.addf %concatenate3A_1740, %concatenate3A_1742 : vector<32x32x128xf32>
    %add3A_1747 = arith.addf %add3A_1745, %add3A_1746 : vector<32x32x128xf32>
    %add3A_1748 = arith.addf %add3A_1747, %concatenate3A_1744 : vector<32x32x128xf32>
    %reshape3A_1749 = vector.shape_cast %add3A_1748 : vector<32x32x128xf32> to vector<1024x128xf32>
    %mul3A_1750 = vector.broadcast %rsqrt3A : vector<1024x1xf32> to vector<1024x128xf32>
    %mul3A_1751 = arith.mulf %reshape3A_1749, %mul3A_1750 : vector<1024x128xf32>
    %get3A_1752 = arith.constant 5 : index
    %get3A_1753 = arith.constant 0 : index
    %get3A_1754 = vector.load %arg4[%get3A_1752, %get3A_1753] : memref<6x128xf32, #tpu.memory_space<vmem>>, vector<1x128xf32>
    %get3A_1755 = vector.shape_cast %get3A_1754 : vector<1x128xf32> to vector<128xf32>
    %broadcast_in_dim3A_1756 = vector.shape_cast %get3A_1755 : vector<128xf32> to vector<1x128xf32>
    %add3A_1757 = vector.broadcast %broadcast_in_dim3A_1756 : vector<1x128xf32> to vector<1024x128xf32>
    %add3A_1758 = arith.addf %mul3A_1751, %add3A_1757 : vector<1024x128xf32>
    %max3A_1759 = arith.constant 0.000000e+00 : f32
    %max3A_1760 = vector.broadcast %max3A_1759 : f32 to vector<1024x128xf32>
    %max3A_1761 = arith.maximumf %add3A_1758, %max3A_1760 : vector<1024x128xf32>
    %get3A_1762 = arith.constant 5 : index
    %get3A_1763 = arith.constant 0 : index
    %get3A_1764 = arith.constant 0 : index
    %get3A_1765 = vector.load %arg3[%get3A_1762, %get3A_1763, %get3A_1764] : memref<6x128x128xf32, #tpu.memory_space<vmem>>, vector<1x128x128xf32>
    %get3A_1766 = vector.shape_cast %get3A_1765 : vector<1x128x128xf32> to vector<128x128xf32>
    %dot_general3A_1767 = arith.constant dense<0.000000e+00> : vector<1024x128xf32>
    %dot_general3A_1768 = tpu.matmul %max3A_1516, %get3A_1766, %dot_general3A_1767 {dimension_numbers = #tpu.dot_dimension_numbers<[1], [0], [0], [1], [0, 0, 1, 1], [], []>, transpose_lhs_hint = false} : vector<1024x128xf32>, vector<128x128xf32>, vector<1024x128xf32> -> vector<1024x128xf32>
    %mul3A_1769 = vector.broadcast %rsqrt3A : vector<1024x1xf32> to vector<1024x128xf32>
    %mul3A_1770 = arith.mulf %dot_general3A_1768, %mul3A_1769 : vector<1024x128xf32>
    %reshape3A_1771 = vector.shape_cast %mul3A_1770 : vector<1024x128xf32> to vector<32x32x128xf32>
    %slice3A_1772 = vector.extract_strided_slice %reshape3A_1771 {offsets = [0, 0, 0], sizes = [31, 32, 128], strides = [1, 1, 1]} : vector<32x32x128xf32> to vector<31x32x128xf32>
    %concatenate3A_1773 = tpu.concatenate %broadcast_in_dim3A_327, %slice3A_1772 in 0 : vector<1x32x128xf32>, vector<31x32x128xf32> -> vector<32x32x128xf32>
    %slice3A_1774 = vector.extract_strided_slice %reshape3A_1771 {offsets = [1, 0, 0], sizes = [31, 32, 128], strides = [1, 1, 1]} : vector<32x32x128xf32> to vector<31x32x128xf32>
    %concatenate3A_1775 = tpu.concatenate %slice3A_1774, %broadcast_in_dim3A_327 in 0 : vector<31x32x128xf32>, vector<1x32x128xf32> -> vector<32x32x128xf32>
    %slice3A_1776 = vector.extract_strided_slice %reshape3A_1771 {offsets = [0, 0, 0], sizes = [32, 31, 128], strides = [1, 1, 1]} : vector<32x32x128xf32> to vector<32x31x128xf32>
    %concatenate3A_1777 = tpu.concatenate %broadcast_in_dim3A_329, %slice3A_1776 in 1 : vector<32x1x128xf32>, vector<32x31x128xf32> -> vector<32x32x128xf32>
    %slice3A_1778 = vector.extract_strided_slice %reshape3A_1771 {offsets = [0, 1, 0], sizes = [32, 31, 128], strides = [1, 1, 1]} : vector<32x32x128xf32> to vector<32x31x128xf32>
    %concatenate3A_1779 = tpu.concatenate %slice3A_1778, %broadcast_in_dim3A_329 in 1 : vector<32x31x128xf32>, vector<32x1x128xf32> -> vector<32x32x128xf32>
    %add3A_1780 = arith.addf %reshape3A_1771, %concatenate3A_1773 : vector<32x32x128xf32>
    %add3A_1781 = arith.addf %concatenate3A_1775, %concatenate3A_1777 : vector<32x32x128xf32>
    %add3A_1782 = arith.addf %add3A_1780, %add3A_1781 : vector<32x32x128xf32>
    %add3A_1783 = arith.addf %add3A_1782, %concatenate3A_1779 : vector<32x32x128xf32>
    %reshape3A_1784 = vector.shape_cast %add3A_1783 : vector<32x32x128xf32> to vector<1024x128xf32>
    %mul3A_1785 = vector.broadcast %rsqrt3A : vector<1024x1xf32> to vector<1024x128xf32>
    %mul3A_1786 = arith.mulf %reshape3A_1784, %mul3A_1785 : vector<1024x128xf32>
    %get3A_1787 = arith.constant 5 : index
    %get3A_1788 = arith.constant 0 : index
    %get3A_1789 = vector.load %arg4[%get3A_1787, %get3A_1788] : memref<6x128xf32, #tpu.memory_space<vmem>>, vector<1x128xf32>
    %get3A_1790 = vector.shape_cast %get3A_1789 : vector<1x128xf32> to vector<128xf32>
    %broadcast_in_dim3A_1791 = vector.shape_cast %get3A_1790 : vector<128xf32> to vector<1x128xf32>
    %add3A_1792 = vector.broadcast %broadcast_in_dim3A_1791 : vector<1x128xf32> to vector<1024x128xf32>
    %add3A_1793 = arith.addf %mul3A_1786, %add3A_1792 : vector<1024x128xf32>
    %max3A_1794 = arith.constant 0.000000e+00 : f32
    %max3A_1795 = vector.broadcast %max3A_1794 : f32 to vector<1024x128xf32>
    %max3A_1796 = arith.maximumf %add3A_1793, %max3A_1795 : vector<1024x128xf32>
    %get3A_1797 = arith.constant 5 : index
    %get3A_1798 = arith.constant 0 : index
    %get3A_1799 = arith.constant 0 : index
    %get3A_1800 = vector.load %arg3[%get3A_1797, %get3A_1798, %get3A_1799] : memref<6x128x128xf32, #tpu.memory_space<vmem>>, vector<1x128x128xf32>
    %get3A_1801 = vector.shape_cast %get3A_1800 : vector<1x128x128xf32> to vector<128x128xf32>
    %dot_general3A_1802 = arith.constant dense<0.000000e+00> : vector<1024x128xf32>
    %dot_general3A_1803 = tpu.matmul %max3A_1551, %get3A_1801, %dot_general3A_1802 {dimension_numbers = #tpu.dot_dimension_numbers<[1], [0], [0], [1], [0, 0, 1, 1], [], []>, transpose_lhs_hint = false} : vector<1024x128xf32>, vector<128x128xf32>, vector<1024x128xf32> -> vector<1024x128xf32>
    %mul3A_1804 = vector.broadcast %rsqrt3A : vector<1024x1xf32> to vector<1024x128xf32>
    %mul3A_1805 = arith.mulf %dot_general3A_1803, %mul3A_1804 : vector<1024x128xf32>
    %reshape3A_1806 = vector.shape_cast %mul3A_1805 : vector<1024x128xf32> to vector<32x32x128xf32>
    %slice3A_1807 = vector.extract_strided_slice %reshape3A_1806 {offsets = [0, 0, 0], sizes = [31, 32, 128], strides = [1, 1, 1]} : vector<32x32x128xf32> to vector<31x32x128xf32>
    %concatenate3A_1808 = tpu.concatenate %broadcast_in_dim3A_327, %slice3A_1807 in 0 : vector<1x32x128xf32>, vector<31x32x128xf32> -> vector<32x32x128xf32>
    %slice3A_1809 = vector.extract_strided_slice %reshape3A_1806 {offsets = [1, 0, 0], sizes = [31, 32, 128], strides = [1, 1, 1]} : vector<32x32x128xf32> to vector<31x32x128xf32>
    %concatenate3A_1810 = tpu.concatenate %slice3A_1809, %broadcast_in_dim3A_327 in 0 : vector<31x32x128xf32>, vector<1x32x128xf32> -> vector<32x32x128xf32>
    %slice3A_1811 = vector.extract_strided_slice %reshape3A_1806 {offsets = [0, 0, 0], sizes = [32, 31, 128], strides = [1, 1, 1]} : vector<32x32x128xf32> to vector<32x31x128xf32>
    %concatenate3A_1812 = tpu.concatenate %broadcast_in_dim3A_329, %slice3A_1811 in 1 : vector<32x1x128xf32>, vector<32x31x128xf32> -> vector<32x32x128xf32>
    %slice3A_1813 = vector.extract_strided_slice %reshape3A_1806 {offsets = [0, 1, 0], sizes = [32, 31, 128], strides = [1, 1, 1]} : vector<32x32x128xf32> to vector<32x31x128xf32>
    %concatenate3A_1814 = tpu.concatenate %slice3A_1813, %broadcast_in_dim3A_329 in 1 : vector<32x31x128xf32>, vector<32x1x128xf32> -> vector<32x32x128xf32>
    %add3A_1815 = arith.addf %reshape3A_1806, %concatenate3A_1808 : vector<32x32x128xf32>
    %add3A_1816 = arith.addf %concatenate3A_1810, %concatenate3A_1812 : vector<32x32x128xf32>
    %add3A_1817 = arith.addf %add3A_1815, %add3A_1816 : vector<32x32x128xf32>
    %add3A_1818 = arith.addf %add3A_1817, %concatenate3A_1814 : vector<32x32x128xf32>
    %reshape3A_1819 = vector.shape_cast %add3A_1818 : vector<32x32x128xf32> to vector<1024x128xf32>
    %mul3A_1820 = vector.broadcast %rsqrt3A : vector<1024x1xf32> to vector<1024x128xf32>
    %mul3A_1821 = arith.mulf %reshape3A_1819, %mul3A_1820 : vector<1024x128xf32>
    %get3A_1822 = arith.constant 5 : index
    %get3A_1823 = arith.constant 0 : index
    %get3A_1824 = vector.load %arg4[%get3A_1822, %get3A_1823] : memref<6x128xf32, #tpu.memory_space<vmem>>, vector<1x128xf32>
    %get3A_1825 = vector.shape_cast %get3A_1824 : vector<1x128xf32> to vector<128xf32>
    %broadcast_in_dim3A_1826 = vector.shape_cast %get3A_1825 : vector<128xf32> to vector<1x128xf32>
    %add3A_1827 = vector.broadcast %broadcast_in_dim3A_1826 : vector<1x128xf32> to vector<1024x128xf32>
    %add3A_1828 = arith.addf %mul3A_1821, %add3A_1827 : vector<1024x128xf32>
    %max3A_1829 = arith.constant 0.000000e+00 : f32
    %max3A_1830 = vector.broadcast %max3A_1829 : f32 to vector<1024x128xf32>
    %max3A_1831 = arith.maximumf %add3A_1828, %max3A_1830 : vector<1024x128xf32>
    %get3A_1832 = arith.constant 5 : index
    %get3A_1833 = arith.constant 0 : index
    %get3A_1834 = arith.constant 0 : index
    %get3A_1835 = vector.load %arg3[%get3A_1832, %get3A_1833, %get3A_1834] : memref<6x128x128xf32, #tpu.memory_space<vmem>>, vector<1x128x128xf32>
    %get3A_1836 = vector.shape_cast %get3A_1835 : vector<1x128x128xf32> to vector<128x128xf32>
    %dot_general3A_1837 = arith.constant dense<0.000000e+00> : vector<1024x128xf32>
    %dot_general3A_1838 = tpu.matmul %max3A_1586, %get3A_1836, %dot_general3A_1837 {dimension_numbers = #tpu.dot_dimension_numbers<[1], [0], [0], [1], [0, 0, 1, 1], [], []>, transpose_lhs_hint = false} : vector<1024x128xf32>, vector<128x128xf32>, vector<1024x128xf32> -> vector<1024x128xf32>
    %mul3A_1839 = vector.broadcast %rsqrt3A : vector<1024x1xf32> to vector<1024x128xf32>
    %mul3A_1840 = arith.mulf %dot_general3A_1838, %mul3A_1839 : vector<1024x128xf32>
    %reshape3A_1841 = vector.shape_cast %mul3A_1840 : vector<1024x128xf32> to vector<32x32x128xf32>
    %slice3A_1842 = vector.extract_strided_slice %reshape3A_1841 {offsets = [0, 0, 0], sizes = [31, 32, 128], strides = [1, 1, 1]} : vector<32x32x128xf32> to vector<31x32x128xf32>
    %concatenate3A_1843 = tpu.concatenate %broadcast_in_dim3A_327, %slice3A_1842 in 0 : vector<1x32x128xf32>, vector<31x32x128xf32> -> vector<32x32x128xf32>
    %slice3A_1844 = vector.extract_strided_slice %reshape3A_1841 {offsets = [1, 0, 0], sizes = [31, 32, 128], strides = [1, 1, 1]} : vector<32x32x128xf32> to vector<31x32x128xf32>
    %concatenate3A_1845 = tpu.concatenate %slice3A_1844, %broadcast_in_dim3A_327 in 0 : vector<31x32x128xf32>, vector<1x32x128xf32> -> vector<32x32x128xf32>
    %slice3A_1846 = vector.extract_strided_slice %reshape3A_1841 {offsets = [0, 0, 0], sizes = [32, 31, 128], strides = [1, 1, 1]} : vector<32x32x128xf32> to vector<32x31x128xf32>
    %concatenate3A_1847 = tpu.concatenate %broadcast_in_dim3A_329, %slice3A_1846 in 1 : vector<32x1x128xf32>, vector<32x31x128xf32> -> vector<32x32x128xf32>
    %slice3A_1848 = vector.extract_strided_slice %reshape3A_1841 {offsets = [0, 1, 0], sizes = [32, 31, 128], strides = [1, 1, 1]} : vector<32x32x128xf32> to vector<32x31x128xf32>
    %concatenate3A_1849 = tpu.concatenate %slice3A_1848, %broadcast_in_dim3A_329 in 1 : vector<32x31x128xf32>, vector<32x1x128xf32> -> vector<32x32x128xf32>
    %add3A_1850 = arith.addf %reshape3A_1841, %concatenate3A_1843 : vector<32x32x128xf32>
    %add3A_1851 = arith.addf %concatenate3A_1845, %concatenate3A_1847 : vector<32x32x128xf32>
    %add3A_1852 = arith.addf %add3A_1850, %add3A_1851 : vector<32x32x128xf32>
    %add3A_1853 = arith.addf %add3A_1852, %concatenate3A_1849 : vector<32x32x128xf32>
    %reshape3A_1854 = vector.shape_cast %add3A_1853 : vector<32x32x128xf32> to vector<1024x128xf32>
    %mul3A_1855 = vector.broadcast %rsqrt3A : vector<1024x1xf32> to vector<1024x128xf32>
    %mul3A_1856 = arith.mulf %reshape3A_1854, %mul3A_1855 : vector<1024x128xf32>
    %get3A_1857 = arith.constant 5 : index
    %get3A_1858 = arith.constant 0 : index
    %get3A_1859 = vector.load %arg4[%get3A_1857, %get3A_1858] : memref<6x128xf32, #tpu.memory_space<vmem>>, vector<1x128xf32>
    %get3A_1860 = vector.shape_cast %get3A_1859 : vector<1x128xf32> to vector<128xf32>
    %broadcast_in_dim3A_1861 = vector.shape_cast %get3A_1860 : vector<128xf32> to vector<1x128xf32>
    %add3A_1862 = vector.broadcast %broadcast_in_dim3A_1861 : vector<1x128xf32> to vector<1024x128xf32>
    %add3A_1863 = arith.addf %mul3A_1856, %add3A_1862 : vector<1024x128xf32>
    %max3A_1864 = arith.constant 0.000000e+00 : f32
    %max3A_1865 = vector.broadcast %max3A_1864 : f32 to vector<1024x128xf32>
    %max3A_1866 = arith.maximumf %add3A_1863, %max3A_1865 : vector<1024x128xf32>
    %get3A_1867 = arith.constant 5 : index
    %get3A_1868 = arith.constant 0 : index
    %get3A_1869 = arith.constant 0 : index
    %get3A_1870 = vector.load %arg3[%get3A_1867, %get3A_1868, %get3A_1869] : memref<6x128x128xf32, #tpu.memory_space<vmem>>, vector<1x128x128xf32>
    %get3A_1871 = vector.shape_cast %get3A_1870 : vector<1x128x128xf32> to vector<128x128xf32>
    %dot_general3A_1872 = arith.constant dense<0.000000e+00> : vector<1024x128xf32>
    %dot_general3A_1873 = tpu.matmul %max3A_1621, %get3A_1871, %dot_general3A_1872 {dimension_numbers = #tpu.dot_dimension_numbers<[1], [0], [0], [1], [0, 0, 1, 1], [], []>, transpose_lhs_hint = false} : vector<1024x128xf32>, vector<128x128xf32>, vector<1024x128xf32> -> vector<1024x128xf32>
    %mul3A_1874 = vector.broadcast %rsqrt3A : vector<1024x1xf32> to vector<1024x128xf32>
    %mul3A_1875 = arith.mulf %dot_general3A_1873, %mul3A_1874 : vector<1024x128xf32>
    %reshape3A_1876 = vector.shape_cast %mul3A_1875 : vector<1024x128xf32> to vector<32x32x128xf32>
    %slice3A_1877 = vector.extract_strided_slice %reshape3A_1876 {offsets = [0, 0, 0], sizes = [31, 32, 128], strides = [1, 1, 1]} : vector<32x32x128xf32> to vector<31x32x128xf32>
    %concatenate3A_1878 = tpu.concatenate %broadcast_in_dim3A_327, %slice3A_1877 in 0 : vector<1x32x128xf32>, vector<31x32x128xf32> -> vector<32x32x128xf32>
    %slice3A_1879 = vector.extract_strided_slice %reshape3A_1876 {offsets = [1, 0, 0], sizes = [31, 32, 128], strides = [1, 1, 1]} : vector<32x32x128xf32> to vector<31x32x128xf32>
    %concatenate3A_1880 = tpu.concatenate %slice3A_1879, %broadcast_in_dim3A_327 in 0 : vector<31x32x128xf32>, vector<1x32x128xf32> -> vector<32x32x128xf32>
    %slice3A_1881 = vector.extract_strided_slice %reshape3A_1876 {offsets = [0, 0, 0], sizes = [32, 31, 128], strides = [1, 1, 1]} : vector<32x32x128xf32> to vector<32x31x128xf32>
    %concatenate3A_1882 = tpu.concatenate %broadcast_in_dim3A_329, %slice3A_1881 in 1 : vector<32x1x128xf32>, vector<32x31x128xf32> -> vector<32x32x128xf32>
    %slice3A_1883 = vector.extract_strided_slice %reshape3A_1876 {offsets = [0, 1, 0], sizes = [32, 31, 128], strides = [1, 1, 1]} : vector<32x32x128xf32> to vector<32x31x128xf32>
    %concatenate3A_1884 = tpu.concatenate %slice3A_1883, %broadcast_in_dim3A_329 in 1 : vector<32x31x128xf32>, vector<32x1x128xf32> -> vector<32x32x128xf32>
    %add3A_1885 = arith.addf %reshape3A_1876, %concatenate3A_1878 : vector<32x32x128xf32>
    %add3A_1886 = arith.addf %concatenate3A_1880, %concatenate3A_1882 : vector<32x32x128xf32>
    %add3A_1887 = arith.addf %add3A_1885, %add3A_1886 : vector<32x32x128xf32>
    %add3A_1888 = arith.addf %add3A_1887, %concatenate3A_1884 : vector<32x32x128xf32>
    %reshape3A_1889 = vector.shape_cast %add3A_1888 : vector<32x32x128xf32> to vector<1024x128xf32>
    %mul3A_1890 = vector.broadcast %rsqrt3A : vector<1024x1xf32> to vector<1024x128xf32>
    %mul3A_1891 = arith.mulf %reshape3A_1889, %mul3A_1890 : vector<1024x128xf32>
    %get3A_1892 = arith.constant 5 : index
    %get3A_1893 = arith.constant 0 : index
    %get3A_1894 = vector.load %arg4[%get3A_1892, %get3A_1893] : memref<6x128xf32, #tpu.memory_space<vmem>>, vector<1x128xf32>
    %get3A_1895 = vector.shape_cast %get3A_1894 : vector<1x128xf32> to vector<128xf32>
    %broadcast_in_dim3A_1896 = vector.shape_cast %get3A_1895 : vector<128xf32> to vector<1x128xf32>
    %add3A_1897 = vector.broadcast %broadcast_in_dim3A_1896 : vector<1x128xf32> to vector<1024x128xf32>
    %add3A_1898 = arith.addf %mul3A_1891, %add3A_1897 : vector<1024x128xf32>
    %max3A_1899 = arith.constant 0.000000e+00 : f32
    %max3A_1900 = vector.broadcast %max3A_1899 : f32 to vector<1024x128xf32>
    %max3A_1901 = arith.maximumf %add3A_1898, %max3A_1900 : vector<1024x128xf32>
    %get3A_1902 = arith.constant 5 : index
    %get3A_1903 = arith.constant 0 : index
    %get3A_1904 = arith.constant 0 : index
    %get3A_1905 = vector.load %arg3[%get3A_1902, %get3A_1903, %get3A_1904] : memref<6x128x128xf32, #tpu.memory_space<vmem>>, vector<1x128x128xf32>
    %get3A_1906 = vector.shape_cast %get3A_1905 : vector<1x128x128xf32> to vector<128x128xf32>
    %dot_general3A_1907 = arith.constant dense<0.000000e+00> : vector<1024x128xf32>
    %dot_general3A_1908 = tpu.matmul %max3A_1656, %get3A_1906, %dot_general3A_1907 {dimension_numbers = #tpu.dot_dimension_numbers<[1], [0], [0], [1], [0, 0, 1, 1], [], []>, transpose_lhs_hint = false} : vector<1024x128xf32>, vector<128x128xf32>, vector<1024x128xf32> -> vector<1024x128xf32>
    %mul3A_1909 = vector.broadcast %rsqrt3A : vector<1024x1xf32> to vector<1024x128xf32>
    %mul3A_1910 = arith.mulf %dot_general3A_1908, %mul3A_1909 : vector<1024x128xf32>
    %reshape3A_1911 = vector.shape_cast %mul3A_1910 : vector<1024x128xf32> to vector<32x32x128xf32>
    %slice3A_1912 = vector.extract_strided_slice %reshape3A_1911 {offsets = [0, 0, 0], sizes = [31, 32, 128], strides = [1, 1, 1]} : vector<32x32x128xf32> to vector<31x32x128xf32>
    %concatenate3A_1913 = tpu.concatenate %broadcast_in_dim3A_327, %slice3A_1912 in 0 : vector<1x32x128xf32>, vector<31x32x128xf32> -> vector<32x32x128xf32>
    %slice3A_1914 = vector.extract_strided_slice %reshape3A_1911 {offsets = [1, 0, 0], sizes = [31, 32, 128], strides = [1, 1, 1]} : vector<32x32x128xf32> to vector<31x32x128xf32>
    %concatenate3A_1915 = tpu.concatenate %slice3A_1914, %broadcast_in_dim3A_327 in 0 : vector<31x32x128xf32>, vector<1x32x128xf32> -> vector<32x32x128xf32>
    %slice3A_1916 = vector.extract_strided_slice %reshape3A_1911 {offsets = [0, 0, 0], sizes = [32, 31, 128], strides = [1, 1, 1]} : vector<32x32x128xf32> to vector<32x31x128xf32>
    %concatenate3A_1917 = tpu.concatenate %broadcast_in_dim3A_329, %slice3A_1916 in 1 : vector<32x1x128xf32>, vector<32x31x128xf32> -> vector<32x32x128xf32>
    %slice3A_1918 = vector.extract_strided_slice %reshape3A_1911 {offsets = [0, 1, 0], sizes = [32, 31, 128], strides = [1, 1, 1]} : vector<32x32x128xf32> to vector<32x31x128xf32>
    %concatenate3A_1919 = tpu.concatenate %slice3A_1918, %broadcast_in_dim3A_329 in 1 : vector<32x31x128xf32>, vector<32x1x128xf32> -> vector<32x32x128xf32>
    %add3A_1920 = arith.addf %reshape3A_1911, %concatenate3A_1913 : vector<32x32x128xf32>
    %add3A_1921 = arith.addf %concatenate3A_1915, %concatenate3A_1917 : vector<32x32x128xf32>
    %add3A_1922 = arith.addf %add3A_1920, %add3A_1921 : vector<32x32x128xf32>
    %add3A_1923 = arith.addf %add3A_1922, %concatenate3A_1919 : vector<32x32x128xf32>
    %reshape3A_1924 = vector.shape_cast %add3A_1923 : vector<32x32x128xf32> to vector<1024x128xf32>
    %mul3A_1925 = vector.broadcast %rsqrt3A : vector<1024x1xf32> to vector<1024x128xf32>
    %mul3A_1926 = arith.mulf %reshape3A_1924, %mul3A_1925 : vector<1024x128xf32>
    %get3A_1927 = arith.constant 5 : index
    %get3A_1928 = arith.constant 0 : index
    %get3A_1929 = vector.load %arg4[%get3A_1927, %get3A_1928] : memref<6x128xf32, #tpu.memory_space<vmem>>, vector<1x128xf32>
    %get3A_1930 = vector.shape_cast %get3A_1929 : vector<1x128xf32> to vector<128xf32>
    %broadcast_in_dim3A_1931 = vector.shape_cast %get3A_1930 : vector<128xf32> to vector<1x128xf32>
    %add3A_1932 = vector.broadcast %broadcast_in_dim3A_1931 : vector<1x128xf32> to vector<1024x128xf32>
    %add3A_1933 = arith.addf %mul3A_1926, %add3A_1932 : vector<1024x128xf32>
    %max3A_1934 = arith.constant 0.000000e+00 : f32
    %max3A_1935 = vector.broadcast %max3A_1934 : f32 to vector<1024x128xf32>
    %max3A_1936 = arith.maximumf %add3A_1933, %max3A_1935 : vector<1024x128xf32>
    %get3A_1937 = arith.constant 5 : index
    %get3A_1938 = arith.constant 0 : index
    %get3A_1939 = arith.constant 0 : index
    %get3A_1940 = vector.load %arg3[%get3A_1937, %get3A_1938, %get3A_1939] : memref<6x128x128xf32, #tpu.memory_space<vmem>>, vector<1x128x128xf32>
    %get3A_1941 = vector.shape_cast %get3A_1940 : vector<1x128x128xf32> to vector<128x128xf32>
    %dot_general3A_1942 = arith.constant dense<0.000000e+00> : vector<1024x128xf32>
    %dot_general3A_1943 = tpu.matmul %max3A_1691, %get3A_1941, %dot_general3A_1942 {dimension_numbers = #tpu.dot_dimension_numbers<[1], [0], [0], [1], [0, 0, 1, 1], [], []>, transpose_lhs_hint = false} : vector<1024x128xf32>, vector<128x128xf32>, vector<1024x128xf32> -> vector<1024x128xf32>
    %mul3A_1944 = vector.broadcast %rsqrt3A : vector<1024x1xf32> to vector<1024x128xf32>
    %mul3A_1945 = arith.mulf %dot_general3A_1943, %mul3A_1944 : vector<1024x128xf32>
    %reshape3A_1946 = vector.shape_cast %mul3A_1945 : vector<1024x128xf32> to vector<32x32x128xf32>
    %slice3A_1947 = vector.extract_strided_slice %reshape3A_1946 {offsets = [0, 0, 0], sizes = [31, 32, 128], strides = [1, 1, 1]} : vector<32x32x128xf32> to vector<31x32x128xf32>
    %concatenate3A_1948 = tpu.concatenate %broadcast_in_dim3A_327, %slice3A_1947 in 0 : vector<1x32x128xf32>, vector<31x32x128xf32> -> vector<32x32x128xf32>
    %slice3A_1949 = vector.extract_strided_slice %reshape3A_1946 {offsets = [1, 0, 0], sizes = [31, 32, 128], strides = [1, 1, 1]} : vector<32x32x128xf32> to vector<31x32x128xf32>
    %concatenate3A_1950 = tpu.concatenate %slice3A_1949, %broadcast_in_dim3A_327 in 0 : vector<31x32x128xf32>, vector<1x32x128xf32> -> vector<32x32x128xf32>
    %slice3A_1951 = vector.extract_strided_slice %reshape3A_1946 {offsets = [0, 0, 0], sizes = [32, 31, 128], strides = [1, 1, 1]} : vector<32x32x128xf32> to vector<32x31x128xf32>
    %concatenate3A_1952 = tpu.concatenate %broadcast_in_dim3A_329, %slice3A_1951 in 1 : vector<32x1x128xf32>, vector<32x31x128xf32> -> vector<32x32x128xf32>
    %slice3A_1953 = vector.extract_strided_slice %reshape3A_1946 {offsets = [0, 1, 0], sizes = [32, 31, 128], strides = [1, 1, 1]} : vector<32x32x128xf32> to vector<32x31x128xf32>
    %concatenate3A_1954 = tpu.concatenate %slice3A_1953, %broadcast_in_dim3A_329 in 1 : vector<32x31x128xf32>, vector<32x1x128xf32> -> vector<32x32x128xf32>
    %add3A_1955 = arith.addf %reshape3A_1946, %concatenate3A_1948 : vector<32x32x128xf32>
    %add3A_1956 = arith.addf %concatenate3A_1950, %concatenate3A_1952 : vector<32x32x128xf32>
    %add3A_1957 = arith.addf %add3A_1955, %add3A_1956 : vector<32x32x128xf32>
    %add3A_1958 = arith.addf %add3A_1957, %concatenate3A_1954 : vector<32x32x128xf32>
    %reshape3A_1959 = vector.shape_cast %add3A_1958 : vector<32x32x128xf32> to vector<1024x128xf32>
    %mul3A_1960 = vector.broadcast %rsqrt3A : vector<1024x1xf32> to vector<1024x128xf32>
    %mul3A_1961 = arith.mulf %reshape3A_1959, %mul3A_1960 : vector<1024x128xf32>
    %get3A_1962 = arith.constant 5 : index
    %get3A_1963 = arith.constant 0 : index
    %get3A_1964 = vector.load %arg4[%get3A_1962, %get3A_1963] : memref<6x128xf32, #tpu.memory_space<vmem>>, vector<1x128xf32>
    %get3A_1965 = vector.shape_cast %get3A_1964 : vector<1x128xf32> to vector<128xf32>
    %broadcast_in_dim3A_1966 = vector.shape_cast %get3A_1965 : vector<128xf32> to vector<1x128xf32>
    %add3A_1967 = vector.broadcast %broadcast_in_dim3A_1966 : vector<1x128xf32> to vector<1024x128xf32>
    %add3A_1968 = arith.addf %mul3A_1961, %add3A_1967 : vector<1024x128xf32>
    %max3A_1969 = arith.constant 0.000000e+00 : f32
    %max3A_1970 = vector.broadcast %max3A_1969 : f32 to vector<1024x128xf32>
    %max3A_1971 = arith.maximumf %add3A_1968, %max3A_1970 : vector<1024x128xf32>
    %get3A_1972 = arith.constant 5 : index
    %get3A_1973 = arith.constant 0 : index
    %get3A_1974 = arith.constant 0 : index
    %get3A_1975 = vector.load %arg3[%get3A_1972, %get3A_1973, %get3A_1974] : memref<6x128x128xf32, #tpu.memory_space<vmem>>, vector<1x128x128xf32>
    %get3A_1976 = vector.shape_cast %get3A_1975 : vector<1x128x128xf32> to vector<128x128xf32>
    %dot_general3A_1977 = arith.constant dense<0.000000e+00> : vector<1024x128xf32>
    %dot_general3A_1978 = tpu.matmul %max3A_1726, %get3A_1976, %dot_general3A_1977 {dimension_numbers = #tpu.dot_dimension_numbers<[1], [0], [0], [1], [0, 0, 1, 1], [], []>, transpose_lhs_hint = false} : vector<1024x128xf32>, vector<128x128xf32>, vector<1024x128xf32> -> vector<1024x128xf32>
    %mul3A_1979 = vector.broadcast %rsqrt3A : vector<1024x1xf32> to vector<1024x128xf32>
    %mul3A_1980 = arith.mulf %dot_general3A_1978, %mul3A_1979 : vector<1024x128xf32>
    %reshape3A_1981 = vector.shape_cast %mul3A_1980 : vector<1024x128xf32> to vector<32x32x128xf32>
    %slice3A_1982 = vector.extract_strided_slice %reshape3A_1981 {offsets = [0, 0, 0], sizes = [31, 32, 128], strides = [1, 1, 1]} : vector<32x32x128xf32> to vector<31x32x128xf32>
    %concatenate3A_1983 = tpu.concatenate %broadcast_in_dim3A_327, %slice3A_1982 in 0 : vector<1x32x128xf32>, vector<31x32x128xf32> -> vector<32x32x128xf32>
    %slice3A_1984 = vector.extract_strided_slice %reshape3A_1981 {offsets = [1, 0, 0], sizes = [31, 32, 128], strides = [1, 1, 1]} : vector<32x32x128xf32> to vector<31x32x128xf32>
    %concatenate3A_1985 = tpu.concatenate %slice3A_1984, %broadcast_in_dim3A_327 in 0 : vector<31x32x128xf32>, vector<1x32x128xf32> -> vector<32x32x128xf32>
    %slice3A_1986 = vector.extract_strided_slice %reshape3A_1981 {offsets = [0, 0, 0], sizes = [32, 31, 128], strides = [1, 1, 1]} : vector<32x32x128xf32> to vector<32x31x128xf32>
    %concatenate3A_1987 = tpu.concatenate %broadcast_in_dim3A_329, %slice3A_1986 in 1 : vector<32x1x128xf32>, vector<32x31x128xf32> -> vector<32x32x128xf32>
    %slice3A_1988 = vector.extract_strided_slice %reshape3A_1981 {offsets = [0, 1, 0], sizes = [32, 31, 128], strides = [1, 1, 1]} : vector<32x32x128xf32> to vector<32x31x128xf32>
    %concatenate3A_1989 = tpu.concatenate %slice3A_1988, %broadcast_in_dim3A_329 in 1 : vector<32x31x128xf32>, vector<32x1x128xf32> -> vector<32x32x128xf32>
    %add3A_1990 = arith.addf %reshape3A_1981, %concatenate3A_1983 : vector<32x32x128xf32>
    %add3A_1991 = arith.addf %concatenate3A_1985, %concatenate3A_1987 : vector<32x32x128xf32>
    %add3A_1992 = arith.addf %add3A_1990, %add3A_1991 : vector<32x32x128xf32>
    %add3A_1993 = arith.addf %add3A_1992, %concatenate3A_1989 : vector<32x32x128xf32>
    %reshape3A_1994 = vector.shape_cast %add3A_1993 : vector<32x32x128xf32> to vector<1024x128xf32>
    %mul3A_1995 = vector.broadcast %rsqrt3A : vector<1024x1xf32> to vector<1024x128xf32>
    %mul3A_1996 = arith.mulf %reshape3A_1994, %mul3A_1995 : vector<1024x128xf32>
    %get3A_1997 = arith.constant 5 : index
    %get3A_1998 = arith.constant 0 : index
    %get3A_1999 = vector.load %arg4[%get3A_1997, %get3A_1998] : memref<6x128xf32, #tpu.memory_space<vmem>>, vector<1x128xf32>
    %get3A_2000 = vector.shape_cast %get3A_1999 : vector<1x128xf32> to vector<128xf32>
    %broadcast_in_dim3A_2001 = vector.shape_cast %get3A_2000 : vector<128xf32> to vector<1x128xf32>
    %add3A_2002 = vector.broadcast %broadcast_in_dim3A_2001 : vector<1x128xf32> to vector<1024x128xf32>
    %add3A_2003 = arith.addf %mul3A_1996, %add3A_2002 : vector<1024x128xf32>
    %max3A_2004 = arith.constant 0.000000e+00 : f32
    %max3A_2005 = vector.broadcast %max3A_2004 : f32 to vector<1024x128xf32>
    %max3A_2006 = arith.maximumf %add3A_2003, %max3A_2005 : vector<1024x128xf32>
    %iota3A_2007 = tpu.iota {dimensions = array<i32: 1>} : vector<4x1024xi32>
    %slice3A_2008 = vector.extract_strided_slice %get3A_2 {offsets = [0, 0, 8], sizes = [1, 1, 8], strides = [1, 1, 1]} : vector<8x200x64xf32> to vector<1x1x8xf32>
    %squeeze3A_2009 = vector.shape_cast %slice3A_2008 : vector<1x1x8xf32> to vector<1x8xf32>
    %slice3A_2010 = vector.extract_strided_slice %squeeze3A_2009 {offsets = [0, 0], sizes = [1, 2], strides = [1, 1]} : vector<1x8xf32> to vector<1x2xf32>
    %mul3A_2011 = arith.constant 3.200000e+01 : f32
    %mul3A_2012 = vector.broadcast %mul3A_2011 : f32 to vector<1x2xf32>
    %mul3A_2013 = arith.mulf %slice3A_2010, %mul3A_2012 : vector<1x2xf32>
    %floor3A_2014 = math.floor %mul3A_2013 : vector<1x2xf32>
    %jit3A_2015 = arith.constant 0 : i32
    %jit3A_2016 = arith.constant 31 : i32
    %convert_element_type3A_2017 = arith.sitofp %jit3A_2015 : i32 to f32
    %max3A_2018 = vector.broadcast %convert_element_type3A_2017 : f32 to vector<1x2xf32>
    %max3A_2019 = arith.maximumf %max3A_2018, %floor3A_2014 : vector<1x2xf32>
    %convert_element_type3A_2020 = arith.sitofp %jit3A_2016 : i32 to f32
    %min3A_2021 = vector.broadcast %convert_element_type3A_2020 : f32 to vector<1x2xf32>
    %min3A_2022 = arith.minimumf %min3A_2021, %max3A_2019 : vector<1x2xf32>
    %convert_element_type3A_2023 = arith.fptosi %min3A_2022 : vector<1x2xf32> to vector<1x2xi32>
    %slice3A_2024 = vector.extract_strided_slice %convert_element_type3A_2023 {offsets = [0, 0], sizes = [1, 1], strides = [1, 1]} : vector<1x2xi32> to vector<1x1xi32>
    %mul3A_2025 = arith.constant 32 : i32
    %mul3A_2026 = vector.broadcast %mul3A_2025 : i32 to vector<1x1xi32>
    %mul3A_2027 = arith.muli %slice3A_2024, %mul3A_2026 : vector<1x1xi32>
    %slice3A_2028 = vector.extract_strided_slice %convert_element_type3A_2023 {offsets = [0, 1], sizes = [1, 1], strides = [1, 1]} : vector<1x2xi32> to vector<1x1xi32>
    %add3A_2029 = arith.addi %mul3A_2027, %slice3A_2028 : vector<1x1xi32>
    %slice3A_2030 = vector.extract_strided_slice %squeeze3A_2009 {offsets = [0, 2], sizes = [1, 2], strides = [1, 1]} : vector<1x8xf32> to vector<1x2xf32>
    %mul3A_2031 = arith.constant 3.200000e+01 : f32
    %mul3A_2032 = vector.broadcast %mul3A_2031 : f32 to vector<1x2xf32>
    %mul3A_2033 = arith.mulf %slice3A_2030, %mul3A_2032 : vector<1x2xf32>
    %floor3A_2034 = math.floor %mul3A_2033 : vector<1x2xf32>
    %jit3A_2035 = arith.constant 0 : i32
    %jit3A_2036 = arith.constant 31 : i32
    %convert_element_type3A_2037 = arith.sitofp %jit3A_2035 : i32 to f32
    %max3A_2038 = vector.broadcast %convert_element_type3A_2037 : f32 to vector<1x2xf32>
    %max3A_2039 = arith.maximumf %max3A_2038, %floor3A_2034 : vector<1x2xf32>
    %convert_element_type3A_2040 = arith.sitofp %jit3A_2036 : i32 to f32
    %min3A_2041 = vector.broadcast %convert_element_type3A_2040 : f32 to vector<1x2xf32>
    %min3A_2042 = arith.minimumf %min3A_2041, %max3A_2039 : vector<1x2xf32>
    %convert_element_type3A_2043 = arith.fptosi %min3A_2042 : vector<1x2xf32> to vector<1x2xi32>
    %slice3A_2044 = vector.extract_strided_slice %convert_element_type3A_2043 {offsets = [0, 0], sizes = [1, 1], strides = [1, 1]} : vector<1x2xi32> to vector<1x1xi32>
    %mul3A_2045 = arith.constant 32 : i32
    %mul3A_2046 = vector.broadcast %mul3A_2045 : i32 to vector<1x1xi32>
    %mul3A_2047 = arith.muli %slice3A_2044, %mul3A_2046 : vector<1x1xi32>
    %slice3A_2048 = vector.extract_strided_slice %convert_element_type3A_2043 {offsets = [0, 1], sizes = [1, 1], strides = [1, 1]} : vector<1x2xi32> to vector<1x1xi32>
    %add3A_2049 = arith.addi %mul3A_2047, %slice3A_2048 : vector<1x1xi32>
    %slice3A_2050 = vector.extract_strided_slice %squeeze3A_2009 {offsets = [0, 4], sizes = [1, 2], strides = [1, 1]} : vector<1x8xf32> to vector<1x2xf32>
    %mul3A_2051 = arith.constant 3.200000e+01 : f32
    %mul3A_2052 = vector.broadcast %mul3A_2051 : f32 to vector<1x2xf32>
    %mul3A_2053 = arith.mulf %slice3A_2050, %mul3A_2052 : vector<1x2xf32>
    %floor3A_2054 = math.floor %mul3A_2053 : vector<1x2xf32>
    %jit3A_2055 = arith.constant 0 : i32
    %jit3A_2056 = arith.constant 31 : i32
    %convert_element_type3A_2057 = arith.sitofp %jit3A_2055 : i32 to f32
    %max3A_2058 = vector.broadcast %convert_element_type3A_2057 : f32 to vector<1x2xf32>
    %max3A_2059 = arith.maximumf %max3A_2058, %floor3A_2054 : vector<1x2xf32>
    %convert_element_type3A_2060 = arith.sitofp %jit3A_2056 : i32 to f32
    %min3A_2061 = vector.broadcast %convert_element_type3A_2060 : f32 to vector<1x2xf32>
    %min3A_2062 = arith.minimumf %min3A_2061, %max3A_2059 : vector<1x2xf32>
    %convert_element_type3A_2063 = arith.fptosi %min3A_2062 : vector<1x2xf32> to vector<1x2xi32>
    %slice3A_2064 = vector.extract_strided_slice %convert_element_type3A_2063 {offsets = [0, 0], sizes = [1, 1], strides = [1, 1]} : vector<1x2xi32> to vector<1x1xi32>
    %mul3A_2065 = arith.constant 32 : i32
    %mul3A_2066 = vector.broadcast %mul3A_2065 : i32 to vector<1x1xi32>
    %mul3A_2067 = arith.muli %slice3A_2064, %mul3A_2066 : vector<1x1xi32>
    %slice3A_2068 = vector.extract_strided_slice %convert_element_type3A_2063 {offsets = [0, 1], sizes = [1, 1], strides = [1, 1]} : vector<1x2xi32> to vector<1x1xi32>
    %add3A_2069 = arith.addi %mul3A_2067, %slice3A_2068 : vector<1x1xi32>
    %slice3A_2070 = vector.extract_strided_slice %squeeze3A_2009 {offsets = [0, 6], sizes = [1, 2], strides = [1, 1]} : vector<1x8xf32> to vector<1x2xf32>
    %mul3A_2071 = arith.constant 3.200000e+01 : f32
    %mul3A_2072 = vector.broadcast %mul3A_2071 : f32 to vector<1x2xf32>
    %mul3A_2073 = arith.mulf %slice3A_2070, %mul3A_2072 : vector<1x2xf32>
    %floor3A_2074 = math.floor %mul3A_2073 : vector<1x2xf32>
    %jit3A_2075 = arith.constant 0 : i32
    %jit3A_2076 = arith.constant 31 : i32
    %convert_element_type3A_2077 = arith.sitofp %jit3A_2075 : i32 to f32
    %max3A_2078 = vector.broadcast %convert_element_type3A_2077 : f32 to vector<1x2xf32>
    %max3A_2079 = arith.maximumf %max3A_2078, %floor3A_2074 : vector<1x2xf32>
    %convert_element_type3A_2080 = arith.sitofp %jit3A_2076 : i32 to f32
    %min3A_2081 = vector.broadcast %convert_element_type3A_2080 : f32 to vector<1x2xf32>
    %min3A_2082 = arith.minimumf %min3A_2081, %max3A_2079 : vector<1x2xf32>
    %convert_element_type3A_2083 = arith.fptosi %min3A_2082 : vector<1x2xf32> to vector<1x2xi32>
    %slice3A_2084 = vector.extract_strided_slice %convert_element_type3A_2083 {offsets = [0, 0], sizes = [1, 1], strides = [1, 1]} : vector<1x2xi32> to vector<1x1xi32>
    %mul3A_2085 = arith.constant 32 : i32
    %mul3A_2086 = vector.broadcast %mul3A_2085 : i32 to vector<1x1xi32>
    %mul3A_2087 = arith.muli %slice3A_2084, %mul3A_2086 : vector<1x1xi32>
    %slice3A_2088 = vector.extract_strided_slice %convert_element_type3A_2083 {offsets = [0, 1], sizes = [1, 1], strides = [1, 1]} : vector<1x2xi32> to vector<1x1xi32>
    %add3A_2089 = arith.addi %mul3A_2087, %slice3A_2088 : vector<1x1xi32>
    %concatenate3A_2090 = tpu.concatenate %add3A_2029, %add3A_2049, %add3A_2069, %add3A_2089 in 0 : vector<1x1xi32>, vector<1x1xi32>, vector<1x1xi32>, vector<1x1xi32> -> vector<4x1xi32>
    %eq3A_2091 = vector.broadcast %concatenate3A_2090 : vector<4x1xi32> to vector<4x1024xi32>
    %eq3A_2092 = arith.cmpi eq, %iota3A_2007, %eq3A_2091 : vector<4x1024xi32>
    %convert_element_type3A_2093 = arith.extui %eq3A_2092 : vector<4x1024xi1> to vector<4x1024xi32>
    %convert_element_type3A_2094 = arith.sitofp %convert_element_type3A_2093 : vector<4x1024xi32> to vector<4x1024xf32>
    %dot_general3A_2095 = arith.constant dense<0.000000e+00> : vector<4x128xf32>
    %dot_general3A_2096 = tpu.matmul %convert_element_type3A_2094, %max3A_1761, %dot_general3A_2095 {dimension_numbers = #tpu.dot_dimension_numbers<[1], [0], [0], [1], [0, 0, 1, 1], [], []>, transpose_lhs_hint = false} : vector<4x1024xf32>, vector<1024x128xf32>, vector<4x128xf32> -> vector<4x128xf32>
    %swap3A = arith.constant 0 : index
    %swap3A_2097 = arith.constant 0 : index
    %swap3A_2098 = arith.constant 0 : index
    %swap3A_2099 = vector.load %arg5[%swap3A, %swap3A_2097, %swap3A_2098] : memref<8x4x128xf32, #tpu.memory_space<vmem>>, vector<1x4x128xf32>
    %swap3A_2100 = vector.shape_cast %swap3A_2099 : vector<1x4x128xf32> to vector<4x128xf32>
    %swap3A_2101 = vector.shape_cast %dot_general3A_2096 : vector<4x128xf32> to vector<1x4x128xf32>
    tpu.vector_store %arg5[%swap3A, %swap3A_2097, %swap3A_2098], %swap3A_2101 {strides = array<i32>} : memref<8x4x128xf32, #tpu.memory_space<vmem>>, vector<1x4x128xf32>,
    %slice3A_2102 = vector.extract_strided_slice %get3A_2 {offsets = [1, 0, 8], sizes = [1, 1, 8], strides = [1, 1, 1]} : vector<8x200x64xf32> to vector<1x1x8xf32>
    %squeeze3A_2103 = vector.shape_cast %slice3A_2102 : vector<1x1x8xf32> to vector<1x8xf32>
    %slice3A_2104 = vector.extract_strided_slice %squeeze3A_2103 {offsets = [0, 0], sizes = [1, 2], strides = [1, 1]} : vector<1x8xf32> to vector<1x2xf32>
    %mul3A_2105 = arith.constant 3.200000e+01 : f32
    %mul3A_2106 = vector.broadcast %mul3A_2105 : f32 to vector<1x2xf32>
    %mul3A_2107 = arith.mulf %slice3A_2104, %mul3A_2106 : vector<1x2xf32>
    %floor3A_2108 = math.floor %mul3A_2107 : vector<1x2xf32>
    %jit3A_2109 = arith.constant 0 : i32
    %jit3A_2110 = arith.constant 31 : i32
    %convert_element_type3A_2111 = arith.sitofp %jit3A_2109 : i32 to f32
    %max3A_2112 = vector.broadcast %convert_element_type3A_2111 : f32 to vector<1x2xf32>
    %max3A_2113 = arith.maximumf %max3A_2112, %floor3A_2108 : vector<1x2xf32>
    %convert_element_type3A_2114 = arith.sitofp %jit3A_2110 : i32 to f32
    %min3A_2115 = vector.broadcast %convert_element_type3A_2114 : f32 to vector<1x2xf32>
    %min3A_2116 = arith.minimumf %min3A_2115, %max3A_2113 : vector<1x2xf32>
    %convert_element_type3A_2117 = arith.fptosi %min3A_2116 : vector<1x2xf32> to vector<1x2xi32>
    %slice3A_2118 = vector.extract_strided_slice %convert_element_type3A_2117 {offsets = [0, 0], sizes = [1, 1], strides = [1, 1]} : vector<1x2xi32> to vector<1x1xi32>
    %mul3A_2119 = arith.constant 32 : i32
    %mul3A_2120 = vector.broadcast %mul3A_2119 : i32 to vector<1x1xi32>
    %mul3A_2121 = arith.muli %slice3A_2118, %mul3A_2120 : vector<1x1xi32>
    %slice3A_2122 = vector.extract_strided_slice %convert_element_type3A_2117 {offsets = [0, 1], sizes = [1, 1], strides = [1, 1]} : vector<1x2xi32> to vector<1x1xi32>
    %add3A_2123 = arith.addi %mul3A_2121, %slice3A_2122 : vector<1x1xi32>
    %slice3A_2124 = vector.extract_strided_slice %squeeze3A_2103 {offsets = [0, 2], sizes = [1, 2], strides = [1, 1]} : vector<1x8xf32> to vector<1x2xf32>
    %mul3A_2125 = arith.constant 3.200000e+01 : f32
    %mul3A_2126 = vector.broadcast %mul3A_2125 : f32 to vector<1x2xf32>
    %mul3A_2127 = arith.mulf %slice3A_2124, %mul3A_2126 : vector<1x2xf32>
    %floor3A_2128 = math.floor %mul3A_2127 : vector<1x2xf32>
    %jit3A_2129 = arith.constant 0 : i32
    %jit3A_2130 = arith.constant 31 : i32
    %convert_element_type3A_2131 = arith.sitofp %jit3A_2129 : i32 to f32
    %max3A_2132 = vector.broadcast %convert_element_type3A_2131 : f32 to vector<1x2xf32>
    %max3A_2133 = arith.maximumf %max3A_2132, %floor3A_2128 : vector<1x2xf32>
    %convert_element_type3A_2134 = arith.sitofp %jit3A_2130 : i32 to f32
    %min3A_2135 = vector.broadcast %convert_element_type3A_2134 : f32 to vector<1x2xf32>
    %min3A_2136 = arith.minimumf %min3A_2135, %max3A_2133 : vector<1x2xf32>
    %convert_element_type3A_2137 = arith.fptosi %min3A_2136 : vector<1x2xf32> to vector<1x2xi32>
    %slice3A_2138 = vector.extract_strided_slice %convert_element_type3A_2137 {offsets = [0, 0], sizes = [1, 1], strides = [1, 1]} : vector<1x2xi32> to vector<1x1xi32>
    %mul3A_2139 = arith.constant 32 : i32
    %mul3A_2140 = vector.broadcast %mul3A_2139 : i32 to vector<1x1xi32>
    %mul3A_2141 = arith.muli %slice3A_2138, %mul3A_2140 : vector<1x1xi32>
    %slice3A_2142 = vector.extract_strided_slice %convert_element_type3A_2137 {offsets = [0, 1], sizes = [1, 1], strides = [1, 1]} : vector<1x2xi32> to vector<1x1xi32>
    %add3A_2143 = arith.addi %mul3A_2141, %slice3A_2142 : vector<1x1xi32>
    %slice3A_2144 = vector.extract_strided_slice %squeeze3A_2103 {offsets = [0, 4], sizes = [1, 2], strides = [1, 1]} : vector<1x8xf32> to vector<1x2xf32>
    %mul3A_2145 = arith.constant 3.200000e+01 : f32
    %mul3A_2146 = vector.broadcast %mul3A_2145 : f32 to vector<1x2xf32>
    %mul3A_2147 = arith.mulf %slice3A_2144, %mul3A_2146 : vector<1x2xf32>
    %floor3A_2148 = math.floor %mul3A_2147 : vector<1x2xf32>
    %jit3A_2149 = arith.constant 0 : i32
    %jit3A_2150 = arith.constant 31 : i32
    %convert_element_type3A_2151 = arith.sitofp %jit3A_2149 : i32 to f32
    %max3A_2152 = vector.broadcast %convert_element_type3A_2151 : f32 to vector<1x2xf32>
    %max3A_2153 = arith.maximumf %max3A_2152, %floor3A_2148 : vector<1x2xf32>
    %convert_element_type3A_2154 = arith.sitofp %jit3A_2150 : i32 to f32
    %min3A_2155 = vector.broadcast %convert_element_type3A_2154 : f32 to vector<1x2xf32>
    %min3A_2156 = arith.minimumf %min3A_2155, %max3A_2153 : vector<1x2xf32>
    %convert_element_type3A_2157 = arith.fptosi %min3A_2156 : vector<1x2xf32> to vector<1x2xi32>
    %slice3A_2158 = vector.extract_strided_slice %convert_element_type3A_2157 {offsets = [0, 0], sizes = [1, 1], strides = [1, 1]} : vector<1x2xi32> to vector<1x1xi32>
    %mul3A_2159 = arith.constant 32 : i32
    %mul3A_2160 = vector.broadcast %mul3A_2159 : i32 to vector<1x1xi32>
    %mul3A_2161 = arith.muli %slice3A_2158, %mul3A_2160 : vector<1x1xi32>
    %slice3A_2162 = vector.extract_strided_slice %convert_element_type3A_2157 {offsets = [0, 1], sizes = [1, 1], strides = [1, 1]} : vector<1x2xi32> to vector<1x1xi32>
    %add3A_2163 = arith.addi %mul3A_2161, %slice3A_2162 : vector<1x1xi32>
    %slice3A_2164 = vector.extract_strided_slice %squeeze3A_2103 {offsets = [0, 6], sizes = [1, 2], strides = [1, 1]} : vector<1x8xf32> to vector<1x2xf32>
    %mul3A_2165 = arith.constant 3.200000e+01 : f32
    %mul3A_2166 = vector.broadcast %mul3A_2165 : f32 to vector<1x2xf32>
    %mul3A_2167 = arith.mulf %slice3A_2164, %mul3A_2166 : vector<1x2xf32>
    %floor3A_2168 = math.floor %mul3A_2167 : vector<1x2xf32>
    %jit3A_2169 = arith.constant 0 : i32
    %jit3A_2170 = arith.constant 31 : i32
    %convert_element_type3A_2171 = arith.sitofp %jit3A_2169 : i32 to f32
    %max3A_2172 = vector.broadcast %convert_element_type3A_2171 : f32 to vector<1x2xf32>
    %max3A_2173 = arith.maximumf %max3A_2172, %floor3A_2168 : vector<1x2xf32>
    %convert_element_type3A_2174 = arith.sitofp %jit3A_2170 : i32 to f32
    %min3A_2175 = vector.broadcast %convert_element_type3A_2174 : f32 to vector<1x2xf32>
    %min3A_2176 = arith.minimumf %min3A_2175, %max3A_2173 : vector<1x2xf32>
    %convert_element_type3A_2177 = arith.fptosi %min3A_2176 : vector<1x2xf32> to vector<1x2xi32>
    %slice3A_2178 = vector.extract_strided_slice %convert_element_type3A_2177 {offsets = [0, 0], sizes = [1, 1], strides = [1, 1]} : vector<1x2xi32> to vector<1x1xi32>
    %mul3A_2179 = arith.constant 32 : i32
    %mul3A_2180 = vector.broadcast %mul3A_2179 : i32 to vector<1x1xi32>
    %mul3A_2181 = arith.muli %slice3A_2178, %mul3A_2180 : vector<1x1xi32>
    %slice3A_2182 = vector.extract_strided_slice %convert_element_type3A_2177 {offsets = [0, 1], sizes = [1, 1], strides = [1, 1]} : vector<1x2xi32> to vector<1x1xi32>
    %add3A_2183 = arith.addi %mul3A_2181, %slice3A_2182 : vector<1x1xi32>
    %concatenate3A_2184 = tpu.concatenate %add3A_2123, %add3A_2143, %add3A_2163, %add3A_2183 in 0 : vector<1x1xi32>, vector<1x1xi32>, vector<1x1xi32>, vector<1x1xi32> -> vector<4x1xi32>
    %eq3A_2185 = vector.broadcast %concatenate3A_2184 : vector<4x1xi32> to vector<4x1024xi32>
    %eq3A_2186 = arith.cmpi eq, %iota3A_2007, %eq3A_2185 : vector<4x1024xi32>
    %convert_element_type3A_2187 = arith.extui %eq3A_2186 : vector<4x1024xi1> to vector<4x1024xi32>
    %convert_element_type3A_2188 = arith.sitofp %convert_element_type3A_2187 : vector<4x1024xi32> to vector<4x1024xf32>
    %dot_general3A_2189 = arith.constant dense<0.000000e+00> : vector<4x128xf32>
    %dot_general3A_2190 = tpu.matmul %convert_element_type3A_2188, %max3A_1796, %dot_general3A_2189 {dimension_numbers = #tpu.dot_dimension_numbers<[1], [0], [0], [1], [0, 0, 1, 1], [], []>, transpose_lhs_hint = false} : vector<4x1024xf32>, vector<1024x128xf32>, vector<4x128xf32> -> vector<4x128xf32>
    %swap3A_2191 = arith.constant 1 : index
    %swap3A_2192 = arith.constant 0 : index
    %swap3A_2193 = arith.constant 0 : index
    %swap3A_2194 = vector.load %arg5[%swap3A_2191, %swap3A_2192, %swap3A_2193] : memref<8x4x128xf32, #tpu.memory_space<vmem>>, vector<1x4x128xf32>
    %swap3A_2195 = vector.shape_cast %swap3A_2194 : vector<1x4x128xf32> to vector<4x128xf32>
    %swap3A_2196 = vector.shape_cast %dot_general3A_2190 : vector<4x128xf32> to vector<1x4x128xf32>
    tpu.vector_store %arg5[%swap3A_2191, %swap3A_2192, %swap3A_2193], %swap3A_2196 {strides = array<i32>} : memref<8x4x128xf32, #tpu.memory_space<vmem>>, vector<1x4x128xf32>,
    %slice3A_2197 = vector.extract_strided_slice %get3A_2 {offsets = [2, 0, 8], sizes = [1, 1, 8], strides = [1, 1, 1]} : vector<8x200x64xf32> to vector<1x1x8xf32>
    %squeeze3A_2198 = vector.shape_cast %slice3A_2197 : vector<1x1x8xf32> to vector<1x8xf32>
    %slice3A_2199 = vector.extract_strided_slice %squeeze3A_2198 {offsets = [0, 0], sizes = [1, 2], strides = [1, 1]} : vector<1x8xf32> to vector<1x2xf32>
    %mul3A_2200 = arith.constant 3.200000e+01 : f32
    %mul3A_2201 = vector.broadcast %mul3A_2200 : f32 to vector<1x2xf32>
    %mul3A_2202 = arith.mulf %slice3A_2199, %mul3A_2201 : vector<1x2xf32>
    %floor3A_2203 = math.floor %mul3A_2202 : vector<1x2xf32>
    %jit3A_2204 = arith.constant 0 : i32
    %jit3A_2205 = arith.constant 31 : i32
    %convert_element_type3A_2206 = arith.sitofp %jit3A_2204 : i32 to f32
    %max3A_2207 = vector.broadcast %convert_element_type3A_2206 : f32 to vector<1x2xf32>
    %max3A_2208 = arith.maximumf %max3A_2207, %floor3A_2203 : vector<1x2xf32>
    %convert_element_type3A_2209 = arith.sitofp %jit3A_2205 : i32 to f32
    %min3A_2210 = vector.broadcast %convert_element_type3A_2209 : f32 to vector<1x2xf32>
    %min3A_2211 = arith.minimumf %min3A_2210, %max3A_2208 : vector<1x2xf32>
    %convert_element_type3A_2212 = arith.fptosi %min3A_2211 : vector<1x2xf32> to vector<1x2xi32>
    %slice3A_2213 = vector.extract_strided_slice %convert_element_type3A_2212 {offsets = [0, 0], sizes = [1, 1], strides = [1, 1]} : vector<1x2xi32> to vector<1x1xi32>
    %mul3A_2214 = arith.constant 32 : i32
    %mul3A_2215 = vector.broadcast %mul3A_2214 : i32 to vector<1x1xi32>
    %mul3A_2216 = arith.muli %slice3A_2213, %mul3A_2215 : vector<1x1xi32>
    %slice3A_2217 = vector.extract_strided_slice %convert_element_type3A_2212 {offsets = [0, 1], sizes = [1, 1], strides = [1, 1]} : vector<1x2xi32> to vector<1x1xi32>
    %add3A_2218 = arith.addi %mul3A_2216, %slice3A_2217 : vector<1x1xi32>
    %slice3A_2219 = vector.extract_strided_slice %squeeze3A_2198 {offsets = [0, 2], sizes = [1, 2], strides = [1, 1]} : vector<1x8xf32> to vector<1x2xf32>
    %mul3A_2220 = arith.constant 3.200000e+01 : f32
    %mul3A_2221 = vector.broadcast %mul3A_2220 : f32 to vector<1x2xf32>
    %mul3A_2222 = arith.mulf %slice3A_2219, %mul3A_2221 : vector<1x2xf32>
    %floor3A_2223 = math.floor %mul3A_2222 : vector<1x2xf32>
    %jit3A_2224 = arith.constant 0 : i32
    %jit3A_2225 = arith.constant 31 : i32
    %convert_element_type3A_2226 = arith.sitofp %jit3A_2224 : i32 to f32
    %max3A_2227 = vector.broadcast %convert_element_type3A_2226 : f32 to vector<1x2xf32>
    %max3A_2228 = arith.maximumf %max3A_2227, %floor3A_2223 : vector<1x2xf32>
    %convert_element_type3A_2229 = arith.sitofp %jit3A_2225 : i32 to f32
    %min3A_2230 = vector.broadcast %convert_element_type3A_2229 : f32 to vector<1x2xf32>
    %min3A_2231 = arith.minimumf %min3A_2230, %max3A_2228 : vector<1x2xf32>
    %convert_element_type3A_2232 = arith.fptosi %min3A_2231 : vector<1x2xf32> to vector<1x2xi32>
    %slice3A_2233 = vector.extract_strided_slice %convert_element_type3A_2232 {offsets = [0, 0], sizes = [1, 1], strides = [1, 1]} : vector<1x2xi32> to vector<1x1xi32>
    %mul3A_2234 = arith.constant 32 : i32
    %mul3A_2235 = vector.broadcast %mul3A_2234 : i32 to vector<1x1xi32>
    %mul3A_2236 = arith.muli %slice3A_2233, %mul3A_2235 : vector<1x1xi32>
    %slice3A_2237 = vector.extract_strided_slice %convert_element_type3A_2232 {offsets = [0, 1], sizes = [1, 1], strides = [1, 1]} : vector<1x2xi32> to vector<1x1xi32>
    %add3A_2238 = arith.addi %mul3A_2236, %slice3A_2237 : vector<1x1xi32>
    %slice3A_2239 = vector.extract_strided_slice %squeeze3A_2198 {offsets = [0, 4], sizes = [1, 2], strides = [1, 1]} : vector<1x8xf32> to vector<1x2xf32>
    %mul3A_2240 = arith.constant 3.200000e+01 : f32
    %mul3A_2241 = vector.broadcast %mul3A_2240 : f32 to vector<1x2xf32>
    %mul3A_2242 = arith.mulf %slice3A_2239, %mul3A_2241 : vector<1x2xf32>
    %floor3A_2243 = math.floor %mul3A_2242 : vector<1x2xf32>
    %jit3A_2244 = arith.constant 0 : i32
    %jit3A_2245 = arith.constant 31 : i32
    %convert_element_type3A_2246 = arith.sitofp %jit3A_2244 : i32 to f32
    %max3A_2247 = vector.broadcast %convert_element_type3A_2246 : f32 to vector<1x2xf32>
    %max3A_2248 = arith.maximumf %max3A_2247, %floor3A_2243 : vector<1x2xf32>
    %convert_element_type3A_2249 = arith.sitofp %jit3A_2245 : i32 to f32
    %min3A_2250 = vector.broadcast %convert_element_type3A_2249 : f32 to vector<1x2xf32>
    %min3A_2251 = arith.minimumf %min3A_2250, %max3A_2248 : vector<1x2xf32>
    %convert_element_type3A_2252 = arith.fptosi %min3A_2251 : vector<1x2xf32> to vector<1x2xi32>
    %slice3A_2253 = vector.extract_strided_slice %convert_element_type3A_2252 {offsets = [0, 0], sizes = [1, 1], strides = [1, 1]} : vector<1x2xi32> to vector<1x1xi32>
    %mul3A_2254 = arith.constant 32 : i32
    %mul3A_2255 = vector.broadcast %mul3A_2254 : i32 to vector<1x1xi32>
    %mul3A_2256 = arith.muli %slice3A_2253, %mul3A_2255 : vector<1x1xi32>
    %slice3A_2257 = vector.extract_strided_slice %convert_element_type3A_2252 {offsets = [0, 1], sizes = [1, 1], strides = [1, 1]} : vector<1x2xi32> to vector<1x1xi32>
    %add3A_2258 = arith.addi %mul3A_2256, %slice3A_2257 : vector<1x1xi32>
    %slice3A_2259 = vector.extract_strided_slice %squeeze3A_2198 {offsets = [0, 6], sizes = [1, 2], strides = [1, 1]} : vector<1x8xf32> to vector<1x2xf32>
    %mul3A_2260 = arith.constant 3.200000e+01 : f32
    %mul3A_2261 = vector.broadcast %mul3A_2260 : f32 to vector<1x2xf32>
    %mul3A_2262 = arith.mulf %slice3A_2259, %mul3A_2261 : vector<1x2xf32>
    %floor3A_2263 = math.floor %mul3A_2262 : vector<1x2xf32>
    %jit3A_2264 = arith.constant 0 : i32
    %jit3A_2265 = arith.constant 31 : i32
    %convert_element_type3A_2266 = arith.sitofp %jit3A_2264 : i32 to f32
    %max3A_2267 = vector.broadcast %convert_element_type3A_2266 : f32 to vector<1x2xf32>
    %max3A_2268 = arith.maximumf %max3A_2267, %floor3A_2263 : vector<1x2xf32>
    %convert_element_type3A_2269 = arith.sitofp %jit3A_2265 : i32 to f32
    %min3A_2270 = vector.broadcast %convert_element_type3A_2269 : f32 to vector<1x2xf32>
    %min3A_2271 = arith.minimumf %min3A_2270, %max3A_2268 : vector<1x2xf32>
    %convert_element_type3A_2272 = arith.fptosi %min3A_2271 : vector<1x2xf32> to vector<1x2xi32>
    %slice3A_2273 = vector.extract_strided_slice %convert_element_type3A_2272 {offsets = [0, 0], sizes = [1, 1], strides = [1, 1]} : vector<1x2xi32> to vector<1x1xi32>
    %mul3A_2274 = arith.constant 32 : i32
    %mul3A_2275 = vector.broadcast %mul3A_2274 : i32 to vector<1x1xi32>
    %mul3A_2276 = arith.muli %slice3A_2273, %mul3A_2275 : vector<1x1xi32>
    %slice3A_2277 = vector.extract_strided_slice %convert_element_type3A_2272 {offsets = [0, 1], sizes = [1, 1], strides = [1, 1]} : vector<1x2xi32> to vector<1x1xi32>
    %add3A_2278 = arith.addi %mul3A_2276, %slice3A_2277 : vector<1x1xi32>
    %concatenate3A_2279 = tpu.concatenate %add3A_2218, %add3A_2238, %add3A_2258, %add3A_2278 in 0 : vector<1x1xi32>, vector<1x1xi32>, vector<1x1xi32>, vector<1x1xi32> -> vector<4x1xi32>
    %eq3A_2280 = vector.broadcast %concatenate3A_2279 : vector<4x1xi32> to vector<4x1024xi32>
    %eq3A_2281 = arith.cmpi eq, %iota3A_2007, %eq3A_2280 : vector<4x1024xi32>
    %convert_element_type3A_2282 = arith.extui %eq3A_2281 : vector<4x1024xi1> to vector<4x1024xi32>
    %convert_element_type3A_2283 = arith.sitofp %convert_element_type3A_2282 : vector<4x1024xi32> to vector<4x1024xf32>
    %dot_general3A_2284 = arith.constant dense<0.000000e+00> : vector<4x128xf32>
    %dot_general3A_2285 = tpu.matmul %convert_element_type3A_2283, %max3A_1831, %dot_general3A_2284 {dimension_numbers = #tpu.dot_dimension_numbers<[1], [0], [0], [1], [0, 0, 1, 1], [], []>, transpose_lhs_hint = false} : vector<4x1024xf32>, vector<1024x128xf32>, vector<4x128xf32> -> vector<4x128xf32>
    %swap3A_2286 = arith.constant 2 : index
    %swap3A_2287 = arith.constant 0 : index
    %swap3A_2288 = arith.constant 0 : index
    %swap3A_2289 = vector.load %arg5[%swap3A_2286, %swap3A_2287, %swap3A_2288] : memref<8x4x128xf32, #tpu.memory_space<vmem>>, vector<1x4x128xf32>
    %swap3A_2290 = vector.shape_cast %swap3A_2289 : vector<1x4x128xf32> to vector<4x128xf32>
    %swap3A_2291 = vector.shape_cast %dot_general3A_2285 : vector<4x128xf32> to vector<1x4x128xf32>
    tpu.vector_store %arg5[%swap3A_2286, %swap3A_2287, %swap3A_2288], %swap3A_2291 {strides = array<i32>} : memref<8x4x128xf32, #tpu.memory_space<vmem>>, vector<1x4x128xf32>,
    %slice3A_2292 = vector.extract_strided_slice %get3A_2 {offsets = [3, 0, 8], sizes = [1, 1, 8], strides = [1, 1, 1]} : vector<8x200x64xf32> to vector<1x1x8xf32>
    %squeeze3A_2293 = vector.shape_cast %slice3A_2292 : vector<1x1x8xf32> to vector<1x8xf32>
    %slice3A_2294 = vector.extract_strided_slice %squeeze3A_2293 {offsets = [0, 0], sizes = [1, 2], strides = [1, 1]} : vector<1x8xf32> to vector<1x2xf32>
    %mul3A_2295 = arith.constant 3.200000e+01 : f32
    %mul3A_2296 = vector.broadcast %mul3A_2295 : f32 to vector<1x2xf32>
    %mul3A_2297 = arith.mulf %slice3A_2294, %mul3A_2296 : vector<1x2xf32>
    %floor3A_2298 = math.floor %mul3A_2297 : vector<1x2xf32>
    %jit3A_2299 = arith.constant 0 : i32
    %jit3A_2300 = arith.constant 31 : i32
    %convert_element_type3A_2301 = arith.sitofp %jit3A_2299 : i32 to f32
    %max3A_2302 = vector.broadcast %convert_element_type3A_2301 : f32 to vector<1x2xf32>
    %max3A_2303 = arith.maximumf %max3A_2302, %floor3A_2298 : vector<1x2xf32>
    %convert_element_type3A_2304 = arith.sitofp %jit3A_2300 : i32 to f32
    %min3A_2305 = vector.broadcast %convert_element_type3A_2304 : f32 to vector<1x2xf32>
    %min3A_2306 = arith.minimumf %min3A_2305, %max3A_2303 : vector<1x2xf32>
    %convert_element_type3A_2307 = arith.fptosi %min3A_2306 : vector<1x2xf32> to vector<1x2xi32>
    %slice3A_2308 = vector.extract_strided_slice %convert_element_type3A_2307 {offsets = [0, 0], sizes = [1, 1], strides = [1, 1]} : vector<1x2xi32> to vector<1x1xi32>
    %mul3A_2309 = arith.constant 32 : i32
    %mul3A_2310 = vector.broadcast %mul3A_2309 : i32 to vector<1x1xi32>
    %mul3A_2311 = arith.muli %slice3A_2308, %mul3A_2310 : vector<1x1xi32>
    %slice3A_2312 = vector.extract_strided_slice %convert_element_type3A_2307 {offsets = [0, 1], sizes = [1, 1], strides = [1, 1]} : vector<1x2xi32> to vector<1x1xi32>
    %add3A_2313 = arith.addi %mul3A_2311, %slice3A_2312 : vector<1x1xi32>
    %slice3A_2314 = vector.extract_strided_slice %squeeze3A_2293 {offsets = [0, 2], sizes = [1, 2], strides = [1, 1]} : vector<1x8xf32> to vector<1x2xf32>
    %mul3A_2315 = arith.constant 3.200000e+01 : f32
    %mul3A_2316 = vector.broadcast %mul3A_2315 : f32 to vector<1x2xf32>
    %mul3A_2317 = arith.mulf %slice3A_2314, %mul3A_2316 : vector<1x2xf32>
    %floor3A_2318 = math.floor %mul3A_2317 : vector<1x2xf32>
    %jit3A_2319 = arith.constant 0 : i32
    %jit3A_2320 = arith.constant 31 : i32
    %convert_element_type3A_2321 = arith.sitofp %jit3A_2319 : i32 to f32
    %max3A_2322 = vector.broadcast %convert_element_type3A_2321 : f32 to vector<1x2xf32>
    %max3A_2323 = arith.maximumf %max3A_2322, %floor3A_2318 : vector<1x2xf32>
    %convert_element_type3A_2324 = arith.sitofp %jit3A_2320 : i32 to f32
    %min3A_2325 = vector.broadcast %convert_element_type3A_2324 : f32 to vector<1x2xf32>
    %min3A_2326 = arith.minimumf %min3A_2325, %max3A_2323 : vector<1x2xf32>
    %convert_element_type3A_2327 = arith.fptosi %min3A_2326 : vector<1x2xf32> to vector<1x2xi32>
    %slice3A_2328 = vector.extract_strided_slice %convert_element_type3A_2327 {offsets = [0, 0], sizes = [1, 1], strides = [1, 1]} : vector<1x2xi32> to vector<1x1xi32>
    %mul3A_2329 = arith.constant 32 : i32
    %mul3A_2330 = vector.broadcast %mul3A_2329 : i32 to vector<1x1xi32>
    %mul3A_2331 = arith.muli %slice3A_2328, %mul3A_2330 : vector<1x1xi32>
    %slice3A_2332 = vector.extract_strided_slice %convert_element_type3A_2327 {offsets = [0, 1], sizes = [1, 1], strides = [1, 1]} : vector<1x2xi32> to vector<1x1xi32>
    %add3A_2333 = arith.addi %mul3A_2331, %slice3A_2332 : vector<1x1xi32>
    %slice3A_2334 = vector.extract_strided_slice %squeeze3A_2293 {offsets = [0, 4], sizes = [1, 2], strides = [1, 1]} : vector<1x8xf32> to vector<1x2xf32>
    %mul3A_2335 = arith.constant 3.200000e+01 : f32
    %mul3A_2336 = vector.broadcast %mul3A_2335 : f32 to vector<1x2xf32>
    %mul3A_2337 = arith.mulf %slice3A_2334, %mul3A_2336 : vector<1x2xf32>
    %floor3A_2338 = math.floor %mul3A_2337 : vector<1x2xf32>
    %jit3A_2339 = arith.constant 0 : i32
    %jit3A_2340 = arith.constant 31 : i32
    %convert_element_type3A_2341 = arith.sitofp %jit3A_2339 : i32 to f32
    %max3A_2342 = vector.broadcast %convert_element_type3A_2341 : f32 to vector<1x2xf32>
    %max3A_2343 = arith.maximumf %max3A_2342, %floor3A_2338 : vector<1x2xf32>
    %convert_element_type3A_2344 = arith.sitofp %jit3A_2340 : i32 to f32
    %min3A_2345 = vector.broadcast %convert_element_type3A_2344 : f32 to vector<1x2xf32>
    %min3A_2346 = arith.minimumf %min3A_2345, %max3A_2343 : vector<1x2xf32>
    %convert_element_type3A_2347 = arith.fptosi %min3A_2346 : vector<1x2xf32> to vector<1x2xi32>
    %slice3A_2348 = vector.extract_strided_slice %convert_element_type3A_2347 {offsets = [0, 0], sizes = [1, 1], strides = [1, 1]} : vector<1x2xi32> to vector<1x1xi32>
    %mul3A_2349 = arith.constant 32 : i32
    %mul3A_2350 = vector.broadcast %mul3A_2349 : i32 to vector<1x1xi32>
    %mul3A_2351 = arith.muli %slice3A_2348, %mul3A_2350 : vector<1x1xi32>
    %slice3A_2352 = vector.extract_strided_slice %convert_element_type3A_2347 {offsets = [0, 1], sizes = [1, 1], strides = [1, 1]} : vector<1x2xi32> to vector<1x1xi32>
    %add3A_2353 = arith.addi %mul3A_2351, %slice3A_2352 : vector<1x1xi32>
    %slice3A_2354 = vector.extract_strided_slice %squeeze3A_2293 {offsets = [0, 6], sizes = [1, 2], strides = [1, 1]} : vector<1x8xf32> to vector<1x2xf32>
    %mul3A_2355 = arith.constant 3.200000e+01 : f32
    %mul3A_2356 = vector.broadcast %mul3A_2355 : f32 to vector<1x2xf32>
    %mul3A_2357 = arith.mulf %slice3A_2354, %mul3A_2356 : vector<1x2xf32>
    %floor3A_2358 = math.floor %mul3A_2357 : vector<1x2xf32>
    %jit3A_2359 = arith.constant 0 : i32
    %jit3A_2360 = arith.constant 31 : i32
    %convert_element_type3A_2361 = arith.sitofp %jit3A_2359 : i32 to f32
    %max3A_2362 = vector.broadcast %convert_element_type3A_2361 : f32 to vector<1x2xf32>
    %max3A_2363 = arith.maximumf %max3A_2362, %floor3A_2358 : vector<1x2xf32>
    %convert_element_type3A_2364 = arith.sitofp %jit3A_2360 : i32 to f32
    %min3A_2365 = vector.broadcast %convert_element_type3A_2364 : f32 to vector<1x2xf32>
    %min3A_2366 = arith.minimumf %min3A_2365, %max3A_2363 : vector<1x2xf32>
    %convert_element_type3A_2367 = arith.fptosi %min3A_2366 : vector<1x2xf32> to vector<1x2xi32>
    %slice3A_2368 = vector.extract_strided_slice %convert_element_type3A_2367 {offsets = [0, 0], sizes = [1, 1], strides = [1, 1]} : vector<1x2xi32> to vector<1x1xi32>
    %mul3A_2369 = arith.constant 32 : i32
    %mul3A_2370 = vector.broadcast %mul3A_2369 : i32 to vector<1x1xi32>
    %mul3A_2371 = arith.muli %slice3A_2368, %mul3A_2370 : vector<1x1xi32>
    %slice3A_2372 = vector.extract_strided_slice %convert_element_type3A_2367 {offsets = [0, 1], sizes = [1, 1], strides = [1, 1]} : vector<1x2xi32> to vector<1x1xi32>
    %add3A_2373 = arith.addi %mul3A_2371, %slice3A_2372 : vector<1x1xi32>
    %concatenate3A_2374 = tpu.concatenate %add3A_2313, %add3A_2333, %add3A_2353, %add3A_2373 in 0 : vector<1x1xi32>, vector<1x1xi32>, vector<1x1xi32>, vector<1x1xi32> -> vector<4x1xi32>
    %eq3A_2375 = vector.broadcast %concatenate3A_2374 : vector<4x1xi32> to vector<4x1024xi32>
    %eq3A_2376 = arith.cmpi eq, %iota3A_2007, %eq3A_2375 : vector<4x1024xi32>
    %convert_element_type3A_2377 = arith.extui %eq3A_2376 : vector<4x1024xi1> to vector<4x1024xi32>
    %convert_element_type3A_2378 = arith.sitofp %convert_element_type3A_2377 : vector<4x1024xi32> to vector<4x1024xf32>
    %dot_general3A_2379 = arith.constant dense<0.000000e+00> : vector<4x128xf32>
    %dot_general3A_2380 = tpu.matmul %convert_element_type3A_2378, %max3A_1866, %dot_general3A_2379 {dimension_numbers = #tpu.dot_dimension_numbers<[1], [0], [0], [1], [0, 0, 1, 1], [], []>, transpose_lhs_hint = false} : vector<4x1024xf32>, vector<1024x128xf32>, vector<4x128xf32> -> vector<4x128xf32>
    %swap3A_2381 = arith.constant 3 : index
    %swap3A_2382 = arith.constant 0 : index
    %swap3A_2383 = arith.constant 0 : index
    %swap3A_2384 = vector.load %arg5[%swap3A_2381, %swap3A_2382, %swap3A_2383] : memref<8x4x128xf32, #tpu.memory_space<vmem>>, vector<1x4x128xf32>
    %swap3A_2385 = vector.shape_cast %swap3A_2384 : vector<1x4x128xf32> to vector<4x128xf32>
    %swap3A_2386 = vector.shape_cast %dot_general3A_2380 : vector<4x128xf32> to vector<1x4x128xf32>
    tpu.vector_store %arg5[%swap3A_2381, %swap3A_2382, %swap3A_2383], %swap3A_2386 {strides = array<i32>} : memref<8x4x128xf32, #tpu.memory_space<vmem>>, vector<1x4x128xf32>,
    %slice3A_2387 = vector.extract_strided_slice %get3A_2 {offsets = [4, 0, 8], sizes = [1, 1, 8], strides = [1, 1, 1]} : vector<8x200x64xf32> to vector<1x1x8xf32>
    %squeeze3A_2388 = vector.shape_cast %slice3A_2387 : vector<1x1x8xf32> to vector<1x8xf32>
    %slice3A_2389 = vector.extract_strided_slice %squeeze3A_2388 {offsets = [0, 0], sizes = [1, 2], strides = [1, 1]} : vector<1x8xf32> to vector<1x2xf32>
    %mul3A_2390 = arith.constant 3.200000e+01 : f32
    %mul3A_2391 = vector.broadcast %mul3A_2390 : f32 to vector<1x2xf32>
    %mul3A_2392 = arith.mulf %slice3A_2389, %mul3A_2391 : vector<1x2xf32>
    %floor3A_2393 = math.floor %mul3A_2392 : vector<1x2xf32>
    %jit3A_2394 = arith.constant 0 : i32
    %jit3A_2395 = arith.constant 31 : i32
    %convert_element_type3A_2396 = arith.sitofp %jit3A_2394 : i32 to f32
    %max3A_2397 = vector.broadcast %convert_element_type3A_2396 : f32 to vector<1x2xf32>
    %max3A_2398 = arith.maximumf %max3A_2397, %floor3A_2393 : vector<1x2xf32>
    %convert_element_type3A_2399 = arith.sitofp %jit3A_2395 : i32 to f32
    %min3A_2400 = vector.broadcast %convert_element_type3A_2399 : f32 to vector<1x2xf32>
    %min3A_2401 = arith.minimumf %min3A_2400, %max3A_2398 : vector<1x2xf32>
    %convert_element_type3A_2402 = arith.fptosi %min3A_2401 : vector<1x2xf32> to vector<1x2xi32>
    %slice3A_2403 = vector.extract_strided_slice %convert_element_type3A_2402 {offsets = [0, 0], sizes = [1, 1], strides = [1, 1]} : vector<1x2xi32> to vector<1x1xi32>
    %mul3A_2404 = arith.constant 32 : i32
    %mul3A_2405 = vector.broadcast %mul3A_2404 : i32 to vector<1x1xi32>
    %mul3A_2406 = arith.muli %slice3A_2403, %mul3A_2405 : vector<1x1xi32>
    %slice3A_2407 = vector.extract_strided_slice %convert_element_type3A_2402 {offsets = [0, 1], sizes = [1, 1], strides = [1, 1]} : vector<1x2xi32> to vector<1x1xi32>
    %add3A_2408 = arith.addi %mul3A_2406, %slice3A_2407 : vector<1x1xi32>
    %slice3A_2409 = vector.extract_strided_slice %squeeze3A_2388 {offsets = [0, 2], sizes = [1, 2], strides = [1, 1]} : vector<1x8xf32> to vector<1x2xf32>
    %mul3A_2410 = arith.constant 3.200000e+01 : f32
    %mul3A_2411 = vector.broadcast %mul3A_2410 : f32 to vector<1x2xf32>
    %mul3A_2412 = arith.mulf %slice3A_2409, %mul3A_2411 : vector<1x2xf32>
    %floor3A_2413 = math.floor %mul3A_2412 : vector<1x2xf32>
    %jit3A_2414 = arith.constant 0 : i32
    %jit3A_2415 = arith.constant 31 : i32
    %convert_element_type3A_2416 = arith.sitofp %jit3A_2414 : i32 to f32
    %max3A_2417 = vector.broadcast %convert_element_type3A_2416 : f32 to vector<1x2xf32>
    %max3A_2418 = arith.maximumf %max3A_2417, %floor3A_2413 : vector<1x2xf32>
    %convert_element_type3A_2419 = arith.sitofp %jit3A_2415 : i32 to f32
    %min3A_2420 = vector.broadcast %convert_element_type3A_2419 : f32 to vector<1x2xf32>
    %min3A_2421 = arith.minimumf %min3A_2420, %max3A_2418 : vector<1x2xf32>
    %convert_element_type3A_2422 = arith.fptosi %min3A_2421 : vector<1x2xf32> to vector<1x2xi32>
    %slice3A_2423 = vector.extract_strided_slice %convert_element_type3A_2422 {offsets = [0, 0], sizes = [1, 1], strides = [1, 1]} : vector<1x2xi32> to vector<1x1xi32>
    %mul3A_2424 = arith.constant 32 : i32
    %mul3A_2425 = vector.broadcast %mul3A_2424 : i32 to vector<1x1xi32>
    %mul3A_2426 = arith.muli %slice3A_2423, %mul3A_2425 : vector<1x1xi32>
    %slice3A_2427 = vector.extract_strided_slice %convert_element_type3A_2422 {offsets = [0, 1], sizes = [1, 1], strides = [1, 1]} : vector<1x2xi32> to vector<1x1xi32>
    %add3A_2428 = arith.addi %mul3A_2426, %slice3A_2427 : vector<1x1xi32>
    %slice3A_2429 = vector.extract_strided_slice %squeeze3A_2388 {offsets = [0, 4], sizes = [1, 2], strides = [1, 1]} : vector<1x8xf32> to vector<1x2xf32>
    %mul3A_2430 = arith.constant 3.200000e+01 : f32
    %mul3A_2431 = vector.broadcast %mul3A_2430 : f32 to vector<1x2xf32>
    %mul3A_2432 = arith.mulf %slice3A_2429, %mul3A_2431 : vector<1x2xf32>
    %floor3A_2433 = math.floor %mul3A_2432 : vector<1x2xf32>
    %jit3A_2434 = arith.constant 0 : i32
    %jit3A_2435 = arith.constant 31 : i32
    %convert_element_type3A_2436 = arith.sitofp %jit3A_2434 : i32 to f32
    %max3A_2437 = vector.broadcast %convert_element_type3A_2436 : f32 to vector<1x2xf32>
    %max3A_2438 = arith.maximumf %max3A_2437, %floor3A_2433 : vector<1x2xf32>
    %convert_element_type3A_2439 = arith.sitofp %jit3A_2435 : i32 to f32
    %min3A_2440 = vector.broadcast %convert_element_type3A_2439 : f32 to vector<1x2xf32>
    %min3A_2441 = arith.minimumf %min3A_2440, %max3A_2438 : vector<1x2xf32>
    %convert_element_type3A_2442 = arith.fptosi %min3A_2441 : vector<1x2xf32> to vector<1x2xi32>
    %slice3A_2443 = vector.extract_strided_slice %convert_element_type3A_2442 {offsets = [0, 0], sizes = [1, 1], strides = [1, 1]} : vector<1x2xi32> to vector<1x1xi32>
    %mul3A_2444 = arith.constant 32 : i32
    %mul3A_2445 = vector.broadcast %mul3A_2444 : i32 to vector<1x1xi32>
    %mul3A_2446 = arith.muli %slice3A_2443, %mul3A_2445 : vector<1x1xi32>
    %slice3A_2447 = vector.extract_strided_slice %convert_element_type3A_2442 {offsets = [0, 1], sizes = [1, 1], strides = [1, 1]} : vector<1x2xi32> to vector<1x1xi32>
    %add3A_2448 = arith.addi %mul3A_2446, %slice3A_2447 : vector<1x1xi32>
    %slice3A_2449 = vector.extract_strided_slice %squeeze3A_2388 {offsets = [0, 6], sizes = [1, 2], strides = [1, 1]} : vector<1x8xf32> to vector<1x2xf32>
    %mul3A_2450 = arith.constant 3.200000e+01 : f32
    %mul3A_2451 = vector.broadcast %mul3A_2450 : f32 to vector<1x2xf32>
    %mul3A_2452 = arith.mulf %slice3A_2449, %mul3A_2451 : vector<1x2xf32>
    %floor3A_2453 = math.floor %mul3A_2452 : vector<1x2xf32>
    %jit3A_2454 = arith.constant 0 : i32
    %jit3A_2455 = arith.constant 31 : i32
    %convert_element_type3A_2456 = arith.sitofp %jit3A_2454 : i32 to f32
    %max3A_2457 = vector.broadcast %convert_element_type3A_2456 : f32 to vector<1x2xf32>
    %max3A_2458 = arith.maximumf %max3A_2457, %floor3A_2453 : vector<1x2xf32>
    %convert_element_type3A_2459 = arith.sitofp %jit3A_2455 : i32 to f32
    %min3A_2460 = vector.broadcast %convert_element_type3A_2459 : f32 to vector<1x2xf32>
    %min3A_2461 = arith.minimumf %min3A_2460, %max3A_2458 : vector<1x2xf32>
    %convert_element_type3A_2462 = arith.fptosi %min3A_2461 : vector<1x2xf32> to vector<1x2xi32>
    %slice3A_2463 = vector.extract_strided_slice %convert_element_type3A_2462 {offsets = [0, 0], sizes = [1, 1], strides = [1, 1]} : vector<1x2xi32> to vector<1x1xi32>
    %mul3A_2464 = arith.constant 32 : i32
    %mul3A_2465 = vector.broadcast %mul3A_2464 : i32 to vector<1x1xi32>
    %mul3A_2466 = arith.muli %slice3A_2463, %mul3A_2465 : vector<1x1xi32>
    %slice3A_2467 = vector.extract_strided_slice %convert_element_type3A_2462 {offsets = [0, 1], sizes = [1, 1], strides = [1, 1]} : vector<1x2xi32> to vector<1x1xi32>
    %add3A_2468 = arith.addi %mul3A_2466, %slice3A_2467 : vector<1x1xi32>
    %concatenate3A_2469 = tpu.concatenate %add3A_2408, %add3A_2428, %add3A_2448, %add3A_2468 in 0 : vector<1x1xi32>, vector<1x1xi32>, vector<1x1xi32>, vector<1x1xi32> -> vector<4x1xi32>
    %eq3A_2470 = vector.broadcast %concatenate3A_2469 : vector<4x1xi32> to vector<4x1024xi32>
    %eq3A_2471 = arith.cmpi eq, %iota3A_2007, %eq3A_2470 : vector<4x1024xi32>
    %convert_element_type3A_2472 = arith.extui %eq3A_2471 : vector<4x1024xi1> to vector<4x1024xi32>
    %convert_element_type3A_2473 = arith.sitofp %convert_element_type3A_2472 : vector<4x1024xi32> to vector<4x1024xf32>
    %dot_general3A_2474 = arith.constant dense<0.000000e+00> : vector<4x128xf32>
    %dot_general3A_2475 = tpu.matmul %convert_element_type3A_2473, %max3A_1901, %dot_general3A_2474 {dimension_numbers = #tpu.dot_dimension_numbers<[1], [0], [0], [1], [0, 0, 1, 1], [], []>, transpose_lhs_hint = false} : vector<4x1024xf32>, vector<1024x128xf32>, vector<4x128xf32> -> vector<4x128xf32>
    %swap3A_2476 = arith.constant 4 : index
    %swap3A_2477 = arith.constant 0 : index
    %swap3A_2478 = arith.constant 0 : index
    %swap3A_2479 = vector.load %arg5[%swap3A_2476, %swap3A_2477, %swap3A_2478] : memref<8x4x128xf32, #tpu.memory_space<vmem>>, vector<1x4x128xf32>
    %swap3A_2480 = vector.shape_cast %swap3A_2479 : vector<1x4x128xf32> to vector<4x128xf32>
    %swap3A_2481 = vector.shape_cast %dot_general3A_2475 : vector<4x128xf32> to vector<1x4x128xf32>
    tpu.vector_store %arg5[%swap3A_2476, %swap3A_2477, %swap3A_2478], %swap3A_2481 {strides = array<i32>} : memref<8x4x128xf32, #tpu.memory_space<vmem>>, vector<1x4x128xf32>,
    %slice3A_2482 = vector.extract_strided_slice %get3A_2 {offsets = [5, 0, 8], sizes = [1, 1, 8], strides = [1, 1, 1]} : vector<8x200x64xf32> to vector<1x1x8xf32>
    %squeeze3A_2483 = vector.shape_cast %slice3A_2482 : vector<1x1x8xf32> to vector<1x8xf32>
    %slice3A_2484 = vector.extract_strided_slice %squeeze3A_2483 {offsets = [0, 0], sizes = [1, 2], strides = [1, 1]} : vector<1x8xf32> to vector<1x2xf32>
    %mul3A_2485 = arith.constant 3.200000e+01 : f32
    %mul3A_2486 = vector.broadcast %mul3A_2485 : f32 to vector<1x2xf32>
    %mul3A_2487 = arith.mulf %slice3A_2484, %mul3A_2486 : vector<1x2xf32>
    %floor3A_2488 = math.floor %mul3A_2487 : vector<1x2xf32>
    %jit3A_2489 = arith.constant 0 : i32
    %jit3A_2490 = arith.constant 31 : i32
    %convert_element_type3A_2491 = arith.sitofp %jit3A_2489 : i32 to f32
    %max3A_2492 = vector.broadcast %convert_element_type3A_2491 : f32 to vector<1x2xf32>
    %max3A_2493 = arith.maximumf %max3A_2492, %floor3A_2488 : vector<1x2xf32>
    %convert_element_type3A_2494 = arith.sitofp %jit3A_2490 : i32 to f32
    %min3A_2495 = vector.broadcast %convert_element_type3A_2494 : f32 to vector<1x2xf32>
    %min3A_2496 = arith.minimumf %min3A_2495, %max3A_2493 : vector<1x2xf32>
    %convert_element_type3A_2497 = arith.fptosi %min3A_2496 : vector<1x2xf32> to vector<1x2xi32>
    %slice3A_2498 = vector.extract_strided_slice %convert_element_type3A_2497 {offsets = [0, 0], sizes = [1, 1], strides = [1, 1]} : vector<1x2xi32> to vector<1x1xi32>
    %mul3A_2499 = arith.constant 32 : i32
    %mul3A_2500 = vector.broadcast %mul3A_2499 : i32 to vector<1x1xi32>
    %mul3A_2501 = arith.muli %slice3A_2498, %mul3A_2500 : vector<1x1xi32>
    %slice3A_2502 = vector.extract_strided_slice %convert_element_type3A_2497 {offsets = [0, 1], sizes = [1, 1], strides = [1, 1]} : vector<1x2xi32> to vector<1x1xi32>
    %add3A_2503 = arith.addi %mul3A_2501, %slice3A_2502 : vector<1x1xi32>
    %slice3A_2504 = vector.extract_strided_slice %squeeze3A_2483 {offsets = [0, 2], sizes = [1, 2], strides = [1, 1]} : vector<1x8xf32> to vector<1x2xf32>
    %mul3A_2505 = arith.constant 3.200000e+01 : f32
    %mul3A_2506 = vector.broadcast %mul3A_2505 : f32 to vector<1x2xf32>
    %mul3A_2507 = arith.mulf %slice3A_2504, %mul3A_2506 : vector<1x2xf32>
    %floor3A_2508 = math.floor %mul3A_2507 : vector<1x2xf32>
    %jit3A_2509 = arith.constant 0 : i32
    %jit3A_2510 = arith.constant 31 : i32
    %convert_element_type3A_2511 = arith.sitofp %jit3A_2509 : i32 to f32
    %max3A_2512 = vector.broadcast %convert_element_type3A_2511 : f32 to vector<1x2xf32>
    %max3A_2513 = arith.maximumf %max3A_2512, %floor3A_2508 : vector<1x2xf32>
    %convert_element_type3A_2514 = arith.sitofp %jit3A_2510 : i32 to f32
    %min3A_2515 = vector.broadcast %convert_element_type3A_2514 : f32 to vector<1x2xf32>
    %min3A_2516 = arith.minimumf %min3A_2515, %max3A_2513 : vector<1x2xf32>
    %convert_element_type3A_2517 = arith.fptosi %min3A_2516 : vector<1x2xf32> to vector<1x2xi32>
    %slice3A_2518 = vector.extract_strided_slice %convert_element_type3A_2517 {offsets = [0, 0], sizes = [1, 1], strides = [1, 1]} : vector<1x2xi32> to vector<1x1xi32>
    %mul3A_2519 = arith.constant 32 : i32
    %mul3A_2520 = vector.broadcast %mul3A_2519 : i32 to vector<1x1xi32>
    %mul3A_2521 = arith.muli %slice3A_2518, %mul3A_2520 : vector<1x1xi32>
    %slice3A_2522 = vector.extract_strided_slice %convert_element_type3A_2517 {offsets = [0, 1], sizes = [1, 1], strides = [1, 1]} : vector<1x2xi32> to vector<1x1xi32>
    %add3A_2523 = arith.addi %mul3A_2521, %slice3A_2522 : vector<1x1xi32>
    %slice3A_2524 = vector.extract_strided_slice %squeeze3A_2483 {offsets = [0, 4], sizes = [1, 2], strides = [1, 1]} : vector<1x8xf32> to vector<1x2xf32>
    %mul3A_2525 = arith.constant 3.200000e+01 : f32
    %mul3A_2526 = vector.broadcast %mul3A_2525 : f32 to vector<1x2xf32>
    %mul3A_2527 = arith.mulf %slice3A_2524, %mul3A_2526 : vector<1x2xf32>
    %floor3A_2528 = math.floor %mul3A_2527 : vector<1x2xf32>
    %jit3A_2529 = arith.constant 0 : i32
    %jit3A_2530 = arith.constant 31 : i32
    %convert_element_type3A_2531 = arith.sitofp %jit3A_2529 : i32 to f32
    %max3A_2532 = vector.broadcast %convert_element_type3A_2531 : f32 to vector<1x2xf32>
    %max3A_2533 = arith.maximumf %max3A_2532, %floor3A_2528 : vector<1x2xf32>
    %convert_element_type3A_2534 = arith.sitofp %jit3A_2530 : i32 to f32
    %min3A_2535 = vector.broadcast %convert_element_type3A_2534 : f32 to vector<1x2xf32>
    %min3A_2536 = arith.minimumf %min3A_2535, %max3A_2533 : vector<1x2xf32>
    %convert_element_type3A_2537 = arith.fptosi %min3A_2536 : vector<1x2xf32> to vector<1x2xi32>
    %slice3A_2538 = vector.extract_strided_slice %convert_element_type3A_2537 {offsets = [0, 0], sizes = [1, 1], strides = [1, 1]} : vector<1x2xi32> to vector<1x1xi32>
    %mul3A_2539 = arith.constant 32 : i32
    %mul3A_2540 = vector.broadcast %mul3A_2539 : i32 to vector<1x1xi32>
    %mul3A_2541 = arith.muli %slice3A_2538, %mul3A_2540 : vector<1x1xi32>
    %slice3A_2542 = vector.extract_strided_slice %convert_element_type3A_2537 {offsets = [0, 1], sizes = [1, 1], strides = [1, 1]} : vector<1x2xi32> to vector<1x1xi32>
    %add3A_2543 = arith.addi %mul3A_2541, %slice3A_2542 : vector<1x1xi32>
    %slice3A_2544 = vector.extract_strided_slice %squeeze3A_2483 {offsets = [0, 6], sizes = [1, 2], strides = [1, 1]} : vector<1x8xf32> to vector<1x2xf32>
    %mul3A_2545 = arith.constant 3.200000e+01 : f32
    %mul3A_2546 = vector.broadcast %mul3A_2545 : f32 to vector<1x2xf32>
    %mul3A_2547 = arith.mulf %slice3A_2544, %mul3A_2546 : vector<1x2xf32>
    %floor3A_2548 = math.floor %mul3A_2547 : vector<1x2xf32>
    %jit3A_2549 = arith.constant 0 : i32
    %jit3A_2550 = arith.constant 31 : i32
    %convert_element_type3A_2551 = arith.sitofp %jit3A_2549 : i32 to f32
    %max3A_2552 = vector.broadcast %convert_element_type3A_2551 : f32 to vector<1x2xf32>
    %max3A_2553 = arith.maximumf %max3A_2552, %floor3A_2548 : vector<1x2xf32>
    %convert_element_type3A_2554 = arith.sitofp %jit3A_2550 : i32 to f32
    %min3A_2555 = vector.broadcast %convert_element_type3A_2554 : f32 to vector<1x2xf32>
    %min3A_2556 = arith.minimumf %min3A_2555, %max3A_2553 : vector<1x2xf32>
    %convert_element_type3A_2557 = arith.fptosi %min3A_2556 : vector<1x2xf32> to vector<1x2xi32>
    %slice3A_2558 = vector.extract_strided_slice %convert_element_type3A_2557 {offsets = [0, 0], sizes = [1, 1], strides = [1, 1]} : vector<1x2xi32> to vector<1x1xi32>
    %mul3A_2559 = arith.constant 32 : i32
    %mul3A_2560 = vector.broadcast %mul3A_2559 : i32 to vector<1x1xi32>
    %mul3A_2561 = arith.muli %slice3A_2558, %mul3A_2560 : vector<1x1xi32>
    %slice3A_2562 = vector.extract_strided_slice %convert_element_type3A_2557 {offsets = [0, 1], sizes = [1, 1], strides = [1, 1]} : vector<1x2xi32> to vector<1x1xi32>
    %add3A_2563 = arith.addi %mul3A_2561, %slice3A_2562 : vector<1x1xi32>
    %concatenate3A_2564 = tpu.concatenate %add3A_2503, %add3A_2523, %add3A_2543, %add3A_2563 in 0 : vector<1x1xi32>, vector<1x1xi32>, vector<1x1xi32>, vector<1x1xi32> -> vector<4x1xi32>
    %eq3A_2565 = vector.broadcast %concatenate3A_2564 : vector<4x1xi32> to vector<4x1024xi32>
    %eq3A_2566 = arith.cmpi eq, %iota3A_2007, %eq3A_2565 : vector<4x1024xi32>
    %convert_element_type3A_2567 = arith.extui %eq3A_2566 : vector<4x1024xi1> to vector<4x1024xi32>
    %convert_element_type3A_2568 = arith.sitofp %convert_element_type3A_2567 : vector<4x1024xi32> to vector<4x1024xf32>
    %dot_general3A_2569 = arith.constant dense<0.000000e+00> : vector<4x128xf32>
    %dot_general3A_2570 = tpu.matmul %convert_element_type3A_2568, %max3A_1936, %dot_general3A_2569 {dimension_numbers = #tpu.dot_dimension_numbers<[1], [0], [0], [1], [0, 0, 1, 1], [], []>, transpose_lhs_hint = false} : vector<4x1024xf32>, vector<1024x128xf32>, vector<4x128xf32> -> vector<4x128xf32>
    %swap3A_2571 = arith.constant 5 : index
    %swap3A_2572 = arith.constant 0 : index
    %swap3A_2573 = arith.constant 0 : index
    %swap3A_2574 = vector.load %arg5[%swap3A_2571, %swap3A_2572, %swap3A_2573] : memref<8x4x128xf32, #tpu.memory_space<vmem>>, vector<1x4x128xf32>
    %swap3A_2575 = vector.shape_cast %swap3A_2574 : vector<1x4x128xf32> to vector<4x128xf32>
    %swap3A_2576 = vector.shape_cast %dot_general3A_2570 : vector<4x128xf32> to vector<1x4x128xf32>
    tpu.vector_store %arg5[%swap3A_2571, %swap3A_2572, %swap3A_2573], %swap3A_2576 {strides = array<i32>} : memref<8x4x128xf32, #tpu.memory_space<vmem>>, vector<1x4x128xf32>,
    %slice3A_2577 = vector.extract_strided_slice %get3A_2 {offsets = [6, 0, 8], sizes = [1, 1, 8], strides = [1, 1, 1]} : vector<8x200x64xf32> to vector<1x1x8xf32>
    %squeeze3A_2578 = vector.shape_cast %slice3A_2577 : vector<1x1x8xf32> to vector<1x8xf32>
    %slice3A_2579 = vector.extract_strided_slice %squeeze3A_2578 {offsets = [0, 0], sizes = [1, 2], strides = [1, 1]} : vector<1x8xf32> to vector<1x2xf32>
    %mul3A_2580 = arith.constant 3.200000e+01 : f32
    %mul3A_2581 = vector.broadcast %mul3A_2580 : f32 to vector<1x2xf32>
    %mul3A_2582 = arith.mulf %slice3A_2579, %mul3A_2581 : vector<1x2xf32>
    %floor3A_2583 = math.floor %mul3A_2582 : vector<1x2xf32>
    %jit3A_2584 = arith.constant 0 : i32
    %jit3A_2585 = arith.constant 31 : i32
    %convert_element_type3A_2586 = arith.sitofp %jit3A_2584 : i32 to f32
    %max3A_2587 = vector.broadcast %convert_element_type3A_2586 : f32 to vector<1x2xf32>
    %max3A_2588 = arith.maximumf %max3A_2587, %floor3A_2583 : vector<1x2xf32>
    %convert_element_type3A_2589 = arith.sitofp %jit3A_2585 : i32 to f32
    %min3A_2590 = vector.broadcast %convert_element_type3A_2589 : f32 to vector<1x2xf32>
    %min3A_2591 = arith.minimumf %min3A_2590, %max3A_2588 : vector<1x2xf32>
    %convert_element_type3A_2592 = arith.fptosi %min3A_2591 : vector<1x2xf32> to vector<1x2xi32>
    %slice3A_2593 = vector.extract_strided_slice %convert_element_type3A_2592 {offsets = [0, 0], sizes = [1, 1], strides = [1, 1]} : vector<1x2xi32> to vector<1x1xi32>
    %mul3A_2594 = arith.constant 32 : i32
    %mul3A_2595 = vector.broadcast %mul3A_2594 : i32 to vector<1x1xi32>
    %mul3A_2596 = arith.muli %slice3A_2593, %mul3A_2595 : vector<1x1xi32>
    %slice3A_2597 = vector.extract_strided_slice %convert_element_type3A_2592 {offsets = [0, 1], sizes = [1, 1], strides = [1, 1]} : vector<1x2xi32> to vector<1x1xi32>
    %add3A_2598 = arith.addi %mul3A_2596, %slice3A_2597 : vector<1x1xi32>
    %slice3A_2599 = vector.extract_strided_slice %squeeze3A_2578 {offsets = [0, 2], sizes = [1, 2], strides = [1, 1]} : vector<1x8xf32> to vector<1x2xf32>
    %mul3A_2600 = arith.constant 3.200000e+01 : f32
    %mul3A_2601 = vector.broadcast %mul3A_2600 : f32 to vector<1x2xf32>
    %mul3A_2602 = arith.mulf %slice3A_2599, %mul3A_2601 : vector<1x2xf32>
    %floor3A_2603 = math.floor %mul3A_2602 : vector<1x2xf32>
    %jit3A_2604 = arith.constant 0 : i32
    %jit3A_2605 = arith.constant 31 : i32
    %convert_element_type3A_2606 = arith.sitofp %jit3A_2604 : i32 to f32
    %max3A_2607 = vector.broadcast %convert_element_type3A_2606 : f32 to vector<1x2xf32>
    %max3A_2608 = arith.maximumf %max3A_2607, %floor3A_2603 : vector<1x2xf32>
    %convert_element_type3A_2609 = arith.sitofp %jit3A_2605 : i32 to f32
    %min3A_2610 = vector.broadcast %convert_element_type3A_2609 : f32 to vector<1x2xf32>
    %min3A_2611 = arith.minimumf %min3A_2610, %max3A_2608 : vector<1x2xf32>
    %convert_element_type3A_2612 = arith.fptosi %min3A_2611 : vector<1x2xf32> to vector<1x2xi32>
    %slice3A_2613 = vector.extract_strided_slice %convert_element_type3A_2612 {offsets = [0, 0], sizes = [1, 1], strides = [1, 1]} : vector<1x2xi32> to vector<1x1xi32>
    %mul3A_2614 = arith.constant 32 : i32
    %mul3A_2615 = vector.broadcast %mul3A_2614 : i32 to vector<1x1xi32>
    %mul3A_2616 = arith.muli %slice3A_2613, %mul3A_2615 : vector<1x1xi32>
    %slice3A_2617 = vector.extract_strided_slice %convert_element_type3A_2612 {offsets = [0, 1], sizes = [1, 1], strides = [1, 1]} : vector<1x2xi32> to vector<1x1xi32>
    %add3A_2618 = arith.addi %mul3A_2616, %slice3A_2617 : vector<1x1xi32>
    %slice3A_2619 = vector.extract_strided_slice %squeeze3A_2578 {offsets = [0, 4], sizes = [1, 2], strides = [1, 1]} : vector<1x8xf32> to vector<1x2xf32>
    %mul3A_2620 = arith.constant 3.200000e+01 : f32
    %mul3A_2621 = vector.broadcast %mul3A_2620 : f32 to vector<1x2xf32>
    %mul3A_2622 = arith.mulf %slice3A_2619, %mul3A_2621 : vector<1x2xf32>
    %floor3A_2623 = math.floor %mul3A_2622 : vector<1x2xf32>
    %jit3A_2624 = arith.constant 0 : i32
    %jit3A_2625 = arith.constant 31 : i32
    %convert_element_type3A_2626 = arith.sitofp %jit3A_2624 : i32 to f32
    %max3A_2627 = vector.broadcast %convert_element_type3A_2626 : f32 to vector<1x2xf32>
    %max3A_2628 = arith.maximumf %max3A_2627, %floor3A_2623 : vector<1x2xf32>
    %convert_element_type3A_2629 = arith.sitofp %jit3A_2625 : i32 to f32
    %min3A_2630 = vector.broadcast %convert_element_type3A_2629 : f32 to vector<1x2xf32>
    %min3A_2631 = arith.minimumf %min3A_2630, %max3A_2628 : vector<1x2xf32>
    %convert_element_type3A_2632 = arith.fptosi %min3A_2631 : vector<1x2xf32> to vector<1x2xi32>
    %slice3A_2633 = vector.extract_strided_slice %convert_element_type3A_2632 {offsets = [0, 0], sizes = [1, 1], strides = [1, 1]} : vector<1x2xi32> to vector<1x1xi32>
    %mul3A_2634 = arith.constant 32 : i32
    %mul3A_2635 = vector.broadcast %mul3A_2634 : i32 to vector<1x1xi32>
    %mul3A_2636 = arith.muli %slice3A_2633, %mul3A_2635 : vector<1x1xi32>
    %slice3A_2637 = vector.extract_strided_slice %convert_element_type3A_2632 {offsets = [0, 1], sizes = [1, 1], strides = [1, 1]} : vector<1x2xi32> to vector<1x1xi32>
    %add3A_2638 = arith.addi %mul3A_2636, %slice3A_2637 : vector<1x1xi32>
    %slice3A_2639 = vector.extract_strided_slice %squeeze3A_2578 {offsets = [0, 6], sizes = [1, 2], strides = [1, 1]} : vector<1x8xf32> to vector<1x2xf32>
    %mul3A_2640 = arith.constant 3.200000e+01 : f32
    %mul3A_2641 = vector.broadcast %mul3A_2640 : f32 to vector<1x2xf32>
    %mul3A_2642 = arith.mulf %slice3A_2639, %mul3A_2641 : vector<1x2xf32>
    %floor3A_2643 = math.floor %mul3A_2642 : vector<1x2xf32>
    %jit3A_2644 = arith.constant 0 : i32
    %jit3A_2645 = arith.constant 31 : i32
    %convert_element_type3A_2646 = arith.sitofp %jit3A_2644 : i32 to f32
    %max3A_2647 = vector.broadcast %convert_element_type3A_2646 : f32 to vector<1x2xf32>
    %max3A_2648 = arith.maximumf %max3A_2647, %floor3A_2643 : vector<1x2xf32>
    %convert_element_type3A_2649 = arith.sitofp %jit3A_2645 : i32 to f32
    %min3A_2650 = vector.broadcast %convert_element_type3A_2649 : f32 to vector<1x2xf32>
    %min3A_2651 = arith.minimumf %min3A_2650, %max3A_2648 : vector<1x2xf32>
    %convert_element_type3A_2652 = arith.fptosi %min3A_2651 : vector<1x2xf32> to vector<1x2xi32>
    %slice3A_2653 = vector.extract_strided_slice %convert_element_type3A_2652 {offsets = [0, 0], sizes = [1, 1], strides = [1, 1]} : vector<1x2xi32> to vector<1x1xi32>
    %mul3A_2654 = arith.constant 32 : i32
    %mul3A_2655 = vector.broadcast %mul3A_2654 : i32 to vector<1x1xi32>
    %mul3A_2656 = arith.muli %slice3A_2653, %mul3A_2655 : vector<1x1xi32>
    %slice3A_2657 = vector.extract_strided_slice %convert_element_type3A_2652 {offsets = [0, 1], sizes = [1, 1], strides = [1, 1]} : vector<1x2xi32> to vector<1x1xi32>
    %add3A_2658 = arith.addi %mul3A_2656, %slice3A_2657 : vector<1x1xi32>
    %concatenate3A_2659 = tpu.concatenate %add3A_2598, %add3A_2618, %add3A_2638, %add3A_2658 in 0 : vector<1x1xi32>, vector<1x1xi32>, vector<1x1xi32>, vector<1x1xi32> -> vector<4x1xi32>
    %eq3A_2660 = vector.broadcast %concatenate3A_2659 : vector<4x1xi32> to vector<4x1024xi32>
    %eq3A_2661 = arith.cmpi eq, %iota3A_2007, %eq3A_2660 : vector<4x1024xi32>
    %convert_element_type3A_2662 = arith.extui %eq3A_2661 : vector<4x1024xi1> to vector<4x1024xi32>
    %convert_element_type3A_2663 = arith.sitofp %convert_element_type3A_2662 : vector<4x1024xi32> to vector<4x1024xf32>
    %dot_general3A_2664 = arith.constant dense<0.000000e+00> : vector<4x128xf32>
    %dot_general3A_2665 = tpu.matmul %convert_element_type3A_2663, %max3A_1971, %dot_general3A_2664 {dimension_numbers = #tpu.dot_dimension_numbers<[1], [0], [0], [1], [0, 0, 1, 1], [], []>, transpose_lhs_hint = false} : vector<4x1024xf32>, vector<1024x128xf32>, vector<4x128xf32> -> vector<4x128xf32>
    %swap3A_2666 = arith.constant 6 : index
    %swap3A_2667 = arith.constant 0 : index
    %swap3A_2668 = arith.constant 0 : index
    %swap3A_2669 = vector.load %arg5[%swap3A_2666, %swap3A_2667, %swap3A_2668] : memref<8x4x128xf32, #tpu.memory_space<vmem>>, vector<1x4x128xf32>
    %swap3A_2670 = vector.shape_cast %swap3A_2669 : vector<1x4x128xf32> to vector<4x128xf32>
    %swap3A_2671 = vector.shape_cast %dot_general3A_2665 : vector<4x128xf32> to vector<1x4x128xf32>
    tpu.vector_store %arg5[%swap3A_2666, %swap3A_2667, %swap3A_2668], %swap3A_2671 {strides = array<i32>} : memref<8x4x128xf32, #tpu.memory_space<vmem>>, vector<1x4x128xf32>,
    %slice3A_2672 = vector.extract_strided_slice %get3A_2 {offsets = [7, 0, 8], sizes = [1, 1, 8], strides = [1, 1, 1]} : vector<8x200x64xf32> to vector<1x1x8xf32>
    %squeeze3A_2673 = vector.shape_cast %slice3A_2672 : vector<1x1x8xf32> to vector<1x8xf32>
    %slice3A_2674 = vector.extract_strided_slice %squeeze3A_2673 {offsets = [0, 0], sizes = [1, 2], strides = [1, 1]} : vector<1x8xf32> to vector<1x2xf32>
    %mul3A_2675 = arith.constant 3.200000e+01 : f32
    %mul3A_2676 = vector.broadcast %mul3A_2675 : f32 to vector<1x2xf32>
    %mul3A_2677 = arith.mulf %slice3A_2674, %mul3A_2676 : vector<1x2xf32>
    %floor3A_2678 = math.floor %mul3A_2677 : vector<1x2xf32>
    %jit3A_2679 = arith.constant 0 : i32
    %jit3A_2680 = arith.constant 31 : i32
    %convert_element_type3A_2681 = arith.sitofp %jit3A_2679 : i32 to f32
    %max3A_2682 = vector.broadcast %convert_element_type3A_2681 : f32 to vector<1x2xf32>
    %max3A_2683 = arith.maximumf %max3A_2682, %floor3A_2678 : vector<1x2xf32>
    %convert_element_type3A_2684 = arith.sitofp %jit3A_2680 : i32 to f32
    %min3A_2685 = vector.broadcast %convert_element_type3A_2684 : f32 to vector<1x2xf32>
    %min3A_2686 = arith.minimumf %min3A_2685, %max3A_2683 : vector<1x2xf32>
    %convert_element_type3A_2687 = arith.fptosi %min3A_2686 : vector<1x2xf32> to vector<1x2xi32>
    %slice3A_2688 = vector.extract_strided_slice %convert_element_type3A_2687 {offsets = [0, 0], sizes = [1, 1], strides = [1, 1]} : vector<1x2xi32> to vector<1x1xi32>
    %mul3A_2689 = arith.constant 32 : i32
    %mul3A_2690 = vector.broadcast %mul3A_2689 : i32 to vector<1x1xi32>
    %mul3A_2691 = arith.muli %slice3A_2688, %mul3A_2690 : vector<1x1xi32>
    %slice3A_2692 = vector.extract_strided_slice %convert_element_type3A_2687 {offsets = [0, 1], sizes = [1, 1], strides = [1, 1]} : vector<1x2xi32> to vector<1x1xi32>
    %add3A_2693 = arith.addi %mul3A_2691, %slice3A_2692 : vector<1x1xi32>
    %slice3A_2694 = vector.extract_strided_slice %squeeze3A_2673 {offsets = [0, 2], sizes = [1, 2], strides = [1, 1]} : vector<1x8xf32> to vector<1x2xf32>
    %mul3A_2695 = arith.constant 3.200000e+01 : f32
    %mul3A_2696 = vector.broadcast %mul3A_2695 : f32 to vector<1x2xf32>
    %mul3A_2697 = arith.mulf %slice3A_2694, %mul3A_2696 : vector<1x2xf32>
    %floor3A_2698 = math.floor %mul3A_2697 : vector<1x2xf32>
    %jit3A_2699 = arith.constant 0 : i32
    %jit3A_2700 = arith.constant 31 : i32
    %convert_element_type3A_2701 = arith.sitofp %jit3A_2699 : i32 to f32
    %max3A_2702 = vector.broadcast %convert_element_type3A_2701 : f32 to vector<1x2xf32>
    %max3A_2703 = arith.maximumf %max3A_2702, %floor3A_2698 : vector<1x2xf32>
    %convert_element_type3A_2704 = arith.sitofp %jit3A_2700 : i32 to f32
    %min3A_2705 = vector.broadcast %convert_element_type3A_2704 : f32 to vector<1x2xf32>
    %min3A_2706 = arith.minimumf %min3A_2705, %max3A_2703 : vector<1x2xf32>
    %convert_element_type3A_2707 = arith.fptosi %min3A_2706 : vector<1x2xf32> to vector<1x2xi32>
    %slice3A_2708 = vector.extract_strided_slice %convert_element_type3A_2707 {offsets = [0, 0], sizes = [1, 1], strides = [1, 1]} : vector<1x2xi32> to vector<1x1xi32>
    %mul3A_2709 = arith.constant 32 : i32
    %mul3A_2710 = vector.broadcast %mul3A_2709 : i32 to vector<1x1xi32>
    %mul3A_2711 = arith.muli %slice3A_2708, %mul3A_2710 : vector<1x1xi32>
    %slice3A_2712 = vector.extract_strided_slice %convert_element_type3A_2707 {offsets = [0, 1], sizes = [1, 1], strides = [1, 1]} : vector<1x2xi32> to vector<1x1xi32>
    %add3A_2713 = arith.addi %mul3A_2711, %slice3A_2712 : vector<1x1xi32>
    %slice3A_2714 = vector.extract_strided_slice %squeeze3A_2673 {offsets = [0, 4], sizes = [1, 2], strides = [1, 1]} : vector<1x8xf32> to vector<1x2xf32>
    %mul3A_2715 = arith.constant 3.200000e+01 : f32
    %mul3A_2716 = vector.broadcast %mul3A_2715 : f32 to vector<1x2xf32>
    %mul3A_2717 = arith.mulf %slice3A_2714, %mul3A_2716 : vector<1x2xf32>
    %floor3A_2718 = math.floor %mul3A_2717 : vector<1x2xf32>
    %jit3A_2719 = arith.constant 0 : i32
    %jit3A_2720 = arith.constant 31 : i32
    %convert_element_type3A_2721 = arith.sitofp %jit3A_2719 : i32 to f32
    %max3A_2722 = vector.broadcast %convert_element_type3A_2721 : f32 to vector<1x2xf32>
    %max3A_2723 = arith.maximumf %max3A_2722, %floor3A_2718 : vector<1x2xf32>
    %convert_element_type3A_2724 = arith.sitofp %jit3A_2720 : i32 to f32
    %min3A_2725 = vector.broadcast %convert_element_type3A_2724 : f32 to vector<1x2xf32>
    %min3A_2726 = arith.minimumf %min3A_2725, %max3A_2723 : vector<1x2xf32>
    %convert_element_type3A_2727 = arith.fptosi %min3A_2726 : vector<1x2xf32> to vector<1x2xi32>
    %slice3A_2728 = vector.extract_strided_slice %convert_element_type3A_2727 {offsets = [0, 0], sizes = [1, 1], strides = [1, 1]} : vector<1x2xi32> to vector<1x1xi32>
    %mul3A_2729 = arith.constant 32 : i32
    %mul3A_2730 = vector.broadcast %mul3A_2729 : i32 to vector<1x1xi32>
    %mul3A_2731 = arith.muli %slice3A_2728, %mul3A_2730 : vector<1x1xi32>
    %slice3A_2732 = vector.extract_strided_slice %convert_element_type3A_2727 {offsets = [0, 1], sizes = [1, 1], strides = [1, 1]} : vector<1x2xi32> to vector<1x1xi32>
    %add3A_2733 = arith.addi %mul3A_2731, %slice3A_2732 : vector<1x1xi32>
    %slice3A_2734 = vector.extract_strided_slice %squeeze3A_2673 {offsets = [0, 6], sizes = [1, 2], strides = [1, 1]} : vector<1x8xf32> to vector<1x2xf32>
    %mul3A_2735 = arith.constant 3.200000e+01 : f32
    %mul3A_2736 = vector.broadcast %mul3A_2735 : f32 to vector<1x2xf32>
    %mul3A_2737 = arith.mulf %slice3A_2734, %mul3A_2736 : vector<1x2xf32>
    %floor3A_2738 = math.floor %mul3A_2737 : vector<1x2xf32>
    %jit3A_2739 = arith.constant 0 : i32
    %jit3A_2740 = arith.constant 31 : i32
    %convert_element_type3A_2741 = arith.sitofp %jit3A_2739 : i32 to f32
    %max3A_2742 = vector.broadcast %convert_element_type3A_2741 : f32 to vector<1x2xf32>
    %max3A_2743 = arith.maximumf %max3A_2742, %floor3A_2738 : vector<1x2xf32>
    %convert_element_type3A_2744 = arith.sitofp %jit3A_2740 : i32 to f32
    %min3A_2745 = vector.broadcast %convert_element_type3A_2744 : f32 to vector<1x2xf32>
    %min3A_2746 = arith.minimumf %min3A_2745, %max3A_2743 : vector<1x2xf32>
    %convert_element_type3A_2747 = arith.fptosi %min3A_2746 : vector<1x2xf32> to vector<1x2xi32>
    %slice3A_2748 = vector.extract_strided_slice %convert_element_type3A_2747 {offsets = [0, 0], sizes = [1, 1], strides = [1, 1]} : vector<1x2xi32> to vector<1x1xi32>
    %mul3A_2749 = arith.constant 32 : i32
    %mul3A_2750 = vector.broadcast %mul3A_2749 : i32 to vector<1x1xi32>
    %mul3A_2751 = arith.muli %slice3A_2748, %mul3A_2750 : vector<1x1xi32>
    %slice3A_2752 = vector.extract_strided_slice %convert_element_type3A_2747 {offsets = [0, 1], sizes = [1, 1], strides = [1, 1]} : vector<1x2xi32> to vector<1x1xi32>
    %add3A_2753 = arith.addi %mul3A_2751, %slice3A_2752 : vector<1x1xi32>
    %concatenate3A_2754 = tpu.concatenate %add3A_2693, %add3A_2713, %add3A_2733, %add3A_2753 in 0 : vector<1x1xi32>, vector<1x1xi32>, vector<1x1xi32>, vector<1x1xi32> -> vector<4x1xi32>
    %eq3A_2755 = vector.broadcast %concatenate3A_2754 : vector<4x1xi32> to vector<4x1024xi32>
    %eq3A_2756 = arith.cmpi eq, %iota3A_2007, %eq3A_2755 : vector<4x1024xi32>
    %convert_element_type3A_2757 = arith.extui %eq3A_2756 : vector<4x1024xi1> to vector<4x1024xi32>
    %convert_element_type3A_2758 = arith.sitofp %convert_element_type3A_2757 : vector<4x1024xi32> to vector<4x1024xf32>
    %dot_general3A_2759 = arith.constant dense<0.000000e+00> : vector<4x128xf32>
    %dot_general3A_2760 = tpu.matmul %convert_element_type3A_2758, %max3A_2006, %dot_general3A_2759 {dimension_numbers = #tpu.dot_dimension_numbers<[1], [0], [0], [1], [0, 0, 1, 1], [], []>, transpose_lhs_hint = false} : vector<4x1024xf32>, vector<1024x128xf32>, vector<4x128xf32> -> vector<4x128xf32>
    %swap3A_2761 = arith.constant 7 : index
    %swap3A_2762 = arith.constant 0 : index
    %swap3A_2763 = arith.constant 0 : index
    %swap3A_2764 = vector.load %arg5[%swap3A_2761, %swap3A_2762, %swap3A_2763] : memref<8x4x128xf32, #tpu.memory_space<vmem>>, vector<1x4x128xf32>
    %swap3A_2765 = vector.shape_cast %swap3A_2764 : vector<1x4x128xf32> to vector<4x128xf32>
    %swap3A_2766 = vector.shape_cast %dot_general3A_2760 : vector<4x128xf32> to vector<1x4x128xf32>
    tpu.vector_store %arg5[%swap3A_2761, %swap3A_2762, %swap3A_2763], %swap3A_2766 {strides = array<i32>} : memref<8x4x128xf32, #tpu.memory_space<vmem>>, vector<1x4x128xf32>,
    return
  }
  func.func @transform_0(%arg0: i32) -> (i32, i32, i32) {
    %c0_i32 = arith.constant 0 : i32
    %c0_i32_0 = arith.constant 0 : i32
    %c0_i32_1 = arith.constant 0 : i32
    return %arg0, %c0_i32, %c0_i32_0 : i32, i32, i32
  }
  func.func @transform_1(%arg0: i32) -> (i32, i32, i32) {
    %c0_i32 = arith.constant 0 : i32
    %c0_i32_0 = arith.constant 0 : i32
    %c0_i32_1 = arith.constant 0 : i32
    return %arg0, %c0_i32, %c0_i32_0 : i32, i32, i32
  }
  func.func @transform_2(%arg0: i32) -> (i32, i32, i32) {
    %c0_i32 = arith.constant 0 : i32
    %c0_i32_0 = arith.constant 0 : i32
    %c0_i32_1 = arith.constant 0 : i32
    %c0_i32_2 = arith.constant 0 : i32
    return %c0_i32, %c0_i32_0, %c0_i32_1 : i32, i32, i32
  }
  func.func @transform_3(%arg0: i32) -> (i32, i32) {
    %c0_i32 = arith.constant 0 : i32
    %c0_i32_0 = arith.constant 0 : i32
    %c0_i32_1 = arith.constant 0 : i32
    return %c0_i32, %c0_i32_0 : i32, i32
  }
  func.func @transform_4(%arg0: i32) -> (i32, i32, i32) {
    %c0_i32 = arith.constant 0 : i32
    %c0_i32_0 = arith.constant 0 : i32
    %c0_i32_1 = arith.constant 0 : i32
    return %arg0, %c0_i32, %c0_i32_0 : i32, i32, i32
  }
}

</mosaic_0001>

<sc_bundles>
// kernel: kernel.11.cloned.1.call-start
scs
__scs_entry_jumppad:
0x0: {  	(pc) =	sbr.rel $0x88, $3  }
0x1: {  	(tag) =	ssettag $0x0;
	lr =	simm.s32 $0x1  }
0x2: {  	[smem:$0x3F98] =	sst lr;
	_ =	strace $0xD0000000  }
0x3: {  	_ = 	snop  }
0x4: {  	_ = 	snop  }
0x5: {  	_ = 	snop  }
0x6: {  	_ = 	snop  }
0x7: {  	_ = 	snop  }
__scs_overlays_trampoline_lowered:
0x8: {  	[smem:$0x3FA7] =	sst s0  }
0x9: {  	[smem:$0x3FA8] =	sst s1  }
0xa: {  	[smem:$0x3FA9] =	sst s2  }
0xb: {  	[smem:$0x3FAA] =	sst s3  }
0xc: {  	[smem:$0x3FAB] =	sst s4  }
0xd: {  	[smem:$0x3FAC] =	sst s5  }
0xe: {  	[smem:$0x3FAD] =	sst s6  }
0xf: {  	[smem:$0x3FAE] =	sst s7  }
0x10: {  	[smem:$0x3FAF] =	sst s8  }
0x11: {  	[smem:$0x3FB0] =	sst s9;
	s0 =	simm.s32 @!p0 $0x0  }
0x12: {  	s1 =	sld [smem:$0x3F96];
	s0 =	simm.s32 @p0 $0x1  }
0x13: {  	[smem:$0x3FB1] =	sst s0;
	s0 =	simm.s32 @!p1 $0x0  }
0x14: {  	s2 =	sld [smem:$0x3F95];
	s0 =	simm.s32 @p1 $0x1  }
0x15: {  	[smem:$0x3FB2] =	sst s0;
	s0 =	simm.s32 @!p2 $0x0  }
0x16: {  	s3 =	sld [smem:$0x3FDB];
	s0 =	simm.s32 @p2 $0x1  }
0x17: {  	s4 =	simm.s32 $0x1BF5;
	[smem:$0x3FB4] =	sst s0  }
0x18: {  	s0 =	sld [smem:$0x3F97];
	_ =	swait.ge [sflag:s4], $0x0  }
0x19: {  	s7 =	sld [smem:$0x3F98]  }
0x1a: {  	s8 =	sadd.s32 $0xFFFFE003, lr  }
0x1b: {  	s9 =	sadd.s32 $0xFFFFFEF7, lr;
	s5 =	simm.s32 $0xFFFFFFFF;
	p2 =	slt.u32 s8, $0xFFFFF086  }
0x1c: {  	p1 =	slt.u32 s9, $0xF7A;
	s5 =	simm.s32 @!p2 $0x0  }
0x1d: {  	s5 =	simm.s32 @p1 $0x1;
	p0 =	seq.s32 s7, s2  }
0x1e: {  	s7 =	smul.u32 @!p0 $0xF7A, s2;
	p2 =	seq.s32 @!p0 s5, $0x0  }
0x1f: {  	s9 =	smul.u32 $0xF7A, s1;
	s8 =	simm.s32 @!p0 $0x1BF5;
	p2 =	por !p2, p0  }
0x20: {  	[sflag:s8] =	ssyncset.s32 @!p0 $0xFFFFF086;
	s6 =	sadd.s32 @!p0 s3, s7;
	s7 =	simm.s32 @!p0 $0x108  }
0x21: {  	s3 =	sadd.s32 s3, s9;
	s6 =	sadd.s32 @!p0 $0x88, s6;
	s7 =	simm.s32 @p2 $0x1082  }
0x22: {  	[simem:s7], [sflag:s8] =	dma.local @!p0 [hbm:s6], $0xF7A  }
0x23: {  	s9 =	sor.u32 $0xD0000000, s2;
	s6 =	simm.s32 $0x108;
	_ =	swait.ge @!p0 [sflag:s8], $0x0  }
0x24: {  	s3 =	sadd.s32 $0x88, s3;
	s6 =	simm.s32 @!p1 $0x1082;
	[sflag:s4] =	ssyncset.s32 $0xFFFFF086  }
0x25: {  	[simem:s6], [sflag:s4] =	dma.local [hbm:s3], $0xF7A  }
0x26: {  	[smem:$0x3F98] =	sst s1;
	(tag) =	ssettag s2;
	_ =	strace s9  }
0x27: {  	s1 =	sld [smem:$0x3FA8]  }
0x28: {  	s2 =	sld [smem:$0x3FA9]  }
0x29: {  	s4 =	sld [smem:$0x3FAB]  }
0x2a: {  	p0 =	seq.s32 s5, $0x0;
	s5 =	sld [smem:$0x3FAC]  }
0x2b: {  	s6 =	sld [smem:$0x3FAD]  }
0x2c: {  	s7 =	sld [smem:$0x3FAE]  }
0x2d: {  	s3 =	simm.s32 $0x108;
	s8 =	sld [smem:$0x3FAF]  }
0x2e: {  	s3 =	simm.s32 @!p0 $0x1082;
	s9 =	sld [smem:$0x3FB0]  }
0x2f: {  	lr =	sadd.s32 s0, s3;
	s0 =	sld [smem:$0x3FA7]  }
0x30: {  	s3 =	sld [smem:$0x3FAA]  }
0x31: {  	[smem:$0x3FB3] =	sst s10  }
0x32: {  	s10 =	sld [smem:$0x3FB1];
	_ =	sdelay $0x3  }
0x33: {  	p0 =	seq.s32 s10, $0x1;
	s10 =	sld [smem:$0x3FB3];
	_ =	sdelay $0x3  }
0x34: {  	[smem:$0x3FB3] =	sst s10  }
0x35: {  	s10 =	sld [smem:$0x3FB2];
	_ =	sdelay $0x3  }
0x36: {  	p1 =	seq.s32 s10, $0x1;
	s10 =	sld [smem:$0x3FB3];
	_ =	sdelay $0x3  }
0x37: {  	[smem:$0x3FB3] =	sst s10  }
0x38: {  	s10 =	sld [smem:$0x3FB4]  }
0x39: {  	_ = 	snop;
	(pc) =	sbr.ind lr, $3  }
0x3a: {  	_ = 	snop  }
0x3b: {  	_ = 	snop  }
0x3c: {  	p2 =	seq.s32 s10, $0x1;
	s10 =	sld [smem:$0x3FB3]  }
0x3d: {  	_ =	shalt  }
0x3e: {  	_ =	shalt  }
0x3f: {  	_ =	shalt  }
0x40: {  	_ =	shalt  }
0x41: {  	_ =	shalt  }
0x42: {  	_ =	shalt  }
0x43: {  	_ =	shalt  }
0x44: {  	_ =	shalt  }
0x45: {  	_ =	shalt  }
0x46: {  	_ =	shalt  }
0x47: {  	_ =	shalt  }
0x48: {  	_ =	shalt  }
0x49: {  	_ =	shalt  }
0x4a: {  	_ =	shalt  }
0x4b: {  	_ =	shalt  }
0x4c: {  	_ =	shalt  }
0x4d: {  	_ =	shalt  }
0x4e: {  	_ =	shalt  }
0x4f: {  	_ =	shalt  }
0x50: {  	_ =	shalt  }
0x51: {  	_ =	shalt  }
0x52: {  	_ =	shalt  }
0x53: {  	_ =	shalt  }
0x54: {  	_ =	shalt  }
0x55: {  	_ =	shalt  }
0x56: {  	_ =	shalt  }
0x57: {  	_ =	shalt  }
0x58: {  	_ =	shalt  }
0x59: {  	_ =	shalt  }
0x5a: {  	_ =	shalt  }
0x5b: {  	_ =	shalt  }
0x5c: {  	_ =	shalt  }
0x5d: {  	_ =	shalt  }
0x5e: {  	_ =	shalt  }
0x5f: {  	_ =	shalt  }
0x60: {  	_ =	shalt  }
0x61: {  	_ =	shalt  }
0x62: {  	_ =	shalt  }
0x63: {  	_ =	shalt  }
0x64: {  	_ =	shalt  }
0x65: {  	_ =	shalt  }
0x66: {  	_ =	shalt  }
0x67: {  	_ =	shalt  }
0x68: {  	_ =	shalt  }
0x69: {  	_ =	shalt  }
0x6a: {  	_ =	shalt  }
0x6b: {  	_ =	shalt  }
0x6c: {  	_ =	shalt  }
0x6d: {  	_ =	shalt  }
0x6e: {  	_ =	shalt  }
0x6f: {  	_ =	shalt  }
0x70: {  	_ =	shalt  }
0x71: {  	_ =	shalt  }
0x72: {  	_ =	shalt  }
0x73: {  	_ =	shalt  }
0x74: {  	_ =	shalt  }
0x75: {  	_ =	shalt  }
0x76: {  	_ =	shalt  }
0x77: {  	_ =	shalt  }
0x78: {  	_ =	shalt  }
0x79: {  	_ =	shalt  }
0x7a: {  	_ =	shalt  }
0x7b: {  	_ =	shalt  }
0x7c: {  	_ =	shalt  }
0x7d: {  	_ =	shalt  }
0x7e: {  	_ =	shalt  }
0x7f: {  	_ =	shalt  }
0x80: {  	_ =	shalt  }
0x81: {  	_ =	shalt  }
0x82: {  	_ =	shalt  }
0x83: {  	_ =	shalt  }
0x84: {  	_ =	shalt  }
0x85: {  	_ =	shalt  }
0x86: {  	_ =	shalt  }
0x87: {  	_ =	shalt  }
.Lfunc_end0:
.L_simem_size_0:
called_computation_lowered:
.L_overlay_start_0:
0x88: {  	s2 =	sld [smem:$0x3FD9]  }
0x89: {  	s3 =	sld [smem:$0x3FFE];
	_ =	sdelay $0x1  }
0x8a: {  	s1 =	srdreg.scid  }
0x8b: {  	s0 =	sand.u32 $0x1, s1  }
0x8c: {  	s17 =	sshll.u32 s0, $0xA;
	s2 =	sadd.s32 s3, s2  }
0x8d: {  	s2 =	sadd.s32 s2, s17  }
0x8e: {  	[smem:$0x3FBF] =	sst s2  }
0x8f: {  	_ = 	snop  }
0x90: {  	s2 =	sld [smem:$0x3FD0];
	(tm) =	ssettm $0x1  }
0x91: {  	s18 =	sld [smem:$0x3FFB];
	_ =	sdelay $0x3  }
0x92: {  	_ =	strace s18  }
0x93: {  	s3 =	sld [smem:$0x3FFC];
	_ =	sdelay $0x3  }
0x94: {  	_ =	strace s3  }
0x95: {  	s3 =	sld [smem:$0x3FFD];
	_ =	sdelay $0x3  }
0x96: {  	_ =	strace s3  }
0x97: {  	_ =	strace $0x8FFFFFFF  }
0x98: {  	s19 =	sld [smem:$0x3FDB];
	_ =	sdelay $0x1  }
0x99: {  	s4 =	simm.s32 $_scs_section_size  }
0x9a: {  	s5 =	simm.s32 $_size__tile_overlayer_lowered;
	s6 =	simm.s32 $_tile_overlayer_lowered  }
0x9b: {  	s22 =	simm.s32 $0x1BFF;
	s21 =	sshll.u32 s6, $0x1;
	s3 =	sadd.s32 s4, s19  }
0x9c: {  	s7 =	simm.s32 $0x0;
	s20 =	sshll.u32 s5, $0x1;
	s5 =	sadd.s32 s21, s3  }
0x9d: {  	[timem:s7], [sflag:s22] =	dma.local [hbm:s5], s20  }
0x9e: {  	_ =	swait.ge [sflag:s22], s20  }
0x9f: {  	s4 =	ssub.s32 $0x0, s20;
	[sflag:s22] =	ssyncset.done $0x0  }
0xa0: {  	[sflag:s22] =	ssyncadd.s32 s4;
	_ =	sdelay $0x1  }
0xa1: {  	s23 =	simm.s32 $0x1B8B  }
0xa2: {  	_ =	swait.ge [sflag:s23], $0x1  }
0xa3: {  	[sflag:s23] =	ssyncset.done $0x0  }
0xa4: {  	s25 =	simm.s32 $0x1B8E;
	s24 =	sld [smem:$0x3FFE];
	[sflag:s23] =	ssyncadd.s32 $0xFFFFFFFF  }
0xa5: {  	s26 =	simm.s32 $execute0_lowered;
	[smem:$0x3FD2] =	sst s25  }
0xa6: {  	s5 =	sshll.u32 s26, $0x1;
	_ =	strace $0x80000046;
	[dreg:$0x1] =	wrdreg $0xFFFFFFFF  }
0xa7: {  	s28 =	simm.s32 $_size_execute0_lowered;
	s3 =	sadd.s32 s3, s5;
	[dreg:$0x0] =	wrdreg $0x0  }
0xa8: {  	s5 =	sshll.u32 s28, $0x1;
	[dreg:$0x2] =	wrdreg s3  }
0xa9: {  	[dreg:$0x3] =	wrdreg s5  }
0xaa: {  	[dreg:$0x4] =	wrdreg $0xC0  }
0xab: {  	_ =	task [dreg:s7], $0x5FFFF  }
0xac: {  	[dreg:$0x1] =	wrdreg $0xFFFFFFFF  }
0xad: {  	[dreg:$0x0] =	wrdreg $0x60  }
0xae: {  	[dreg:$0x2] =	wrdreg s24  }
0xaf: {  	[dreg:$0x3] =	wrdreg s2  }
0xb0: {  	[dreg:$0x4] =	wrdreg $0x40800  }
0xb1: {  	[dreg:$0x5] =	wrdreg $0x9  }
0xb2: {  	_ =	task.clear_ibuf [dreg:s7], $0x6FFFF;
	_ =	strace $0x90000046  }
0xb3: {  	s29 =	simm.s32 $0x9;
	_ =	strace $0x80000048  }
0xb4: {  	_ =	swait.ge [sflag:s29], $0x1  }
0xb5: {  	[sflag:s29] =	ssyncadd.s32 $0xFFFFFFFF  }
0xb6: {  	_ =	strace $0x90000048  }
0xb7: {  	_ =	sfence  }
0xb8: {  	s30 =	sld [smem:$0x0];
	_ =	sdelay $0x2  }
0xb9: {  	s31 =	sshll.u32 s1, $0xD;
	s1 =	sshrl.u32 s1, $0x2  }
0xba: {  	s3 =	sand.u32 $0x4000, s31;
	s1 =	sadd.s32 s1, s30  }
0xbb: {  	s0 =	sor.u32 s3, s0;
	s1 =	sshll.u32 s1, $0x11  }
0xbc: {  	s0 =	sor.u32 s1, s0  }
0xbd: {  	s0 =	sadd.s32 $0x8F2B, s0  }
0xbe: {  	[sflag:s0] =	ssyncadd.remote.s32 $0x1  }
0xbf: {  	_ =	sfence.sel $0xFFFF  }
0xc0: {  	[dreg:$0x0] =	wrdreg $0xFFFFFFFF;
	(pc) =	sbr.abs _section_cstart, $3  }
0xc1: {  	[dreg:$0x1] =	wrdreg $0xFFFFFFFF  }
0xc2: {  	_ =	task.clear_ibuf [dreg:s7], $0x2FFFF;
	_ =	strace $0x9FFFFFFF  }
0xc3: {  	(tm) =	ssettm $0x7FFFFFFF  }
tec
execute0_lowered:
.L_overlay_start_1:
0x0: {  	(tag) =	ssettag $0x1  }
0x1: {  	s12 =	rddreg [dreg:$0x0]  }
0x2: {  	s1 =	rddreg [dreg:$0x1]  }
0x3: {  	s4 =	rddreg [dreg:$0x2]  }
0x4: {  	s0 =	rddreg [dreg:$0x3];
	s3 =	simm.s32 $0x0;
	s5 =	srdreg.scid  }
0x5: {  	s2 =	stileid.u32;
	[smem:$0x7FF] =	sst s3;
	s13 =	sadd.s32 $0x82E00, s12  }
0x6: {  	s15 =	sand.u32 $0x1, s5;
	s14 =	sshrl.u32 s2, $0x1;
	s16 =	sand.u32 $0x1, s2  }
0x7: {  	s6 =	sshll.u32 s2, $0x6;
	_ =	strace $0x80000047;
	s23 =	sshll.u32 s14, $0x11  }
0x8: {  	s17 =	sshll.u32 s15, $0x3;
	s24 =	sshll.u32 s16, $0x10;
	s4 =	sadd.s32 s23, s4  }
0x9: {  	s5 =	sor.u32 $0x1C01, s6;
	s19 =	sshll.u32 s16, $0xB;
	s7 =	sadd.s32 s24, s4  }
0xa: {  	s18 =	sor.u32 s14, s17;
	s6 =	sshrl.u32 s7, $0x3;
	s7 =	simm.s32 $0x1  }
0xb: {  	[spmem:s6], [sflag:s5] =	dma.local [hbm:s1], $0x2000  }
0xc: {  	s9 =	sshll.u32 s15, $0xB;
	s8 =	sshll.u32 s18, $0xC;
	_ =	swait.ge [sflag:s7], $0x2000  }
0xd: {  	s20 =	sshll.u32 s14, $0x7;
	s8 =	sadd.s32 s13, s8;
	[sflag:s7] =	ssyncset.done $0x0  }
0xe: {  	s9 =	sor.u32 s9, s20;
	s8 =	sadd.s32 s19, s8;
	[sflag:s7] =	ssyncadd.s32 $0xFFFFE000  }
0xf: {  	[tilespmem:s3], [sflag:$0x1] =	stream.linear.gather [hbm4b:s8+s3], $0x4000, $0x38;
	[tilespmem:$0x14080] =	vst v63  }
0x10: {  	s21 =	sadd.s32 $0x2E00, s12;
	s9 =	sshrl.u32 s9, $0x3;
	_ =	swait.ge [sflag:s7], $0x4000  }
0x11: {  	s22 =	sshll.u32 s16, $0x7;
	s9 =	sadd.s32 s21, s9;
	[sflag:s7] =	ssyncset.done $0x0  }
0x12: {  	s10 =	simm.s32 $0x4000;
	s9 =	sadd.s32 s22, s9;
	[sflag:s7] =	ssyncadd.s32 $0xFFFFC000  }
0x13: {  	[tilespmem:s10], [sflag:$0x1] =	stream.linear.gather [hbm4b:s9+s3], $0x80, $0x38;
	[tilespmem:$0x14080] =	vst v63  }
0x14: {  	_ =	swait.ge [sflag:s7], $0x80  }
0x15: {  	[sflag:s7] =	ssyncset.done $0x0  }
0x16: {  	[sflag:s7] =	ssyncadd.s32 $0xFFFFFF80  }
0x17: {  	s11 =	simm.s32 $0x80;
	[bflag:$0x0] =	sbarrier.arrive $0xFFFF  }
0x18: {  	[spmem:s4] =	stream.indirect.scatter.add.f32 [tilespmem:s3], [sflag:$0x1], $0x80, s10, s11, $0xb8;
	[tilespmem:$0x14080] =	vst v63  }
0x19: {  	_ =	swait.ge [sflag:s7], $0x4000  }
0x1a: {  	s23 =	sadd.s32 $0x102E00, s12;
	s25 =	sshll.u32 s18, $0xE;
	[sflag:s7] =	ssyncset.done $0x0  }
0x1b: {  	s16 =	sshll.u32 s16, $0xD;
	s12 =	sadd.s32 s23, s25;
	[sflag:s7] =	ssyncadd.s32 $0xFFFFC000  }
0x1c: {  	s12 =	sadd.s32 s16, s12;
	[bflag:$0x0] =	sbarrier.arrive $0xFFFF  }
0x1d: {  	[hbm:s12], [sflag:s5] =	dma.local [spmem:s6], $0x2000  }
0x1e: {  	_ =	swait.ge [sflag:s7], $0x2000  }
0x1f: {  	[sflag:s7] =	ssyncset.done $0x0  }
0x20: {  	s17 =	sor.u32 $0x10, s17;
	[sflag:s7] =	ssyncadd.s32 $0xFFFFE000  }
0x21: {  	s26 =	sor.u32 s14, s17;
	[bflag:$0x0] =	sbarrier.arrive $0xFFFF  }
0x22: {  	[spmem:s6], [sflag:s5] =	dma.local [hbm:s1], $0x2000  }
0x23: {  	s14 =	sshll.u32 s26, $0xC;
	_ =	swait.ge [sflag:s7], $0x2000  }
0x24: {  	s28 =	sshll.u32 s17, $0x8;
	s13 =	sadd.s32 s13, s14;
	[sflag:s7] =	ssyncset.done $0x0  }
0x25: {  	s14 =	sor.u32 s20, s28;
	s13 =	sadd.s32 s19, s13;
	[sflag:s7] =	ssyncadd.s32 $0xFFFFE000  }
0x26: {  	[tilespmem:s3], [sflag:$0x1] =	stream.linear.gather [hbm4b:s13+s3], $0x4000, $0x38;
	[tilespmem:$0x14080] =	vst v63  }
0x27: {  	s14 =	sshrl.u32 s14, $0x3;
	_ =	swait.ge [sflag:s7], $0x4000  }
0x28: {  	s14 =	sadd.s32 s21, s14;
	[sflag:s7] =	ssyncset.done $0x0  }
0x29: {  	s14 =	sadd.s32 s22, s14;
	[sflag:s7] =	ssyncadd.s32 $0xFFFFC000  }
0x2a: {  	[tilespmem:s10], [sflag:$0x1] =	stream.linear.gather [hbm4b:s14+s3], $0x80, $0x38;
	[tilespmem:$0x14080] =	vst v63  }
0x2b: {  	_ =	swait.ge [sflag:s7], $0x80  }
0x2c: {  	[sflag:s7] =	ssyncset.done $0x0  }
0x2d: {  	s15 =	ssub.s32 $0x2, s15;
	[sflag:s7] =	ssyncadd.s32 $0xFFFFFF80  }
0x2e: {  	s30 =	sshrl.u32 s15, $0x1;
	[bflag:$0x0] =	sbarrier.arrive $0xFFFF  }
0x2f: {  	[spmem:s4] =	stream.indirect.scatter.add.f32 [tilespmem:s3], [sflag:$0x1], $0x80, s10, s11, $0xb8;
	[tilespmem:$0x14080] =	vst v63  }
0x30: {  	s18 =	ssub.s32 s15, s30;
	_ =	swait.ge [sflag:s7], $0x4000  }
0x31: {  	s29 =	sshll.u32 s26, $0xE;
	s31 =	smax.u32 s18, $0x1;
	[sflag:s7] =	ssyncset.done $0x0  }
0x32: {  	s17 =	sadd.s32 s23, s29;
	p0 =	sne.s32 s31, $0x1;
	[sflag:s7] =	ssyncadd.s32 $0xFFFFC000  }
.Ltmp0:
0x33: {  	s15 =	sadd.s32 s16, s17;
	[bflag:$0x0] =	sbarrier.arrive $0xFFFF;
	(pc) =	sbr.rel @!p0 .LBB2_2-.Ltmp0, $4  }
0x34: {  	[hbm:s15], [sflag:s5] =	dma.local [spmem:s6], $0x2000  }
0x35: {  	_ =	swait.ge [sflag:s7], $0x2000  }
0x36: {  	[sflag:s7] =	ssyncset.done $0x0  }
0x37: {  	s16 =	sadd.s32 $0xFFFFFFFF, s31;
	[sflag:s7] =	ssyncadd.s32 $0xFFFFE000  }
.LBB2_1:
0x38: {  	p0 =	sne.s32 s16, $0x1;
	s16 =	sadd.s32 $0xFFFFFFFF, s16;
	[bflag:$0x0] =	sbarrier.arrive $0xFFFF  }
0x39: {  	[spmem:s6], [sflag:s5] =	dma.local [hbm:s1], $0x2000  }
0x3a: {  	_ =	swait.ge [sflag:s7], $0x2000  }
0x3b: {  	[sflag:s7] =	ssyncset.done $0x0  }
0x3c: {  	[sflag:s7] =	ssyncadd.s32 $0xFFFFE000  }
0x3d: {  	[tilespmem:s3], [sflag:$0x1] =	stream.linear.gather [hbm4b:s8+s3], $0x4000, $0x38;
	[tilespmem:$0x14080] =	vst v63  }
0x3e: {  	_ =	swait.ge [sflag:s7], $0x4000  }
0x3f: {  	[sflag:s7] =	ssyncset.done $0x0  }
0x40: {  	[sflag:s7] =	ssyncadd.s32 $0xFFFFC000  }
0x41: {  	[tilespmem:s10], [sflag:$0x1] =	stream.linear.gather [hbm4b:s9+s3], $0x80, $0x38;
	[tilespmem:$0x14080] =	vst v63  }
0x42: {  	_ =	swait.ge [sflag:s7], $0x80  }
0x43: {  	[sflag:s7] =	ssyncset.done $0x0  }
0x44: {  	[sflag:s7] =	ssyncadd.s32 $0xFFFFFF80  }
0x45: {  	[bflag:$0x0] =	sbarrier.arrive $0xFFFF  }
0x46: {  	[spmem:s4] =	stream.indirect.scatter.add.f32 [tilespmem:s3], [sflag:$0x1], $0x80, s10, s11, $0xb8;
	[tilespmem:$0x14080] =	vst v63  }
0x47: {  	_ =	swait.ge [sflag:s7], $0x4000  }
0x48: {  	[sflag:s7] =	ssyncset.done $0x0  }
0x49: {  	[sflag:s7] =	ssyncadd.s32 $0xFFFFC000  }
0x4a: {  	[bflag:$0x0] =	sbarrier.arrive $0xFFFF  }
0x4b: {  	[hbm:s12], [sflag:s5] =	dma.local [spmem:s6], $0x2000  }
0x4c: {  	_ =	swait.ge [sflag:s7], $0x2000  }
0x4d: {  	[sflag:s7] =	ssyncset.done $0x0  }
0x4e: {  	[sflag:s7] =	ssyncadd.s32 $0xFFFFE000  }
0x4f: {  	[bflag:$0x0] =	sbarrier.arrive $0xFFFF  }
0x50: {  	[spmem:s6], [sflag:s5] =	dma.local [hbm:s1], $0x2000  }
0x51: {  	_ =	swait.ge [sflag:s7], $0x2000  }
0x52: {  	[sflag:s7] =	ssyncset.done $0x0  }
0x53: {  	[sflag:s7] =	ssyncadd.s32 $0xFFFFE000  }
0x54: {  	[tilespmem:s3], [sflag:$0x1] =	stream.linear.gather [hbm4b:s13+s3], $0x4000, $0x38;
	[tilespmem:$0x14080] =	vst v63  }
0x55: {  	_ =	swait.ge [sflag:s7], $0x4000  }
0x56: {  	[sflag:s7] =	ssyncset.done $0x0  }
0x57: {  	[sflag:s7] =	ssyncadd.s32 $0xFFFFC000  }
0x58: {  	[tilespmem:s10], [sflag:$0x1] =	stream.linear.gather [hbm4b:s14+s3], $0x80, $0x38;
	[tilespmem:$0x14080] =	vst v63  }
0x59: {  	_ =	swait.ge [sflag:s7], $0x80  }
0x5a: {  	[sflag:s7] =	ssyncset.done $0x0  }
0x5b: {  	[sflag:s7] =	ssyncadd.s32 $0xFFFFFF80  }
0x5c: {  	[bflag:$0x0] =	sbarrier.arrive $0xFFFF  }
0x5d: {  	[spmem:s4] =	stream.indirect.scatter.add.f32 [tilespmem:s3], [sflag:$0x1], $0x80, s10, s11, $0xb8;
	[tilespmem:$0x14080] =	vst v63  }
0x5e: {  	_ =	swait.ge [sflag:s7], $0x4000  }
0x5f: {  	[sflag:s7] =	ssyncset.done $0x0  }
0x60: {  	[sflag:s7] =	ssyncadd.s32 $0xFFFFC000  }
.Ltmp1:
0x61: {  	[bflag:$0x0] =	sbarrier.arrive $0xFFFF;
	(pc) =	sbr.rel @p0 .LBB2_1-.Ltmp1, $4  }
0x62: {  	[hbm:s15], [sflag:s5] =	dma.local [spmem:s6], $0x2000  }
0x63: {  	_ =	swait.ge [sflag:s7], $0x2000  }
0x64: {  	[sflag:s7] =	ssyncset.done $0x0  }
0x65: {  	[sflag:s7] =	ssyncadd.s32 $0xFFFFE000  }
.LBB2_2:
0x66: {  	[bflag:$0x0] =	sbarrier.arrive $0xFFFF  }
0x67: {  	_ =	sfence.sel $0x180000  }
0x68: {  	[bflag:$0x0] =	sbarrier.arrive $0xFFFF  }
0x69: {  	p0 =	sne.s32 s2, $0x0;
	_ =	strace $0x90000047  }
0x6a: {  	s0 =	sadd.s32 @!p0 $0x100000, s0;
	[bflag:$0x2] =	sbarrier.arrive $0xFFFF  }
0x6b: {  	[sflag:s0] =	ssyncadd.tile.s32 @!p0 $0x1;
	_ =	shalt  }
.Lfunc_end2:
_tile_overlayer_lowered:
.L_overlay_start_2:
0x6c: {  	(tag) =	ssettag $0x2  }
0x6d: {  	s0 =	rddreg [dreg:$0x0];
	s2 =	stileid.u32  }
0x6e: {  	s1 =	rddreg [dreg:$0x1];
	p0 =	sne.s32 s2, $0x0  }
0x6f: {  	s3 =	rddreg [dreg:$0x2];
	[bflag:$0x3] =	sbarrier.arrive $0xFFFF;
	s2 =	simm.s32 @!p0 $0x1C01  }
0x70: {  	[timem:s3], [sflag:s2] =	dma.local @!p0 [hbm:s0], s1  }
0x71: {  	s0 =	simm.s32 @!p0 $0x1  }
0x72: {  	_ =	swait.ge @!p0 [sflag:s0], s1  }
0x73: {  	s1 =	ssub.s32 @!p0 $0x0, s1;
	[sflag:s0] =	ssyncset.done @!p0 $0x0  }
0x74: {  	[sflag:s0] =	ssyncadd.s32 @!p0 s1  }
0x75: {  	[bflag:$0x3] =	sbarrier.arrive $0xFFFF  }
0x76: {  	_ =	shalt  }

// kernel: kernel.14.cloned.1.call-start
scs
__scs_entry_jumppad:
0x0: {  	(pc) =	sbr.rel $0x88, $3  }
0x1: {  	(tag) =	ssettag $0x0;
	lr =	simm.s32 $0x1  }
0x2: {  	[smem:$0x3F98] =	sst lr;
	_ =	strace $0xD0000000  }
0x3: {  	_ = 	snop  }
0x4: {  	_ = 	snop  }
0x5: {  	_ = 	snop  }
0x6: {  	_ = 	snop  }
0x7: {  	_ = 	snop  }
__scs_overlays_trampoline_lowered:
0x8: {  	[smem:$0x3FA7] =	sst s0  }
0x9: {  	[smem:$0x3FA8] =	sst s1  }
0xa: {  	[smem:$0x3FA9] =	sst s2  }
0xb: {  	[smem:$0x3FAA] =	sst s3  }
0xc: {  	[smem:$0x3FAB] =	sst s4  }
0xd: {  	[smem:$0x3FAC] =	sst s5  }
0xe: {  	[smem:$0x3FAD] =	sst s6  }
0xf: {  	[smem:$0x3FAE] =	sst s7  }
0x10: {  	[smem:$0x3FAF] =	sst s8  }
0x11: {  	[smem:$0x3FB0] =	sst s9;
	s0 =	simm.s32 @!p0 $0x0  }
0x12: {  	s1 =	sld [smem:$0x3F96];
	s0 =	simm.s32 @p0 $0x1  }
0x13: {  	[smem:$0x3FB1] =	sst s0;
	s0 =	simm.s32 @!p1 $0x0  }
0x14: {  	s2 =	sld [smem:$0x3F95];
	s0 =	simm.s32 @p1 $0x1  }
0x15: {  	[smem:$0x3FB2] =	sst s0;
	s0 =	simm.s32 @!p2 $0x0  }
0x16: {  	s3 =	sld [smem:$0x3FDB];
	s0 =	simm.s32 @p2 $0x1  }
0x17: {  	s4 =	simm.s32 $0x1BF5;
	[smem:$0x3FB4] =	sst s0  }
0x18: {  	s0 =	sld [smem:$0x3F97];
	_ =	swait.ge [sflag:s4], $0x0  }
0x19: {  	s7 =	sld [smem:$0x3F98]  }
0x1a: {  	s8 =	sadd.s32 $0xFFFFE003, lr  }
0x1b: {  	s9 =	sadd.s32 $0xFFFFFEF7, lr;
	s5 =	simm.s32 $0xFFFFFFFF;
	p2 =	slt.u32 s8, $0xFFFFF086  }
0x1c: {  	p1 =	slt.u32 s9, $0xF7A;
	s5 =	simm.s32 @!p2 $0x0  }
0x1d: {  	s5 =	simm.s32 @p1 $0x1;
	p0 =	seq.s32 s7, s2  }
0x1e: {  	s7 =	smul.u32 @!p0 $0xF7A, s2;
	p2 =	seq.s32 @!p0 s5, $0x0  }
0x1f: {  	s9 =	smul.u32 $0xF7A, s1;
	s8 =	simm.s32 @!p0 $0x1BF5;
	p2 =	por !p2, p0  }
0x20: {  	[sflag:s8] =	ssyncset.s32 @!p0 $0xFFFFF086;
	s6 =	sadd.s32 @!p0 s3, s7;
	s7 =	simm.s32 @!p0 $0x108  }
0x21: {  	s3 =	sadd.s32 s3, s9;
	s6 =	sadd.s32 @!p0 $0x88, s6;
	s7 =	simm.s32 @p2 $0x1082  }
0x22: {  	[simem:s7], [sflag:s8] =	dma.local @!p0 [hbm:s6], $0xF7A  }
0x23: {  	s9 =	sor.u32 $0xD0000000, s2;
	s6 =	simm.s32 $0x108;
	_ =	swait.ge @!p0 [sflag:s8], $0x0  }
0x24: {  	s3 =	sadd.s32 $0x88, s3;
	s6 =	simm.s32 @!p1 $0x1082;
	[sflag:s4] =	ssyncset.s32 $0xFFFFF086  }
0x25: {  	[simem:s6], [sflag:s4] =	dma.local [hbm:s3], $0xF7A  }
0x26: {  	[smem:$0x3F98] =	sst s1;
	(tag) =	ssettag s2;
	_ =	strace s9  }
0x27: {  	s1 =	sld [smem:$0x3FA8]  }
0x28: {  	s2 =	sld [smem:$0x3FA9]  }
0x29: {  	s4 =	sld [smem:$0x3FAB]  }
0x2a: {  	p0 =	seq.s32 s5, $0x0;
	s5 =	sld [smem:$0x3FAC]  }
0x2b: {  	s6 =	sld [smem:$0x3FAD]  }
0x2c: {  	s7 =	sld [smem:$0x3FAE]  }
0x2d: {  	s3 =	simm.s32 $0x108;
	s8 =	sld [smem:$0x3FAF]  }
0x2e: {  	s3 =	simm.s32 @!p0 $0x1082;
	s9 =	sld [smem:$0x3FB0]  }
0x2f: {  	lr =	sadd.s32 s0, s3;
	s0 =	sld [smem:$0x3FA7]  }
0x30: {  	s3 =	sld [smem:$0x3FAA]  }
0x31: {  	[smem:$0x3FB3] =	sst s10  }
0x32: {  	s10 =	sld [smem:$0x3FB1];
	_ =	sdelay $0x3  }
0x33: {  	p0 =	seq.s32 s10, $0x1;
	s10 =	sld [smem:$0x3FB3];
	_ =	sdelay $0x3  }
0x34: {  	[smem:$0x3FB3] =	sst s10  }
0x35: {  	s10 =	sld [smem:$0x3FB2];
	_ =	sdelay $0x3  }
0x36: {  	p1 =	seq.s32 s10, $0x1;
	s10 =	sld [smem:$0x3FB3];
	_ =	sdelay $0x3  }
0x37: {  	[smem:$0x3FB3] =	sst s10  }
0x38: {  	s10 =	sld [smem:$0x3FB4]  }
0x39: {  	_ = 	snop;
	(pc) =	sbr.ind lr, $3  }
0x3a: {  	_ = 	snop  }
0x3b: {  	_ = 	snop  }
0x3c: {  	p2 =	seq.s32 s10, $0x1;
	s10 =	sld [smem:$0x3FB3]  }
0x3d: {  	_ =	shalt  }
0x3e: {  	_ =	shalt  }
0x3f: {  	_ =	shalt  }
0x40: {  	_ =	shalt  }
0x41: {  	_ =	shalt  }
0x42: {  	_ =	shalt  }
0x43: {  	_ =	shalt  }
0x44: {  	_ =	shalt  }
0x45: {  	_ =	shalt  }
0x46: {  	_ =	shalt  }
0x47: {  	_ =	shalt  }
0x48: {  	_ =	shalt  }
0x49: {  	_ =	shalt  }
0x4a: {  	_ =	shalt  }
0x4b: {  	_ =	shalt  }
0x4c: {  	_ =	shalt  }
0x4d: {  	_ =	shalt  }
0x4e: {  	_ =	shalt  }
0x4f: {  	_ =	shalt  }
0x50: {  	_ =	shalt  }
0x51: {  	_ =	shalt  }
0x52: {  	_ =	shalt  }
0x53: {  	_ =	shalt  }
0x54: {  	_ =	shalt  }
0x55: {  	_ =	shalt  }
0x56: {  	_ =	shalt  }
0x57: {  	_ =	shalt  }
0x58: {  	_ =	shalt  }
0x59: {  	_ =	shalt  }
0x5a: {  	_ =	shalt  }
0x5b: {  	_ =	shalt  }
0x5c: {  	_ =	shalt  }
0x5d: {  	_ =	shalt  }
0x5e: {  	_ =	shalt  }
0x5f: {  	_ =	shalt  }
0x60: {  	_ =	shalt  }
0x61: {  	_ =	shalt  }
0x62: {  	_ =	shalt  }
0x63: {  	_ =	shalt  }
0x64: {  	_ =	shalt  }
0x65: {  	_ =	shalt  }
0x66: {  	_ =	shalt  }
0x67: {  	_ =	shalt  }
0x68: {  	_ =	shalt  }
0x69: {  	_ =	shalt  }
0x6a: {  	_ =	shalt  }
0x6b: {  	_ =	shalt  }
0x6c: {  	_ =	shalt  }
0x6d: {  	_ =	shalt  }
0x6e: {  	_ =	shalt  }
0x6f: {  	_ =	shalt  }
0x70: {  	_ =	shalt  }
0x71: {  	_ =	shalt  }
0x72: {  	_ =	shalt  }
0x73: {  	_ =	shalt  }
0x74: {  	_ =	shalt  }
0x75: {  	_ =	shalt  }
0x76: {  	_ =	shalt  }
0x77: {  	_ =	shalt  }
0x78: {  	_ =	shalt  }
0x79: {  	_ =	shalt  }
0x7a: {  	_ =	shalt  }
0x7b: {  	_ =	shalt  }
0x7c: {  	_ =	shalt  }
0x7d: {  	_ =	shalt  }
0x7e: {  	_ =	shalt  }
0x7f: {  	_ =	shalt  }
0x80: {  	_ =	shalt  }
0x81: {  	_ =	shalt  }
0x82: {  	_ =	shalt  }
0x83: {  	_ =	shalt  }
0x84: {  	_ =	shalt  }
0x85: {  	_ =	shalt  }
0x86: {  	_ =	shalt  }
0x87: {  	_ =	shalt  }
.Lfunc_end0:
.L_simem_size_0:
called_computation.1_lowered:
.L_overlay_start_0:
0x88: {  	s2 =	sld [smem:$0x3FD9]  }
0x89: {  	s3 =	sld [smem:$0x3FFE];
	_ =	sdelay $0x1  }
0x8a: {  	s1 =	srdreg.scid  }
0x8b: {  	s0 =	sand.u32 $0x1, s1  }
0x8c: {  	s17 =	sshll.u32 s0, $0xA;
	s2 =	sadd.s32 s3, s2  }
0x8d: {  	s2 =	sadd.s32 s2, s17  }
0x8e: {  	[smem:$0x3FBF] =	sst s2  }
0x8f: {  	_ = 	snop  }
0x90: {  	s18 =	sld [smem:$0x3FD0];
	(tm) =	ssettm $0x1  }
0x91: {  	s19 =	sld [smem:$0x3FFB];
	_ =	sdelay $0x3  }
0x92: {  	_ =	strace s19  }
0x93: {  	s2 =	sld [smem:$0x3FFC];
	_ =	sdelay $0x3  }
0x94: {  	_ =	strace s2  }
0x95: {  	s2 =	sld [smem:$0x3FFD];
	_ =	sdelay $0x3  }
0x96: {  	_ =	strace s2  }
0x97: {  	_ =	strace $0x8FFFFFFF  }
0x98: {  	s20 =	sld [smem:$0x3FDB];
	_ =	sdelay $0x1  }
0x99: {  	s4 =	simm.s32 $_scs_section_size  }
0x9a: {  	s5 =	simm.s32 $_size__tile_overlayer_lowered;
	s6 =	simm.s32 $_tile_overlayer_lowered  }
0x9b: {  	s7 =	simm.s32 $0x1BFF;
	s21 =	sshll.u32 s6, $0x1;
	s4 =	sadd.s32 s4, s20  }
0x9c: {  	s22 =	simm.s32 $0x0;
	s5 =	sshll.u32 s5, $0x1;
	s6 =	sadd.s32 s21, s4  }
0x9d: {  	[timem:s22], [sflag:s7] =	dma.local [hbm:s6], s5  }
0x9e: {  	_ =	swait.ge [sflag:s7], s5  }
0x9f: {  	s5 =	ssub.s32 $0x0, s5;
	[sflag:s7] =	ssyncset.done $0x0  }
0xa0: {  	[sflag:s7] =	ssyncadd.s32 s5;
	_ =	sdelay $0x1  }
0xa1: {  	s23 =	simm.s32 $0x1B8B  }
0xa2: {  	_ =	swait.ge [sflag:s23], $0x1  }
0xa3: {  	[sflag:s23] =	ssyncset.done $0x0  }
0xa4: {  	[sflag:s23] =	ssyncadd.s32 $0xFFFFFFFF  }
0xa5: {  	s5 =	sld [smem:$0x0]  }
0xa6: {  	s6 =	sand.u32 $0xFFFFFFFE, s1  }
0xa7: {  	p0 =	sne.s32 s1, s6  }
0xa8: {  	s6 =	sshll.u32 @p0 s6, $0xE  }
0xa9: {  	s6 =	sadd.s32 @p0 $0x11B8D, s6;
	s7 =	sshll.u32 @p0 s5, $0x11  }
0xaa: {  	s6 =	sor.u32 @p0 s7, s6  }
0xab: {  	[sflag:s6] =	ssyncadd.remote.s32 @p0 $0x1;
	_ =	sdelay $0x1  }
0xac: {  	s6 =	simm.s32 @p0 $0x1B8D  }
0xad: {  	_ =	swait.eq @p0 [sflag:s6], $0x1  }
0xae: {  	[sflag:s6] =	ssyncadd.s32 @p0 $0xFFFFFFFF  }
0xaf: {  	s7 =	sshll.u32 @!p0 s1, $0xE  }
0xb0: {  	s7 =	sor.u32 @!p0 $0x4000, s7;
	s6 =	simm.s32 @!p0 $0x1B8D  }
0xb1: {  	s5 =	sshll.u32 @!p0 s5, $0x11;
	s7 =	sadd.s32 @!p0 $0x11B8D, s7;
	_ =	swait.eq @!p0 [sflag:s6], $0x1  }
0xb2: {  	s5 =	sor.u32 @!p0 s5, s7;
	[sflag:s6] =	ssyncadd.s32 @!p0 $0xFFFFFFFF  }
0xb3: {  	s25 =	simm.s32 $0x1B8E;
	s24 =	sld [smem:$0x3FFE];
	[sflag:s5] =	ssyncadd.remote.s32 @!p0 $0x1  }
0xb4: {  	s26 =	simm.s32 $execute0_lowered;
	[smem:$0x3FD2] =	sst s25  }
0xb5: {  	s6 =	sshll.u32 s26, $0x1;
	_ =	strace $0x8000004F;
	[dreg:$0x1] =	wrdreg $0xFFFFFFFF  }
0xb6: {  	s28 =	simm.s32 $_size_execute0_lowered;
	s4 =	sadd.s32 s4, s6;
	[dreg:$0x0] =	wrdreg $0x0  }
0xb7: {  	s6 =	sshll.u32 s28, $0x1;
	[dreg:$0x2] =	wrdreg s4  }
0xb8: {  	[dreg:$0x3] =	wrdreg s6  }
0xb9: {  	[dreg:$0x4] =	wrdreg $0xC0  }
0xba: {  	_ =	task [dreg:s22], $0x5FFFF  }
0xbb: {  	[dreg:$0x1] =	wrdreg $0xFFFFFFFF  }
0xbc: {  	[dreg:$0x0] =	wrdreg $0x60  }
0xbd: {  	[dreg:$0x2] =	wrdreg s24  }
0xbe: {  	[dreg:$0x3] =	wrdreg s18  }
0xbf: {  	[dreg:$0x4] =	wrdreg $0x40800  }
0xc0: {  	[dreg:$0x5] =	wrdreg $0xA  }
0xc1: {  	_ =	task.clear_ibuf [dreg:s22], $0x6FFFF;
	_ =	strace $0x9000004F  }
0xc2: {  	s29 =	simm.s32 $0xA;
	_ =	strace $0x80000051  }
0xc3: {  	_ =	swait.ge [sflag:s29], $0x1  }
0xc4: {  	[sflag:s29] =	ssyncadd.s32 $0xFFFFFFFF  }
0xc5: {  	_ =	strace $0x90000051  }
0xc6: {  	_ =	sfence  }
0xc7: {  	s30 =	sld [smem:$0x0];
	_ =	sdelay $0x2  }
0xc8: {  	s31 =	sshll.u32 s1, $0xD;
	s1 =	sshrl.u32 s1, $0x2  }
0xc9: {  	s4 =	sand.u32 $0x4000, s31;
	s1 =	sadd.s32 s1, s30  }
0xca: {  	s0 =	sor.u32 s4, s0;
	s1 =	sshll.u32 s1, $0x11  }
0xcb: {  	s0 =	sor.u32 s1, s0  }
0xcc: {  	s0 =	sadd.s32 $0x8F2B, s0  }
0xcd: {  	[sflag:s0] =	ssyncadd.remote.s32 $0x1  }
0xce: {  	_ =	sfence.sel $0xFFFF  }
0xcf: {  	[dreg:$0x0] =	wrdreg $0xFFFFFFFF;
	(pc) =	sbr.abs _section_cstart, $3  }
0xd0: {  	[dreg:$0x1] =	wrdreg $0xFFFFFFFF  }
0xd1: {  	_ =	task.clear_ibuf [dreg:s22], $0x2FFFF;
	_ =	strace $0x9FFFFFFF  }
0xd2: {  	(tm) =	ssettm $0x7FFFFFFF  }
0xd3: {  	_ =	shalt  }
tec
execute0_lowered:
.L_overlay_start_1:
0x0: {  	(tag) =	ssettag $0x1  }
0x1: {  	s12 =	rddreg [dreg:$0x0]  }
0x2: {  	s1 =	rddreg [dreg:$0x1]  }
0x3: {  	s4 =	rddreg [dreg:$0x2]  }
0x4: {  	s0 =	rddreg [dreg:$0x3];
	s3 =	simm.s32 $0x0;
	s5 =	srdreg.scid  }
0x5: {  	s2 =	stileid.u32;
	[smem:$0x7FF] =	sst s3;
	s13 =	sadd.s32 $0xE2E00, s12  }
0x6: {  	s15 =	sand.u32 $0x1, s5;
	s14 =	sshrl.u32 s2, $0x1;
	s16 =	sand.u32 $0x1, s2  }
0x7: {  	s6 =	sshll.u32 s2, $0x6;
	_ =	strace $0x80000050;
	s23 =	sshll.u32 s14, $0x11  }
0x8: {  	s17 =	sshll.u32 s15, $0x3;
	s24 =	sshll.u32 s16, $0x10;
	s4 =	sadd.s32 s23, s4  }
0x9: {  	s5 =	sor.u32 $0x1C01, s6;
	s19 =	sshll.u32 s16, $0xB;
	s7 =	sadd.s32 s24, s4  }
0xa: {  	s18 =	sor.u32 s14, s17;
	s6 =	sshrl.u32 s7, $0x3;
	s7 =	simm.s32 $0x1  }
0xb: {  	[spmem:s6], [sflag:s5] =	dma.local [hbm:s1], $0x2000  }
0xc: {  	s9 =	sshll.u32 s15, $0xB;
	s8 =	sshll.u32 s18, $0xC;
	_ =	swait.ge [sflag:s7], $0x2000  }
0xd: {  	s20 =	sshll.u32 s14, $0x7;
	s8 =	sadd.s32 s13, s8;
	[sflag:s7] =	ssyncset.done $0x0  }
0xe: {  	s9 =	sor.u32 s9, s20;
	s8 =	sadd.s32 s19, s8;
	[sflag:s7] =	ssyncadd.s32 $0xFFFFE000  }
0xf: {  	[tilespmem:s3], [sflag:$0x1] =	stream.linear.gather [hbm4b:s8+s3], $0x4000, $0x38;
	[tilespmem:$0x14080] =	vst v63  }
0x10: {  	s21 =	sadd.s32 $0x3A00, s12;
	s9 =	sshrl.u32 s9, $0x3;
	_ =	swait.ge [sflag:s7], $0x4000  }
0x11: {  	s22 =	sshll.u32 s16, $0x7;
	s9 =	sadd.s32 s21, s9;
	[sflag:s7] =	ssyncset.done $0x0  }
0x12: {  	s10 =	simm.s32 $0x4000;
	s9 =	sadd.s32 s22, s9;
	[sflag:s7] =	ssyncadd.s32 $0xFFFFC000  }
0x13: {  	[tilespmem:s10], [sflag:$0x1] =	stream.linear.gather [hbm4b:s9+s3], $0x80, $0x38;
	[tilespmem:$0x14080] =	vst v63  }
0x14: {  	_ =	swait.ge [sflag:s7], $0x80  }
0x15: {  	[sflag:s7] =	ssyncset.done $0x0  }
0x16: {  	[sflag:s7] =	ssyncadd.s32 $0xFFFFFF80  }
0x17: {  	s11 =	simm.s32 $0x80;
	[bflag:$0x0] =	sbarrier.arrive $0xFFFF  }
0x18: {  	[spmem:s4] =	stream.indirect.scatter.add.f32 [tilespmem:s3], [sflag:$0x1], $0x80, s10, s11, $0xb8;
	[tilespmem:$0x14080] =	vst v63  }
0x19: {  	_ =	swait.ge [sflag:s7], $0x4000  }
0x1a: {  	s23 =	sadd.s32 $0x282E00, s12;
	s25 =	sshll.u32 s18, $0xE;
	[sflag:s7] =	ssyncset.done $0x0  }
0x1b: {  	s16 =	sshll.u32 s16, $0xD;
	s12 =	sadd.s32 s23, s25;
	[sflag:s7] =	ssyncadd.s32 $0xFFFFC000  }
0x1c: {  	s12 =	sadd.s32 s16, s12;
	[bflag:$0x0] =	sbarrier.arrive $0xFFFF  }
0x1d: {  	[hbm:s12], [sflag:s5] =	dma.local [spmem:s6], $0x2000  }
0x1e: {  	_ =	swait.ge [sflag:s7], $0x2000  }
0x1f: {  	[sflag:s7] =	ssyncset.done $0x0  }
0x20: {  	s17 =	sor.u32 $0x10, s17;
	[sflag:s7] =	ssyncadd.s32 $0xFFFFE000  }
0x21: {  	s26 =	sor.u32 s14, s17;
	[bflag:$0x0] =	sbarrier.arrive $0xFFFF  }
0x22: {  	[spmem:s6], [sflag:s5] =	dma.local [hbm:s1], $0x2000  }
0x23: {  	s14 =	sshll.u32 s26, $0xC;
	_ =	swait.ge [sflag:s7], $0x2000  }
0x24: {  	s28 =	sshll.u32 s17, $0x8;
	s13 =	sadd.s32 s13, s14;
	[sflag:s7] =	ssyncset.done $0x0  }
0x25: {  	s14 =	sor.u32 s20, s28;
	s13 =	sadd.s32 s19, s13;
	[sflag:s7] =	ssyncadd.s32 $0xFFFFE000  }
0x26: {  	[tilespmem:s3], [sflag:$0x1] =	stream.linear.gather [hbm4b:s13+s3], $0x4000, $0x38;
	[tilespmem:$0x14080] =	vst v63  }
0x27: {  	s14 =	sshrl.u32 s14, $0x3;
	_ =	swait.ge [sflag:s7], $0x4000  }
0x28: {  	s14 =	sadd.s32 s21, s14;
	[sflag:s7] =	ssyncset.done $0x0  }
0x29: {  	s14 =	sadd.s32 s22, s14;
	[sflag:s7] =	ssyncadd.s32 $0xFFFFC000  }
0x2a: {  	[tilespmem:s10], [sflag:$0x1] =	stream.linear.gather [hbm4b:s14+s3], $0x80, $0x38;
	[tilespmem:$0x14080] =	vst v63  }
0x2b: {  	_ =	swait.ge [sflag:s7], $0x80  }
0x2c: {  	[sflag:s7] =	ssyncset.done $0x0  }
0x2d: {  	s15 =	ssub.s32 $0x2, s15;
	[sflag:s7] =	ssyncadd.s32 $0xFFFFFF80  }
0x2e: {  	s30 =	sshrl.u32 s15, $0x1;
	[bflag:$0x0] =	sbarrier.arrive $0xFFFF  }
0x2f: {  	[spmem:s4] =	stream.indirect.scatter.add.f32 [tilespmem:s3], [sflag:$0x1], $0x80, s10, s11, $0xb8;
	[tilespmem:$0x14080] =	vst v63  }
0x30: {  	s18 =	ssub.s32 s15, s30;
	_ =	swait.ge [sflag:s7], $0x4000  }
0x31: {  	s29 =	sshll.u32 s26, $0xE;
	s31 =	smax.u32 s18, $0x1;
	[sflag:s7] =	ssyncset.done $0x0  }
0x32: {  	s17 =	sadd.s32 s23, s29;
	p0 =	sne.s32 s31, $0x1;
	[sflag:s7] =	ssyncadd.s32 $0xFFFFC000  }
.Ltmp0:
0x33: {  	s15 =	sadd.s32 s16, s17;
	[bflag:$0x0] =	sbarrier.arrive $0xFFFF;
	(pc) =	sbr.rel @!p0 .LBB2_2-.Ltmp0, $4  }
0x34: {  	[hbm:s15], [sflag:s5] =	dma.local [spmem:s6], $0x2000  }
0x35: {  	_ =	swait.ge [sflag:s7], $0x2000  }
0x36: {  	[sflag:s7] =	ssyncset.done $0x0  }
0x37: {  	s16 =	sadd.s32 $0xFFFFFFFF, s31;
	[sflag:s7] =	ssyncadd.s32 $0xFFFFE000  }
.LBB2_1:
0x38: {  	p0 =	sne.s32 s16, $0x1;
	s16 =	sadd.s32 $0xFFFFFFFF, s16;
	[bflag:$0x0] =	sbarrier.arrive $0xFFFF  }
0x39: {  	[spmem:s6], [sflag:s5] =	dma.local [hbm:s1], $0x2000  }
0x3a: {  	_ =	swait.ge [sflag:s7], $0x2000  }
0x3b: {  	[sflag:s7] =	ssyncset.done $0x0  }
0x3c: {  	[sflag:s7] =	ssyncadd.s32 $0xFFFFE000  }
0x3d: {  	[tilespmem:s3], [sflag:$0x1] =	stream.linear.gather [hbm4b:s8+s3], $0x4000, $0x38;
	[tilespmem:$0x14080] =	vst v63  }
0x3e: {  	_ =	swait.ge [sflag:s7], $0x4000  }
0x3f: {  	[sflag:s7] =	ssyncset.done $0x0  }
0x40: {  	[sflag:s7] =	ssyncadd.s32 $0xFFFFC000  }
0x41: {  	[tilespmem:s10], [sflag:$0x1] =	stream.linear.gather [hbm4b:s9+s3], $0x80, $0x38;
	[tilespmem:$0x14080] =	vst v63  }
0x42: {  	_ =	swait.ge [sflag:s7], $0x80  }
0x43: {  	[sflag:s7] =	ssyncset.done $0x0  }
0x44: {  	[sflag:s7] =	ssyncadd.s32 $0xFFFFFF80  }
0x45: {  	[bflag:$0x0] =	sbarrier.arrive $0xFFFF  }
0x46: {  	[spmem:s4] =	stream.indirect.scatter.add.f32 [tilespmem:s3], [sflag:$0x1], $0x80, s10, s11, $0xb8;
	[tilespmem:$0x14080] =	vst v63  }
0x47: {  	_ =	swait.ge [sflag:s7], $0x4000  }
0x48: {  	[sflag:s7] =	ssyncset.done $0x0  }
0x49: {  	[sflag:s7] =	ssyncadd.s32 $0xFFFFC000  }
0x4a: {  	[bflag:$0x0] =	sbarrier.arrive $0xFFFF  }
0x4b: {  	[hbm:s12], [sflag:s5] =	dma.local [spmem:s6], $0x2000  }
0x4c: {  	_ =	swait.ge [sflag:s7], $0x2000  }
0x4d: {  	[sflag:s7] =	ssyncset.done $0x0  }
0x4e: {  	[sflag:s7] =	ssyncadd.s32 $0xFFFFE000  }
0x4f: {  	[bflag:$0x0] =	sbarrier.arrive $0xFFFF  }
0x50: {  	[spmem:s6], [sflag:s5] =	dma.local [hbm:s1], $0x2000  }
0x51: {  	_ =	swait.ge [sflag:s7], $0x2000  }
0x52: {  	[sflag:s7] =	ssyncset.done $0x0  }
0x53: {  	[sflag:s7] =	ssyncadd.s32 $0xFFFFE000  }
0x54: {  	[tilespmem:s3], [sflag:$0x1] =	stream.linear.gather [hbm4b:s13+s3], $0x4000, $0x38;
	[tilespmem:$0x14080] =	vst v63  }
0x55: {  	_ =	swait.ge [sflag:s7], $0x4000  }
0x56: {  	[sflag:s7] =	ssyncset.done $0x0  }
0x57: {  	[sflag:s7] =	ssyncadd.s32 $0xFFFFC000  }
0x58: {  	[tilespmem:s10], [sflag:$0x1] =	stream.linear.gather [hbm4b:s14+s3], $0x80, $0x38;
	[tilespmem:$0x14080] =	vst v63  }
0x59: {  	_ =	swait.ge [sflag:s7], $0x80  }
0x5a: {  	[sflag:s7] =	ssyncset.done $0x0  }
0x5b: {  	[sflag:s7] =	ssyncadd.s32 $0xFFFFFF80  }
0x5c: {  	[bflag:$0x0] =	sbarrier.arrive $0xFFFF  }
0x5d: {  	[spmem:s4] =	stream.indirect.scatter.add.f32 [tilespmem:s3], [sflag:$0x1], $0x80, s10, s11, $0xb8;
	[tilespmem:$0x14080] =	vst v63  }
0x5e: {  	_ =	swait.ge [sflag:s7], $0x4000  }
0x5f: {  	[sflag:s7] =	ssyncset.done $0x0  }
0x60: {  	[sflag:s7] =	ssyncadd.s32 $0xFFFFC000  }
.Ltmp1:
0x61: {  	[bflag:$0x0] =	sbarrier.arrive $0xFFFF;
	(pc) =	sbr.rel @p0 .LBB2_1-.Ltmp1, $4  }
0x62: {  	[hbm:s15], [sflag:s5] =	dma.local [spmem:s6], $0x2000  }
0x63: {  	_ =	swait.ge [sflag:s7], $0x2000  }
0x64: {  	[sflag:s7] =	ssyncset.done $0x0  }
0x65: {  	[sflag:s7] =	ssyncadd.s32 $0xFFFFE000  }
.LBB2_2:
0x66: {  	[bflag:$0x0] =	sbarrier.arrive $0xFFFF  }
0x67: {  	_ =	sfence.sel $0x180000  }
0x68: {  	[bflag:$0x0] =	sbarrier.arrive $0xFFFF  }
0x69: {  	p0 =	sne.s32 s2, $0x0;
	_ =	strace $0x90000050  }
0x6a: {  	s0 =	sadd.s32 @!p0 $0x100000, s0;
	[bflag:$0x2] =	sbarrier.arrive $0xFFFF  }
0x6b: {  	[sflag:s0] =	ssyncadd.tile.s32 @!p0 $0x1;
	_ =	shalt  }
.Lfunc_end2:
_tile_overlayer_lowered:
.L_overlay_start_2:
0x6c: {  	(tag) =	ssettag $0x2  }
0x6d: {  	s0 =	rddreg [dreg:$0x0];
	s2 =	stileid.u32  }
0x6e: {  	s1 =	rddreg [dreg:$0x1];
	p0 =	sne.s32 s2, $0x0  }
0x6f: {  	s3 =	rddreg [dreg:$0x2];
	[bflag:$0x3] =	sbarrier.arrive $0xFFFF;
	s2 =	simm.s32 @!p0 $0x1C01  }
0x70: {  	[timem:s3], [sflag:s2] =	dma.local @!p0 [hbm:s0], s1  }
0x71: {  	s0 =	simm.s32 @!p0 $0x1  }
0x72: {  	_ =	swait.ge @!p0 [sflag:s0], s1  }
0x73: {  	s1 =	ssub.s32 @!p0 $0x0, s1;
	[sflag:s0] =	ssyncset.done @!p0 $0x0  }
0x74: {  	[sflag:s0] =	ssyncadd.s32 @!p0 s1  }
0x75: {  	[bflag:$0x3] =	sbarrier.arrive $0xFFFF  }
0x76: {  	_ =	shalt  }

// kernel: kernel.17.cloned.1.call-start
scs
__scs_entry_jumppad:
0x0: {  	(pc) =	sbr.rel $0x88, $3  }
0x1: {  	(tag) =	ssettag $0x0;
	lr =	simm.s32 $0x1  }
0x2: {  	[smem:$0x3F98] =	sst lr;
	_ =	strace $0xD0000000  }
0x3: {  	_ = 	snop  }
0x4: {  	_ = 	snop  }
0x5: {  	_ = 	snop  }
0x6: {  	_ = 	snop  }
0x7: {  	_ = 	snop  }
__scs_overlays_trampoline_lowered:
0x8: {  	[smem:$0x3FA7] =	sst s0  }
0x9: {  	[smem:$0x3FA8] =	sst s1  }
0xa: {  	[smem:$0x3FA9] =	sst s2  }
0xb: {  	[smem:$0x3FAA] =	sst s3  }
0xc: {  	[smem:$0x3FAB] =	sst s4  }
0xd: {  	[smem:$0x3FAC] =	sst s5  }
0xe: {  	[smem:$0x3FAD] =	sst s6  }
0xf: {  	[smem:$0x3FAE] =	sst s7  }
0x10: {  	[smem:$0x3FAF] =	sst s8  }
0x11: {  	[smem:$0x3FB0] =	sst s9;
	s0 =	simm.s32 @!p0 $0x0  }
0x12: {  	s1 =	sld [smem:$0x3F96];
	s0 =	simm.s32 @p0 $0x1  }
0x13: {  	[smem:$0x3FB1] =	sst s0;
	s0 =	simm.s32 @!p1 $0x0  }
0x14: {  	s2 =	sld [smem:$0x3F95];
	s0 =	simm.s32 @p1 $0x1  }
0x15: {  	[smem:$0x3FB2] =	sst s0;
	s0 =	simm.s32 @!p2 $0x0  }
0x16: {  	s3 =	sld [smem:$0x3FDB];
	s0 =	simm.s32 @p2 $0x1  }
0x17: {  	s4 =	simm.s32 $0x1BF5;
	[smem:$0x3FB4] =	sst s0  }
0x18: {  	s0 =	sld [smem:$0x3F97];
	_ =	swait.ge [sflag:s4], $0x0  }
0x19: {  	s7 =	sld [smem:$0x3F98]  }
0x1a: {  	s8 =	sadd.s32 $0xFFFFE003, lr  }
0x1b: {  	s9 =	sadd.s32 $0xFFFFFEF7, lr;
	s5 =	simm.s32 $0xFFFFFFFF;
	p2 =	slt.u32 s8, $0xFFFFF086  }
0x1c: {  	p1 =	slt.u32 s9, $0xF7A;
	s5 =	simm.s32 @!p2 $0x0  }
0x1d: {  	s5 =	simm.s32 @p1 $0x1;
	p0 =	seq.s32 s7, s2  }
0x1e: {  	s7 =	smul.u32 @!p0 $0xF7A, s2;
	p2 =	seq.s32 @!p0 s5, $0x0  }
0x1f: {  	s9 =	smul.u32 $0xF7A, s1;
	s8 =	simm.s32 @!p0 $0x1BF5;
	p2 =	por !p2, p0  }
0x20: {  	[sflag:s8] =	ssyncset.s32 @!p0 $0xFFFFF086;
	s6 =	sadd.s32 @!p0 s3, s7;
	s7 =	simm.s32 @!p0 $0x108  }
0x21: {  	s3 =	sadd.s32 s3, s9;
	s6 =	sadd.s32 @!p0 $0x88, s6;
	s7 =	simm.s32 @p2 $0x1082  }
0x22: {  	[simem:s7], [sflag:s8] =	dma.local @!p0 [hbm:s6], $0xF7A  }
0x23: {  	s9 =	sor.u32 $0xD0000000, s2;
	s6 =	simm.s32 $0x108;
	_ =	swait.ge @!p0 [sflag:s8], $0x0  }
0x24: {  	s3 =	sadd.s32 $0x88, s3;
	s6 =	simm.s32 @!p1 $0x1082;
	[sflag:s4] =	ssyncset.s32 $0xFFFFF086  }
0x25: {  	[simem:s6], [sflag:s4] =	dma.local [hbm:s3], $0xF7A  }
0x26: {  	[smem:$0x3F98] =	sst s1;
	(tag) =	ssettag s2;
	_ =	strace s9  }
0x27: {  	s1 =	sld [smem:$0x3FA8]  }
0x28: {  	s2 =	sld [smem:$0x3FA9]  }
0x29: {  	s4 =	sld [smem:$0x3FAB]  }
0x2a: {  	p0 =	seq.s32 s5, $0x0;
	s5 =	sld [smem:$0x3FAC]  }
0x2b: {  	s6 =	sld [smem:$0x3FAD]  }
0x2c: {  	s7 =	sld [smem:$0x3FAE]  }
0x2d: {  	s3 =	simm.s32 $0x108;
	s8 =	sld [smem:$0x3FAF]  }
0x2e: {  	s3 =	simm.s32 @!p0 $0x1082;
	s9 =	sld [smem:$0x3FB0]  }
0x2f: {  	lr =	sadd.s32 s0, s3;
	s0 =	sld [smem:$0x3FA7]  }
0x30: {  	s3 =	sld [smem:$0x3FAA]  }
0x31: {  	[smem:$0x3FB3] =	sst s10  }
0x32: {  	s10 =	sld [smem:$0x3FB1];
	_ =	sdelay $0x3  }
0x33: {  	p0 =	seq.s32 s10, $0x1;
	s10 =	sld [smem:$0x3FB3];
	_ =	sdelay $0x3  }
0x34: {  	[smem:$0x3FB3] =	sst s10  }
0x35: {  	s10 =	sld [smem:$0x3FB2];
	_ =	sdelay $0x3  }
0x36: {  	p1 =	seq.s32 s10, $0x1;
	s10 =	sld [smem:$0x3FB3];
	_ =	sdelay $0x3  }
0x37: {  	[smem:$0x3FB3] =	sst s10  }
0x38: {  	s10 =	sld [smem:$0x3FB4]  }
0x39: {  	_ = 	snop;
	(pc) =	sbr.ind lr, $3  }
0x3a: {  	_ = 	snop  }
0x3b: {  	_ = 	snop  }
0x3c: {  	p2 =	seq.s32 s10, $0x1;
	s10 =	sld [smem:$0x3FB3]  }
0x3d: {  	_ =	shalt  }
0x3e: {  	_ =	shalt  }
0x3f: {  	_ =	shalt  }
0x40: {  	_ =	shalt  }
0x41: {  	_ =	shalt  }
0x42: {  	_ =	shalt  }
0x43: {  	_ =	shalt  }
0x44: {  	_ =	shalt  }
0x45: {  	_ =	shalt  }
0x46: {  	_ =	shalt  }
0x47: {  	_ =	shalt  }
0x48: {  	_ =	shalt  }
0x49: {  	_ =	shalt  }
0x4a: {  	_ =	shalt  }
0x4b: {  	_ =	shalt  }
0x4c: {  	_ =	shalt  }
0x4d: {  	_ =	shalt  }
0x4e: {  	_ =	shalt  }
0x4f: {  	_ =	shalt  }
0x50: {  	_ =	shalt  }
0x51: {  	_ =	shalt  }
0x52: {  	_ =	shalt  }
0x53: {  	_ =	shalt  }
0x54: {  	_ =	shalt  }
0x55: {  	_ =	shalt  }
0x56: {  	_ =	shalt  }
0x57: {  	_ =	shalt  }
0x58: {  	_ =	shalt  }
0x59: {  	_ =	shalt  }
0x5a: {  	_ =	shalt  }
0x5b: {  	_ =	shalt  }
0x5c: {  	_ =	shalt  }
0x5d: {  	_ =	shalt  }
0x5e: {  	_ =	shalt  }
0x5f: {  	_ =	shalt  }
0x60: {  	_ =	shalt  }
0x61: {  	_ =	shalt  }
0x62: {  	_ =	shalt  }
0x63: {  	_ =	shalt  }
0x64: {  	_ =	shalt  }
0x65: {  	_ =	shalt  }
0x66: {  	_ =	shalt  }
0x67: {  	_ =	shalt  }
0x68: {  	_ =	shalt  }
0x69: {  	_ =	shalt  }
0x6a: {  	_ =	shalt  }
0x6b: {  	_ =	shalt  }
0x6c: {  	_ =	shalt  }
0x6d: {  	_ =	shalt  }
0x6e: {  	_ =	shalt  }
0x6f: {  	_ =	shalt  }
0x70: {  	_ =	shalt  }
0x71: {  	_ =	shalt  }
0x72: {  	_ =	shalt  }
0x73: {  	_ =	shalt  }
0x74: {  	_ =	shalt  }
0x75: {  	_ =	shalt  }
0x76: {  	_ =	shalt  }
0x77: {  	_ =	shalt  }
0x78: {  	_ =	shalt  }
0x79: {  	_ =	shalt  }
0x7a: {  	_ =	shalt  }
0x7b: {  	_ =	shalt  }
0x7c: {  	_ =	shalt  }
0x7d: {  	_ =	shalt  }
0x7e: {  	_ =	shalt  }
0x7f: {  	_ =	shalt  }
0x80: {  	_ =	shalt  }
0x81: {  	_ =	shalt  }
0x82: {  	_ =	shalt  }
0x83: {  	_ =	shalt  }
0x84: {  	_ =	shalt  }
0x85: {  	_ =	shalt  }
0x86: {  	_ =	shalt  }
0x87: {  	_ =	shalt  }
.Lfunc_end0:
.L_simem_size_0:
called_computation.2_lowered:
.L_overlay_start_0:
0x88: {  	s2 =	sld [smem:$0x3FD9]  }
0x89: {  	s3 =	sld [smem:$0x3FFE];
	_ =	sdelay $0x1  }
0x8a: {  	s1 =	srdreg.scid  }
0x8b: {  	s0 =	sand.u32 $0x1, s1  }
0x8c: {  	s17 =	sshll.u32 s0, $0xA;
	s2 =	sadd.s32 s3, s2  }
0x8d: {  	s2 =	sadd.s32 s2, s17  }
0x8e: {  	[smem:$0x3FBF] =	sst s2  }
0x8f: {  	_ = 	snop  }
0x90: {  	s18 =	sld [smem:$0x3FD0];
	(tm) =	ssettm $0x1  }
0x91: {  	s19 =	sld [smem:$0x3FFB];
	_ =	sdelay $0x3  }
0x92: {  	_ =	strace s19  }
0x93: {  	s2 =	sld [smem:$0x3FFC];
	_ =	sdelay $0x3  }
0x94: {  	_ =	strace s2  }
0x95: {  	s2 =	sld [smem:$0x3FFD];
	_ =	sdelay $0x3  }
0x96: {  	_ =	strace s2  }
0x97: {  	_ =	strace $0x8FFFFFFF  }
0x98: {  	s20 =	sld [smem:$0x3FDB];
	_ =	sdelay $0x1  }
0x99: {  	s4 =	simm.s32 $_scs_section_size  }
0x9a: {  	s5 =	simm.s32 $_size__tile_overlayer_lowered;
	s6 =	simm.s32 $_tile_overlayer_lowered  }
0x9b: {  	s7 =	simm.s32 $0x1BFF;
	s21 =	sshll.u32 s6, $0x1;
	s4 =	sadd.s32 s4, s20  }
0x9c: {  	s22 =	simm.s32 $0x0;
	s5 =	sshll.u32 s5, $0x1;
	s6 =	sadd.s32 s21, s4  }
0x9d: {  	[timem:s22], [sflag:s7] =	dma.local [hbm:s6], s5  }
0x9e: {  	_ =	swait.ge [sflag:s7], s5  }
0x9f: {  	s5 =	ssub.s32 $0x0, s5;
	[sflag:s7] =	ssyncset.done $0x0  }
0xa0: {  	[sflag:s7] =	ssyncadd.s32 s5;
	_ =	sdelay $0x1  }
0xa1: {  	s23 =	simm.s32 $0x1B8B  }
0xa2: {  	_ =	swait.ge [sflag:s23], $0x1  }
0xa3: {  	[sflag:s23] =	ssyncset.done $0x0  }
0xa4: {  	[sflag:s23] =	ssyncadd.s32 $0xFFFFFFFF  }
0xa5: {  	s5 =	sld [smem:$0x0]  }
0xa6: {  	s6 =	sand.u32 $0xFFFFFFFE, s1  }
0xa7: {  	p0 =	sne.s32 s1, s6  }
0xa8: {  	s6 =	sshll.u32 @p0 s6, $0xE  }
0xa9: {  	s6 =	sadd.s32 @p0 $0x11B8D, s6;
	s7 =	sshll.u32 @p0 s5, $0x11  }
0xaa: {  	s6 =	sor.u32 @p0 s7, s6  }
0xab: {  	[sflag:s6] =	ssyncadd.remote.s32 @p0 $0x1;
	_ =	sdelay $0x1  }
0xac: {  	s6 =	simm.s32 @p0 $0x1B8D  }
0xad: {  	_ =	swait.eq @p0 [sflag:s6], $0x1  }
0xae: {  	[sflag:s6] =	ssyncadd.s32 @p0 $0xFFFFFFFF  }
0xaf: {  	s7 =	sshll.u32 @!p0 s1, $0xE  }
0xb0: {  	s7 =	sor.u32 @!p0 $0x4000, s7;
	s6 =	simm.s32 @!p0 $0x1B8D  }
0xb1: {  	s5 =	sshll.u32 @!p0 s5, $0x11;
	s7 =	sadd.s32 @!p0 $0x11B8D, s7;
	_ =	swait.eq @!p0 [sflag:s6], $0x1  }
0xb2: {  	s5 =	sor.u32 @!p0 s5, s7;
	[sflag:s6] =	ssyncadd.s32 @!p0 $0xFFFFFFFF  }
0xb3: {  	s25 =	simm.s32 $0x1B8E;
	s24 =	sld [smem:$0x3FFE];
	[sflag:s5] =	ssyncadd.remote.s32 @!p0 $0x1  }
0xb4: {  	s26 =	simm.s32 $execute0_lowered;
	[smem:$0x3FD2] =	sst s25  }
0xb5: {  	s6 =	sshll.u32 s26, $0x1;
	_ =	strace $0x8000004C;
	[dreg:$0x1] =	wrdreg $0xFFFFFFFF  }
0xb6: {  	s28 =	simm.s32 $_size_execute0_lowered;
	s4 =	sadd.s32 s4, s6;
	[dreg:$0x0] =	wrdreg $0x0  }
0xb7: {  	s6 =	sshll.u32 s28, $0x1;
	[dreg:$0x2] =	wrdreg s4  }
0xb8: {  	[dreg:$0x3] =	wrdreg s6  }
0xb9: {  	[dreg:$0x4] =	wrdreg $0xC0  }
0xba: {  	_ =	task [dreg:s22], $0x5FFFF  }
0xbb: {  	[dreg:$0x1] =	wrdreg $0xFFFFFFFF  }
0xbc: {  	[dreg:$0x0] =	wrdreg $0x60  }
0xbd: {  	[dreg:$0x2] =	wrdreg s24  }
0xbe: {  	[dreg:$0x3] =	wrdreg s18  }
0xbf: {  	[dreg:$0x4] =	wrdreg $0x40800  }
0xc0: {  	[dreg:$0x5] =	wrdreg $0xB  }
0xc1: {  	_ =	task.clear_ibuf [dreg:s22], $0x6FFFF;
	_ =	strace $0x9000004C  }
0xc2: {  	s29 =	simm.s32 $0xB;
	_ =	strace $0x8000004E  }
0xc3: {  	_ =	swait.ge [sflag:s29], $0x1  }
0xc4: {  	[sflag:s29] =	ssyncadd.s32 $0xFFFFFFFF  }
0xc5: {  	_ =	strace $0x9000004E  }
0xc6: {  	_ =	sfence  }
0xc7: {  	s30 =	sld [smem:$0x0];
	_ =	sdelay $0x2  }
0xc8: {  	s31 =	sshll.u32 s1, $0xD;
	s1 =	sshrl.u32 s1, $0x2  }
0xc9: {  	s4 =	sand.u32 $0x4000, s31;
	s1 =	sadd.s32 s1, s30  }
0xca: {  	s0 =	sor.u32 s4, s0;
	s1 =	sshll.u32 s1, $0x11  }
0xcb: {  	s0 =	sor.u32 s1, s0  }
0xcc: {  	s0 =	sadd.s32 $0x8F2B, s0  }
0xcd: {  	[sflag:s0] =	ssyncadd.remote.s32 $0x1  }
0xce: {  	_ =	sfence.sel $0xFFFF  }
0xcf: {  	[dreg:$0x0] =	wrdreg $0xFFFFFFFF;
	(pc) =	sbr.abs _section_cstart, $3  }
0xd0: {  	[dreg:$0x1] =	wrdreg $0xFFFFFFFF  }
0xd1: {  	_ =	task.clear_ibuf [dreg:s22], $0x2FFFF;
	_ =	strace $0x9FFFFFFF  }
0xd2: {  	(tm) =	ssettm $0x7FFFFFFF  }
0xd3: {  	_ =	shalt  }
tec
execute0_lowered:
.L_overlay_start_1:
0x0: {  	(tag) =	ssettag $0x1  }
0x1: {  	s12 =	rddreg [dreg:$0x0]  }
0x2: {  	s1 =	rddreg [dreg:$0x1]  }
0x3: {  	s4 =	rddreg [dreg:$0x2]  }
0x4: {  	s0 =	rddreg [dreg:$0x3];
	s3 =	simm.s32 $0x0;
	s5 =	srdreg.scid  }
0x5: {  	s2 =	stileid.u32;
	[smem:$0x7FF] =	sst s3;
	s13 =	sadd.s32 $0xC2E00, s12  }
0x6: {  	s15 =	sand.u32 $0x1, s5;
	s14 =	sshrl.u32 s2, $0x1;
	s16 =	sand.u32 $0x1, s2  }
0x7: {  	s6 =	sshll.u32 s2, $0x6;
	_ =	strace $0x8000004D;
	s23 =	sshll.u32 s14, $0x11  }
0x8: {  	s17 =	sshll.u32 s15, $0x3;
	s24 =	sshll.u32 s16, $0x10;
	s4 =	sadd.s32 s23, s4  }
0x9: {  	s5 =	sor.u32 $0x1C01, s6;
	s19 =	sshll.u32 s16, $0xB;
	s7 =	sadd.s32 s24, s4  }
0xa: {  	s18 =	sor.u32 s14, s17;
	s6 =	sshrl.u32 s7, $0x3;
	s7 =	simm.s32 $0x1  }
0xb: {  	[spmem:s6], [sflag:s5] =	dma.local [hbm:s1], $0x2000  }
0xc: {  	s9 =	sshll.u32 s15, $0xB;
	s8 =	sshll.u32 s18, $0xC;
	_ =	swait.ge [sflag:s7], $0x2000  }
0xd: {  	s20 =	sshll.u32 s14, $0x7;
	s8 =	sadd.s32 s13, s8;
	[sflag:s7] =	ssyncset.done $0x0  }
0xe: {  	s9 =	sor.u32 s9, s20;
	s8 =	sadd.s32 s19, s8;
	[sflag:s7] =	ssyncadd.s32 $0xFFFFE000  }
0xf: {  	[tilespmem:s3], [sflag:$0x1] =	stream.linear.gather [hbm4b:s8+s3], $0x4000, $0x38;
	[tilespmem:$0x14080] =	vst v63  }
0x10: {  	s21 =	sadd.s32 $0x3600, s12;
	s9 =	sshrl.u32 s9, $0x3;
	_ =	swait.ge [sflag:s7], $0x4000  }
0x11: {  	s22 =	sshll.u32 s16, $0x7;
	s9 =	sadd.s32 s21, s9;
	[sflag:s7] =	ssyncset.done $0x0  }
0x12: {  	s10 =	simm.s32 $0x4000;
	s9 =	sadd.s32 s22, s9;
	[sflag:s7] =	ssyncadd.s32 $0xFFFFC000  }
0x13: {  	[tilespmem:s10], [sflag:$0x1] =	stream.linear.gather [hbm4b:s9+s3], $0x80, $0x38;
	[tilespmem:$0x14080] =	vst v63  }
0x14: {  	_ =	swait.ge [sflag:s7], $0x80  }
0x15: {  	[sflag:s7] =	ssyncset.done $0x0  }
0x16: {  	[sflag:s7] =	ssyncadd.s32 $0xFFFFFF80  }
0x17: {  	s11 =	simm.s32 $0x80;
	[bflag:$0x0] =	sbarrier.arrive $0xFFFF  }
0x18: {  	[spmem:s4] =	stream.indirect.scatter.add.f32 [tilespmem:s3], [sflag:$0x1], $0x80, s10, s11, $0xb8;
	[tilespmem:$0x14080] =	vst v63  }
0x19: {  	_ =	swait.ge [sflag:s7], $0x4000  }
0x1a: {  	s23 =	sadd.s32 $0x202E00, s12;
	s25 =	sshll.u32 s18, $0xE;
	[sflag:s7] =	ssyncset.done $0x0  }
0x1b: {  	s16 =	sshll.u32 s16, $0xD;
	s12 =	sadd.s32 s23, s25;
	[sflag:s7] =	ssyncadd.s32 $0xFFFFC000  }
0x1c: {  	s12 =	sadd.s32 s16, s12;
	[bflag:$0x0] =	sbarrier.arrive $0xFFFF  }
0x1d: {  	[hbm:s12], [sflag:s5] =	dma.local [spmem:s6], $0x2000  }
0x1e: {  	_ =	swait.ge [sflag:s7], $0x2000  }
0x1f: {  	[sflag:s7] =	ssyncset.done $0x0  }
0x20: {  	s17 =	sor.u32 $0x10, s17;
	[sflag:s7] =	ssyncadd.s32 $0xFFFFE000  }
0x21: {  	s26 =	sor.u32 s14, s17;
	[bflag:$0x0] =	sbarrier.arrive $0xFFFF  }
0x22: {  	[spmem:s6], [sflag:s5] =	dma.local [hbm:s1], $0x2000  }
0x23: {  	s14 =	sshll.u32 s26, $0xC;
	_ =	swait.ge [sflag:s7], $0x2000  }
0x24: {  	s28 =	sshll.u32 s17, $0x8;
	s13 =	sadd.s32 s13, s14;
	[sflag:s7] =	ssyncset.done $0x0  }
0x25: {  	s14 =	sor.u32 s20, s28;
	s13 =	sadd.s32 s19, s13;
	[sflag:s7] =	ssyncadd.s32 $0xFFFFE000  }
0x26: {  	[tilespmem:s3], [sflag:$0x1] =	stream.linear.gather [hbm4b:s13+s3], $0x4000, $0x38;
	[tilespmem:$0x14080] =	vst v63  }
0x27: {  	s14 =	sshrl.u32 s14, $0x3;
	_ =	swait.ge [sflag:s7], $0x4000  }
0x28: {  	s14 =	sadd.s32 s21, s14;
	[sflag:s7] =	ssyncset.done $0x0  }
0x29: {  	s14 =	sadd.s32 s22, s14;
	[sflag:s7] =	ssyncadd.s32 $0xFFFFC000  }
0x2a: {  	[tilespmem:s10], [sflag:$0x1] =	stream.linear.gather [hbm4b:s14+s3], $0x80, $0x38;
	[tilespmem:$0x14080] =	vst v63  }
0x2b: {  	_ =	swait.ge [sflag:s7], $0x80  }
0x2c: {  	[sflag:s7] =	ssyncset.done $0x0  }
0x2d: {  	s15 =	ssub.s32 $0x2, s15;
	[sflag:s7] =	ssyncadd.s32 $0xFFFFFF80  }
0x2e: {  	s30 =	sshrl.u32 s15, $0x1;
	[bflag:$0x0] =	sbarrier.arrive $0xFFFF  }
0x2f: {  	[spmem:s4] =	stream.indirect.scatter.add.f32 [tilespmem:s3], [sflag:$0x1], $0x80, s10, s11, $0xb8;
	[tilespmem:$0x14080] =	vst v63  }
0x30: {  	s18 =	ssub.s32 s15, s30;
	_ =	swait.ge [sflag:s7], $0x4000  }
0x31: {  	s29 =	sshll.u32 s26, $0xE;
	s31 =	smax.u32 s18, $0x1;
	[sflag:s7] =	ssyncset.done $0x0  }
0x32: {  	s17 =	sadd.s32 s23, s29;
	p0 =	sne.s32 s31, $0x1;
	[sflag:s7] =	ssyncadd.s32 $0xFFFFC000  }
.Ltmp0:
0x33: {  	s15 =	sadd.s32 s16, s17;
	[bflag:$0x0] =	sbarrier.arrive $0xFFFF;
	(pc) =	sbr.rel @!p0 .LBB2_2-.Ltmp0, $4  }
0x34: {  	[hbm:s15], [sflag:s5] =	dma.local [spmem:s6], $0x2000  }
0x35: {  	_ =	swait.ge [sflag:s7], $0x2000  }
0x36: {  	[sflag:s7] =	ssyncset.done $0x0  }
0x37: {  	s16 =	sadd.s32 $0xFFFFFFFF, s31;
	[sflag:s7] =	ssyncadd.s32 $0xFFFFE000  }
.LBB2_1:
0x38: {  	p0 =	sne.s32 s16, $0x1;
	s16 =	sadd.s32 $0xFFFFFFFF, s16;
	[bflag:$0x0] =	sbarrier.arrive $0xFFFF  }
0x39: {  	[spmem:s6], [sflag:s5] =	dma.local [hbm:s1], $0x2000  }
0x3a: {  	_ =	swait.ge [sflag:s7], $0x2000  }
0x3b: {  	[sflag:s7] =	ssyncset.done $0x0  }
0x3c: {  	[sflag:s7] =	ssyncadd.s32 $0xFFFFE000  }
0x3d: {  	[tilespmem:s3], [sflag:$0x1] =	stream.linear.gather [hbm4b:s8+s3], $0x4000, $0x38;
	[tilespmem:$0x14080] =	vst v63  }
0x3e: {  	_ =	swait.ge [sflag:s7], $0x4000  }
0x3f: {  	[sflag:s7] =	ssyncset.done $0x0  }
0x40: {  	[sflag:s7] =	ssyncadd.s32 $0xFFFFC000  }
0x41: {  	[tilespmem:s10], [sflag:$0x1] =	stream.linear.gather [hbm4b:s9+s3], $0x80, $0x38;
	[tilespmem:$0x14080] =	vst v63  }
0x42: {  	_ =	swait.ge [sflag:s7], $0x80  }
0x43: {  	[sflag:s7] =	ssyncset.done $0x0  }
0x44: {  	[sflag:s7] =	ssyncadd.s32 $0xFFFFFF80  }
0x45: {  	[bflag:$0x0] =	sbarrier.arrive $0xFFFF  }
0x46: {  	[spmem:s4] =	stream.indirect.scatter.add.f32 [tilespmem:s3], [sflag:$0x1], $0x80, s10, s11, $0xb8;
	[tilespmem:$0x14080] =	vst v63  }
0x47: {  	_ =	swait.ge [sflag:s7], $0x4000  }
0x48: {  	[sflag:s7] =	ssyncset.done $0x0  }
0x49: {  	[sflag:s7] =	ssyncadd.s32 $0xFFFFC000  }
0x4a: {  	[bflag:$0x0] =	sbarrier.arrive $0xFFFF  }
0x4b: {  	[hbm:s12], [sflag:s5] =	dma.local [spmem:s6], $0x2000  }
0x4c: {  	_ =	swait.ge [sflag:s7], $0x2000  }
0x4d: {  	[sflag:s7] =	ssyncset.done $0x0  }
0x4e: {  	[sflag:s7] =	ssyncadd.s32 $0xFFFFE000  }
0x4f: {  	[bflag:$0x0] =	sbarrier.arrive $0xFFFF  }
0x50: {  	[spmem:s6], [sflag:s5] =	dma.local [hbm:s1], $0x2000  }
0x51: {  	_ =	swait.ge [sflag:s7], $0x2000  }
0x52: {  	[sflag:s7] =	ssyncset.done $0x0  }
0x53: {  	[sflag:s7] =	ssyncadd.s32 $0xFFFFE000  }
0x54: {  	[tilespmem:s3], [sflag:$0x1] =	stream.linear.gather [hbm4b:s13+s3], $0x4000, $0x38;
	[tilespmem:$0x14080] =	vst v63  }
0x55: {  	_ =	swait.ge [sflag:s7], $0x4000  }
0x56: {  	[sflag:s7] =	ssyncset.done $0x0  }
0x57: {  	[sflag:s7] =	ssyncadd.s32 $0xFFFFC000  }
0x58: {  	[tilespmem:s10], [sflag:$0x1] =	stream.linear.gather [hbm4b:s14+s3], $0x80, $0x38;
	[tilespmem:$0x14080] =	vst v63  }
0x59: {  	_ =	swait.ge [sflag:s7], $0x80  }
0x5a: {  	[sflag:s7] =	ssyncset.done $0x0  }
0x5b: {  	[sflag:s7] =	ssyncadd.s32 $0xFFFFFF80  }
0x5c: {  	[bflag:$0x0] =	sbarrier.arrive $0xFFFF  }
0x5d: {  	[spmem:s4] =	stream.indirect.scatter.add.f32 [tilespmem:s3], [sflag:$0x1], $0x80, s10, s11, $0xb8;
	[tilespmem:$0x14080] =	vst v63  }
0x5e: {  	_ =	swait.ge [sflag:s7], $0x4000  }
0x5f: {  	[sflag:s7] =	ssyncset.done $0x0  }
0x60: {  	[sflag:s7] =	ssyncadd.s32 $0xFFFFC000  }
.Ltmp1:
0x61: {  	[bflag:$0x0] =	sbarrier.arrive $0xFFFF;
	(pc) =	sbr.rel @p0 .LBB2_1-.Ltmp1, $4  }
0x62: {  	[hbm:s15], [sflag:s5] =	dma.local [spmem:s6], $0x2000  }
0x63: {  	_ =	swait.ge [sflag:s7], $0x2000  }
0x64: {  	[sflag:s7] =	ssyncset.done $0x0  }
0x65: {  	[sflag:s7] =	ssyncadd.s32 $0xFFFFE000  }
.LBB2_2:
0x66: {  	[bflag:$0x0] =	sbarrier.arrive $0xFFFF  }
0x67: {  	_ =	sfence.sel $0x180000  }
0x68: {  	[bflag:$0x0] =	sbarrier.arrive $0xFFFF  }
0x69: {  	p0 =	sne.s32 s2, $0x0;
	_ =	strace $0x9000004D  }
0x6a: {  	s0 =	sadd.s32 @!p0 $0x100000, s0;
	[bflag:$0x2] =	sbarrier.arrive $0xFFFF  }
0x6b: {  	[sflag:s0] =	ssyncadd.tile.s32 @!p0 $0x1;
	_ =	shalt  }
.Lfunc_end2:
_tile_overlayer_lowered:
.L_overlay_start_2:
0x6c: {  	(tag) =	ssettag $0x2  }
0x6d: {  	s0 =	rddreg [dreg:$0x0];
	s2 =	stileid.u32  }
0x6e: {  	s1 =	rddreg [dreg:$0x1];
	p0 =	sne.s32 s2, $0x0  }
0x6f: {  	s3 =	rddreg [dreg:$0x2];
	[bflag:$0x3] =	sbarrier.arrive $0xFFFF;
	s2 =	simm.s32 @!p0 $0x1C01  }
0x70: {  	[timem:s3], [sflag:s2] =	dma.local @!p0 [hbm:s0], s1  }
0x71: {  	s0 =	simm.s32 @!p0 $0x1  }
0x72: {  	_ =	swait.ge @!p0 [sflag:s0], s1  }
0x73: {  	s1 =	ssub.s32 @!p0 $0x0, s1;
	[sflag:s0] =	ssyncset.done @!p0 $0x0  }
0x74: {  	[sflag:s0] =	ssyncadd.s32 @!p0 s1  }
0x75: {  	[bflag:$0x3] =	sbarrier.arrive $0xFFFF  }
0x76: {  	_ =	shalt  }

// kernel: kernel.20.cloned.1.call-start
scs
__scs_entry_jumppad:
0x0: {  	(pc) =	sbr.rel $0x88, $3  }
0x1: {  	(tag) =	ssettag $0x0;
	lr =	simm.s32 $0x1  }
0x2: {  	[smem:$0x3F98] =	sst lr;
	_ =	strace $0xD0000000  }
0x3: {  	_ = 	snop  }
0x4: {  	_ = 	snop  }
0x5: {  	_ = 	snop  }
0x6: {  	_ = 	snop  }
0x7: {  	_ = 	snop  }
__scs_overlays_trampoline_lowered:
0x8: {  	[smem:$0x3FA7] =	sst s0  }
0x9: {  	[smem:$0x3FA8] =	sst s1  }
0xa: {  	[smem:$0x3FA9] =	sst s2  }
0xb: {  	[smem:$0x3FAA] =	sst s3  }
0xc: {  	[smem:$0x3FAB] =	sst s4  }
0xd: {  	[smem:$0x3FAC] =	sst s5  }
0xe: {  	[smem:$0x3FAD] =	sst s6  }
0xf: {  	[smem:$0x3FAE] =	sst s7  }
0x10: {  	[smem:$0x3FAF] =	sst s8  }
0x11: {  	[smem:$0x3FB0] =	sst s9;
	s0 =	simm.s32 @!p0 $0x0  }
0x12: {  	s1 =	sld [smem:$0x3F96];
	s0 =	simm.s32 @p0 $0x1  }
0x13: {  	[smem:$0x3FB1] =	sst s0;
	s0 =	simm.s32 @!p1 $0x0  }
0x14: {  	s2 =	sld [smem:$0x3F95];
	s0 =	simm.s32 @p1 $0x1  }
0x15: {  	[smem:$0x3FB2] =	sst s0;
	s0 =	simm.s32 @!p2 $0x0  }
0x16: {  	s3 =	sld [smem:$0x3FDB];
	s0 =	simm.s32 @p2 $0x1  }
0x17: {  	s4 =	simm.s32 $0x1BF5;
	[smem:$0x3FB4] =	sst s0  }
0x18: {  	s0 =	sld [smem:$0x3F97];
	_ =	swait.ge [sflag:s4], $0x0  }
0x19: {  	s7 =	sld [smem:$0x3F98]  }
0x1a: {  	s8 =	sadd.s32 $0xFFFFE003, lr  }
0x1b: {  	s9 =	sadd.s32 $0xFFFFFEF7, lr;
	s5 =	simm.s32 $0xFFFFFFFF;
	p2 =	slt.u32 s8, $0xFFFFF086  }
0x1c: {  	p1 =	slt.u32 s9, $0xF7A;
	s5 =	simm.s32 @!p2 $0x0  }
0x1d: {  	s5 =	simm.s32 @p1 $0x1;
	p0 =	seq.s32 s7, s2  }
0x1e: {  	s7 =	smul.u32 @!p0 $0xF7A, s2;
	p2 =	seq.s32 @!p0 s5, $0x0  }
0x1f: {  	s9 =	smul.u32 $0xF7A, s1;
	s8 =	simm.s32 @!p0 $0x1BF5;
	p2 =	por !p2, p0  }
0x20: {  	[sflag:s8] =	ssyncset.s32 @!p0 $0xFFFFF086;
	s6 =	sadd.s32 @!p0 s3, s7;
	s7 =	simm.s32 @!p0 $0x108  }
0x21: {  	s3 =	sadd.s32 s3, s9;
	s6 =	sadd.s32 @!p0 $0x88, s6;
	s7 =	simm.s32 @p2 $0x1082  }
0x22: {  	[simem:s7], [sflag:s8] =	dma.local @!p0 [hbm:s6], $0xF7A  }
0x23: {  	s9 =	sor.u32 $0xD0000000, s2;
	s6 =	simm.s32 $0x108;
	_ =	swait.ge @!p0 [sflag:s8], $0x0  }
0x24: {  	s3 =	sadd.s32 $0x88, s3;
	s6 =	simm.s32 @!p1 $0x1082;
	[sflag:s4] =	ssyncset.s32 $0xFFFFF086  }
0x25: {  	[simem:s6], [sflag:s4] =	dma.local [hbm:s3], $0xF7A  }
0x26: {  	[smem:$0x3F98] =	sst s1;
	(tag) =	ssettag s2;
	_ =	strace s9  }
0x27: {  	s1 =	sld [smem:$0x3FA8]  }
0x28: {  	s2 =	sld [smem:$0x3FA9]  }
0x29: {  	s4 =	sld [smem:$0x3FAB]  }
0x2a: {  	p0 =	seq.s32 s5, $0x0;
	s5 =	sld [smem:$0x3FAC]  }
0x2b: {  	s6 =	sld [smem:$0x3FAD]  }
0x2c: {  	s7 =	sld [smem:$0x3FAE]  }
0x2d: {  	s3 =	simm.s32 $0x108;
	s8 =	sld [smem:$0x3FAF]  }
0x2e: {  	s3 =	simm.s32 @!p0 $0x1082;
	s9 =	sld [smem:$0x3FB0]  }
0x2f: {  	lr =	sadd.s32 s0, s3;
	s0 =	sld [smem:$0x3FA7]  }
0x30: {  	s3 =	sld [smem:$0x3FAA]  }
0x31: {  	[smem:$0x3FB3] =	sst s10  }
0x32: {  	s10 =	sld [smem:$0x3FB1];
	_ =	sdelay $0x3  }
0x33: {  	p0 =	seq.s32 s10, $0x1;
	s10 =	sld [smem:$0x3FB3];
	_ =	sdelay $0x3  }
0x34: {  	[smem:$0x3FB3] =	sst s10  }
0x35: {  	s10 =	sld [smem:$0x3FB2];
	_ =	sdelay $0x3  }
0x36: {  	p1 =	seq.s32 s10, $0x1;
	s10 =	sld [smem:$0x3FB3];
	_ =	sdelay $0x3  }
0x37: {  	[smem:$0x3FB3] =	sst s10  }
0x38: {  	s10 =	sld [smem:$0x3FB4]  }
0x39: {  	_ = 	snop;
	(pc) =	sbr.ind lr, $3  }
0x3a: {  	_ = 	snop  }
0x3b: {  	_ = 	snop  }
0x3c: {  	p2 =	seq.s32 s10, $0x1;
	s10 =	sld [smem:$0x3FB3]  }
0x3d: {  	_ =	shalt  }
0x3e: {  	_ =	shalt  }
0x3f: {  	_ =	shalt  }
0x40: {  	_ =	shalt  }
0x41: {  	_ =	shalt  }
0x42: {  	_ =	shalt  }
0x43: {  	_ =	shalt  }
0x44: {  	_ =	shalt  }
0x45: {  	_ =	shalt  }
0x46: {  	_ =	shalt  }
0x47: {  	_ =	shalt  }
0x48: {  	_ =	shalt  }
0x49: {  	_ =	shalt  }
0x4a: {  	_ =	shalt  }
0x4b: {  	_ =	shalt  }
0x4c: {  	_ =	shalt  }
0x4d: {  	_ =	shalt  }
0x4e: {  	_ =	shalt  }
0x4f: {  	_ =	shalt  }
0x50: {  	_ =	shalt  }
0x51: {  	_ =	shalt  }
0x52: {  	_ =	shalt  }
0x53: {  	_ =	shalt  }
0x54: {  	_ =	shalt  }
0x55: {  	_ =	shalt  }
0x56: {  	_ =	shalt  }
0x57: {  	_ =	shalt  }
0x58: {  	_ =	shalt  }
0x59: {  	_ =	shalt  }
0x5a: {  	_ =	shalt  }
0x5b: {  	_ =	shalt  }
0x5c: {  	_ =	shalt  }
0x5d: {  	_ =	shalt  }
0x5e: {  	_ =	shalt  }
0x5f: {  	_ =	shalt  }
0x60: {  	_ =	shalt  }
0x61: {  	_ =	shalt  }
0x62: {  	_ =	shalt  }
0x63: {  	_ =	shalt  }
0x64: {  	_ =	shalt  }
0x65: {  	_ =	shalt  }
0x66: {  	_ =	shalt  }
0x67: {  	_ =	shalt  }
0x68: {  	_ =	shalt  }
0x69: {  	_ =	shalt  }
0x6a: {  	_ =	shalt  }
0x6b: {  	_ =	shalt  }
0x6c: {  	_ =	shalt  }
0x6d: {  	_ =	shalt  }
0x6e: {  	_ =	shalt  }
0x6f: {  	_ =	shalt  }
0x70: {  	_ =	shalt  }
0x71: {  	_ =	shalt  }
0x72: {  	_ =	shalt  }
0x73: {  	_ =	shalt  }
0x74: {  	_ =	shalt  }
0x75: {  	_ =	shalt  }
0x76: {  	_ =	shalt  }
0x77: {  	_ =	shalt  }
0x78: {  	_ =	shalt  }
0x79: {  	_ =	shalt  }
0x7a: {  	_ =	shalt  }
0x7b: {  	_ =	shalt  }
0x7c: {  	_ =	shalt  }
0x7d: {  	_ =	shalt  }
0x7e: {  	_ =	shalt  }
0x7f: {  	_ =	shalt  }
0x80: {  	_ =	shalt  }
0x81: {  	_ =	shalt  }
0x82: {  	_ =	shalt  }
0x83: {  	_ =	shalt  }
0x84: {  	_ =	shalt  }
0x85: {  	_ =	shalt  }
0x86: {  	_ =	shalt  }
0x87: {  	_ =	shalt  }
.Lfunc_end0:
.L_simem_size_0:
called_computation.3_lowered:
.L_overlay_start_0:
0x88: {  	s2 =	sld [smem:$0x3FD9]  }
0x89: {  	s3 =	sld [smem:$0x3FFE];
	_ =	sdelay $0x1  }
0x8a: {  	s1 =	srdreg.scid  }
0x8b: {  	s0 =	sand.u32 $0x1, s1  }
0x8c: {  	s17 =	sshll.u32 s0, $0xA;
	s2 =	sadd.s32 s3, s2  }
0x8d: {  	s2 =	sadd.s32 s2, s17  }
0x8e: {  	[smem:$0x3FBF] =	sst s2  }
0x8f: {  	_ = 	snop  }
0x90: {  	s18 =	sld [smem:$0x3FD0];
	(tm) =	ssettm $0x1  }
0x91: {  	s19 =	sld [smem:$0x3FFB];
	_ =	sdelay $0x3  }
0x92: {  	_ =	strace s19  }
0x93: {  	s2 =	sld [smem:$0x3FFC];
	_ =	sdelay $0x3  }
0x94: {  	_ =	strace s2  }
0x95: {  	s2 =	sld [smem:$0x3FFD];
	_ =	sdelay $0x3  }
0x96: {  	_ =	strace s2  }
0x97: {  	_ =	strace $0x8FFFFFFF  }
0x98: {  	s20 =	sld [smem:$0x3FDB];
	_ =	sdelay $0x1  }
0x99: {  	s4 =	simm.s32 $_scs_section_size  }
0x9a: {  	s5 =	simm.s32 $_size__tile_overlayer_lowered;
	s6 =	simm.s32 $_tile_overlayer_lowered  }
0x9b: {  	s7 =	simm.s32 $0x1BFF;
	s21 =	sshll.u32 s6, $0x1;
	s4 =	sadd.s32 s4, s20  }
0x9c: {  	s22 =	simm.s32 $0x0;
	s5 =	sshll.u32 s5, $0x1;
	s6 =	sadd.s32 s21, s4  }
0x9d: {  	[timem:s22], [sflag:s7] =	dma.local [hbm:s6], s5  }
0x9e: {  	_ =	swait.ge [sflag:s7], s5  }
0x9f: {  	s5 =	ssub.s32 $0x0, s5;
	[sflag:s7] =	ssyncset.done $0x0  }
0xa0: {  	[sflag:s7] =	ssyncadd.s32 s5;
	_ =	sdelay $0x1  }
0xa1: {  	s23 =	simm.s32 $0x1B8B  }
0xa2: {  	_ =	swait.ge [sflag:s23], $0x1  }
0xa3: {  	[sflag:s23] =	ssyncset.done $0x0  }
0xa4: {  	[sflag:s23] =	ssyncadd.s32 $0xFFFFFFFF  }
0xa5: {  	s5 =	sld [smem:$0x0]  }
0xa6: {  	s6 =	sand.u32 $0xFFFFFFFE, s1  }
0xa7: {  	p0 =	sne.s32 s1, s6  }
0xa8: {  	s6 =	sshll.u32 @p0 s6, $0xE  }
0xa9: {  	s6 =	sadd.s32 @p0 $0x11B8D, s6;
	s7 =	sshll.u32 @p0 s5, $0x11  }
0xaa: {  	s6 =	sor.u32 @p0 s7, s6  }
0xab: {  	[sflag:s6] =	ssyncadd.remote.s32 @p0 $0x1;
	_ =	sdelay $0x1  }
0xac: {  	s6 =	simm.s32 @p0 $0x1B8D  }
0xad: {  	_ =	swait.eq @p0 [sflag:s6], $0x1  }
0xae: {  	[sflag:s6] =	ssyncadd.s32 @p0 $0xFFFFFFFF  }
0xaf: {  	s7 =	sshll.u32 @!p0 s1, $0xE  }
0xb0: {  	s7 =	sor.u32 @!p0 $0x4000, s7;
	s6 =	simm.s32 @!p0 $0x1B8D  }
0xb1: {  	s5 =	sshll.u32 @!p0 s5, $0x11;
	s7 =	sadd.s32 @!p0 $0x11B8D, s7;
	_ =	swait.eq @!p0 [sflag:s6], $0x1  }
0xb2: {  	s5 =	sor.u32 @!p0 s5, s7;
	[sflag:s6] =	ssyncadd.s32 @!p0 $0xFFFFFFFF  }
0xb3: {  	s25 =	simm.s32 $0x1B8E;
	s24 =	sld [smem:$0x3FFE];
	[sflag:s5] =	ssyncadd.remote.s32 @!p0 $0x1  }
0xb4: {  	s26 =	simm.s32 $execute0_lowered;
	[smem:$0x3FD2] =	sst s25  }
0xb5: {  	s6 =	sshll.u32 s26, $0x1;
	_ =	strace $0x80000049;
	[dreg:$0x1] =	wrdreg $0xFFFFFFFF  }
0xb6: {  	s28 =	simm.s32 $_size_execute0_lowered;
	s4 =	sadd.s32 s4, s6;
	[dreg:$0x0] =	wrdreg $0x0  }
0xb7: {  	s6 =	sshll.u32 s28, $0x1;
	[dreg:$0x2] =	wrdreg s4  }
0xb8: {  	[dreg:$0x3] =	wrdreg s6  }
0xb9: {  	[dreg:$0x4] =	wrdreg $0xC0  }
0xba: {  	_ =	task [dreg:s22], $0x5FFFF  }
0xbb: {  	[dreg:$0x1] =	wrdreg $0xFFFFFFFF  }
0xbc: {  	[dreg:$0x0] =	wrdreg $0x60  }
0xbd: {  	[dreg:$0x2] =	wrdreg s24  }
0xbe: {  	[dreg:$0x3] =	wrdreg s18  }
0xbf: {  	[dreg:$0x4] =	wrdreg $0x40800  }
0xc0: {  	[dreg:$0x5] =	wrdreg $0xC  }
0xc1: {  	_ =	task.clear_ibuf [dreg:s22], $0x6FFFF;
	_ =	strace $0x90000049  }
0xc2: {  	s29 =	simm.s32 $0xC;
	_ =	strace $0x8000004B  }
0xc3: {  	_ =	swait.ge [sflag:s29], $0x1  }
0xc4: {  	[sflag:s29] =	ssyncadd.s32 $0xFFFFFFFF  }
0xc5: {  	_ =	strace $0x9000004B  }
0xc6: {  	_ =	sfence  }
0xc7: {  	s30 =	sld [smem:$0x0];
	_ =	sdelay $0x2  }
0xc8: {  	s31 =	sshll.u32 s1, $0xD;
	s1 =	sshrl.u32 s1, $0x2  }
0xc9: {  	s4 =	sand.u32 $0x4000, s31;
	s1 =	sadd.s32 s1, s30  }
0xca: {  	s0 =	sor.u32 s4, s0;
	s1 =	sshll.u32 s1, $0x11  }
0xcb: {  	s0 =	sor.u32 s1, s0  }
0xcc: {  	s0 =	sadd.s32 $0x8F2B, s0  }
0xcd: {  	[sflag:s0] =	ssyncadd.remote.s32 $0x1  }
0xce: {  	_ =	sfence.sel $0xFFFF  }
0xcf: {  	[dreg:$0x0] =	wrdreg $0xFFFFFFFF;
	(pc) =	sbr.abs _section_cstart, $3  }
0xd0: {  	[dreg:$0x1] =	wrdreg $0xFFFFFFFF  }
0xd1: {  	_ =	task.clear_ibuf [dreg:s22], $0x2FFFF;
	_ =	strace $0x9FFFFFFF  }
0xd2: {  	(tm) =	ssettm $0x7FFFFFFF  }
0xd3: {  	_ =	shalt  }
tec
execute0_lowered:
.L_overlay_start_1:
0x0: {  	(tag) =	ssettag $0x1  }
0x1: {  	s12 =	rddreg [dreg:$0x0]  }
0x2: {  	s1 =	rddreg [dreg:$0x1]  }
0x3: {  	s4 =	rddreg [dreg:$0x2]  }
0x4: {  	s0 =	rddreg [dreg:$0x3];
	s3 =	simm.s32 $0x0;
	s5 =	srdreg.scid  }
0x5: {  	s2 =	stileid.u32;
	[smem:$0x7FF] =	sst s3;
	s13 =	sadd.s32 $0xA2E00, s12  }
0x6: {  	s15 =	sand.u32 $0x1, s5;
	s14 =	sshrl.u32 s2, $0x1;
	s16 =	sand.u32 $0x1, s2  }
0x7: {  	s6 =	sshll.u32 s2, $0x6;
	_ =	strace $0x8000004A;
	s23 =	sshll.u32 s14, $0x11  }
0x8: {  	s17 =	sshll.u32 s15, $0x3;
	s24 =	sshll.u32 s16, $0x10;
	s4 =	sadd.s32 s23, s4  }
0x9: {  	s5 =	sor.u32 $0x1C01, s6;
	s19 =	sshll.u32 s16, $0xB;
	s7 =	sadd.s32 s24, s4  }
0xa: {  	s18 =	sor.u32 s14, s17;
	s6 =	sshrl.u32 s7, $0x3;
	s7 =	simm.s32 $0x1  }
0xb: {  	[spmem:s6], [sflag:s5] =	dma.local [hbm:s1], $0x2000  }
0xc: {  	s9 =	sshll.u32 s15, $0xB;
	s8 =	sshll.u32 s18, $0xC;
	_ =	swait.ge [sflag:s7], $0x2000  }
0xd: {  	s20 =	sshll.u32 s14, $0x7;
	s8 =	sadd.s32 s13, s8;
	[sflag:s7] =	ssyncset.done $0x0  }
0xe: {  	s9 =	sor.u32 s9, s20;
	s8 =	sadd.s32 s19, s8;
	[sflag:s7] =	ssyncadd.s32 $0xFFFFE000  }
0xf: {  	[tilespmem:s3], [sflag:$0x1] =	stream.linear.gather [hbm4b:s8+s3], $0x4000, $0x38;
	[tilespmem:$0x14080] =	vst v63  }
0x10: {  	s21 =	sadd.s32 $0x3200, s12;
	s9 =	sshrl.u32 s9, $0x3;
	_ =	swait.ge [sflag:s7], $0x4000  }
0x11: {  	s22 =	sshll.u32 s16, $0x7;
	s9 =	sadd.s32 s21, s9;
	[sflag:s7] =	ssyncset.done $0x0  }
0x12: {  	s10 =	simm.s32 $0x4000;
	s9 =	sadd.s32 s22, s9;
	[sflag:s7] =	ssyncadd.s32 $0xFFFFC000  }
0x13: {  	[tilespmem:s10], [sflag:$0x1] =	stream.linear.gather [hbm4b:s9+s3], $0x80, $0x38;
	[tilespmem:$0x14080] =	vst v63  }
0x14: {  	_ =	swait.ge [sflag:s7], $0x80  }
0x15: {  	[sflag:s7] =	ssyncset.done $0x0  }
0x16: {  	[sflag:s7] =	ssyncadd.s32 $0xFFFFFF80  }
0x17: {  	s11 =	simm.s32 $0x80;
	[bflag:$0x0] =	sbarrier.arrive $0xFFFF  }
0x18: {  	[spmem:s4] =	stream.indirect.scatter.add.f32 [tilespmem:s3], [sflag:$0x1], $0x80, s10, s11, $0xb8;
	[tilespmem:$0x14080] =	vst v63  }
0x19: {  	_ =	swait.ge [sflag:s7], $0x4000  }
0x1a: {  	s23 =	sadd.s32 $0x182E00, s12;
	s25 =	sshll.u32 s18, $0xE;
	[sflag:s7] =	ssyncset.done $0x0  }
0x1b: {  	s16 =	sshll.u32 s16, $0xD;
	s12 =	sadd.s32 s23, s25;
	[sflag:s7] =	ssyncadd.s32 $0xFFFFC000  }
0x1c: {  	s12 =	sadd.s32 s16, s12;
	[bflag:$0x0] =	sbarrier.arrive $0xFFFF  }
0x1d: {  	[hbm:s12], [sflag:s5] =	dma.local [spmem:s6], $0x2000  }
0x1e: {  	_ =	swait.ge [sflag:s7], $0x2000  }
0x1f: {  	[sflag:s7] =	ssyncset.done $0x0  }
0x20: {  	s17 =	sor.u32 $0x10, s17;
	[sflag:s7] =	ssyncadd.s32 $0xFFFFE000  }
0x21: {  	s26 =	sor.u32 s14, s17;
	[bflag:$0x0] =	sbarrier.arrive $0xFFFF  }
0x22: {  	[spmem:s6], [sflag:s5] =	dma.local [hbm:s1], $0x2000  }
0x23: {  	s14 =	sshll.u32 s26, $0xC;
	_ =	swait.ge [sflag:s7], $0x2000  }
0x24: {  	s28 =	sshll.u32 s17, $0x8;
	s13 =	sadd.s32 s13, s14;
	[sflag:s7] =	ssyncset.done $0x0  }
0x25: {  	s14 =	sor.u32 s20, s28;
	s13 =	sadd.s32 s19, s13;
	[sflag:s7] =	ssyncadd.s32 $0xFFFFE000  }
0x26: {  	[tilespmem:s3], [sflag:$0x1] =	stream.linear.gather [hbm4b:s13+s3], $0x4000, $0x38;
	[tilespmem:$0x14080] =	vst v63  }
0x27: {  	s14 =	sshrl.u32 s14, $0x3;
	_ =	swait.ge [sflag:s7], $0x4000  }
0x28: {  	s14 =	sadd.s32 s21, s14;
	[sflag:s7] =	ssyncset.done $0x0  }
0x29: {  	s14 =	sadd.s32 s22, s14;
	[sflag:s7] =	ssyncadd.s32 $0xFFFFC000  }
0x2a: {  	[tilespmem:s10], [sflag:$0x1] =	stream.linear.gather [hbm4b:s14+s3], $0x80, $0x38;
	[tilespmem:$0x14080] =	vst v63  }
0x2b: {  	_ =	swait.ge [sflag:s7], $0x80  }
0x2c: {  	[sflag:s7] =	ssyncset.done $0x0  }
0x2d: {  	s15 =	ssub.s32 $0x2, s15;
	[sflag:s7] =	ssyncadd.s32 $0xFFFFFF80  }
0x2e: {  	s30 =	sshrl.u32 s15, $0x1;
	[bflag:$0x0] =	sbarrier.arrive $0xFFFF  }
0x2f: {  	[spmem:s4] =	stream.indirect.scatter.add.f32 [tilespmem:s3], [sflag:$0x1], $0x80, s10, s11, $0xb8;
	[tilespmem:$0x14080] =	vst v63  }
0x30: {  	s18 =	ssub.s32 s15, s30;
	_ =	swait.ge [sflag:s7], $0x4000  }
0x31: {  	s29 =	sshll.u32 s26, $0xE;
	s31 =	smax.u32 s18, $0x1;
	[sflag:s7] =	ssyncset.done $0x0  }
0x32: {  	s17 =	sadd.s32 s23, s29;
	p0 =	sne.s32 s31, $0x1;
	[sflag:s7] =	ssyncadd.s32 $0xFFFFC000  }
.Ltmp0:
0x33: {  	s15 =	sadd.s32 s16, s17;
	[bflag:$0x0] =	sbarrier.arrive $0xFFFF;
	(pc) =	sbr.rel @!p0 .LBB2_2-.Ltmp0, $4  }
0x34: {  	[hbm:s15], [sflag:s5] =	dma.local [spmem:s6], $0x2000  }
0x35: {  	_ =	swait.ge [sflag:s7], $0x2000  }
0x36: {  	[sflag:s7] =	ssyncset.done $0x0  }
0x37: {  	s16 =	sadd.s32 $0xFFFFFFFF, s31;
	[sflag:s7] =	ssyncadd.s32 $0xFFFFE000  }
.LBB2_1:
0x38: {  	p0 =	sne.s32 s16, $0x1;
	s16 =	sadd.s32 $0xFFFFFFFF, s16;
	[bflag:$0x0] =	sbarrier.arrive $0xFFFF  }
0x39: {  	[spmem:s6], [sflag:s5] =	dma.local [hbm:s1], $0x2000  }
0x3a: {  	_ =	swait.ge [sflag:s7], $0x2000  }
0x3b: {  	[sflag:s7] =	ssyncset.done $0x0  }
0x3c: {  	[sflag:s7] =	ssyncadd.s32 $0xFFFFE000  }
0x3d: {  	[tilespmem:s3], [sflag:$0x1] =	stream.linear.gather [hbm4b:s8+s3], $0x4000, $0x38;
	[tilespmem:$0x14080] =	vst v63  }
0x3e: {  	_ =	swait.ge [sflag:s7], $0x4000  }
0x3f: {  	[sflag:s7] =	ssyncset.done $0x0  }
0x40: {  	[sflag:s7] =	ssyncadd.s32 $0xFFFFC000  }
0x41: {  	[tilespmem:s10], [sflag:$0x1] =	stream.linear.gather [hbm4b:s9+s3], $0x80, $0x38;
	[tilespmem:$0x14080] =	vst v63  }
0x42: {  	_ =	swait.ge [sflag:s7], $0x80  }
0x43: {  	[sflag:s7] =	ssyncset.done $0x0  }
0x44: {  	[sflag:s7] =	ssyncadd.s32 $0xFFFFFF80  }
0x45: {  	[bflag:$0x0] =	sbarrier.arrive $0xFFFF  }
0x46: {  	[spmem:s4] =	stream.indirect.scatter.add.f32 [tilespmem:s3], [sflag:$0x1], $0x80, s10, s11, $0xb8;
	[tilespmem:$0x14080] =	vst v63  }
0x47: {  	_ =	swait.ge [sflag:s7], $0x4000  }
0x48: {  	[sflag:s7] =	ssyncset.done $0x0  }
0x49: {  	[sflag:s7] =	ssyncadd.s32 $0xFFFFC000  }
0x4a: {  	[bflag:$0x0] =	sbarrier.arrive $0xFFFF  }
0x4b: {  	[hbm:s12], [sflag:s5] =	dma.local [spmem:s6], $0x2000  }
0x4c: {  	_ =	swait.ge [sflag:s7], $0x2000  }
0x4d: {  	[sflag:s7] =	ssyncset.done $0x0  }
0x4e: {  	[sflag:s7] =	ssyncadd.s32 $0xFFFFE000  }
0x4f: {  	[bflag:$0x0] =	sbarrier.arrive $0xFFFF  }
0x50: {  	[spmem:s6], [sflag:s5] =	dma.local [hbm:s1], $0x2000  }
0x51: {  	_ =	swait.ge [sflag:s7], $0x2000  }
0x52: {  	[sflag:s7] =	ssyncset.done $0x0  }
0x53: {  	[sflag:s7] =	ssyncadd.s32 $0xFFFFE000  }
0x54: {  	[tilespmem:s3], [sflag:$0x1] =	stream.linear.gather [hbm4b:s13+s3], $0x4000, $0x38;
	[tilespmem:$0x14080] =	vst v63  }
0x55: {  	_ =	swait.ge [sflag:s7], $0x4000  }
0x56: {  	[sflag:s7] =	ssyncset.done $0x0  }
0x57: {  	[sflag:s7] =	ssyncadd.s32 $0xFFFFC000  }
0x58: {  	[tilespmem:s10], [sflag:$0x1] =	stream.linear.gather [hbm4b:s14+s3], $0x80, $0x38;
	[tilespmem:$0x14080] =	vst v63  }
0x59: {  	_ =	swait.ge [sflag:s7], $0x80  }
0x5a: {  	[sflag:s7] =	ssyncset.done $0x0  }
0x5b: {  	[sflag:s7] =	ssyncadd.s32 $0xFFFFFF80  }
0x5c: {  	[bflag:$0x0] =	sbarrier.arrive $0xFFFF  }
0x5d: {  	[spmem:s4] =	stream.indirect.scatter.add.f32 [tilespmem:s3], [sflag:$0x1], $0x80, s10, s11, $0xb8;
	[tilespmem:$0x14080] =	vst v63  }
0x5e: {  	_ =	swait.ge [sflag:s7], $0x4000  }
0x5f: {  	[sflag:s7] =	ssyncset.done $0x0  }
0x60: {  	[sflag:s7] =	ssyncadd.s32 $0xFFFFC000  }
.Ltmp1:
0x61: {  	[bflag:$0x0] =	sbarrier.arrive $0xFFFF;
	(pc) =	sbr.rel @p0 .LBB2_1-.Ltmp1, $4  }
0x62: {  	[hbm:s15], [sflag:s5] =	dma.local [spmem:s6], $0x2000  }
0x63: {  	_ =	swait.ge [sflag:s7], $0x2000  }
0x64: {  	[sflag:s7] =	ssyncset.done $0x0  }
0x65: {  	[sflag:s7] =	ssyncadd.s32 $0xFFFFE000  }
.LBB2_2:
0x66: {  	[bflag:$0x0] =	sbarrier.arrive $0xFFFF  }
0x67: {  	_ =	sfence.sel $0x180000  }
0x68: {  	[bflag:$0x0] =	sbarrier.arrive $0xFFFF  }
0x69: {  	p0 =	sne.s32 s2, $0x0;
	_ =	strace $0x9000004A  }
0x6a: {  	s0 =	sadd.s32 @!p0 $0x100000, s0;
	[bflag:$0x2] =	sbarrier.arrive $0xFFFF  }
0x6b: {  	[sflag:s0] =	ssyncadd.tile.s32 @!p0 $0x1;
	_ =	shalt  }
.Lfunc_end2:
_tile_overlayer_lowered:
.L_overlay_start_2:
0x6c: {  	(tag) =	ssettag $0x2  }
0x6d: {  	s0 =	rddreg [dreg:$0x0];
	s2 =	stileid.u32  }
0x6e: {  	s1 =	rddreg [dreg:$0x1];
	p0 =	sne.s32 s2, $0x0  }
0x6f: {  	s3 =	rddreg [dreg:$0x2];
	[bflag:$0x3] =	sbarrier.arrive $0xFFFF;
	s2 =	simm.s32 @!p0 $0x1C01  }
0x70: {  	[timem:s3], [sflag:s2] =	dma.local @!p0 [hbm:s0], s1  }
0x71: {  	s0 =	simm.s32 @!p0 $0x1  }
0x72: {  	_ =	swait.ge @!p0 [sflag:s0], s1  }
0x73: {  	s1 =	ssub.s32 @!p0 $0x0, s1;
	[sflag:s0] =	ssyncset.done @!p0 $0x0  }
0x74: {  	[sflag:s0] =	ssyncadd.s32 @!p0 s1  }
0x75: {  	[bflag:$0x3] =	sbarrier.arrive $0xFFFF  }
0x76: {  	_ =	shalt  }

</sc_bundles>
